<compile_context>
chip_gen: v7x
topology: tpu7x:2x2x1
jax: 0.10.2.dev20260603
libtpu: 0.0.44.dev20260713+nightly
codegen_flags: <defaults>
</compile_context>

<pallas_src>
import functools

import jax
import jax.numpy as jnp
from jax import lax
from jax.experimental import pallas as pl
from jax.experimental.pallas import tpu as pltpu
from jax.experimental.pallas import tpu_sc as plsc

_B = 16384
_D = 64
_NC = 2
_NS = 16
_NW = _NC * _NS
_BPW = _B // _NW
_L = 16
_CH = 16
_NCH = _BPW // _CH
_TILES = 125000


def _dot_kernel(uid_hbm, iid_hbm, ut_hbm, it_hbm, out_hbm,
                idu_v, idi_v, ju_v, ji_v, pu_v, pi_v, o_v, sem):
    wid = lax.axis_index("s") * _NC + lax.axis_index("c")
    base = wid * _BPW

    lanes = lax.iota(jnp.int32, _L)
    masks = {s: (lanes & s) == 0 for s in (8, 4, 2, 1)}
    perms = {s: lanes ^ s for s in (8, 4, 2, 1)}
    bitrev = (((lanes & 1) << 3) | ((lanes & 2) << 1)
              | ((lanes & 4) >> 1) | ((lanes & 8) >> 3))

    def swap(x, s):
        return x.at[perms[s]].get(mode="promise_in_bounds")

    def combine(a, b, s):
        return (jnp.where(masks[s], a, swap(b, s))
                + jnp.where(masks[s], swap(a, s), b))

    pltpu.sync_copy(uid_hbm.at[pl.ds(base, _BPW)], idu_v)
    pltpu.sync_copy(iid_hbm.at[pl.ds(base, _BPW)], idi_v)
    for c in range(_NCH):
        sl = pl.ds(c * _CH, _CH)
        ju_v[c, :] = lax.shift_right_logical(idu_v[sl], 3)
        ji_v[c, :] = lax.shift_right_logical(idi_v[sl], 3)

    def fire(c):
        buf = lax.rem(c, 2)
        juc = ju_v[c, :]
        jic = ji_v[c, :]
        for j in range(_CH):
            pltpu.async_copy(ut_hbm.at[juc[j]], pu_v.at[buf, j], sem)
            pltpu.async_copy(it_hbm.at[jic[j]], pi_v.at[buf, j], sem)

    def drain(c):
        buf = lax.rem(c, 2)
        pltpu.make_async_copy(ut_hbm.at[pl.ds(0, _CH)], pu_v.at[buf],
                              sem).wait()
        pltpu.make_async_copy(it_hbm.at[pl.ds(0, _CH)], pi_v.at[buf],
                              sem).wait()

    def compute(c, buf):
        colv = c * _CH
        subu = idu_v[pl.ds(colv, _L)] & 7
        subi = idi_v[pl.ds(colv, _L)] & 7
        vecs = []
        for j in range(_L):
            bu = subu[j]
            bi = subi[j]
            p = (pu_v[buf, j, bu, pl.ds(0, _L)]
                 * pi_v[buf, j, bi, pl.ds(0, _L)])
            for q in range(1, _D // _L):
                p = p + (pu_v[buf, j, bu, pl.ds(q * _L, _L)]
                         * pi_v[buf, j, bi, pl.ds(q * _L, _L)])
            vecs.append(p)
        for s in (8, 4, 2, 1):
            vecs = [combine(vecs[2 * i], vecs[2 * i + 1], s)
                    for i in range(len(vecs) // 2)]
        o_v[pl.ds(colv, _L)] = vecs[0].at[bitrev].get(
            mode="promise_in_bounds")

    fire(0)

    def step(c, carry):
        @pl.when(c + 1 < _NCH)
        def _():
            fire(c + 1)
        drain(c)
        compute(c, lax.rem(c, 2))
        return carry

    lax.fori_loop(0, _NCH, step, 0)

    pltpu.sync_copy(o_v, out_hbm.at[pl.ds(base, _BPW)])


@jax.jit
def kernel(user_ids, item_ids, user_table, item_table):
    run = functools.partial(
        pl.kernel,
        mesh=plsc.VectorSubcoreMesh(core_axis_name="c", subcore_axis_name="s"),
        out_type=jax.ShapeDtypeStruct((_B,), jnp.float32),
        scratch_types=[
            pltpu.VMEM((_BPW,), jnp.int32),
            pltpu.VMEM((_BPW,), jnp.int32),
            pltpu.VMEM((_NCH, _CH), jnp.int32),
            pltpu.VMEM((_NCH, _CH), jnp.int32),
            pltpu.VMEM((2, _CH, 8, _D), jnp.float32),
            pltpu.VMEM((2, _CH, 8, _D), jnp.float32),
            pltpu.VMEM((_BPW,), jnp.float32),
            pltpu.SemaphoreType.DMA,
        ],
    )(_dot_kernel)
    ut3 = user_table.reshape(_TILES, 8, _D)
    it3 = item_table.reshape(_TILES, 8, _D)
    out = run(user_ids, item_ids, ut3, it3)
    return out.reshape(_B, 1)

# --- scband reference (transcript-rebuilt; emitter-appended) ---
"""Pipeline reference for scband-recommender-net-53025666236629 (READ-ONLY COPY).

The authoritative reference and input builder live on the scoring server;
editing this copy changes nothing except your own understanding.
"""

import jax, jax.numpy as jnp
import numpy as np

NUM_USERS = 1000000
NUM_ITEMS = 1000000
EMBED = 64
BATCH = 16384

def setup_inputs(seed: int = 0) -> dict:
    key = jax.random.key(seed)
    k1, k2, k3, k4 = jax.random.split(key, 4)
    user_ids = jax.random.randint(k1, (BATCH,), 0, NUM_USERS, dtype=jnp.int64 if jax.config.jax_enable_x64 else jnp.int32)
    item_ids = jax.random.randint(k2, (BATCH,), 0, NUM_ITEMS, dtype=jnp.int64 if jax.config.jax_enable_x64 else jnp.int32)
    user_table = jax.random.normal(k3, (NUM_USERS, EMBED), dtype=jnp.float32) * 0.05
    item_table = jax.random.normal(k4, (NUM_ITEMS, EMBED), dtype=jnp.float32) * 0.05
    return {"user_ids": user_ids, "item_ids": item_ids, "user_table": user_table, "item_table": item_table}

def reference(user_ids, item_ids, user_table, item_table):
    # Embedding lookups (gather)
    user_vec = jnp.take(user_table, user_ids, axis=0)  # [B, EMBED]
    item_vec = jnp.take(item_table, item_ids, axis=0)  # [B, EMBED]
    # Flatten is a no-op for [B, 1, EMBED]-style shapes; here already [B, EMBED].
    # Dot(axes=1): per-row inner product -> [B, 1]
    out = jnp.sum(user_vec * item_vec, axis=1, keepdims=True)
    return out

if __name__ == "__main__":
    import jax
    _d = setup_inputs()
    print(jax.jit(kernel)(*tuple(_d.values())))

</pallas_src>

<mosaic_0001>
#map = affine_map<(d0, d1) -> (0)>
#map1 = affine_map<(d0, d1) -> (0, 0, 0)>
module attributes {stable_mosaic.version = 14 : i64} {
  func.func @_dot_kernel(%arg0: i32, %arg1: i32, %arg2: memref<16384xi32, #tpu.memory_space<hbm>>, %arg3: memref<16384xi32, #tpu.memory_space<hbm>>, %arg4: memref<125000x8x64xf32, #tpu.memory_space<hbm>>, %arg5: memref<125000x8x64xf32, #tpu.memory_space<hbm>>, %arg6: memref<16384xf32, #tpu.memory_space<hbm>>, %arg7: memref<512xi32, #tpu.memory_space<vmem>>, %arg8: memref<512xi32, #tpu.memory_space<vmem>>, %arg9: memref<32x16xi32, #tpu.memory_space<vmem>>, %arg10: memref<32x16xi32, #tpu.memory_space<vmem>>, %arg11: memref<2x16x8x64xf32, #tpu.memory_space<vmem>>, %arg12: memref<2x16x8x64xf32, #tpu.memory_space<vmem>>, %arg13: memref<512xf32, #tpu.memory_space<vmem>>, %arg14: memref<!tpu.dma_semaphore, #tpu.memory_space<semaphore_mem>>) attributes {dimension_semantics = [#tpu.dimension_semantics<core_parallel>, #tpu.dimension_semantics<subcore_parallel>], iteration_bounds = array<i64: 2, 16>, scalar_prefetch = 0 : i64, scratch_operands = 8 : i64, tpu.core_type = #tpu.core_type<sc_vector_subcore>, window_params = [{transform_indices = #map}, {transform_indices = #map}, {transform_indices = #map1}, {transform_indices = #map1}, {transform_indices = #map}]} {
    %mul3A = arith.constant 2 : i32
    %mul3A_0 = arith.muli %arg1, %mul3A : i32
    %add3A = arith.addi %mul3A_0, %arg0 : i32
    %mul3A_1 = arith.constant 512 : i32
    %mul3A_2 = arith.muli %add3A, %mul3A_1 : i32
    %iota3A = tpu.iota {dimensions = array<i32: 0>} : vector<16xi32>
    %and3A = arith.constant 8 : i32
    %and3A_3 = vector.broadcast %and3A : i32 to vector<16xi32>
    %and3A_4 = arith.andi %iota3A, %and3A_3 : vector<16xi32>
    %eq3A = arith.constant 0 : i32
    %eq3A_5 = vector.broadcast %eq3A : i32 to vector<16xi32>
    %eq3A_6 = arith.cmpi eq, %and3A_4, %eq3A_5 : vector<16xi32>
    %and3A_7 = arith.constant 4 : i32
    %and3A_8 = vector.broadcast %and3A_7 : i32 to vector<16xi32>
    %and3A_9 = arith.andi %iota3A, %and3A_8 : vector<16xi32>
    %eq3A_10 = arith.constant 0 : i32
    %eq3A_11 = vector.broadcast %eq3A_10 : i32 to vector<16xi32>
    %eq3A_12 = arith.cmpi eq, %and3A_9, %eq3A_11 : vector<16xi32>
    %and3A_13 = arith.constant 2 : i32
    %and3A_14 = vector.broadcast %and3A_13 : i32 to vector<16xi32>
    %and3A_15 = arith.andi %iota3A, %and3A_14 : vector<16xi32>
    %eq3A_16 = arith.constant 0 : i32
    %eq3A_17 = vector.broadcast %eq3A_16 : i32 to vector<16xi32>
    %eq3A_18 = arith.cmpi eq, %and3A_15, %eq3A_17 : vector<16xi32>
    %and3A_19 = arith.constant 1 : i32
    %and3A_20 = vector.broadcast %and3A_19 : i32 to vector<16xi32>
    %and3A_21 = arith.andi %iota3A, %and3A_20 : vector<16xi32>
    %eq3A_22 = arith.constant 0 : i32
    %eq3A_23 = vector.broadcast %eq3A_22 : i32 to vector<16xi32>
    %eq3A_24 = arith.cmpi eq, %and3A_21, %eq3A_23 : vector<16xi32>
    %xor3A = arith.constant 8 : i32
    %xor3A_25 = vector.broadcast %xor3A : i32 to vector<16xi32>
    %xor3A_26 = arith.xori %iota3A, %xor3A_25 : vector<16xi32>
    %xor3A_27 = arith.constant 4 : i32
    %xor3A_28 = vector.broadcast %xor3A_27 : i32 to vector<16xi32>
    %xor3A_29 = arith.xori %iota3A, %xor3A_28 : vector<16xi32>
    %xor3A_30 = arith.constant 2 : i32
    %xor3A_31 = vector.broadcast %xor3A_30 : i32 to vector<16xi32>
    %xor3A_32 = arith.xori %iota3A, %xor3A_31 : vector<16xi32>
    %xor3A_33 = arith.constant 1 : i32
    %xor3A_34 = vector.broadcast %xor3A_33 : i32 to vector<16xi32>
    %xor3A_35 = arith.xori %iota3A, %xor3A_34 : vector<16xi32>
    %and3A_36 = arith.constant 1 : i32
    %and3A_37 = vector.broadcast %and3A_36 : i32 to vector<16xi32>
    %and3A_38 = arith.andi %iota3A, %and3A_37 : vector<16xi32>
    %shift_left3A = arith.constant 3 : i32
    %shift_left3A_39 = vector.broadcast %shift_left3A : i32 to vector<16xi32>
    %shift_left3A_40 = arith.shli %and3A_38, %shift_left3A_39 : vector<16xi32>
    %and3A_41 = arith.constant 2 : i32
    %and3A_42 = vector.broadcast %and3A_41 : i32 to vector<16xi32>
    %and3A_43 = arith.andi %iota3A, %and3A_42 : vector<16xi32>
    %shift_left3A_44 = arith.constant 1 : i32
    %shift_left3A_45 = vector.broadcast %shift_left3A_44 : i32 to vector<16xi32>
    %shift_left3A_46 = arith.shli %and3A_43, %shift_left3A_45 : vector<16xi32>
    %or3A = arith.ori %shift_left3A_40, %shift_left3A_46 : vector<16xi32>
    %and3A_47 = arith.constant 4 : i32
    %and3A_48 = vector.broadcast %and3A_47 : i32 to vector<16xi32>
    %and3A_49 = arith.andi %iota3A, %and3A_48 : vector<16xi32>
    %shift_right_arithmetic3A = arith.constant 1 : i32
    %shift_right_arithmetic3A_50 = vector.broadcast %shift_right_arithmetic3A : i32 to vector<16xi32>
    %shift_right_arithmetic3A_51 = arith.shrsi %and3A_49, %shift_right_arithmetic3A_50 : vector<16xi32>
    %or3A_52 = arith.ori %or3A, %shift_right_arithmetic3A_51 : vector<16xi32>
    %and3A_53 = arith.constant 8 : i32
    %and3A_54 = vector.broadcast %and3A_53 : i32 to vector<16xi32>
    %and3A_55 = arith.andi %iota3A, %and3A_54 : vector<16xi32>
    %shift_right_arithmetic3A_56 = arith.constant 3 : i32
    %shift_right_arithmetic3A_57 = vector.broadcast %shift_right_arithmetic3A_56 : i32 to vector<16xi32>
    %shift_right_arithmetic3A_58 = arith.shrsi %and3A_55, %shift_right_arithmetic3A_57 : vector<16xi32>
    %or3A_59 = arith.ori %or3A_52, %shift_right_arithmetic3A_58 : vector<16xi32>
    "tpu.region"() ({
      %run_scoped3A = tpu.sem_alloc : memref<!tpu.dma_semaphore, #tpu.memory_space<semaphore_mem>>
      %dma_start3A_1447 = tpu.memref_slice %arg2[%mul3A_2] : memref<16384xi32, #tpu.memory_space<hbm>> -> memref<512xi32, #tpu.memory_space<hbm>>
      %dma_start3A_1448 = tpu.memref_slice %arg2[%mul3A_2] : memref<16384xi32, #tpu.memory_space<hbm>> -> memref<512xi32, #tpu.memory_space<hbm>>
      tpu.enqueue_dma source(%dma_start3A_1448 : memref<512xi32, #tpu.memory_space<hbm>>) target(%arg7 : memref<512xi32, #tpu.memory_space<vmem>>) target_semaphore(%run_scoped3A : memref<!tpu.dma_semaphore, #tpu.memory_space<semaphore_mem>>)
      %dma_wait3A = tpu.memref_slice %arg2[%mul3A_2] : memref<16384xi32, #tpu.memory_space<hbm>> -> memref<512xi32, #tpu.memory_space<hbm>>
      %dma_wait3A_1449 = tpu.memref_slice %arg2[%mul3A_2] : memref<16384xi32, #tpu.memory_space<hbm>> -> memref<512xi32, #tpu.memory_space<hbm>>
      tpu.wait_dma2 semaphore(%run_scoped3A : memref<!tpu.dma_semaphore, #tpu.memory_space<semaphore_mem>>) src(%dma_wait3A_1449 : memref<512xi32, #tpu.memory_space<hbm>>) dst(%arg7 : memref<512xi32, #tpu.memory_space<vmem>>)
      tpu.yield
    }) : () -> ()
    "tpu.region"() ({
      %run_scoped3A = tpu.sem_alloc : memref<!tpu.dma_semaphore, #tpu.memory_space<semaphore_mem>>
      %dma_start3A_1447 = tpu.memref_slice %arg3[%mul3A_2] : memref<16384xi32, #tpu.memory_space<hbm>> -> memref<512xi32, #tpu.memory_space<hbm>>
      %dma_start3A_1448 = tpu.memref_slice %arg3[%mul3A_2] : memref<16384xi32, #tpu.memory_space<hbm>> -> memref<512xi32, #tpu.memory_space<hbm>>
      tpu.enqueue_dma source(%dma_start3A_1448 : memref<512xi32, #tpu.memory_space<hbm>>) target(%arg8 : memref<512xi32, #tpu.memory_space<vmem>>) target_semaphore(%run_scoped3A : memref<!tpu.dma_semaphore, #tpu.memory_space<semaphore_mem>>)
      %dma_wait3A = tpu.memref_slice %arg3[%mul3A_2] : memref<16384xi32, #tpu.memory_space<hbm>> -> memref<512xi32, #tpu.memory_space<hbm>>
      %dma_wait3A_1449 = tpu.memref_slice %arg3[%mul3A_2] : memref<16384xi32, #tpu.memory_space<hbm>> -> memref<512xi32, #tpu.memory_space<hbm>>
      tpu.wait_dma2 semaphore(%run_scoped3A : memref<!tpu.dma_semaphore, #tpu.memory_space<semaphore_mem>>) src(%dma_wait3A_1449 : memref<512xi32, #tpu.memory_space<hbm>>) dst(%arg8 : memref<512xi32, #tpu.memory_space<vmem>>)
      tpu.yield
    }) : () -> ()
    %get3A = arith.constant 0 : index
    %get3A_60 = tpu.vector_load %arg7[%get3A] {strides = array<i32>} : memref<512xi32, #tpu.memory_space<vmem>>, vector<16xi32>,
    %get3A_61 = vector.shape_cast %get3A_60 : vector<16xi32> to vector<16xi32>
    %shift_right_logical3A = arith.constant 3 : i32
    %shift_right_logical3A_62 = vector.broadcast %shift_right_logical3A : i32 to vector<16xi32>
    %shift_right_logical3A_63 = arith.shrui %get3A_61, %shift_right_logical3A_62 : vector<16xi32>
    %swap3A = arith.constant 0 : i32
    %swap3A_64 = arith.index_cast %swap3A : i32 to index
    %swap3A_65 = arith.constant 0 : index
    %swap3A_66 = tpu.vector_load %arg9[%swap3A_64, %swap3A_65] {strides = array<i32>} : memref<32x16xi32, #tpu.memory_space<vmem>>, vector<1x16xi32>,
    %swap3A_67 = vector.shape_cast %swap3A_66 : vector<1x16xi32> to vector<16xi32>
    %swap3A_68 = vector.shape_cast %shift_right_logical3A_63 : vector<16xi32> to vector<1x16xi32>
    tpu.vector_store %arg9[%swap3A_64, %swap3A_65], %swap3A_68 {strides = array<i32>} : memref<32x16xi32, #tpu.memory_space<vmem>>, vector<1x16xi32>,
    %get3A_69 = arith.constant 0 : index
    %get3A_70 = tpu.vector_load %arg8[%get3A_69] {strides = array<i32>} : memref<512xi32, #tpu.memory_space<vmem>>, vector<16xi32>,
    %get3A_71 = vector.shape_cast %get3A_70 : vector<16xi32> to vector<16xi32>
    %shift_right_logical3A_72 = arith.constant 3 : i32
    %shift_right_logical3A_73 = vector.broadcast %shift_right_logical3A_72 : i32 to vector<16xi32>
    %shift_right_logical3A_74 = arith.shrui %get3A_71, %shift_right_logical3A_73 : vector<16xi32>
    %swap3A_75 = arith.constant 0 : i32
    %swap3A_76 = arith.index_cast %swap3A_75 : i32 to index
    %swap3A_77 = arith.constant 0 : index
    %swap3A_78 = tpu.vector_load %arg10[%swap3A_76, %swap3A_77] {strides = array<i32>} : memref<32x16xi32, #tpu.memory_space<vmem>>, vector<1x16xi32>,
    %swap3A_79 = vector.shape_cast %swap3A_78 : vector<1x16xi32> to vector<16xi32>
    %swap3A_80 = vector.shape_cast %shift_right_logical3A_74 : vector<16xi32> to vector<1x16xi32>
    tpu.vector_store %arg10[%swap3A_76, %swap3A_77], %swap3A_80 {strides = array<i32>} : memref<32x16xi32, #tpu.memory_space<vmem>>, vector<1x16xi32>,
    %get3A_81 = arith.constant 16 : index
    %get3A_82 = tpu.vector_load %arg7[%get3A_81] {strides = array<i32>} : memref<512xi32, #tpu.memory_space<vmem>>, vector<16xi32>,
    %get3A_83 = vector.shape_cast %get3A_82 : vector<16xi32> to vector<16xi32>
    %shift_right_logical3A_84 = arith.constant 3 : i32
    %shift_right_logical3A_85 = vector.broadcast %shift_right_logical3A_84 : i32 to vector<16xi32>
    %shift_right_logical3A_86 = arith.shrui %get3A_83, %shift_right_logical3A_85 : vector<16xi32>
    %swap3A_87 = arith.constant 1 : i32
    %swap3A_88 = arith.index_cast %swap3A_87 : i32 to index
    %swap3A_89 = arith.constant 0 : index
    %swap3A_90 = tpu.vector_load %arg9[%swap3A_88, %swap3A_89] {strides = array<i32>} : memref<32x16xi32, #tpu.memory_space<vmem>>, vector<1x16xi32>,
    %swap3A_91 = vector.shape_cast %swap3A_90 : vector<1x16xi32> to vector<16xi32>
    %swap3A_92 = vector.shape_cast %shift_right_logical3A_86 : vector<16xi32> to vector<1x16xi32>
    tpu.vector_store %arg9[%swap3A_88, %swap3A_89], %swap3A_92 {strides = array<i32>} : memref<32x16xi32, #tpu.memory_space<vmem>>, vector<1x16xi32>,
    %get3A_93 = arith.constant 16 : index
    %get3A_94 = tpu.vector_load %arg8[%get3A_93] {strides = array<i32>} : memref<512xi32, #tpu.memory_space<vmem>>, vector<16xi32>,
    %get3A_95 = vector.shape_cast %get3A_94 : vector<16xi32> to vector<16xi32>
    %shift_right_logical3A_96 = arith.constant 3 : i32
    %shift_right_logical3A_97 = vector.broadcast %shift_right_logical3A_96 : i32 to vector<16xi32>
    %shift_right_logical3A_98 = arith.shrui %get3A_95, %shift_right_logical3A_97 : vector<16xi32>
    %swap3A_99 = arith.constant 1 : i32
    %swap3A_100 = arith.index_cast %swap3A_99 : i32 to index
    %swap3A_101 = arith.constant 0 : index
    %swap3A_102 = tpu.vector_load %arg10[%swap3A_100, %swap3A_101] {strides = array<i32>} : memref<32x16xi32, #tpu.memory_space<vmem>>, vector<1x16xi32>,
    %swap3A_103 = vector.shape_cast %swap3A_102 : vector<1x16xi32> to vector<16xi32>
    %swap3A_104 = vector.shape_cast %shift_right_logical3A_98 : vector<16xi32> to vector<1x16xi32>
    tpu.vector_store %arg10[%swap3A_100, %swap3A_101], %swap3A_104 {strides = array<i32>} : memref<32x16xi32, #tpu.memory_space<vmem>>, vector<1x16xi32>,
    %get3A_105 = arith.constant 32 : index
    %get3A_106 = tpu.vector_load %arg7[%get3A_105] {strides = array<i32>} : memref<512xi32, #tpu.memory_space<vmem>>, vector<16xi32>,
    %get3A_107 = vector.shape_cast %get3A_106 : vector<16xi32> to vector<16xi32>
    %shift_right_logical3A_108 = arith.constant 3 : i32
    %shift_right_logical3A_109 = vector.broadcast %shift_right_logical3A_108 : i32 to vector<16xi32>
    %shift_right_logical3A_110 = arith.shrui %get3A_107, %shift_right_logical3A_109 : vector<16xi32>
    %swap3A_111 = arith.constant 2 : i32
    %swap3A_112 = arith.index_cast %swap3A_111 : i32 to index
    %swap3A_113 = arith.constant 0 : index
    %swap3A_114 = tpu.vector_load %arg9[%swap3A_112, %swap3A_113] {strides = array<i32>} : memref<32x16xi32, #tpu.memory_space<vmem>>, vector<1x16xi32>,
    %swap3A_115 = vector.shape_cast %swap3A_114 : vector<1x16xi32> to vector<16xi32>
    %swap3A_116 = vector.shape_cast %shift_right_logical3A_110 : vector<16xi32> to vector<1x16xi32>
    tpu.vector_store %arg9[%swap3A_112, %swap3A_113], %swap3A_116 {strides = array<i32>} : memref<32x16xi32, #tpu.memory_space<vmem>>, vector<1x16xi32>,
    %get3A_117 = arith.constant 32 : index
    %get3A_118 = tpu.vector_load %arg8[%get3A_117] {strides = array<i32>} : memref<512xi32, #tpu.memory_space<vmem>>, vector<16xi32>,
    %get3A_119 = vector.shape_cast %get3A_118 : vector<16xi32> to vector<16xi32>
    %shift_right_logical3A_120 = arith.constant 3 : i32
    %shift_right_logical3A_121 = vector.broadcast %shift_right_logical3A_120 : i32 to vector<16xi32>
    %shift_right_logical3A_122 = arith.shrui %get3A_119, %shift_right_logical3A_121 : vector<16xi32>
    %swap3A_123 = arith.constant 2 : i32
    %swap3A_124 = arith.index_cast %swap3A_123 : i32 to index
    %swap3A_125 = arith.constant 0 : index
    %swap3A_126 = tpu.vector_load %arg10[%swap3A_124, %swap3A_125] {strides = array<i32>} : memref<32x16xi32, #tpu.memory_space<vmem>>, vector<1x16xi32>,
    %swap3A_127 = vector.shape_cast %swap3A_126 : vector<1x16xi32> to vector<16xi32>
    %swap3A_128 = vector.shape_cast %shift_right_logical3A_122 : vector<16xi32> to vector<1x16xi32>
    tpu.vector_store %arg10[%swap3A_124, %swap3A_125], %swap3A_128 {strides = array<i32>} : memref<32x16xi32, #tpu.memory_space<vmem>>, vector<1x16xi32>,
    %get3A_129 = arith.constant 48 : index
    %get3A_130 = tpu.vector_load %arg7[%get3A_129] {strides = array<i32>} : memref<512xi32, #tpu.memory_space<vmem>>, vector<16xi32>,
    %get3A_131 = vector.shape_cast %get3A_130 : vector<16xi32> to vector<16xi32>
    %shift_right_logical3A_132 = arith.constant 3 : i32
    %shift_right_logical3A_133 = vector.broadcast %shift_right_logical3A_132 : i32 to vector<16xi32>
    %shift_right_logical3A_134 = arith.shrui %get3A_131, %shift_right_logical3A_133 : vector<16xi32>
    %swap3A_135 = arith.constant 3 : i32
    %swap3A_136 = arith.index_cast %swap3A_135 : i32 to index
    %swap3A_137 = arith.constant 0 : index
    %swap3A_138 = tpu.vector_load %arg9[%swap3A_136, %swap3A_137] {strides = array<i32>} : memref<32x16xi32, #tpu.memory_space<vmem>>, vector<1x16xi32>,
    %swap3A_139 = vector.shape_cast %swap3A_138 : vector<1x16xi32> to vector<16xi32>
    %swap3A_140 = vector.shape_cast %shift_right_logical3A_134 : vector<16xi32> to vector<1x16xi32>
    tpu.vector_store %arg9[%swap3A_136, %swap3A_137], %swap3A_140 {strides = array<i32>} : memref<32x16xi32, #tpu.memory_space<vmem>>, vector<1x16xi32>,
    %get3A_141 = arith.constant 48 : index
    %get3A_142 = tpu.vector_load %arg8[%get3A_141] {strides = array<i32>} : memref<512xi32, #tpu.memory_space<vmem>>, vector<16xi32>,
    %get3A_143 = vector.shape_cast %get3A_142 : vector<16xi32> to vector<16xi32>
    %shift_right_logical3A_144 = arith.constant 3 : i32
    %shift_right_logical3A_145 = vector.broadcast %shift_right_logical3A_144 : i32 to vector<16xi32>
    %shift_right_logical3A_146 = arith.shrui %get3A_143, %shift_right_logical3A_145 : vector<16xi32>
    %swap3A_147 = arith.constant 3 : i32
    %swap3A_148 = arith.index_cast %swap3A_147 : i32 to index
    %swap3A_149 = arith.constant 0 : index
    %swap3A_150 = tpu.vector_load %arg10[%swap3A_148, %swap3A_149] {strides = array<i32>} : memref<32x16xi32, #tpu.memory_space<vmem>>, vector<1x16xi32>,
    %swap3A_151 = vector.shape_cast %swap3A_150 : vector<1x16xi32> to vector<16xi32>
    %swap3A_152 = vector.shape_cast %shift_right_logical3A_146 : vector<16xi32> to vector<1x16xi32>
    tpu.vector_store %arg10[%swap3A_148, %swap3A_149], %swap3A_152 {strides = array<i32>} : memref<32x16xi32, #tpu.memory_space<vmem>>, vector<1x16xi32>,
    %get3A_153 = arith.constant 64 : index
    %get3A_154 = tpu.vector_load %arg7[%get3A_153] {strides = array<i32>} : memref<512xi32, #tpu.memory_space<vmem>>, vector<16xi32>,
    %get3A_155 = vector.shape_cast %get3A_154 : vector<16xi32> to vector<16xi32>
    %shift_right_logical3A_156 = arith.constant 3 : i32
    %shift_right_logical3A_157 = vector.broadcast %shift_right_logical3A_156 : i32 to vector<16xi32>
    %shift_right_logical3A_158 = arith.shrui %get3A_155, %shift_right_logical3A_157 : vector<16xi32>
    %swap3A_159 = arith.constant 4 : i32
    %swap3A_160 = arith.index_cast %swap3A_159 : i32 to index
    %swap3A_161 = arith.constant 0 : index
    %swap3A_162 = tpu.vector_load %arg9[%swap3A_160, %swap3A_161] {strides = array<i32>} : memref<32x16xi32, #tpu.memory_space<vmem>>, vector<1x16xi32>,
    %swap3A_163 = vector.shape_cast %swap3A_162 : vector<1x16xi32> to vector<16xi32>
    %swap3A_164 = vector.shape_cast %shift_right_logical3A_158 : vector<16xi32> to vector<1x16xi32>
    tpu.vector_store %arg9[%swap3A_160, %swap3A_161], %swap3A_164 {strides = array<i32>} : memref<32x16xi32, #tpu.memory_space<vmem>>, vector<1x16xi32>,
    %get3A_165 = arith.constant 64 : index
    %get3A_166 = tpu.vector_load %arg8[%get3A_165] {strides = array<i32>} : memref<512xi32, #tpu.memory_space<vmem>>, vector<16xi32>,
    %get3A_167 = vector.shape_cast %get3A_166 : vector<16xi32> to vector<16xi32>
    %shift_right_logical3A_168 = arith.constant 3 : i32
    %shift_right_logical3A_169 = vector.broadcast %shift_right_logical3A_168 : i32 to vector<16xi32>
    %shift_right_logical3A_170 = arith.shrui %get3A_167, %shift_right_logical3A_169 : vector<16xi32>
    %swap3A_171 = arith.constant 4 : i32
    %swap3A_172 = arith.index_cast %swap3A_171 : i32 to index
    %swap3A_173 = arith.constant 0 : index
    %swap3A_174 = tpu.vector_load %arg10[%swap3A_172, %swap3A_173] {strides = array<i32>} : memref<32x16xi32, #tpu.memory_space<vmem>>, vector<1x16xi32>,
    %swap3A_175 = vector.shape_cast %swap3A_174 : vector<1x16xi32> to vector<16xi32>
    %swap3A_176 = vector.shape_cast %shift_right_logical3A_170 : vector<16xi32> to vector<1x16xi32>
    tpu.vector_store %arg10[%swap3A_172, %swap3A_173], %swap3A_176 {strides = array<i32>} : memref<32x16xi32, #tpu.memory_space<vmem>>, vector<1x16xi32>,
    %get3A_177 = arith.constant 80 : index
    %get3A_178 = tpu.vector_load %arg7[%get3A_177] {strides = array<i32>} : memref<512xi32, #tpu.memory_space<vmem>>, vector<16xi32>,
    %get3A_179 = vector.shape_cast %get3A_178 : vector<16xi32> to vector<16xi32>
    %shift_right_logical3A_180 = arith.constant 3 : i32
    %shift_right_logical3A_181 = vector.broadcast %shift_right_logical3A_180 : i32 to vector<16xi32>
    %shift_right_logical3A_182 = arith.shrui %get3A_179, %shift_right_logical3A_181 : vector<16xi32>
    %swap3A_183 = arith.constant 5 : i32
    %swap3A_184 = arith.index_cast %swap3A_183 : i32 to index
    %swap3A_185 = arith.constant 0 : index
    %swap3A_186 = tpu.vector_load %arg9[%swap3A_184, %swap3A_185] {strides = array<i32>} : memref<32x16xi32, #tpu.memory_space<vmem>>, vector<1x16xi32>,
    %swap3A_187 = vector.shape_cast %swap3A_186 : vector<1x16xi32> to vector<16xi32>
    %swap3A_188 = vector.shape_cast %shift_right_logical3A_182 : vector<16xi32> to vector<1x16xi32>
    tpu.vector_store %arg9[%swap3A_184, %swap3A_185], %swap3A_188 {strides = array<i32>} : memref<32x16xi32, #tpu.memory_space<vmem>>, vector<1x16xi32>,
    %get3A_189 = arith.constant 80 : index
    %get3A_190 = tpu.vector_load %arg8[%get3A_189] {strides = array<i32>} : memref<512xi32, #tpu.memory_space<vmem>>, vector<16xi32>,
    %get3A_191 = vector.shape_cast %get3A_190 : vector<16xi32> to vector<16xi32>
    %shift_right_logical3A_192 = arith.constant 3 : i32
    %shift_right_logical3A_193 = vector.broadcast %shift_right_logical3A_192 : i32 to vector<16xi32>
    %shift_right_logical3A_194 = arith.shrui %get3A_191, %shift_right_logical3A_193 : vector<16xi32>
    %swap3A_195 = arith.constant 5 : i32
    %swap3A_196 = arith.index_cast %swap3A_195 : i32 to index
    %swap3A_197 = arith.constant 0 : index
    %swap3A_198 = tpu.vector_load %arg10[%swap3A_196, %swap3A_197] {strides = array<i32>} : memref<32x16xi32, #tpu.memory_space<vmem>>, vector<1x16xi32>,
    %swap3A_199 = vector.shape_cast %swap3A_198 : vector<1x16xi32> to vector<16xi32>
    %swap3A_200 = vector.shape_cast %shift_right_logical3A_194 : vector<16xi32> to vector<1x16xi32>
    tpu.vector_store %arg10[%swap3A_196, %swap3A_197], %swap3A_200 {strides = array<i32>} : memref<32x16xi32, #tpu.memory_space<vmem>>, vector<1x16xi32>,
    %get3A_201 = arith.constant 96 : index
    %get3A_202 = tpu.vector_load %arg7[%get3A_201] {strides = array<i32>} : memref<512xi32, #tpu.memory_space<vmem>>, vector<16xi32>,
    %get3A_203 = vector.shape_cast %get3A_202 : vector<16xi32> to vector<16xi32>
    %shift_right_logical3A_204 = arith.constant 3 : i32
    %shift_right_logical3A_205 = vector.broadcast %shift_right_logical3A_204 : i32 to vector<16xi32>
    %shift_right_logical3A_206 = arith.shrui %get3A_203, %shift_right_logical3A_205 : vector<16xi32>
    %swap3A_207 = arith.constant 6 : i32
    %swap3A_208 = arith.index_cast %swap3A_207 : i32 to index
    %swap3A_209 = arith.constant 0 : index
    %swap3A_210 = tpu.vector_load %arg9[%swap3A_208, %swap3A_209] {strides = array<i32>} : memref<32x16xi32, #tpu.memory_space<vmem>>, vector<1x16xi32>,
    %swap3A_211 = vector.shape_cast %swap3A_210 : vector<1x16xi32> to vector<16xi32>
    %swap3A_212 = vector.shape_cast %shift_right_logical3A_206 : vector<16xi32> to vector<1x16xi32>
    tpu.vector_store %arg9[%swap3A_208, %swap3A_209], %swap3A_212 {strides = array<i32>} : memref<32x16xi32, #tpu.memory_space<vmem>>, vector<1x16xi32>,
    %get3A_213 = arith.constant 96 : index
    %get3A_214 = tpu.vector_load %arg8[%get3A_213] {strides = array<i32>} : memref<512xi32, #tpu.memory_space<vmem>>, vector<16xi32>,
    %get3A_215 = vector.shape_cast %get3A_214 : vector<16xi32> to vector<16xi32>
    %shift_right_logical3A_216 = arith.constant 3 : i32
    %shift_right_logical3A_217 = vector.broadcast %shift_right_logical3A_216 : i32 to vector<16xi32>
    %shift_right_logical3A_218 = arith.shrui %get3A_215, %shift_right_logical3A_217 : vector<16xi32>
    %swap3A_219 = arith.constant 6 : i32
    %swap3A_220 = arith.index_cast %swap3A_219 : i32 to index
    %swap3A_221 = arith.constant 0 : index
    %swap3A_222 = tpu.vector_load %arg10[%swap3A_220, %swap3A_221] {strides = array<i32>} : memref<32x16xi32, #tpu.memory_space<vmem>>, vector<1x16xi32>,
    %swap3A_223 = vector.shape_cast %swap3A_222 : vector<1x16xi32> to vector<16xi32>
    %swap3A_224 = vector.shape_cast %shift_right_logical3A_218 : vector<16xi32> to vector<1x16xi32>
    tpu.vector_store %arg10[%swap3A_220, %swap3A_221], %swap3A_224 {strides = array<i32>} : memref<32x16xi32, #tpu.memory_space<vmem>>, vector<1x16xi32>,
    %get3A_225 = arith.constant 112 : index
    %get3A_226 = tpu.vector_load %arg7[%get3A_225] {strides = array<i32>} : memref<512xi32, #tpu.memory_space<vmem>>, vector<16xi32>,
    %get3A_227 = vector.shape_cast %get3A_226 : vector<16xi32> to vector<16xi32>
    %shift_right_logical3A_228 = arith.constant 3 : i32
    %shift_right_logical3A_229 = vector.broadcast %shift_right_logical3A_228 : i32 to vector<16xi32>
    %shift_right_logical3A_230 = arith.shrui %get3A_227, %shift_right_logical3A_229 : vector<16xi32>
    %swap3A_231 = arith.constant 7 : i32
    %swap3A_232 = arith.index_cast %swap3A_231 : i32 to index
    %swap3A_233 = arith.constant 0 : index
    %swap3A_234 = tpu.vector_load %arg9[%swap3A_232, %swap3A_233] {strides = array<i32>} : memref<32x16xi32, #tpu.memory_space<vmem>>, vector<1x16xi32>,
    %swap3A_235 = vector.shape_cast %swap3A_234 : vector<1x16xi32> to vector<16xi32>
    %swap3A_236 = vector.shape_cast %shift_right_logical3A_230 : vector<16xi32> to vector<1x16xi32>
    tpu.vector_store %arg9[%swap3A_232, %swap3A_233], %swap3A_236 {strides = array<i32>} : memref<32x16xi32, #tpu.memory_space<vmem>>, vector<1x16xi32>,
    %get3A_237 = arith.constant 112 : index
    %get3A_238 = tpu.vector_load %arg8[%get3A_237] {strides = array<i32>} : memref<512xi32, #tpu.memory_space<vmem>>, vector<16xi32>,
    %get3A_239 = vector.shape_cast %get3A_238 : vector<16xi32> to vector<16xi32>
    %shift_right_logical3A_240 = arith.constant 3 : i32
    %shift_right_logical3A_241 = vector.broadcast %shift_right_logical3A_240 : i32 to vector<16xi32>
    %shift_right_logical3A_242 = arith.shrui %get3A_239, %shift_right_logical3A_241 : vector<16xi32>
    %swap3A_243 = arith.constant 7 : i32
    %swap3A_244 = arith.index_cast %swap3A_243 : i32 to index
    %swap3A_245 = arith.constant 0 : index
    %swap3A_246 = tpu.vector_load %arg10[%swap3A_244, %swap3A_245] {strides = array<i32>} : memref<32x16xi32, #tpu.memory_space<vmem>>, vector<1x16xi32>,
    %swap3A_247 = vector.shape_cast %swap3A_246 : vector<1x16xi32> to vector<16xi32>
    %swap3A_248 = vector.shape_cast %shift_right_logical3A_242 : vector<16xi32> to vector<1x16xi32>
    tpu.vector_store %arg10[%swap3A_244, %swap3A_245], %swap3A_248 {strides = array<i32>} : memref<32x16xi32, #tpu.memory_space<vmem>>, vector<1x16xi32>,
    %get3A_249 = arith.constant 128 : index
    %get3A_250 = tpu.vector_load %arg7[%get3A_249] {strides = array<i32>} : memref<512xi32, #tpu.memory_space<vmem>>, vector<16xi32>,
    %get3A_251 = vector.shape_cast %get3A_250 : vector<16xi32> to vector<16xi32>
    %shift_right_logical3A_252 = arith.constant 3 : i32
    %shift_right_logical3A_253 = vector.broadcast %shift_right_logical3A_252 : i32 to vector<16xi32>
    %shift_right_logical3A_254 = arith.shrui %get3A_251, %shift_right_logical3A_253 : vector<16xi32>
    %swap3A_255 = arith.constant 8 : i32
    %swap3A_256 = arith.index_cast %swap3A_255 : i32 to index
    %swap3A_257 = arith.constant 0 : index
    %swap3A_258 = tpu.vector_load %arg9[%swap3A_256, %swap3A_257] {strides = array<i32>} : memref<32x16xi32, #tpu.memory_space<vmem>>, vector<1x16xi32>,
    %swap3A_259 = vector.shape_cast %swap3A_258 : vector<1x16xi32> to vector<16xi32>
    %swap3A_260 = vector.shape_cast %shift_right_logical3A_254 : vector<16xi32> to vector<1x16xi32>
    tpu.vector_store %arg9[%swap3A_256, %swap3A_257], %swap3A_260 {strides = array<i32>} : memref<32x16xi32, #tpu.memory_space<vmem>>, vector<1x16xi32>,
    %get3A_261 = arith.constant 128 : index
    %get3A_262 = tpu.vector_load %arg8[%get3A_261] {strides = array<i32>} : memref<512xi32, #tpu.memory_space<vmem>>, vector<16xi32>,
    %get3A_263 = vector.shape_cast %get3A_262 : vector<16xi32> to vector<16xi32>
    %shift_right_logical3A_264 = arith.constant 3 : i32
    %shift_right_logical3A_265 = vector.broadcast %shift_right_logical3A_264 : i32 to vector<16xi32>
    %shift_right_logical3A_266 = arith.shrui %get3A_263, %shift_right_logical3A_265 : vector<16xi32>
    %swap3A_267 = arith.constant 8 : i32
    %swap3A_268 = arith.index_cast %swap3A_267 : i32 to index
    %swap3A_269 = arith.constant 0 : index
    %swap3A_270 = tpu.vector_load %arg10[%swap3A_268, %swap3A_269] {strides = array<i32>} : memref<32x16xi32, #tpu.memory_space<vmem>>, vector<1x16xi32>,
    %swap3A_271 = vector.shape_cast %swap3A_270 : vector<1x16xi32> to vector<16xi32>
    %swap3A_272 = vector.shape_cast %shift_right_logical3A_266 : vector<16xi32> to vector<1x16xi32>
    tpu.vector_store %arg10[%swap3A_268, %swap3A_269], %swap3A_272 {strides = array<i32>} : memref<32x16xi32, #tpu.memory_space<vmem>>, vector<1x16xi32>,
    %get3A_273 = arith.constant 144 : index
    %get3A_274 = tpu.vector_load %arg7[%get3A_273] {strides = array<i32>} : memref<512xi32, #tpu.memory_space<vmem>>, vector<16xi32>,
    %get3A_275 = vector.shape_cast %get3A_274 : vector<16xi32> to vector<16xi32>
    %shift_right_logical3A_276 = arith.constant 3 : i32
    %shift_right_logical3A_277 = vector.broadcast %shift_right_logical3A_276 : i32 to vector<16xi32>
    %shift_right_logical3A_278 = arith.shrui %get3A_275, %shift_right_logical3A_277 : vector<16xi32>
    %swap3A_279 = arith.constant 9 : i32
    %swap3A_280 = arith.index_cast %swap3A_279 : i32 to index
    %swap3A_281 = arith.constant 0 : index
    %swap3A_282 = tpu.vector_load %arg9[%swap3A_280, %swap3A_281] {strides = array<i32>} : memref<32x16xi32, #tpu.memory_space<vmem>>, vector<1x16xi32>,
    %swap3A_283 = vector.shape_cast %swap3A_282 : vector<1x16xi32> to vector<16xi32>
    %swap3A_284 = vector.shape_cast %shift_right_logical3A_278 : vector<16xi32> to vector<1x16xi32>
    tpu.vector_store %arg9[%swap3A_280, %swap3A_281], %swap3A_284 {strides = array<i32>} : memref<32x16xi32, #tpu.memory_space<vmem>>, vector<1x16xi32>,
    %get3A_285 = arith.constant 144 : index
    %get3A_286 = tpu.vector_load %arg8[%get3A_285] {strides = array<i32>} : memref<512xi32, #tpu.memory_space<vmem>>, vector<16xi32>,
    %get3A_287 = vector.shape_cast %get3A_286 : vector<16xi32> to vector<16xi32>
    %shift_right_logical3A_288 = arith.constant 3 : i32
    %shift_right_logical3A_289 = vector.broadcast %shift_right_logical3A_288 : i32 to vector<16xi32>
    %shift_right_logical3A_290 = arith.shrui %get3A_287, %shift_right_logical3A_289 : vector<16xi32>
    %swap3A_291 = arith.constant 9 : i32
    %swap3A_292 = arith.index_cast %swap3A_291 : i32 to index
    %swap3A_293 = arith.constant 0 : index
    %swap3A_294 = tpu.vector_load %arg10[%swap3A_292, %swap3A_293] {strides = array<i32>} : memref<32x16xi32, #tpu.memory_space<vmem>>, vector<1x16xi32>,
    %swap3A_295 = vector.shape_cast %swap3A_294 : vector<1x16xi32> to vector<16xi32>
    %swap3A_296 = vector.shape_cast %shift_right_logical3A_290 : vector<16xi32> to vector<1x16xi32>
    tpu.vector_store %arg10[%swap3A_292, %swap3A_293], %swap3A_296 {strides = array<i32>} : memref<32x16xi32, #tpu.memory_space<vmem>>, vector<1x16xi32>,
    %get3A_297 = arith.constant 160 : index
    %get3A_298 = tpu.vector_load %arg7[%get3A_297] {strides = array<i32>} : memref<512xi32, #tpu.memory_space<vmem>>, vector<16xi32>,
    %get3A_299 = vector.shape_cast %get3A_298 : vector<16xi32> to vector<16xi32>
    %shift_right_logical3A_300 = arith.constant 3 : i32
    %shift_right_logical3A_301 = vector.broadcast %shift_right_logical3A_300 : i32 to vector<16xi32>
    %shift_right_logical3A_302 = arith.shrui %get3A_299, %shift_right_logical3A_301 : vector<16xi32>
    %swap3A_303 = arith.constant 10 : i32
    %swap3A_304 = arith.index_cast %swap3A_303 : i32 to index
    %swap3A_305 = arith.constant 0 : index
    %swap3A_306 = tpu.vector_load %arg9[%swap3A_304, %swap3A_305] {strides = array<i32>} : memref<32x16xi32, #tpu.memory_space<vmem>>, vector<1x16xi32>,
    %swap3A_307 = vector.shape_cast %swap3A_306 : vector<1x16xi32> to vector<16xi32>
    %swap3A_308 = vector.shape_cast %shift_right_logical3A_302 : vector<16xi32> to vector<1x16xi32>
    tpu.vector_store %arg9[%swap3A_304, %swap3A_305], %swap3A_308 {strides = array<i32>} : memref<32x16xi32, #tpu.memory_space<vmem>>, vector<1x16xi32>,
    %get3A_309 = arith.constant 160 : index
    %get3A_310 = tpu.vector_load %arg8[%get3A_309] {strides = array<i32>} : memref<512xi32, #tpu.memory_space<vmem>>, vector<16xi32>,
    %get3A_311 = vector.shape_cast %get3A_310 : vector<16xi32> to vector<16xi32>
    %shift_right_logical3A_312 = arith.constant 3 : i32
    %shift_right_logical3A_313 = vector.broadcast %shift_right_logical3A_312 : i32 to vector<16xi32>
    %shift_right_logical3A_314 = arith.shrui %get3A_311, %shift_right_logical3A_313 : vector<16xi32>
    %swap3A_315 = arith.constant 10 : i32
    %swap3A_316 = arith.index_cast %swap3A_315 : i32 to index
    %swap3A_317 = arith.constant 0 : index
    %swap3A_318 = tpu.vector_load %arg10[%swap3A_316, %swap3A_317] {strides = array<i32>} : memref<32x16xi32, #tpu.memory_space<vmem>>, vector<1x16xi32>,
    %swap3A_319 = vector.shape_cast %swap3A_318 : vector<1x16xi32> to vector<16xi32>
    %swap3A_320 = vector.shape_cast %shift_right_logical3A_314 : vector<16xi32> to vector<1x16xi32>
    tpu.vector_store %arg10[%swap3A_316, %swap3A_317], %swap3A_320 {strides = array<i32>} : memref<32x16xi32, #tpu.memory_space<vmem>>, vector<1x16xi32>,
    %get3A_321 = arith.constant 176 : index
    %get3A_322 = tpu.vector_load %arg7[%get3A_321] {strides = array<i32>} : memref<512xi32, #tpu.memory_space<vmem>>, vector<16xi32>,
    %get3A_323 = vector.shape_cast %get3A_322 : vector<16xi32> to vector<16xi32>
    %shift_right_logical3A_324 = arith.constant 3 : i32
    %shift_right_logical3A_325 = vector.broadcast %shift_right_logical3A_324 : i32 to vector<16xi32>
    %shift_right_logical3A_326 = arith.shrui %get3A_323, %shift_right_logical3A_325 : vector<16xi32>
    %swap3A_327 = arith.constant 11 : i32
    %swap3A_328 = arith.index_cast %swap3A_327 : i32 to index
    %swap3A_329 = arith.constant 0 : index
    %swap3A_330 = tpu.vector_load %arg9[%swap3A_328, %swap3A_329] {strides = array<i32>} : memref<32x16xi32, #tpu.memory_space<vmem>>, vector<1x16xi32>,
    %swap3A_331 = vector.shape_cast %swap3A_330 : vector<1x16xi32> to vector<16xi32>
    %swap3A_332 = vector.shape_cast %shift_right_logical3A_326 : vector<16xi32> to vector<1x16xi32>
    tpu.vector_store %arg9[%swap3A_328, %swap3A_329], %swap3A_332 {strides = array<i32>} : memref<32x16xi32, #tpu.memory_space<vmem>>, vector<1x16xi32>,
    %get3A_333 = arith.constant 176 : index
    %get3A_334 = tpu.vector_load %arg8[%get3A_333] {strides = array<i32>} : memref<512xi32, #tpu.memory_space<vmem>>, vector<16xi32>,
    %get3A_335 = vector.shape_cast %get3A_334 : vector<16xi32> to vector<16xi32>
    %shift_right_logical3A_336 = arith.constant 3 : i32
    %shift_right_logical3A_337 = vector.broadcast %shift_right_logical3A_336 : i32 to vector<16xi32>
    %shift_right_logical3A_338 = arith.shrui %get3A_335, %shift_right_logical3A_337 : vector<16xi32>
    %swap3A_339 = arith.constant 11 : i32
    %swap3A_340 = arith.index_cast %swap3A_339 : i32 to index
    %swap3A_341 = arith.constant 0 : index
    %swap3A_342 = tpu.vector_load %arg10[%swap3A_340, %swap3A_341] {strides = array<i32>} : memref<32x16xi32, #tpu.memory_space<vmem>>, vector<1x16xi32>,
    %swap3A_343 = vector.shape_cast %swap3A_342 : vector<1x16xi32> to vector<16xi32>
    %swap3A_344 = vector.shape_cast %shift_right_logical3A_338 : vector<16xi32> to vector<1x16xi32>
    tpu.vector_store %arg10[%swap3A_340, %swap3A_341], %swap3A_344 {strides = array<i32>} : memref<32x16xi32, #tpu.memory_space<vmem>>, vector<1x16xi32>,
    %get3A_345 = arith.constant 192 : index
    %get3A_346 = tpu.vector_load %arg7[%get3A_345] {strides = array<i32>} : memref<512xi32, #tpu.memory_space<vmem>>, vector<16xi32>,
    %get3A_347 = vector.shape_cast %get3A_346 : vector<16xi32> to vector<16xi32>
    %shift_right_logical3A_348 = arith.constant 3 : i32
    %shift_right_logical3A_349 = vector.broadcast %shift_right_logical3A_348 : i32 to vector<16xi32>
    %shift_right_logical3A_350 = arith.shrui %get3A_347, %shift_right_logical3A_349 : vector<16xi32>
    %swap3A_351 = arith.constant 12 : i32
    %swap3A_352 = arith.index_cast %swap3A_351 : i32 to index
    %swap3A_353 = arith.constant 0 : index
    %swap3A_354 = tpu.vector_load %arg9[%swap3A_352, %swap3A_353] {strides = array<i32>} : memref<32x16xi32, #tpu.memory_space<vmem>>, vector<1x16xi32>,
    %swap3A_355 = vector.shape_cast %swap3A_354 : vector<1x16xi32> to vector<16xi32>
    %swap3A_356 = vector.shape_cast %shift_right_logical3A_350 : vector<16xi32> to vector<1x16xi32>
    tpu.vector_store %arg9[%swap3A_352, %swap3A_353], %swap3A_356 {strides = array<i32>} : memref<32x16xi32, #tpu.memory_space<vmem>>, vector<1x16xi32>,
    %get3A_357 = arith.constant 192 : index
    %get3A_358 = tpu.vector_load %arg8[%get3A_357] {strides = array<i32>} : memref<512xi32, #tpu.memory_space<vmem>>, vector<16xi32>,
    %get3A_359 = vector.shape_cast %get3A_358 : vector<16xi32> to vector<16xi32>
    %shift_right_logical3A_360 = arith.constant 3 : i32
    %shift_right_logical3A_361 = vector.broadcast %shift_right_logical3A_360 : i32 to vector<16xi32>
    %shift_right_logical3A_362 = arith.shrui %get3A_359, %shift_right_logical3A_361 : vector<16xi32>
    %swap3A_363 = arith.constant 12 : i32
    %swap3A_364 = arith.index_cast %swap3A_363 : i32 to index
    %swap3A_365 = arith.constant 0 : index
    %swap3A_366 = tpu.vector_load %arg10[%swap3A_364, %swap3A_365] {strides = array<i32>} : memref<32x16xi32, #tpu.memory_space<vmem>>, vector<1x16xi32>,
    %swap3A_367 = vector.shape_cast %swap3A_366 : vector<1x16xi32> to vector<16xi32>
    %swap3A_368 = vector.shape_cast %shift_right_logical3A_362 : vector<16xi32> to vector<1x16xi32>
    tpu.vector_store %arg10[%swap3A_364, %swap3A_365], %swap3A_368 {strides = array<i32>} : memref<32x16xi32, #tpu.memory_space<vmem>>, vector<1x16xi32>,
    %get3A_369 = arith.constant 208 : index
    %get3A_370 = tpu.vector_load %arg7[%get3A_369] {strides = array<i32>} : memref<512xi32, #tpu.memory_space<vmem>>, vector<16xi32>,
    %get3A_371 = vector.shape_cast %get3A_370 : vector<16xi32> to vector<16xi32>
    %shift_right_logical3A_372 = arith.constant 3 : i32
    %shift_right_logical3A_373 = vector.broadcast %shift_right_logical3A_372 : i32 to vector<16xi32>
    %shift_right_logical3A_374 = arith.shrui %get3A_371, %shift_right_logical3A_373 : vector<16xi32>
    %swap3A_375 = arith.constant 13 : i32
    %swap3A_376 = arith.index_cast %swap3A_375 : i32 to index
    %swap3A_377 = arith.constant 0 : index
    %swap3A_378 = tpu.vector_load %arg9[%swap3A_376, %swap3A_377] {strides = array<i32>} : memref<32x16xi32, #tpu.memory_space<vmem>>, vector<1x16xi32>,
    %swap3A_379 = vector.shape_cast %swap3A_378 : vector<1x16xi32> to vector<16xi32>
    %swap3A_380 = vector.shape_cast %shift_right_logical3A_374 : vector<16xi32> to vector<1x16xi32>
    tpu.vector_store %arg9[%swap3A_376, %swap3A_377], %swap3A_380 {strides = array<i32>} : memref<32x16xi32, #tpu.memory_space<vmem>>, vector<1x16xi32>,
    %get3A_381 = arith.constant 208 : index
    %get3A_382 = tpu.vector_load %arg8[%get3A_381] {strides = array<i32>} : memref<512xi32, #tpu.memory_space<vmem>>, vector<16xi32>,
    %get3A_383 = vector.shape_cast %get3A_382 : vector<16xi32> to vector<16xi32>
    %shift_right_logical3A_384 = arith.constant 3 : i32
    %shift_right_logical3A_385 = vector.broadcast %shift_right_logical3A_384 : i32 to vector<16xi32>
    %shift_right_logical3A_386 = arith.shrui %get3A_383, %shift_right_logical3A_385 : vector<16xi32>
    %swap3A_387 = arith.constant 13 : i32
    %swap3A_388 = arith.index_cast %swap3A_387 : i32 to index
    %swap3A_389 = arith.constant 0 : index
    %swap3A_390 = tpu.vector_load %arg10[%swap3A_388, %swap3A_389] {strides = array<i32>} : memref<32x16xi32, #tpu.memory_space<vmem>>, vector<1x16xi32>,
    %swap3A_391 = vector.shape_cast %swap3A_390 : vector<1x16xi32> to vector<16xi32>
    %swap3A_392 = vector.shape_cast %shift_right_logical3A_386 : vector<16xi32> to vector<1x16xi32>
    tpu.vector_store %arg10[%swap3A_388, %swap3A_389], %swap3A_392 {strides = array<i32>} : memref<32x16xi32, #tpu.memory_space<vmem>>, vector<1x16xi32>,
    %get3A_393 = arith.constant 224 : index
    %get3A_394 = tpu.vector_load %arg7[%get3A_393] {strides = array<i32>} : memref<512xi32, #tpu.memory_space<vmem>>, vector<16xi32>,
    %get3A_395 = vector.shape_cast %get3A_394 : vector<16xi32> to vector<16xi32>
    %shift_right_logical3A_396 = arith.constant 3 : i32
    %shift_right_logical3A_397 = vector.broadcast %shift_right_logical3A_396 : i32 to vector<16xi32>
    %shift_right_logical3A_398 = arith.shrui %get3A_395, %shift_right_logical3A_397 : vector<16xi32>
    %swap3A_399 = arith.constant 14 : i32
    %swap3A_400 = arith.index_cast %swap3A_399 : i32 to index
    %swap3A_401 = arith.constant 0 : index
    %swap3A_402 = tpu.vector_load %arg9[%swap3A_400, %swap3A_401] {strides = array<i32>} : memref<32x16xi32, #tpu.memory_space<vmem>>, vector<1x16xi32>,
    %swap3A_403 = vector.shape_cast %swap3A_402 : vector<1x16xi32> to vector<16xi32>
    %swap3A_404 = vector.shape_cast %shift_right_logical3A_398 : vector<16xi32> to vector<1x16xi32>
    tpu.vector_store %arg9[%swap3A_400, %swap3A_401], %swap3A_404 {strides = array<i32>} : memref<32x16xi32, #tpu.memory_space<vmem>>, vector<1x16xi32>,
    %get3A_405 = arith.constant 224 : index
    %get3A_406 = tpu.vector_load %arg8[%get3A_405] {strides = array<i32>} : memref<512xi32, #tpu.memory_space<vmem>>, vector<16xi32>,
    %get3A_407 = vector.shape_cast %get3A_406 : vector<16xi32> to vector<16xi32>
    %shift_right_logical3A_408 = arith.constant 3 : i32
    %shift_right_logical3A_409 = vector.broadcast %shift_right_logical3A_408 : i32 to vector<16xi32>
    %shift_right_logical3A_410 = arith.shrui %get3A_407, %shift_right_logical3A_409 : vector<16xi32>
    %swap3A_411 = arith.constant 14 : i32
    %swap3A_412 = arith.index_cast %swap3A_411 : i32 to index
    %swap3A_413 = arith.constant 0 : index
    %swap3A_414 = tpu.vector_load %arg10[%swap3A_412, %swap3A_413] {strides = array<i32>} : memref<32x16xi32, #tpu.memory_space<vmem>>, vector<1x16xi32>,
    %swap3A_415 = vector.shape_cast %swap3A_414 : vector<1x16xi32> to vector<16xi32>
    %swap3A_416 = vector.shape_cast %shift_right_logical3A_410 : vector<16xi32> to vector<1x16xi32>
    tpu.vector_store %arg10[%swap3A_412, %swap3A_413], %swap3A_416 {strides = array<i32>} : memref<32x16xi32, #tpu.memory_space<vmem>>, vector<1x16xi32>,
    %get3A_417 = arith.constant 240 : index
    %get3A_418 = tpu.vector_load %arg7[%get3A_417] {strides = array<i32>} : memref<512xi32, #tpu.memory_space<vmem>>, vector<16xi32>,
    %get3A_419 = vector.shape_cast %get3A_418 : vector<16xi32> to vector<16xi32>
    %shift_right_logical3A_420 = arith.constant 3 : i32
    %shift_right_logical3A_421 = vector.broadcast %shift_right_logical3A_420 : i32 to vector<16xi32>
    %shift_right_logical3A_422 = arith.shrui %get3A_419, %shift_right_logical3A_421 : vector<16xi32>
    %swap3A_423 = arith.constant 15 : i32
    %swap3A_424 = arith.index_cast %swap3A_423 : i32 to index
    %swap3A_425 = arith.constant 0 : index
    %swap3A_426 = tpu.vector_load %arg9[%swap3A_424, %swap3A_425] {strides = array<i32>} : memref<32x16xi32, #tpu.memory_space<vmem>>, vector<1x16xi32>,
    %swap3A_427 = vector.shape_cast %swap3A_426 : vector<1x16xi32> to vector<16xi32>
    %swap3A_428 = vector.shape_cast %shift_right_logical3A_422 : vector<16xi32> to vector<1x16xi32>
    tpu.vector_store %arg9[%swap3A_424, %swap3A_425], %swap3A_428 {strides = array<i32>} : memref<32x16xi32, #tpu.memory_space<vmem>>, vector<1x16xi32>,
    %get3A_429 = arith.constant 240 : index
    %get3A_430 = tpu.vector_load %arg8[%get3A_429] {strides = array<i32>} : memref<512xi32, #tpu.memory_space<vmem>>, vector<16xi32>,
    %get3A_431 = vector.shape_cast %get3A_430 : vector<16xi32> to vector<16xi32>
    %shift_right_logical3A_432 = arith.constant 3 : i32
    %shift_right_logical3A_433 = vector.broadcast %shift_right_logical3A_432 : i32 to vector<16xi32>
    %shift_right_logical3A_434 = arith.shrui %get3A_431, %shift_right_logical3A_433 : vector<16xi32>
    %swap3A_435 = arith.constant 15 : i32
    %swap3A_436 = arith.index_cast %swap3A_435 : i32 to index
    %swap3A_437 = arith.constant 0 : index
    %swap3A_438 = tpu.vector_load %arg10[%swap3A_436, %swap3A_437] {strides = array<i32>} : memref<32x16xi32, #tpu.memory_space<vmem>>, vector<1x16xi32>,
    %swap3A_439 = vector.shape_cast %swap3A_438 : vector<1x16xi32> to vector<16xi32>
    %swap3A_440 = vector.shape_cast %shift_right_logical3A_434 : vector<16xi32> to vector<1x16xi32>
    tpu.vector_store %arg10[%swap3A_436, %swap3A_437], %swap3A_440 {strides = array<i32>} : memref<32x16xi32, #tpu.memory_space<vmem>>, vector<1x16xi32>,
    %get3A_441 = arith.constant 256 : index
    %get3A_442 = tpu.vector_load %arg7[%get3A_441] {strides = array<i32>} : memref<512xi32, #tpu.memory_space<vmem>>, vector<16xi32>,
    %get3A_443 = vector.shape_cast %get3A_442 : vector<16xi32> to vector<16xi32>
    %shift_right_logical3A_444 = arith.constant 3 : i32
    %shift_right_logical3A_445 = vector.broadcast %shift_right_logical3A_444 : i32 to vector<16xi32>
    %shift_right_logical3A_446 = arith.shrui %get3A_443, %shift_right_logical3A_445 : vector<16xi32>
    %swap3A_447 = arith.constant 16 : i32
    %swap3A_448 = arith.index_cast %swap3A_447 : i32 to index
    %swap3A_449 = arith.constant 0 : index
    %swap3A_450 = tpu.vector_load %arg9[%swap3A_448, %swap3A_449] {strides = array<i32>} : memref<32x16xi32, #tpu.memory_space<vmem>>, vector<1x16xi32>,
    %swap3A_451 = vector.shape_cast %swap3A_450 : vector<1x16xi32> to vector<16xi32>
    %swap3A_452 = vector.shape_cast %shift_right_logical3A_446 : vector<16xi32> to vector<1x16xi32>
    tpu.vector_store %arg9[%swap3A_448, %swap3A_449], %swap3A_452 {strides = array<i32>} : memref<32x16xi32, #tpu.memory_space<vmem>>, vector<1x16xi32>,
    %get3A_453 = arith.constant 256 : index
    %get3A_454 = tpu.vector_load %arg8[%get3A_453] {strides = array<i32>} : memref<512xi32, #tpu.memory_space<vmem>>, vector<16xi32>,
    %get3A_455 = vector.shape_cast %get3A_454 : vector<16xi32> to vector<16xi32>
    %shift_right_logical3A_456 = arith.constant 3 : i32
    %shift_right_logical3A_457 = vector.broadcast %shift_right_logical3A_456 : i32 to vector<16xi32>
    %shift_right_logical3A_458 = arith.shrui %get3A_455, %shift_right_logical3A_457 : vector<16xi32>
    %swap3A_459 = arith.constant 16 : i32
    %swap3A_460 = arith.index_cast %swap3A_459 : i32 to index
    %swap3A_461 = arith.constant 0 : index
    %swap3A_462 = tpu.vector_load %arg10[%swap3A_460, %swap3A_461] {strides = array<i32>} : memref<32x16xi32, #tpu.memory_space<vmem>>, vector<1x16xi32>,
    %swap3A_463 = vector.shape_cast %swap3A_462 : vector<1x16xi32> to vector<16xi32>
    %swap3A_464 = vector.shape_cast %shift_right_logical3A_458 : vector<16xi32> to vector<1x16xi32>
    tpu.vector_store %arg10[%swap3A_460, %swap3A_461], %swap3A_464 {strides = array<i32>} : memref<32x16xi32, #tpu.memory_space<vmem>>, vector<1x16xi32>,
    %get3A_465 = arith.constant 272 : index
    %get3A_466 = tpu.vector_load %arg7[%get3A_465] {strides = array<i32>} : memref<512xi32, #tpu.memory_space<vmem>>, vector<16xi32>,
    %get3A_467 = vector.shape_cast %get3A_466 : vector<16xi32> to vector<16xi32>
    %shift_right_logical3A_468 = arith.constant 3 : i32
    %shift_right_logical3A_469 = vector.broadcast %shift_right_logical3A_468 : i32 to vector<16xi32>
    %shift_right_logical3A_470 = arith.shrui %get3A_467, %shift_right_logical3A_469 : vector<16xi32>
    %swap3A_471 = arith.constant 17 : i32
    %swap3A_472 = arith.index_cast %swap3A_471 : i32 to index
    %swap3A_473 = arith.constant 0 : index
    %swap3A_474 = tpu.vector_load %arg9[%swap3A_472, %swap3A_473] {strides = array<i32>} : memref<32x16xi32, #tpu.memory_space<vmem>>, vector<1x16xi32>,
    %swap3A_475 = vector.shape_cast %swap3A_474 : vector<1x16xi32> to vector<16xi32>
    %swap3A_476 = vector.shape_cast %shift_right_logical3A_470 : vector<16xi32> to vector<1x16xi32>
    tpu.vector_store %arg9[%swap3A_472, %swap3A_473], %swap3A_476 {strides = array<i32>} : memref<32x16xi32, #tpu.memory_space<vmem>>, vector<1x16xi32>,
    %get3A_477 = arith.constant 272 : index
    %get3A_478 = tpu.vector_load %arg8[%get3A_477] {strides = array<i32>} : memref<512xi32, #tpu.memory_space<vmem>>, vector<16xi32>,
    %get3A_479 = vector.shape_cast %get3A_478 : vector<16xi32> to vector<16xi32>
    %shift_right_logical3A_480 = arith.constant 3 : i32
    %shift_right_logical3A_481 = vector.broadcast %shift_right_logical3A_480 : i32 to vector<16xi32>
    %shift_right_logical3A_482 = arith.shrui %get3A_479, %shift_right_logical3A_481 : vector<16xi32>
    %swap3A_483 = arith.constant 17 : i32
    %swap3A_484 = arith.index_cast %swap3A_483 : i32 to index
    %swap3A_485 = arith.constant 0 : index
    %swap3A_486 = tpu.vector_load %arg10[%swap3A_484, %swap3A_485] {strides = array<i32>} : memref<32x16xi32, #tpu.memory_space<vmem>>, vector<1x16xi32>,
    %swap3A_487 = vector.shape_cast %swap3A_486 : vector<1x16xi32> to vector<16xi32>
    %swap3A_488 = vector.shape_cast %shift_right_logical3A_482 : vector<16xi32> to vector<1x16xi32>
    tpu.vector_store %arg10[%swap3A_484, %swap3A_485], %swap3A_488 {strides = array<i32>} : memref<32x16xi32, #tpu.memory_space<vmem>>, vector<1x16xi32>,
    %get3A_489 = arith.constant 288 : index
    %get3A_490 = tpu.vector_load %arg7[%get3A_489] {strides = array<i32>} : memref<512xi32, #tpu.memory_space<vmem>>, vector<16xi32>,
    %get3A_491 = vector.shape_cast %get3A_490 : vector<16xi32> to vector<16xi32>
    %shift_right_logical3A_492 = arith.constant 3 : i32
    %shift_right_logical3A_493 = vector.broadcast %shift_right_logical3A_492 : i32 to vector<16xi32>
    %shift_right_logical3A_494 = arith.shrui %get3A_491, %shift_right_logical3A_493 : vector<16xi32>
    %swap3A_495 = arith.constant 18 : i32
    %swap3A_496 = arith.index_cast %swap3A_495 : i32 to index
    %swap3A_497 = arith.constant 0 : index
    %swap3A_498 = tpu.vector_load %arg9[%swap3A_496, %swap3A_497] {strides = array<i32>} : memref<32x16xi32, #tpu.memory_space<vmem>>, vector<1x16xi32>,
    %swap3A_499 = vector.shape_cast %swap3A_498 : vector<1x16xi32> to vector<16xi32>
    %swap3A_500 = vector.shape_cast %shift_right_logical3A_494 : vector<16xi32> to vector<1x16xi32>
    tpu.vector_store %arg9[%swap3A_496, %swap3A_497], %swap3A_500 {strides = array<i32>} : memref<32x16xi32, #tpu.memory_space<vmem>>, vector<1x16xi32>,
    %get3A_501 = arith.constant 288 : index
    %get3A_502 = tpu.vector_load %arg8[%get3A_501] {strides = array<i32>} : memref<512xi32, #tpu.memory_space<vmem>>, vector<16xi32>,
    %get3A_503 = vector.shape_cast %get3A_502 : vector<16xi32> to vector<16xi32>
    %shift_right_logical3A_504 = arith.constant 3 : i32
    %shift_right_logical3A_505 = vector.broadcast %shift_right_logical3A_504 : i32 to vector<16xi32>
    %shift_right_logical3A_506 = arith.shrui %get3A_503, %shift_right_logical3A_505 : vector<16xi32>
    %swap3A_507 = arith.constant 18 : i32
    %swap3A_508 = arith.index_cast %swap3A_507 : i32 to index
    %swap3A_509 = arith.constant 0 : index
    %swap3A_510 = tpu.vector_load %arg10[%swap3A_508, %swap3A_509] {strides = array<i32>} : memref<32x16xi32, #tpu.memory_space<vmem>>, vector<1x16xi32>,
    %swap3A_511 = vector.shape_cast %swap3A_510 : vector<1x16xi32> to vector<16xi32>
    %swap3A_512 = vector.shape_cast %shift_right_logical3A_506 : vector<16xi32> to vector<1x16xi32>
    tpu.vector_store %arg10[%swap3A_508, %swap3A_509], %swap3A_512 {strides = array<i32>} : memref<32x16xi32, #tpu.memory_space<vmem>>, vector<1x16xi32>,
    %get3A_513 = arith.constant 304 : index
    %get3A_514 = tpu.vector_load %arg7[%get3A_513] {strides = array<i32>} : memref<512xi32, #tpu.memory_space<vmem>>, vector<16xi32>,
    %get3A_515 = vector.shape_cast %get3A_514 : vector<16xi32> to vector<16xi32>
    %shift_right_logical3A_516 = arith.constant 3 : i32
    %shift_right_logical3A_517 = vector.broadcast %shift_right_logical3A_516 : i32 to vector<16xi32>
    %shift_right_logical3A_518 = arith.shrui %get3A_515, %shift_right_logical3A_517 : vector<16xi32>
    %swap3A_519 = arith.constant 19 : i32
    %swap3A_520 = arith.index_cast %swap3A_519 : i32 to index
    %swap3A_521 = arith.constant 0 : index
    %swap3A_522 = tpu.vector_load %arg9[%swap3A_520, %swap3A_521] {strides = array<i32>} : memref<32x16xi32, #tpu.memory_space<vmem>>, vector<1x16xi32>,
    %swap3A_523 = vector.shape_cast %swap3A_522 : vector<1x16xi32> to vector<16xi32>
    %swap3A_524 = vector.shape_cast %shift_right_logical3A_518 : vector<16xi32> to vector<1x16xi32>
    tpu.vector_store %arg9[%swap3A_520, %swap3A_521], %swap3A_524 {strides = array<i32>} : memref<32x16xi32, #tpu.memory_space<vmem>>, vector<1x16xi32>,
    %get3A_525 = arith.constant 304 : index
    %get3A_526 = tpu.vector_load %arg8[%get3A_525] {strides = array<i32>} : memref<512xi32, #tpu.memory_space<vmem>>, vector<16xi32>,
    %get3A_527 = vector.shape_cast %get3A_526 : vector<16xi32> to vector<16xi32>
    %shift_right_logical3A_528 = arith.constant 3 : i32
    %shift_right_logical3A_529 = vector.broadcast %shift_right_logical3A_528 : i32 to vector<16xi32>
    %shift_right_logical3A_530 = arith.shrui %get3A_527, %shift_right_logical3A_529 : vector<16xi32>
    %swap3A_531 = arith.constant 19 : i32
    %swap3A_532 = arith.index_cast %swap3A_531 : i32 to index
    %swap3A_533 = arith.constant 0 : index
    %swap3A_534 = tpu.vector_load %arg10[%swap3A_532, %swap3A_533] {strides = array<i32>} : memref<32x16xi32, #tpu.memory_space<vmem>>, vector<1x16xi32>,
    %swap3A_535 = vector.shape_cast %swap3A_534 : vector<1x16xi32> to vector<16xi32>
    %swap3A_536 = vector.shape_cast %shift_right_logical3A_530 : vector<16xi32> to vector<1x16xi32>
    tpu.vector_store %arg10[%swap3A_532, %swap3A_533], %swap3A_536 {strides = array<i32>} : memref<32x16xi32, #tpu.memory_space<vmem>>, vector<1x16xi32>,
    %get3A_537 = arith.constant 320 : index
    %get3A_538 = tpu.vector_load %arg7[%get3A_537] {strides = array<i32>} : memref<512xi32, #tpu.memory_space<vmem>>, vector<16xi32>,
    %get3A_539 = vector.shape_cast %get3A_538 : vector<16xi32> to vector<16xi32>
    %shift_right_logical3A_540 = arith.constant 3 : i32
    %shift_right_logical3A_541 = vector.broadcast %shift_right_logical3A_540 : i32 to vector<16xi32>
    %shift_right_logical3A_542 = arith.shrui %get3A_539, %shift_right_logical3A_541 : vector<16xi32>
    %swap3A_543 = arith.constant 20 : i32
    %swap3A_544 = arith.index_cast %swap3A_543 : i32 to index
    %swap3A_545 = arith.constant 0 : index
    %swap3A_546 = tpu.vector_load %arg9[%swap3A_544, %swap3A_545] {strides = array<i32>} : memref<32x16xi32, #tpu.memory_space<vmem>>, vector<1x16xi32>,
    %swap3A_547 = vector.shape_cast %swap3A_546 : vector<1x16xi32> to vector<16xi32>
    %swap3A_548 = vector.shape_cast %shift_right_logical3A_542 : vector<16xi32> to vector<1x16xi32>
    tpu.vector_store %arg9[%swap3A_544, %swap3A_545], %swap3A_548 {strides = array<i32>} : memref<32x16xi32, #tpu.memory_space<vmem>>, vector<1x16xi32>,
    %get3A_549 = arith.constant 320 : index
    %get3A_550 = tpu.vector_load %arg8[%get3A_549] {strides = array<i32>} : memref<512xi32, #tpu.memory_space<vmem>>, vector<16xi32>,
    %get3A_551 = vector.shape_cast %get3A_550 : vector<16xi32> to vector<16xi32>
    %shift_right_logical3A_552 = arith.constant 3 : i32
    %shift_right_logical3A_553 = vector.broadcast %shift_right_logical3A_552 : i32 to vector<16xi32>
    %shift_right_logical3A_554 = arith.shrui %get3A_551, %shift_right_logical3A_553 : vector<16xi32>
    %swap3A_555 = arith.constant 20 : i32
    %swap3A_556 = arith.index_cast %swap3A_555 : i32 to index
    %swap3A_557 = arith.constant 0 : index
    %swap3A_558 = tpu.vector_load %arg10[%swap3A_556, %swap3A_557] {strides = array<i32>} : memref<32x16xi32, #tpu.memory_space<vmem>>, vector<1x16xi32>,
    %swap3A_559 = vector.shape_cast %swap3A_558 : vector<1x16xi32> to vector<16xi32>
    %swap3A_560 = vector.shape_cast %shift_right_logical3A_554 : vector<16xi32> to vector<1x16xi32>
    tpu.vector_store %arg10[%swap3A_556, %swap3A_557], %swap3A_560 {strides = array<i32>} : memref<32x16xi32, #tpu.memory_space<vmem>>, vector<1x16xi32>,
    %get3A_561 = arith.constant 336 : index
    %get3A_562 = tpu.vector_load %arg7[%get3A_561] {strides = array<i32>} : memref<512xi32, #tpu.memory_space<vmem>>, vector<16xi32>,
    %get3A_563 = vector.shape_cast %get3A_562 : vector<16xi32> to vector<16xi32>
    %shift_right_logical3A_564 = arith.constant 3 : i32
    %shift_right_logical3A_565 = vector.broadcast %shift_right_logical3A_564 : i32 to vector<16xi32>
    %shift_right_logical3A_566 = arith.shrui %get3A_563, %shift_right_logical3A_565 : vector<16xi32>
    %swap3A_567 = arith.constant 21 : i32
    %swap3A_568 = arith.index_cast %swap3A_567 : i32 to index
    %swap3A_569 = arith.constant 0 : index
    %swap3A_570 = tpu.vector_load %arg9[%swap3A_568, %swap3A_569] {strides = array<i32>} : memref<32x16xi32, #tpu.memory_space<vmem>>, vector<1x16xi32>,
    %swap3A_571 = vector.shape_cast %swap3A_570 : vector<1x16xi32> to vector<16xi32>
    %swap3A_572 = vector.shape_cast %shift_right_logical3A_566 : vector<16xi32> to vector<1x16xi32>
    tpu.vector_store %arg9[%swap3A_568, %swap3A_569], %swap3A_572 {strides = array<i32>} : memref<32x16xi32, #tpu.memory_space<vmem>>, vector<1x16xi32>,
    %get3A_573 = arith.constant 336 : index
    %get3A_574 = tpu.vector_load %arg8[%get3A_573] {strides = array<i32>} : memref<512xi32, #tpu.memory_space<vmem>>, vector<16xi32>,
    %get3A_575 = vector.shape_cast %get3A_574 : vector<16xi32> to vector<16xi32>
    %shift_right_logical3A_576 = arith.constant 3 : i32
    %shift_right_logical3A_577 = vector.broadcast %shift_right_logical3A_576 : i32 to vector<16xi32>
    %shift_right_logical3A_578 = arith.shrui %get3A_575, %shift_right_logical3A_577 : vector<16xi32>
    %swap3A_579 = arith.constant 21 : i32
    %swap3A_580 = arith.index_cast %swap3A_579 : i32 to index
    %swap3A_581 = arith.constant 0 : index
    %swap3A_582 = tpu.vector_load %arg10[%swap3A_580, %swap3A_581] {strides = array<i32>} : memref<32x16xi32, #tpu.memory_space<vmem>>, vector<1x16xi32>,
    %swap3A_583 = vector.shape_cast %swap3A_582 : vector<1x16xi32> to vector<16xi32>
    %swap3A_584 = vector.shape_cast %shift_right_logical3A_578 : vector<16xi32> to vector<1x16xi32>
    tpu.vector_store %arg10[%swap3A_580, %swap3A_581], %swap3A_584 {strides = array<i32>} : memref<32x16xi32, #tpu.memory_space<vmem>>, vector<1x16xi32>,
    %get3A_585 = arith.constant 352 : index
    %get3A_586 = tpu.vector_load %arg7[%get3A_585] {strides = array<i32>} : memref<512xi32, #tpu.memory_space<vmem>>, vector<16xi32>,
    %get3A_587 = vector.shape_cast %get3A_586 : vector<16xi32> to vector<16xi32>
    %shift_right_logical3A_588 = arith.constant 3 : i32
    %shift_right_logical3A_589 = vector.broadcast %shift_right_logical3A_588 : i32 to vector<16xi32>
    %shift_right_logical3A_590 = arith.shrui %get3A_587, %shift_right_logical3A_589 : vector<16xi32>
    %swap3A_591 = arith.constant 22 : i32
    %swap3A_592 = arith.index_cast %swap3A_591 : i32 to index
    %swap3A_593 = arith.constant 0 : index
    %swap3A_594 = tpu.vector_load %arg9[%swap3A_592, %swap3A_593] {strides = array<i32>} : memref<32x16xi32, #tpu.memory_space<vmem>>, vector<1x16xi32>,
    %swap3A_595 = vector.shape_cast %swap3A_594 : vector<1x16xi32> to vector<16xi32>
    %swap3A_596 = vector.shape_cast %shift_right_logical3A_590 : vector<16xi32> to vector<1x16xi32>
    tpu.vector_store %arg9[%swap3A_592, %swap3A_593], %swap3A_596 {strides = array<i32>} : memref<32x16xi32, #tpu.memory_space<vmem>>, vector<1x16xi32>,
    %get3A_597 = arith.constant 352 : index
    %get3A_598 = tpu.vector_load %arg8[%get3A_597] {strides = array<i32>} : memref<512xi32, #tpu.memory_space<vmem>>, vector<16xi32>,
    %get3A_599 = vector.shape_cast %get3A_598 : vector<16xi32> to vector<16xi32>
    %shift_right_logical3A_600 = arith.constant 3 : i32
    %shift_right_logical3A_601 = vector.broadcast %shift_right_logical3A_600 : i32 to vector<16xi32>
    %shift_right_logical3A_602 = arith.shrui %get3A_599, %shift_right_logical3A_601 : vector<16xi32>
    %swap3A_603 = arith.constant 22 : i32
    %swap3A_604 = arith.index_cast %swap3A_603 : i32 to index
    %swap3A_605 = arith.constant 0 : index
    %swap3A_606 = tpu.vector_load %arg10[%swap3A_604, %swap3A_605] {strides = array<i32>} : memref<32x16xi32, #tpu.memory_space<vmem>>, vector<1x16xi32>,
    %swap3A_607 = vector.shape_cast %swap3A_606 : vector<1x16xi32> to vector<16xi32>
    %swap3A_608 = vector.shape_cast %shift_right_logical3A_602 : vector<16xi32> to vector<1x16xi32>
    tpu.vector_store %arg10[%swap3A_604, %swap3A_605], %swap3A_608 {strides = array<i32>} : memref<32x16xi32, #tpu.memory_space<vmem>>, vector<1x16xi32>,
    %get3A_609 = arith.constant 368 : index
    %get3A_610 = tpu.vector_load %arg7[%get3A_609] {strides = array<i32>} : memref<512xi32, #tpu.memory_space<vmem>>, vector<16xi32>,
    %get3A_611 = vector.shape_cast %get3A_610 : vector<16xi32> to vector<16xi32>
    %shift_right_logical3A_612 = arith.constant 3 : i32
    %shift_right_logical3A_613 = vector.broadcast %shift_right_logical3A_612 : i32 to vector<16xi32>
    %shift_right_logical3A_614 = arith.shrui %get3A_611, %shift_right_logical3A_613 : vector<16xi32>
    %swap3A_615 = arith.constant 23 : i32
    %swap3A_616 = arith.index_cast %swap3A_615 : i32 to index
    %swap3A_617 = arith.constant 0 : index
    %swap3A_618 = tpu.vector_load %arg9[%swap3A_616, %swap3A_617] {strides = array<i32>} : memref<32x16xi32, #tpu.memory_space<vmem>>, vector<1x16xi32>,
    %swap3A_619 = vector.shape_cast %swap3A_618 : vector<1x16xi32> to vector<16xi32>
    %swap3A_620 = vector.shape_cast %shift_right_logical3A_614 : vector<16xi32> to vector<1x16xi32>
    tpu.vector_store %arg9[%swap3A_616, %swap3A_617], %swap3A_620 {strides = array<i32>} : memref<32x16xi32, #tpu.memory_space<vmem>>, vector<1x16xi32>,
    %get3A_621 = arith.constant 368 : index
    %get3A_622 = tpu.vector_load %arg8[%get3A_621] {strides = array<i32>} : memref<512xi32, #tpu.memory_space<vmem>>, vector<16xi32>,
    %get3A_623 = vector.shape_cast %get3A_622 : vector<16xi32> to vector<16xi32>
    %shift_right_logical3A_624 = arith.constant 3 : i32
    %shift_right_logical3A_625 = vector.broadcast %shift_right_logical3A_624 : i32 to vector<16xi32>
    %shift_right_logical3A_626 = arith.shrui %get3A_623, %shift_right_logical3A_625 : vector<16xi32>
    %swap3A_627 = arith.constant 23 : i32
    %swap3A_628 = arith.index_cast %swap3A_627 : i32 to index
    %swap3A_629 = arith.constant 0 : index
    %swap3A_630 = tpu.vector_load %arg10[%swap3A_628, %swap3A_629] {strides = array<i32>} : memref<32x16xi32, #tpu.memory_space<vmem>>, vector<1x16xi32>,
    %swap3A_631 = vector.shape_cast %swap3A_630 : vector<1x16xi32> to vector<16xi32>
    %swap3A_632 = vector.shape_cast %shift_right_logical3A_626 : vector<16xi32> to vector<1x16xi32>
    tpu.vector_store %arg10[%swap3A_628, %swap3A_629], %swap3A_632 {strides = array<i32>} : memref<32x16xi32, #tpu.memory_space<vmem>>, vector<1x16xi32>,
    %get3A_633 = arith.constant 384 : index
    %get3A_634 = tpu.vector_load %arg7[%get3A_633] {strides = array<i32>} : memref<512xi32, #tpu.memory_space<vmem>>, vector<16xi32>,
    %get3A_635 = vector.shape_cast %get3A_634 : vector<16xi32> to vector<16xi32>
    %shift_right_logical3A_636 = arith.constant 3 : i32
    %shift_right_logical3A_637 = vector.broadcast %shift_right_logical3A_636 : i32 to vector<16xi32>
    %shift_right_logical3A_638 = arith.shrui %get3A_635, %shift_right_logical3A_637 : vector<16xi32>
    %swap3A_639 = arith.constant 24 : i32
    %swap3A_640 = arith.index_cast %swap3A_639 : i32 to index
    %swap3A_641 = arith.constant 0 : index
    %swap3A_642 = tpu.vector_load %arg9[%swap3A_640, %swap3A_641] {strides = array<i32>} : memref<32x16xi32, #tpu.memory_space<vmem>>, vector<1x16xi32>,
    %swap3A_643 = vector.shape_cast %swap3A_642 : vector<1x16xi32> to vector<16xi32>
    %swap3A_644 = vector.shape_cast %shift_right_logical3A_638 : vector<16xi32> to vector<1x16xi32>
    tpu.vector_store %arg9[%swap3A_640, %swap3A_641], %swap3A_644 {strides = array<i32>} : memref<32x16xi32, #tpu.memory_space<vmem>>, vector<1x16xi32>,
    %get3A_645 = arith.constant 384 : index
    %get3A_646 = tpu.vector_load %arg8[%get3A_645] {strides = array<i32>} : memref<512xi32, #tpu.memory_space<vmem>>, vector<16xi32>,
    %get3A_647 = vector.shape_cast %get3A_646 : vector<16xi32> to vector<16xi32>
    %shift_right_logical3A_648 = arith.constant 3 : i32
    %shift_right_logical3A_649 = vector.broadcast %shift_right_logical3A_648 : i32 to vector<16xi32>
    %shift_right_logical3A_650 = arith.shrui %get3A_647, %shift_right_logical3A_649 : vector<16xi32>
    %swap3A_651 = arith.constant 24 : i32
    %swap3A_652 = arith.index_cast %swap3A_651 : i32 to index
    %swap3A_653 = arith.constant 0 : index
    %swap3A_654 = tpu.vector_load %arg10[%swap3A_652, %swap3A_653] {strides = array<i32>} : memref<32x16xi32, #tpu.memory_space<vmem>>, vector<1x16xi32>,
    %swap3A_655 = vector.shape_cast %swap3A_654 : vector<1x16xi32> to vector<16xi32>
    %swap3A_656 = vector.shape_cast %shift_right_logical3A_650 : vector<16xi32> to vector<1x16xi32>
    tpu.vector_store %arg10[%swap3A_652, %swap3A_653], %swap3A_656 {strides = array<i32>} : memref<32x16xi32, #tpu.memory_space<vmem>>, vector<1x16xi32>,
    %get3A_657 = arith.constant 400 : index
    %get3A_658 = tpu.vector_load %arg7[%get3A_657] {strides = array<i32>} : memref<512xi32, #tpu.memory_space<vmem>>, vector<16xi32>,
    %get3A_659 = vector.shape_cast %get3A_658 : vector<16xi32> to vector<16xi32>
    %shift_right_logical3A_660 = arith.constant 3 : i32
    %shift_right_logical3A_661 = vector.broadcast %shift_right_logical3A_660 : i32 to vector<16xi32>
    %shift_right_logical3A_662 = arith.shrui %get3A_659, %shift_right_logical3A_661 : vector<16xi32>
    %swap3A_663 = arith.constant 25 : i32
    %swap3A_664 = arith.index_cast %swap3A_663 : i32 to index
    %swap3A_665 = arith.constant 0 : index
    %swap3A_666 = tpu.vector_load %arg9[%swap3A_664, %swap3A_665] {strides = array<i32>} : memref<32x16xi32, #tpu.memory_space<vmem>>, vector<1x16xi32>,
    %swap3A_667 = vector.shape_cast %swap3A_666 : vector<1x16xi32> to vector<16xi32>
    %swap3A_668 = vector.shape_cast %shift_right_logical3A_662 : vector<16xi32> to vector<1x16xi32>
    tpu.vector_store %arg9[%swap3A_664, %swap3A_665], %swap3A_668 {strides = array<i32>} : memref<32x16xi32, #tpu.memory_space<vmem>>, vector<1x16xi32>,
    %get3A_669 = arith.constant 400 : index
    %get3A_670 = tpu.vector_load %arg8[%get3A_669] {strides = array<i32>} : memref<512xi32, #tpu.memory_space<vmem>>, vector<16xi32>,
    %get3A_671 = vector.shape_cast %get3A_670 : vector<16xi32> to vector<16xi32>
    %shift_right_logical3A_672 = arith.constant 3 : i32
    %shift_right_logical3A_673 = vector.broadcast %shift_right_logical3A_672 : i32 to vector<16xi32>
    %shift_right_logical3A_674 = arith.shrui %get3A_671, %shift_right_logical3A_673 : vector<16xi32>
    %swap3A_675 = arith.constant 25 : i32
    %swap3A_676 = arith.index_cast %swap3A_675 : i32 to index
    %swap3A_677 = arith.constant 0 : index
    %swap3A_678 = tpu.vector_load %arg10[%swap3A_676, %swap3A_677] {strides = array<i32>} : memref<32x16xi32, #tpu.memory_space<vmem>>, vector<1x16xi32>,
    %swap3A_679 = vector.shape_cast %swap3A_678 : vector<1x16xi32> to vector<16xi32>
    %swap3A_680 = vector.shape_cast %shift_right_logical3A_674 : vector<16xi32> to vector<1x16xi32>
    tpu.vector_store %arg10[%swap3A_676, %swap3A_677], %swap3A_680 {strides = array<i32>} : memref<32x16xi32, #tpu.memory_space<vmem>>, vector<1x16xi32>,
    %get3A_681 = arith.constant 416 : index
    %get3A_682 = tpu.vector_load %arg7[%get3A_681] {strides = array<i32>} : memref<512xi32, #tpu.memory_space<vmem>>, vector<16xi32>,
    %get3A_683 = vector.shape_cast %get3A_682 : vector<16xi32> to vector<16xi32>
    %shift_right_logical3A_684 = arith.constant 3 : i32
    %shift_right_logical3A_685 = vector.broadcast %shift_right_logical3A_684 : i32 to vector<16xi32>
    %shift_right_logical3A_686 = arith.shrui %get3A_683, %shift_right_logical3A_685 : vector<16xi32>
    %swap3A_687 = arith.constant 26 : i32
    %swap3A_688 = arith.index_cast %swap3A_687 : i32 to index
    %swap3A_689 = arith.constant 0 : index
    %swap3A_690 = tpu.vector_load %arg9[%swap3A_688, %swap3A_689] {strides = array<i32>} : memref<32x16xi32, #tpu.memory_space<vmem>>, vector<1x16xi32>,
    %swap3A_691 = vector.shape_cast %swap3A_690 : vector<1x16xi32> to vector<16xi32>
    %swap3A_692 = vector.shape_cast %shift_right_logical3A_686 : vector<16xi32> to vector<1x16xi32>
    tpu.vector_store %arg9[%swap3A_688, %swap3A_689], %swap3A_692 {strides = array<i32>} : memref<32x16xi32, #tpu.memory_space<vmem>>, vector<1x16xi32>,
    %get3A_693 = arith.constant 416 : index
    %get3A_694 = tpu.vector_load %arg8[%get3A_693] {strides = array<i32>} : memref<512xi32, #tpu.memory_space<vmem>>, vector<16xi32>,
    %get3A_695 = vector.shape_cast %get3A_694 : vector<16xi32> to vector<16xi32>
    %shift_right_logical3A_696 = arith.constant 3 : i32
    %shift_right_logical3A_697 = vector.broadcast %shift_right_logical3A_696 : i32 to vector<16xi32>
    %shift_right_logical3A_698 = arith.shrui %get3A_695, %shift_right_logical3A_697 : vector<16xi32>
    %swap3A_699 = arith.constant 26 : i32
    %swap3A_700 = arith.index_cast %swap3A_699 : i32 to index
    %swap3A_701 = arith.constant 0 : index
    %swap3A_702 = tpu.vector_load %arg10[%swap3A_700, %swap3A_701] {strides = array<i32>} : memref<32x16xi32, #tpu.memory_space<vmem>>, vector<1x16xi32>,
    %swap3A_703 = vector.shape_cast %swap3A_702 : vector<1x16xi32> to vector<16xi32>
    %swap3A_704 = vector.shape_cast %shift_right_logical3A_698 : vector<16xi32> to vector<1x16xi32>
    tpu.vector_store %arg10[%swap3A_700, %swap3A_701], %swap3A_704 {strides = array<i32>} : memref<32x16xi32, #tpu.memory_space<vmem>>, vector<1x16xi32>,
    %get3A_705 = arith.constant 432 : index
    %get3A_706 = tpu.vector_load %arg7[%get3A_705] {strides = array<i32>} : memref<512xi32, #tpu.memory_space<vmem>>, vector<16xi32>,
    %get3A_707 = vector.shape_cast %get3A_706 : vector<16xi32> to vector<16xi32>
    %shift_right_logical3A_708 = arith.constant 3 : i32
    %shift_right_logical3A_709 = vector.broadcast %shift_right_logical3A_708 : i32 to vector<16xi32>
    %shift_right_logical3A_710 = arith.shrui %get3A_707, %shift_right_logical3A_709 : vector<16xi32>
    %swap3A_711 = arith.constant 27 : i32
    %swap3A_712 = arith.index_cast %swap3A_711 : i32 to index
    %swap3A_713 = arith.constant 0 : index
    %swap3A_714 = tpu.vector_load %arg9[%swap3A_712, %swap3A_713] {strides = array<i32>} : memref<32x16xi32, #tpu.memory_space<vmem>>, vector<1x16xi32>,
    %swap3A_715 = vector.shape_cast %swap3A_714 : vector<1x16xi32> to vector<16xi32>
    %swap3A_716 = vector.shape_cast %shift_right_logical3A_710 : vector<16xi32> to vector<1x16xi32>
    tpu.vector_store %arg9[%swap3A_712, %swap3A_713], %swap3A_716 {strides = array<i32>} : memref<32x16xi32, #tpu.memory_space<vmem>>, vector<1x16xi32>,
    %get3A_717 = arith.constant 432 : index
    %get3A_718 = tpu.vector_load %arg8[%get3A_717] {strides = array<i32>} : memref<512xi32, #tpu.memory_space<vmem>>, vector<16xi32>,
    %get3A_719 = vector.shape_cast %get3A_718 : vector<16xi32> to vector<16xi32>
    %shift_right_logical3A_720 = arith.constant 3 : i32
    %shift_right_logical3A_721 = vector.broadcast %shift_right_logical3A_720 : i32 to vector<16xi32>
    %shift_right_logical3A_722 = arith.shrui %get3A_719, %shift_right_logical3A_721 : vector<16xi32>
    %swap3A_723 = arith.constant 27 : i32
    %swap3A_724 = arith.index_cast %swap3A_723 : i32 to index
    %swap3A_725 = arith.constant 0 : index
    %swap3A_726 = tpu.vector_load %arg10[%swap3A_724, %swap3A_725] {strides = array<i32>} : memref<32x16xi32, #tpu.memory_space<vmem>>, vector<1x16xi32>,
    %swap3A_727 = vector.shape_cast %swap3A_726 : vector<1x16xi32> to vector<16xi32>
    %swap3A_728 = vector.shape_cast %shift_right_logical3A_722 : vector<16xi32> to vector<1x16xi32>
    tpu.vector_store %arg10[%swap3A_724, %swap3A_725], %swap3A_728 {strides = array<i32>} : memref<32x16xi32, #tpu.memory_space<vmem>>, vector<1x16xi32>,
    %get3A_729 = arith.constant 448 : index
    %get3A_730 = tpu.vector_load %arg7[%get3A_729] {strides = array<i32>} : memref<512xi32, #tpu.memory_space<vmem>>, vector<16xi32>,
    %get3A_731 = vector.shape_cast %get3A_730 : vector<16xi32> to vector<16xi32>
    %shift_right_logical3A_732 = arith.constant 3 : i32
    %shift_right_logical3A_733 = vector.broadcast %shift_right_logical3A_732 : i32 to vector<16xi32>
    %shift_right_logical3A_734 = arith.shrui %get3A_731, %shift_right_logical3A_733 : vector<16xi32>
    %swap3A_735 = arith.constant 28 : i32
    %swap3A_736 = arith.index_cast %swap3A_735 : i32 to index
    %swap3A_737 = arith.constant 0 : index
    %swap3A_738 = tpu.vector_load %arg9[%swap3A_736, %swap3A_737] {strides = array<i32>} : memref<32x16xi32, #tpu.memory_space<vmem>>, vector<1x16xi32>,
    %swap3A_739 = vector.shape_cast %swap3A_738 : vector<1x16xi32> to vector<16xi32>
    %swap3A_740 = vector.shape_cast %shift_right_logical3A_734 : vector<16xi32> to vector<1x16xi32>
    tpu.vector_store %arg9[%swap3A_736, %swap3A_737], %swap3A_740 {strides = array<i32>} : memref<32x16xi32, #tpu.memory_space<vmem>>, vector<1x16xi32>,
    %get3A_741 = arith.constant 448 : index
    %get3A_742 = tpu.vector_load %arg8[%get3A_741] {strides = array<i32>} : memref<512xi32, #tpu.memory_space<vmem>>, vector<16xi32>,
    %get3A_743 = vector.shape_cast %get3A_742 : vector<16xi32> to vector<16xi32>
    %shift_right_logical3A_744 = arith.constant 3 : i32
    %shift_right_logical3A_745 = vector.broadcast %shift_right_logical3A_744 : i32 to vector<16xi32>
    %shift_right_logical3A_746 = arith.shrui %get3A_743, %shift_right_logical3A_745 : vector<16xi32>
    %swap3A_747 = arith.constant 28 : i32
    %swap3A_748 = arith.index_cast %swap3A_747 : i32 to index
    %swap3A_749 = arith.constant 0 : index
    %swap3A_750 = tpu.vector_load %arg10[%swap3A_748, %swap3A_749] {strides = array<i32>} : memref<32x16xi32, #tpu.memory_space<vmem>>, vector<1x16xi32>,
    %swap3A_751 = vector.shape_cast %swap3A_750 : vector<1x16xi32> to vector<16xi32>
    %swap3A_752 = vector.shape_cast %shift_right_logical3A_746 : vector<16xi32> to vector<1x16xi32>
    tpu.vector_store %arg10[%swap3A_748, %swap3A_749], %swap3A_752 {strides = array<i32>} : memref<32x16xi32, #tpu.memory_space<vmem>>, vector<1x16xi32>,
    %get3A_753 = arith.constant 464 : index
    %get3A_754 = tpu.vector_load %arg7[%get3A_753] {strides = array<i32>} : memref<512xi32, #tpu.memory_space<vmem>>, vector<16xi32>,
    %get3A_755 = vector.shape_cast %get3A_754 : vector<16xi32> to vector<16xi32>
    %shift_right_logical3A_756 = arith.constant 3 : i32
    %shift_right_logical3A_757 = vector.broadcast %shift_right_logical3A_756 : i32 to vector<16xi32>
    %shift_right_logical3A_758 = arith.shrui %get3A_755, %shift_right_logical3A_757 : vector<16xi32>
    %swap3A_759 = arith.constant 29 : i32
    %swap3A_760 = arith.index_cast %swap3A_759 : i32 to index
    %swap3A_761 = arith.constant 0 : index
    %swap3A_762 = tpu.vector_load %arg9[%swap3A_760, %swap3A_761] {strides = array<i32>} : memref<32x16xi32, #tpu.memory_space<vmem>>, vector<1x16xi32>,
    %swap3A_763 = vector.shape_cast %swap3A_762 : vector<1x16xi32> to vector<16xi32>
    %swap3A_764 = vector.shape_cast %shift_right_logical3A_758 : vector<16xi32> to vector<1x16xi32>
    tpu.vector_store %arg9[%swap3A_760, %swap3A_761], %swap3A_764 {strides = array<i32>} : memref<32x16xi32, #tpu.memory_space<vmem>>, vector<1x16xi32>,
    %get3A_765 = arith.constant 464 : index
    %get3A_766 = tpu.vector_load %arg8[%get3A_765] {strides = array<i32>} : memref<512xi32, #tpu.memory_space<vmem>>, vector<16xi32>,
    %get3A_767 = vector.shape_cast %get3A_766 : vector<16xi32> to vector<16xi32>
    %shift_right_logical3A_768 = arith.constant 3 : i32
    %shift_right_logical3A_769 = vector.broadcast %shift_right_logical3A_768 : i32 to vector<16xi32>
    %shift_right_logical3A_770 = arith.shrui %get3A_767, %shift_right_logical3A_769 : vector<16xi32>
    %swap3A_771 = arith.constant 29 : i32
    %swap3A_772 = arith.index_cast %swap3A_771 : i32 to index
    %swap3A_773 = arith.constant 0 : index
    %swap3A_774 = tpu.vector_load %arg10[%swap3A_772, %swap3A_773] {strides = array<i32>} : memref<32x16xi32, #tpu.memory_space<vmem>>, vector<1x16xi32>,
    %swap3A_775 = vector.shape_cast %swap3A_774 : vector<1x16xi32> to vector<16xi32>
    %swap3A_776 = vector.shape_cast %shift_right_logical3A_770 : vector<16xi32> to vector<1x16xi32>
    tpu.vector_store %arg10[%swap3A_772, %swap3A_773], %swap3A_776 {strides = array<i32>} : memref<32x16xi32, #tpu.memory_space<vmem>>, vector<1x16xi32>,
    %get3A_777 = arith.constant 480 : index
    %get3A_778 = tpu.vector_load %arg7[%get3A_777] {strides = array<i32>} : memref<512xi32, #tpu.memory_space<vmem>>, vector<16xi32>,
    %get3A_779 = vector.shape_cast %get3A_778 : vector<16xi32> to vector<16xi32>
    %shift_right_logical3A_780 = arith.constant 3 : i32
    %shift_right_logical3A_781 = vector.broadcast %shift_right_logical3A_780 : i32 to vector<16xi32>
    %shift_right_logical3A_782 = arith.shrui %get3A_779, %shift_right_logical3A_781 : vector<16xi32>
    %swap3A_783 = arith.constant 30 : i32
    %swap3A_784 = arith.index_cast %swap3A_783 : i32 to index
    %swap3A_785 = arith.constant 0 : index
    %swap3A_786 = tpu.vector_load %arg9[%swap3A_784, %swap3A_785] {strides = array<i32>} : memref<32x16xi32, #tpu.memory_space<vmem>>, vector<1x16xi32>,
    %swap3A_787 = vector.shape_cast %swap3A_786 : vector<1x16xi32> to vector<16xi32>
    %swap3A_788 = vector.shape_cast %shift_right_logical3A_782 : vector<16xi32> to vector<1x16xi32>
    tpu.vector_store %arg9[%swap3A_784, %swap3A_785], %swap3A_788 {strides = array<i32>} : memref<32x16xi32, #tpu.memory_space<vmem>>, vector<1x16xi32>,
    %get3A_789 = arith.constant 480 : index
    %get3A_790 = tpu.vector_load %arg8[%get3A_789] {strides = array<i32>} : memref<512xi32, #tpu.memory_space<vmem>>, vector<16xi32>,
    %get3A_791 = vector.shape_cast %get3A_790 : vector<16xi32> to vector<16xi32>
    %shift_right_logical3A_792 = arith.constant 3 : i32
    %shift_right_logical3A_793 = vector.broadcast %shift_right_logical3A_792 : i32 to vector<16xi32>
    %shift_right_logical3A_794 = arith.shrui %get3A_791, %shift_right_logical3A_793 : vector<16xi32>
    %swap3A_795 = arith.constant 30 : i32
    %swap3A_796 = arith.index_cast %swap3A_795 : i32 to index
    %swap3A_797 = arith.constant 0 : index
    %swap3A_798 = tpu.vector_load %arg10[%swap3A_796, %swap3A_797] {strides = array<i32>} : memref<32x16xi32, #tpu.memory_space<vmem>>, vector<1x16xi32>,
    %swap3A_799 = vector.shape_cast %swap3A_798 : vector<1x16xi32> to vector<16xi32>
    %swap3A_800 = vector.shape_cast %shift_right_logical3A_794 : vector<16xi32> to vector<1x16xi32>
    tpu.vector_store %arg10[%swap3A_796, %swap3A_797], %swap3A_800 {strides = array<i32>} : memref<32x16xi32, #tpu.memory_space<vmem>>, vector<1x16xi32>,
    %get3A_801 = arith.constant 496 : index
    %get3A_802 = tpu.vector_load %arg7[%get3A_801] {strides = array<i32>} : memref<512xi32, #tpu.memory_space<vmem>>, vector<16xi32>,
    %get3A_803 = vector.shape_cast %get3A_802 : vector<16xi32> to vector<16xi32>
    %shift_right_logical3A_804 = arith.constant 3 : i32
    %shift_right_logical3A_805 = vector.broadcast %shift_right_logical3A_804 : i32 to vector<16xi32>
    %shift_right_logical3A_806 = arith.shrui %get3A_803, %shift_right_logical3A_805 : vector<16xi32>
    %swap3A_807 = arith.constant 31 : i32
    %swap3A_808 = arith.index_cast %swap3A_807 : i32 to index
    %swap3A_809 = arith.constant 0 : index
    %swap3A_810 = tpu.vector_load %arg9[%swap3A_808, %swap3A_809] {strides = array<i32>} : memref<32x16xi32, #tpu.memory_space<vmem>>, vector<1x16xi32>,
    %swap3A_811 = vector.shape_cast %swap3A_810 : vector<1x16xi32> to vector<16xi32>
    %swap3A_812 = vector.shape_cast %shift_right_logical3A_806 : vector<16xi32> to vector<1x16xi32>
    tpu.vector_store %arg9[%swap3A_808, %swap3A_809], %swap3A_812 {strides = array<i32>} : memref<32x16xi32, #tpu.memory_space<vmem>>, vector<1x16xi32>,
    %get3A_813 = arith.constant 496 : index
    %get3A_814 = tpu.vector_load %arg8[%get3A_813] {strides = array<i32>} : memref<512xi32, #tpu.memory_space<vmem>>, vector<16xi32>,
    %get3A_815 = vector.shape_cast %get3A_814 : vector<16xi32> to vector<16xi32>
    %shift_right_logical3A_816 = arith.constant 3 : i32
    %shift_right_logical3A_817 = vector.broadcast %shift_right_logical3A_816 : i32 to vector<16xi32>
    %shift_right_logical3A_818 = arith.shrui %get3A_815, %shift_right_logical3A_817 : vector<16xi32>
    %swap3A_819 = arith.constant 31 : i32
    %swap3A_820 = arith.index_cast %swap3A_819 : i32 to index
    %swap3A_821 = arith.constant 0 : index
    %swap3A_822 = tpu.vector_load %arg10[%swap3A_820, %swap3A_821] {strides = array<i32>} : memref<32x16xi32, #tpu.memory_space<vmem>>, vector<1x16xi32>,
    %swap3A_823 = vector.shape_cast %swap3A_822 : vector<1x16xi32> to vector<16xi32>
    %swap3A_824 = vector.shape_cast %shift_right_logical3A_818 : vector<16xi32> to vector<1x16xi32>
    tpu.vector_store %arg10[%swap3A_820, %swap3A_821], %swap3A_824 {strides = array<i32>} : memref<32x16xi32, #tpu.memory_space<vmem>>, vector<1x16xi32>,
    %rem3A = arith.constant 0 : i32
    %rem3A_825 = arith.constant 2 : i32
    %rem3A_826 = arith.remsi %rem3A, %rem3A_825 : i32
    %get3A_827 = arith.constant 0 : i32
    %get3A_828 = arith.index_cast %get3A_827 : i32 to index
    %get3A_829 = arith.constant 0 : index
    %get3A_830 = tpu.vector_load %arg9[%get3A_828, %get3A_829] {strides = array<i32>} : memref<32x16xi32, #tpu.memory_space<vmem>>, vector<1x16xi32>,
    %get3A_831 = vector.shape_cast %get3A_830 : vector<1x16xi32> to vector<16xi32>
    %get3A_832 = arith.constant 0 : i32
    %get3A_833 = arith.index_cast %get3A_832 : i32 to index
    %get3A_834 = arith.constant 0 : index
    %get3A_835 = tpu.vector_load %arg10[%get3A_833, %get3A_834] {strides = array<i32>} : memref<32x16xi32, #tpu.memory_space<vmem>>, vector<1x16xi32>,
    %get3A_836 = vector.shape_cast %get3A_835 : vector<1x16xi32> to vector<16xi32>
    %slice3A = vector.extract_strided_slice %get3A_831 {offsets = [0], sizes = [1], strides = [1]} : vector<16xi32> to vector<1xi32>
    %squeeze3A = vector.extract %slice3A[0] : i32 from vector<1xi32>
    %dma_start3A = arith.constant 0 : i32
    %dma_start3A_837 = arith.constant 0 : i32
    %dma_start3A_838 = arith.constant 0 : i32
    %dma_start3A_839 = tpu.memref_slice %arg11[%rem3A_826, %dma_start3A, %dma_start3A_837, %dma_start3A_838] : memref<2x16x8x64xf32, #tpu.memory_space<vmem>> -> memref<1x1x8x64xf32, #tpu.memory_space<vmem>>
    %dma_start3A_840 = tpu.memref_squeeze %dma_start3A_839 : memref<1x1x8x64xf32, #tpu.memory_space<vmem>> -> memref<8x64xf32, #tpu.memory_space<vmem>>
    %dma_start3A_841 = arith.constant 0 : i32
    %dma_start3A_842 = arith.constant 0 : i32
    %dma_start3A_843 = tpu.memref_slice %arg4[%squeeze3A, %dma_start3A_841, %dma_start3A_842] : memref<125000x8x64xf32, #tpu.memory_space<hbm>> -> memref<1x8x64xf32, #tpu.memory_space<hbm>>
    %dma_start3A_844 = tpu.memref_squeeze %dma_start3A_843 : memref<1x8x64xf32, #tpu.memory_space<hbm>> -> memref<8x64xf32, #tpu.memory_space<hbm>>
    %dma_start3A_845 = arith.constant 0 : i32
    %dma_start3A_846 = arith.constant 0 : i32
    %dma_start3A_847 = tpu.memref_slice %arg11[%rem3A_826, %dma_start3A, %dma_start3A_845, %dma_start3A_846] : memref<2x16x8x64xf32, #tpu.memory_space<vmem>> -> memref<1x1x8x64xf32, #tpu.memory_space<vmem>>
    %dma_start3A_848 = tpu.memref_squeeze %dma_start3A_847 : memref<1x1x8x64xf32, #tpu.memory_space<vmem>> -> memref<8x64xf32, #tpu.memory_space<vmem>>
    %dma_start3A_849 = arith.constant 0 : i32
    %dma_start3A_850 = arith.constant 0 : i32
    %dma_start3A_851 = tpu.memref_slice %arg4[%squeeze3A, %dma_start3A_849, %dma_start3A_850] : memref<125000x8x64xf32, #tpu.memory_space<hbm>> -> memref<1x8x64xf32, #tpu.memory_space<hbm>>
    %dma_start3A_852 = tpu.memref_squeeze %dma_start3A_851 : memref<1x8x64xf32, #tpu.memory_space<hbm>> -> memref<8x64xf32, #tpu.memory_space<hbm>>
    tpu.enqueue_dma source(%dma_start3A_852 : memref<8x64xf32, #tpu.memory_space<hbm>>) target(%dma_start3A_848 : memref<8x64xf32, #tpu.memory_space<vmem>>) target_semaphore(%arg14 : memref<!tpu.dma_semaphore, #tpu.memory_space<semaphore_mem>>)
    %slice3A_853 = vector.extract_strided_slice %get3A_836 {offsets = [0], sizes = [1], strides = [1]} : vector<16xi32> to vector<1xi32>
    %squeeze3A_854 = vector.extract %slice3A_853[0] : i32 from vector<1xi32>
    %dma_start3A_855 = arith.constant 0 : i32
    %dma_start3A_856 = arith.constant 0 : i32
    %dma_start3A_857 = arith.constant 0 : i32
    %dma_start3A_858 = tpu.memref_slice %arg12[%rem3A_826, %dma_start3A_855, %dma_start3A_856, %dma_start3A_857] : memref<2x16x8x64xf32, #tpu.memory_space<vmem>> -> memref<1x1x8x64xf32, #tpu.memory_space<vmem>>
    %dma_start3A_859 = tpu.memref_squeeze %dma_start3A_858 : memref<1x1x8x64xf32, #tpu.memory_space<vmem>> -> memref<8x64xf32, #tpu.memory_space<vmem>>
    %dma_start3A_860 = arith.constant 0 : i32
    %dma_start3A_861 = arith.constant 0 : i32
    %dma_start3A_862 = tpu.memref_slice %arg5[%squeeze3A_854, %dma_start3A_860, %dma_start3A_861] : memref<125000x8x64xf32, #tpu.memory_space<hbm>> -> memref<1x8x64xf32, #tpu.memory_space<hbm>>
    %dma_start3A_863 = tpu.memref_squeeze %dma_start3A_862 : memref<1x8x64xf32, #tpu.memory_space<hbm>> -> memref<8x64xf32, #tpu.memory_space<hbm>>
    %dma_start3A_864 = arith.constant 0 : i32
    %dma_start3A_865 = arith.constant 0 : i32
    %dma_start3A_866 = tpu.memref_slice %arg12[%rem3A_826, %dma_start3A_855, %dma_start3A_864, %dma_start3A_865] : memref<2x16x8x64xf32, #tpu.memory_space<vmem>> -> memref<1x1x8x64xf32, #tpu.memory_space<vmem>>
    %dma_start3A_867 = tpu.memref_squeeze %dma_start3A_866 : memref<1x1x8x64xf32, #tpu.memory_space<vmem>> -> memref<8x64xf32, #tpu.memory_space<vmem>>
    %dma_start3A_868 = arith.constant 0 : i32
    %dma_start3A_869 = arith.constant 0 : i32
    %dma_start3A_870 = tpu.memref_slice %arg5[%squeeze3A_854, %dma_start3A_868, %dma_start3A_869] : memref<125000x8x64xf32, #tpu.memory_space<hbm>> -> memref<1x8x64xf32, #tpu.memory_space<hbm>>
    %dma_start3A_871 = tpu.memref_squeeze %dma_start3A_870 : memref<1x8x64xf32, #tpu.memory_space<hbm>> -> memref<8x64xf32, #tpu.memory_space<hbm>>
    tpu.enqueue_dma source(%dma_start3A_871 : memref<8x64xf32, #tpu.memory_space<hbm>>) target(%dma_start3A_867 : memref<8x64xf32, #tpu.memory_space<vmem>>) target_semaphore(%arg14 : memref<!tpu.dma_semaphore, #tpu.memory_space<semaphore_mem>>)
    %slice3A_872 = vector.extract_strided_slice %get3A_831 {offsets = [1], sizes = [1], strides = [1]} : vector<16xi32> to vector<1xi32>
    %squeeze3A_873 = vector.extract %slice3A_872[0] : i32 from vector<1xi32>
    %dma_start3A_874 = arith.constant 1 : i32
    %dma_start3A_875 = arith.constant 0 : i32
    %dma_start3A_876 = arith.constant 0 : i32
    %dma_start3A_877 = tpu.memref_slice %arg11[%rem3A_826, %dma_start3A_874, %dma_start3A_875, %dma_start3A_876] : memref<2x16x8x64xf32, #tpu.memory_space<vmem>> -> memref<1x1x8x64xf32, #tpu.memory_space<vmem>>
    %dma_start3A_878 = tpu.memref_squeeze %dma_start3A_877 : memref<1x1x8x64xf32, #tpu.memory_space<vmem>> -> memref<8x64xf32, #tpu.memory_space<vmem>>
    %dma_start3A_879 = arith.constant 0 : i32
    %dma_start3A_880 = arith.constant 0 : i32
    %dma_start3A_881 = tpu.memref_slice %arg4[%squeeze3A_873, %dma_start3A_879, %dma_start3A_880] : memref<125000x8x64xf32, #tpu.memory_space<hbm>> -> memref<1x8x64xf32, #tpu.memory_space<hbm>>
    %dma_start3A_882 = tpu.memref_squeeze %dma_start3A_881 : memref<1x8x64xf32, #tpu.memory_space<hbm>> -> memref<8x64xf32, #tpu.memory_space<hbm>>
    %dma_start3A_883 = arith.constant 0 : i32
    %dma_start3A_884 = arith.constant 0 : i32
    %dma_start3A_885 = tpu.memref_slice %arg11[%rem3A_826, %dma_start3A_874, %dma_start3A_883, %dma_start3A_884] : memref<2x16x8x64xf32, #tpu.memory_space<vmem>> -> memref<1x1x8x64xf32, #tpu.memory_space<vmem>>
    %dma_start3A_886 = tpu.memref_squeeze %dma_start3A_885 : memref<1x1x8x64xf32, #tpu.memory_space<vmem>> -> memref<8x64xf32, #tpu.memory_space<vmem>>
    %dma_start3A_887 = arith.constant 0 : i32
    %dma_start3A_888 = arith.constant 0 : i32
    %dma_start3A_889 = tpu.memref_slice %arg4[%squeeze3A_873, %dma_start3A_887, %dma_start3A_888] : memref<125000x8x64xf32, #tpu.memory_space<hbm>> -> memref<1x8x64xf32, #tpu.memory_space<hbm>>
    %dma_start3A_890 = tpu.memref_squeeze %dma_start3A_889 : memref<1x8x64xf32, #tpu.memory_space<hbm>> -> memref<8x64xf32, #tpu.memory_space<hbm>>
    tpu.enqueue_dma source(%dma_start3A_890 : memref<8x64xf32, #tpu.memory_space<hbm>>) target(%dma_start3A_886 : memref<8x64xf32, #tpu.memory_space<vmem>>) target_semaphore(%arg14 : memref<!tpu.dma_semaphore, #tpu.memory_space<semaphore_mem>>)
    %slice3A_891 = vector.extract_strided_slice %get3A_836 {offsets = [1], sizes = [1], strides = [1]} : vector<16xi32> to vector<1xi32>
    %squeeze3A_892 = vector.extract %slice3A_891[0] : i32 from vector<1xi32>
    %dma_start3A_893 = arith.constant 1 : i32
    %dma_start3A_894 = arith.constant 0 : i32
    %dma_start3A_895 = arith.constant 0 : i32
    %dma_start3A_896 = tpu.memref_slice %arg12[%rem3A_826, %dma_start3A_893, %dma_start3A_894, %dma_start3A_895] : memref<2x16x8x64xf32, #tpu.memory_space<vmem>> -> memref<1x1x8x64xf32, #tpu.memory_space<vmem>>
    %dma_start3A_897 = tpu.memref_squeeze %dma_start3A_896 : memref<1x1x8x64xf32, #tpu.memory_space<vmem>> -> memref<8x64xf32, #tpu.memory_space<vmem>>
    %dma_start3A_898 = arith.constant 0 : i32
    %dma_start3A_899 = arith.constant 0 : i32
    %dma_start3A_900 = tpu.memref_slice %arg5[%squeeze3A_892, %dma_start3A_898, %dma_start3A_899] : memref<125000x8x64xf32, #tpu.memory_space<hbm>> -> memref<1x8x64xf32, #tpu.memory_space<hbm>>
    %dma_start3A_901 = tpu.memref_squeeze %dma_start3A_900 : memref<1x8x64xf32, #tpu.memory_space<hbm>> -> memref<8x64xf32, #tpu.memory_space<hbm>>
    %dma_start3A_902 = arith.constant 0 : i32
    %dma_start3A_903 = arith.constant 0 : i32
    %dma_start3A_904 = tpu.memref_slice %arg12[%rem3A_826, %dma_start3A_893, %dma_start3A_902, %dma_start3A_903] : memref<2x16x8x64xf32, #tpu.memory_space<vmem>> -> memref<1x1x8x64xf32, #tpu.memory_space<vmem>>
    %dma_start3A_905 = tpu.memref_squeeze %dma_start3A_904 : memref<1x1x8x64xf32, #tpu.memory_space<vmem>> -> memref<8x64xf32, #tpu.memory_space<vmem>>
    %dma_start3A_906 = arith.constant 0 : i32
    %dma_start3A_907 = arith.constant 0 : i32
    %dma_start3A_908 = tpu.memref_slice %arg5[%squeeze3A_892, %dma_start3A_906, %dma_start3A_907] : memref<125000x8x64xf32, #tpu.memory_space<hbm>> -> memref<1x8x64xf32, #tpu.memory_space<hbm>>
    %dma_start3A_909 = tpu.memref_squeeze %dma_start3A_908 : memref<1x8x64xf32, #tpu.memory_space<hbm>> -> memref<8x64xf32, #tpu.memory_space<hbm>>
    tpu.enqueue_dma source(%dma_start3A_909 : memref<8x64xf32, #tpu.memory_space<hbm>>) target(%dma_start3A_905 : memref<8x64xf32, #tpu.memory_space<vmem>>) target_semaphore(%arg14 : memref<!tpu.dma_semaphore, #tpu.memory_space<semaphore_mem>>)
    %slice3A_910 = vector.extract_strided_slice %get3A_831 {offsets = [2], sizes = [1], strides = [1]} : vector<16xi32> to vector<1xi32>
    %squeeze3A_911 = vector.extract %slice3A_910[0] : i32 from vector<1xi32>
    %dma_start3A_912 = arith.constant 2 : i32
    %dma_start3A_913 = arith.constant 0 : i32
    %dma_start3A_914 = arith.constant 0 : i32
    %dma_start3A_915 = tpu.memref_slice %arg11[%rem3A_826, %dma_start3A_912, %dma_start3A_913, %dma_start3A_914] : memref<2x16x8x64xf32, #tpu.memory_space<vmem>> -> memref<1x1x8x64xf32, #tpu.memory_space<vmem>>
    %dma_start3A_916 = tpu.memref_squeeze %dma_start3A_915 : memref<1x1x8x64xf32, #tpu.memory_space<vmem>> -> memref<8x64xf32, #tpu.memory_space<vmem>>
    %dma_start3A_917 = arith.constant 0 : i32
    %dma_start3A_918 = arith.constant 0 : i32
    %dma_start3A_919 = tpu.memref_slice %arg4[%squeeze3A_911, %dma_start3A_917, %dma_start3A_918] : memref<125000x8x64xf32, #tpu.memory_space<hbm>> -> memref<1x8x64xf32, #tpu.memory_space<hbm>>
    %dma_start3A_920 = tpu.memref_squeeze %dma_start3A_919 : memref<1x8x64xf32, #tpu.memory_space<hbm>> -> memref<8x64xf32, #tpu.memory_space<hbm>>
    %dma_start3A_921 = arith.constant 0 : i32
    %dma_start3A_922 = arith.constant 0 : i32
    %dma_start3A_923 = tpu.memref_slice %arg11[%rem3A_826, %dma_start3A_912, %dma_start3A_921, %dma_start3A_922] : memref<2x16x8x64xf32, #tpu.memory_space<vmem>> -> memref<1x1x8x64xf32, #tpu.memory_space<vmem>>
    %dma_start3A_924 = tpu.memref_squeeze %dma_start3A_923 : memref<1x1x8x64xf32, #tpu.memory_space<vmem>> -> memref<8x64xf32, #tpu.memory_space<vmem>>
    %dma_start3A_925 = arith.constant 0 : i32
    %dma_start3A_926 = arith.constant 0 : i32
    %dma_start3A_927 = tpu.memref_slice %arg4[%squeeze3A_911, %dma_start3A_925, %dma_start3A_926] : memref<125000x8x64xf32, #tpu.memory_space<hbm>> -> memref<1x8x64xf32, #tpu.memory_space<hbm>>
    %dma_start3A_928 = tpu.memref_squeeze %dma_start3A_927 : memref<1x8x64xf32, #tpu.memory_space<hbm>> -> memref<8x64xf32, #tpu.memory_space<hbm>>
    tpu.enqueue_dma source(%dma_start3A_928 : memref<8x64xf32, #tpu.memory_space<hbm>>) target(%dma_start3A_924 : memref<8x64xf32, #tpu.memory_space<vmem>>) target_semaphore(%arg14 : memref<!tpu.dma_semaphore, #tpu.memory_space<semaphore_mem>>)
    %slice3A_929 = vector.extract_strided_slice %get3A_836 {offsets = [2], sizes = [1], strides = [1]} : vector<16xi32> to vector<1xi32>
    %squeeze3A_930 = vector.extract %slice3A_929[0] : i32 from vector<1xi32>
    %dma_start3A_931 = arith.constant 2 : i32
    %dma_start3A_932 = arith.constant 0 : i32
    %dma_start3A_933 = arith.constant 0 : i32
    %dma_start3A_934 = tpu.memref_slice %arg12[%rem3A_826, %dma_start3A_931, %dma_start3A_932, %dma_start3A_933] : memref<2x16x8x64xf32, #tpu.memory_space<vmem>> -> memref<1x1x8x64xf32, #tpu.memory_space<vmem>>
    %dma_start3A_935 = tpu.memref_squeeze %dma_start3A_934 : memref<1x1x8x64xf32, #tpu.memory_space<vmem>> -> memref<8x64xf32, #tpu.memory_space<vmem>>
    %dma_start3A_936 = arith.constant 0 : i32
    %dma_start3A_937 = arith.constant 0 : i32
    %dma_start3A_938 = tpu.memref_slice %arg5[%squeeze3A_930, %dma_start3A_936, %dma_start3A_937] : memref<125000x8x64xf32, #tpu.memory_space<hbm>> -> memref<1x8x64xf32, #tpu.memory_space<hbm>>
    %dma_start3A_939 = tpu.memref_squeeze %dma_start3A_938 : memref<1x8x64xf32, #tpu.memory_space<hbm>> -> memref<8x64xf32, #tpu.memory_space<hbm>>
    %dma_start3A_940 = arith.constant 0 : i32
    %dma_start3A_941 = arith.constant 0 : i32
    %dma_start3A_942 = tpu.memref_slice %arg12[%rem3A_826, %dma_start3A_931, %dma_start3A_940, %dma_start3A_941] : memref<2x16x8x64xf32, #tpu.memory_space<vmem>> -> memref<1x1x8x64xf32, #tpu.memory_space<vmem>>
    %dma_start3A_943 = tpu.memref_squeeze %dma_start3A_942 : memref<1x1x8x64xf32, #tpu.memory_space<vmem>> -> memref<8x64xf32, #tpu.memory_space<vmem>>
    %dma_start3A_944 = arith.constant 0 : i32
    %dma_start3A_945 = arith.constant 0 : i32
    %dma_start3A_946 = tpu.memref_slice %arg5[%squeeze3A_930, %dma_start3A_944, %dma_start3A_945] : memref<125000x8x64xf32, #tpu.memory_space<hbm>> -> memref<1x8x64xf32, #tpu.memory_space<hbm>>
    %dma_start3A_947 = tpu.memref_squeeze %dma_start3A_946 : memref<1x8x64xf32, #tpu.memory_space<hbm>> -> memref<8x64xf32, #tpu.memory_space<hbm>>
    tpu.enqueue_dma source(%dma_start3A_947 : memref<8x64xf32, #tpu.memory_space<hbm>>) target(%dma_start3A_943 : memref<8x64xf32, #tpu.memory_space<vmem>>) target_semaphore(%arg14 : memref<!tpu.dma_semaphore, #tpu.memory_space<semaphore_mem>>)
    %slice3A_948 = vector.extract_strided_slice %get3A_831 {offsets = [3], sizes = [1], strides = [1]} : vector<16xi32> to vector<1xi32>
    %squeeze3A_949 = vector.extract %slice3A_948[0] : i32 from vector<1xi32>
    %dma_start3A_950 = arith.constant 3 : i32
    %dma_start3A_951 = arith.constant 0 : i32
    %dma_start3A_952 = arith.constant 0 : i32
    %dma_start3A_953 = tpu.memref_slice %arg11[%rem3A_826, %dma_start3A_950, %dma_start3A_951, %dma_start3A_952] : memref<2x16x8x64xf32, #tpu.memory_space<vmem>> -> memref<1x1x8x64xf32, #tpu.memory_space<vmem>>
    %dma_start3A_954 = tpu.memref_squeeze %dma_start3A_953 : memref<1x1x8x64xf32, #tpu.memory_space<vmem>> -> memref<8x64xf32, #tpu.memory_space<vmem>>
    %dma_start3A_955 = arith.constant 0 : i32
    %dma_start3A_956 = arith.constant 0 : i32
    %dma_start3A_957 = tpu.memref_slice %arg4[%squeeze3A_949, %dma_start3A_955, %dma_start3A_956] : memref<125000x8x64xf32, #tpu.memory_space<hbm>> -> memref<1x8x64xf32, #tpu.memory_space<hbm>>
    %dma_start3A_958 = tpu.memref_squeeze %dma_start3A_957 : memref<1x8x64xf32, #tpu.memory_space<hbm>> -> memref<8x64xf32, #tpu.memory_space<hbm>>
    %dma_start3A_959 = arith.constant 0 : i32
    %dma_start3A_960 = arith.constant 0 : i32
    %dma_start3A_961 = tpu.memref_slice %arg11[%rem3A_826, %dma_start3A_950, %dma_start3A_959, %dma_start3A_960] : memref<2x16x8x64xf32, #tpu.memory_space<vmem>> -> memref<1x1x8x64xf32, #tpu.memory_space<vmem>>
    %dma_start3A_962 = tpu.memref_squeeze %dma_start3A_961 : memref<1x1x8x64xf32, #tpu.memory_space<vmem>> -> memref<8x64xf32, #tpu.memory_space<vmem>>
    %dma_start3A_963 = arith.constant 0 : i32
    %dma_start3A_964 = arith.constant 0 : i32
    %dma_start3A_965 = tpu.memref_slice %arg4[%squeeze3A_949, %dma_start3A_963, %dma_start3A_964] : memref<125000x8x64xf32, #tpu.memory_space<hbm>> -> memref<1x8x64xf32, #tpu.memory_space<hbm>>
    %dma_start3A_966 = tpu.memref_squeeze %dma_start3A_965 : memref<1x8x64xf32, #tpu.memory_space<hbm>> -> memref<8x64xf32, #tpu.memory_space<hbm>>
    tpu.enqueue_dma source(%dma_start3A_966 : memref<8x64xf32, #tpu.memory_space<hbm>>) target(%dma_start3A_962 : memref<8x64xf32, #tpu.memory_space<vmem>>) target_semaphore(%arg14 : memref<!tpu.dma_semaphore, #tpu.memory_space<semaphore_mem>>)
    %slice3A_967 = vector.extract_strided_slice %get3A_836 {offsets = [3], sizes = [1], strides = [1]} : vector<16xi32> to vector<1xi32>
    %squeeze3A_968 = vector.extract %slice3A_967[0] : i32 from vector<1xi32>
    %dma_start3A_969 = arith.constant 3 : i32
    %dma_start3A_970 = arith.constant 0 : i32
    %dma_start3A_971 = arith.constant 0 : i32
    %dma_start3A_972 = tpu.memref_slice %arg12[%rem3A_826, %dma_start3A_969, %dma_start3A_970, %dma_start3A_971] : memref<2x16x8x64xf32, #tpu.memory_space<vmem>> -> memref<1x1x8x64xf32, #tpu.memory_space<vmem>>
    %dma_start3A_973 = tpu.memref_squeeze %dma_start3A_972 : memref<1x1x8x64xf32, #tpu.memory_space<vmem>> -> memref<8x64xf32, #tpu.memory_space<vmem>>
    %dma_start3A_974 = arith.constant 0 : i32
    %dma_start3A_975 = arith.constant 0 : i32
    %dma_start3A_976 = tpu.memref_slice %arg5[%squeeze3A_968, %dma_start3A_974, %dma_start3A_975] : memref<125000x8x64xf32, #tpu.memory_space<hbm>> -> memref<1x8x64xf32, #tpu.memory_space<hbm>>
    %dma_start3A_977 = tpu.memref_squeeze %dma_start3A_976 : memref<1x8x64xf32, #tpu.memory_space<hbm>> -> memref<8x64xf32, #tpu.memory_space<hbm>>
    %dma_start3A_978 = arith.constant 0 : i32
    %dma_start3A_979 = arith.constant 0 : i32
    %dma_start3A_980 = tpu.memref_slice %arg12[%rem3A_826, %dma_start3A_969, %dma_start3A_978, %dma_start3A_979] : memref<2x16x8x64xf32, #tpu.memory_space<vmem>> -> memref<1x1x8x64xf32, #tpu.memory_space<vmem>>
    %dma_start3A_981 = tpu.memref_squeeze %dma_start3A_980 : memref<1x1x8x64xf32, #tpu.memory_space<vmem>> -> memref<8x64xf32, #tpu.memory_space<vmem>>
    %dma_start3A_982 = arith.constant 0 : i32
    %dma_start3A_983 = arith.constant 0 : i32
    %dma_start3A_984 = tpu.memref_slice %arg5[%squeeze3A_968, %dma_start3A_982, %dma_start3A_983] : memref<125000x8x64xf32, #tpu.memory_space<hbm>> -> memref<1x8x64xf32, #tpu.memory_space<hbm>>
    %dma_start3A_985 = tpu.memref_squeeze %dma_start3A_984 : memref<1x8x64xf32, #tpu.memory_space<hbm>> -> memref<8x64xf32, #tpu.memory_space<hbm>>
    tpu.enqueue_dma source(%dma_start3A_985 : memref<8x64xf32, #tpu.memory_space<hbm>>) target(%dma_start3A_981 : memref<8x64xf32, #tpu.memory_space<vmem>>) target_semaphore(%arg14 : memref<!tpu.dma_semaphore, #tpu.memory_space<semaphore_mem>>)
    %slice3A_986 = vector.extract_strided_slice %get3A_831 {offsets = [4], sizes = [1], strides = [1]} : vector<16xi32> to vector<1xi32>
    %squeeze3A_987 = vector.extract %slice3A_986[0] : i32 from vector<1xi32>
    %dma_start3A_988 = arith.constant 4 : i32
    %dma_start3A_989 = arith.constant 0 : i32
    %dma_start3A_990 = arith.constant 0 : i32
    %dma_start3A_991 = tpu.memref_slice %arg11[%rem3A_826, %dma_start3A_988, %dma_start3A_989, %dma_start3A_990] : memref<2x16x8x64xf32, #tpu.memory_space<vmem>> -> memref<1x1x8x64xf32, #tpu.memory_space<vmem>>
    %dma_start3A_992 = tpu.memref_squeeze %dma_start3A_991 : memref<1x1x8x64xf32, #tpu.memory_space<vmem>> -> memref<8x64xf32, #tpu.memory_space<vmem>>
    %dma_start3A_993 = arith.constant 0 : i32
    %dma_start3A_994 = arith.constant 0 : i32
    %dma_start3A_995 = tpu.memref_slice %arg4[%squeeze3A_987, %dma_start3A_993, %dma_start3A_994] : memref<125000x8x64xf32, #tpu.memory_space<hbm>> -> memref<1x8x64xf32, #tpu.memory_space<hbm>>
    %dma_start3A_996 = tpu.memref_squeeze %dma_start3A_995 : memref<1x8x64xf32, #tpu.memory_space<hbm>> -> memref<8x64xf32, #tpu.memory_space<hbm>>
    %dma_start3A_997 = arith.constant 0 : i32
    %dma_start3A_998 = arith.constant 0 : i32
    %dma_start3A_999 = tpu.memref_slice %arg11[%rem3A_826, %dma_start3A_988, %dma_start3A_997, %dma_start3A_998] : memref<2x16x8x64xf32, #tpu.memory_space<vmem>> -> memref<1x1x8x64xf32, #tpu.memory_space<vmem>>
    %dma_start3A_1000 = tpu.memref_squeeze %dma_start3A_999 : memref<1x1x8x64xf32, #tpu.memory_space<vmem>> -> memref<8x64xf32, #tpu.memory_space<vmem>>
    %dma_start3A_1001 = arith.constant 0 : i32
    %dma_start3A_1002 = arith.constant 0 : i32
    %dma_start3A_1003 = tpu.memref_slice %arg4[%squeeze3A_987, %dma_start3A_1001, %dma_start3A_1002] : memref<125000x8x64xf32, #tpu.memory_space<hbm>> -> memref<1x8x64xf32, #tpu.memory_space<hbm>>
    %dma_start3A_1004 = tpu.memref_squeeze %dma_start3A_1003 : memref<1x8x64xf32, #tpu.memory_space<hbm>> -> memref<8x64xf32, #tpu.memory_space<hbm>>
    tpu.enqueue_dma source(%dma_start3A_1004 : memref<8x64xf32, #tpu.memory_space<hbm>>) target(%dma_start3A_1000 : memref<8x64xf32, #tpu.memory_space<vmem>>) target_semaphore(%arg14 : memref<!tpu.dma_semaphore, #tpu.memory_space<semaphore_mem>>)
    %slice3A_1005 = vector.extract_strided_slice %get3A_836 {offsets = [4], sizes = [1], strides = [1]} : vector<16xi32> to vector<1xi32>
    %squeeze3A_1006 = vector.extract %slice3A_1005[0] : i32 from vector<1xi32>
    %dma_start3A_1007 = arith.constant 4 : i32
    %dma_start3A_1008 = arith.constant 0 : i32
    %dma_start3A_1009 = arith.constant 0 : i32
    %dma_start3A_1010 = tpu.memref_slice %arg12[%rem3A_826, %dma_start3A_1007, %dma_start3A_1008, %dma_start3A_1009] : memref<2x16x8x64xf32, #tpu.memory_space<vmem>> -> memref<1x1x8x64xf32, #tpu.memory_space<vmem>>
    %dma_start3A_1011 = tpu.memref_squeeze %dma_start3A_1010 : memref<1x1x8x64xf32, #tpu.memory_space<vmem>> -> memref<8x64xf32, #tpu.memory_space<vmem>>
    %dma_start3A_1012 = arith.constant 0 : i32
    %dma_start3A_1013 = arith.constant 0 : i32
    %dma_start3A_1014 = tpu.memref_slice %arg5[%squeeze3A_1006, %dma_start3A_1012, %dma_start3A_1013] : memref<125000x8x64xf32, #tpu.memory_space<hbm>> -> memref<1x8x64xf32, #tpu.memory_space<hbm>>
    %dma_start3A_1015 = tpu.memref_squeeze %dma_start3A_1014 : memref<1x8x64xf32, #tpu.memory_space<hbm>> -> memref<8x64xf32, #tpu.memory_space<hbm>>
    %dma_start3A_1016 = arith.constant 0 : i32
    %dma_start3A_1017 = arith.constant 0 : i32
    %dma_start3A_1018 = tpu.memref_slice %arg12[%rem3A_826, %dma_start3A_1007, %dma_start3A_1016, %dma_start3A_1017] : memref<2x16x8x64xf32, #tpu.memory_space<vmem>> -> memref<1x1x8x64xf32, #tpu.memory_space<vmem>>
    %dma_start3A_1019 = tpu.memref_squeeze %dma_start3A_1018 : memref<1x1x8x64xf32, #tpu.memory_space<vmem>> -> memref<8x64xf32, #tpu.memory_space<vmem>>
    %dma_start3A_1020 = arith.constant 0 : i32
    %dma_start3A_1021 = arith.constant 0 : i32
    %dma_start3A_1022 = tpu.memref_slice %arg5[%squeeze3A_1006, %dma_start3A_1020, %dma_start3A_1021] : memref<125000x8x64xf32, #tpu.memory_space<hbm>> -> memref<1x8x64xf32, #tpu.memory_space<hbm>>
    %dma_start3A_1023 = tpu.memref_squeeze %dma_start3A_1022 : memref<1x8x64xf32, #tpu.memory_space<hbm>> -> memref<8x64xf32, #tpu.memory_space<hbm>>
    tpu.enqueue_dma source(%dma_start3A_1023 : memref<8x64xf32, #tpu.memory_space<hbm>>) target(%dma_start3A_1019 : memref<8x64xf32, #tpu.memory_space<vmem>>) target_semaphore(%arg14 : memref<!tpu.dma_semaphore, #tpu.memory_space<semaphore_mem>>)
    %slice3A_1024 = vector.extract_strided_slice %get3A_831 {offsets = [5], sizes = [1], strides = [1]} : vector<16xi32> to vector<1xi32>
    %squeeze3A_1025 = vector.extract %slice3A_1024[0] : i32 from vector<1xi32>
    %dma_start3A_1026 = arith.constant 5 : i32
    %dma_start3A_1027 = arith.constant 0 : i32
    %dma_start3A_1028 = arith.constant 0 : i32
    %dma_start3A_1029 = tpu.memref_slice %arg11[%rem3A_826, %dma_start3A_1026, %dma_start3A_1027, %dma_start3A_1028] : memref<2x16x8x64xf32, #tpu.memory_space<vmem>> -> memref<1x1x8x64xf32, #tpu.memory_space<vmem>>
    %dma_start3A_1030 = tpu.memref_squeeze %dma_start3A_1029 : memref<1x1x8x64xf32, #tpu.memory_space<vmem>> -> memref<8x64xf32, #tpu.memory_space<vmem>>
    %dma_start3A_1031 = arith.constant 0 : i32
    %dma_start3A_1032 = arith.constant 0 : i32
    %dma_start3A_1033 = tpu.memref_slice %arg4[%squeeze3A_1025, %dma_start3A_1031, %dma_start3A_1032] : memref<125000x8x64xf32, #tpu.memory_space<hbm>> -> memref<1x8x64xf32, #tpu.memory_space<hbm>>
    %dma_start3A_1034 = tpu.memref_squeeze %dma_start3A_1033 : memref<1x8x64xf32, #tpu.memory_space<hbm>> -> memref<8x64xf32, #tpu.memory_space<hbm>>
    %dma_start3A_1035 = arith.constant 0 : i32
    %dma_start3A_1036 = arith.constant 0 : i32
    %dma_start3A_1037 = tpu.memref_slice %arg11[%rem3A_826, %dma_start3A_1026, %dma_start3A_1035, %dma_start3A_1036] : memref<2x16x8x64xf32, #tpu.memory_space<vmem>> -> memref<1x1x8x64xf32, #tpu.memory_space<vmem>>
    %dma_start3A_1038 = tpu.memref_squeeze %dma_start3A_1037 : memref<1x1x8x64xf32, #tpu.memory_space<vmem>> -> memref<8x64xf32, #tpu.memory_space<vmem>>
    %dma_start3A_1039 = arith.constant 0 : i32
    %dma_start3A_1040 = arith.constant 0 : i32
    %dma_start3A_1041 = tpu.memref_slice %arg4[%squeeze3A_1025, %dma_start3A_1039, %dma_start3A_1040] : memref<125000x8x64xf32, #tpu.memory_space<hbm>> -> memref<1x8x64xf32, #tpu.memory_space<hbm>>
    %dma_start3A_1042 = tpu.memref_squeeze %dma_start3A_1041 : memref<1x8x64xf32, #tpu.memory_space<hbm>> -> memref<8x64xf32, #tpu.memory_space<hbm>>
    tpu.enqueue_dma source(%dma_start3A_1042 : memref<8x64xf32, #tpu.memory_space<hbm>>) target(%dma_start3A_1038 : memref<8x64xf32, #tpu.memory_space<vmem>>) target_semaphore(%arg14 : memref<!tpu.dma_semaphore, #tpu.memory_space<semaphore_mem>>)
    %slice3A_1043 = vector.extract_strided_slice %get3A_836 {offsets = [5], sizes = [1], strides = [1]} : vector<16xi32> to vector<1xi32>
    %squeeze3A_1044 = vector.extract %slice3A_1043[0] : i32 from vector<1xi32>
    %dma_start3A_1045 = arith.constant 5 : i32
    %dma_start3A_1046 = arith.constant 0 : i32
    %dma_start3A_1047 = arith.constant 0 : i32
    %dma_start3A_1048 = tpu.memref_slice %arg12[%rem3A_826, %dma_start3A_1045, %dma_start3A_1046, %dma_start3A_1047] : memref<2x16x8x64xf32, #tpu.memory_space<vmem>> -> memref<1x1x8x64xf32, #tpu.memory_space<vmem>>
    %dma_start3A_1049 = tpu.memref_squeeze %dma_start3A_1048 : memref<1x1x8x64xf32, #tpu.memory_space<vmem>> -> memref<8x64xf32, #tpu.memory_space<vmem>>
    %dma_start3A_1050 = arith.constant 0 : i32
    %dma_start3A_1051 = arith.constant 0 : i32
    %dma_start3A_1052 = tpu.memref_slice %arg5[%squeeze3A_1044, %dma_start3A_1050, %dma_start3A_1051] : memref<125000x8x64xf32, #tpu.memory_space<hbm>> -> memref<1x8x64xf32, #tpu.memory_space<hbm>>
    %dma_start3A_1053 = tpu.memref_squeeze %dma_start3A_1052 : memref<1x8x64xf32, #tpu.memory_space<hbm>> -> memref<8x64xf32, #tpu.memory_space<hbm>>
    %dma_start3A_1054 = arith.constant 0 : i32
    %dma_start3A_1055 = arith.constant 0 : i32
    %dma_start3A_1056 = tpu.memref_slice %arg12[%rem3A_826, %dma_start3A_1045, %dma_start3A_1054, %dma_start3A_1055] : memref<2x16x8x64xf32, #tpu.memory_space<vmem>> -> memref<1x1x8x64xf32, #tpu.memory_space<vmem>>
    %dma_start3A_1057 = tpu.memref_squeeze %dma_start3A_1056 : memref<1x1x8x64xf32, #tpu.memory_space<vmem>> -> memref<8x64xf32, #tpu.memory_space<vmem>>
    %dma_start3A_1058 = arith.constant 0 : i32
    %dma_start3A_1059 = arith.constant 0 : i32
    %dma_start3A_1060 = tpu.memref_slice %arg5[%squeeze3A_1044, %dma_start3A_1058, %dma_start3A_1059] : memref<125000x8x64xf32, #tpu.memory_space<hbm>> -> memref<1x8x64xf32, #tpu.memory_space<hbm>>
    %dma_start3A_1061 = tpu.memref_squeeze %dma_start3A_1060 : memref<1x8x64xf32, #tpu.memory_space<hbm>> -> memref<8x64xf32, #tpu.memory_space<hbm>>
    tpu.enqueue_dma source(%dma_start3A_1061 : memref<8x64xf32, #tpu.memory_space<hbm>>) target(%dma_start3A_1057 : memref<8x64xf32, #tpu.memory_space<vmem>>) target_semaphore(%arg14 : memref<!tpu.dma_semaphore, #tpu.memory_space<semaphore_mem>>)
    %slice3A_1062 = vector.extract_strided_slice %get3A_831 {offsets = [6], sizes = [1], strides = [1]} : vector<16xi32> to vector<1xi32>
    %squeeze3A_1063 = vector.extract %slice3A_1062[0] : i32 from vector<1xi32>
    %dma_start3A_1064 = arith.constant 6 : i32
    %dma_start3A_1065 = arith.constant 0 : i32
    %dma_start3A_1066 = arith.constant 0 : i32
    %dma_start3A_1067 = tpu.memref_slice %arg11[%rem3A_826, %dma_start3A_1064, %dma_start3A_1065, %dma_start3A_1066] : memref<2x16x8x64xf32, #tpu.memory_space<vmem>> -> memref<1x1x8x64xf32, #tpu.memory_space<vmem>>
    %dma_start3A_1068 = tpu.memref_squeeze %dma_start3A_1067 : memref<1x1x8x64xf32, #tpu.memory_space<vmem>> -> memref<8x64xf32, #tpu.memory_space<vmem>>
    %dma_start3A_1069 = arith.constant 0 : i32
    %dma_start3A_1070 = arith.constant 0 : i32
    %dma_start3A_1071 = tpu.memref_slice %arg4[%squeeze3A_1063, %dma_start3A_1069, %dma_start3A_1070] : memref<125000x8x64xf32, #tpu.memory_space<hbm>> -> memref<1x8x64xf32, #tpu.memory_space<hbm>>
    %dma_start3A_1072 = tpu.memref_squeeze %dma_start3A_1071 : memref<1x8x64xf32, #tpu.memory_space<hbm>> -> memref<8x64xf32, #tpu.memory_space<hbm>>
    %dma_start3A_1073 = arith.constant 0 : i32
    %dma_start3A_1074 = arith.constant 0 : i32
    %dma_start3A_1075 = tpu.memref_slice %arg11[%rem3A_826, %dma_start3A_1064, %dma_start3A_1073, %dma_start3A_1074] : memref<2x16x8x64xf32, #tpu.memory_space<vmem>> -> memref<1x1x8x64xf32, #tpu.memory_space<vmem>>
    %dma_start3A_1076 = tpu.memref_squeeze %dma_start3A_1075 : memref<1x1x8x64xf32, #tpu.memory_space<vmem>> -> memref<8x64xf32, #tpu.memory_space<vmem>>
    %dma_start3A_1077 = arith.constant 0 : i32
    %dma_start3A_1078 = arith.constant 0 : i32
    %dma_start3A_1079 = tpu.memref_slice %arg4[%squeeze3A_1063, %dma_start3A_1077, %dma_start3A_1078] : memref<125000x8x64xf32, #tpu.memory_space<hbm>> -> memref<1x8x64xf32, #tpu.memory_space<hbm>>
    %dma_start3A_1080 = tpu.memref_squeeze %dma_start3A_1079 : memref<1x8x64xf32, #tpu.memory_space<hbm>> -> memref<8x64xf32, #tpu.memory_space<hbm>>
    tpu.enqueue_dma source(%dma_start3A_1080 : memref<8x64xf32, #tpu.memory_space<hbm>>) target(%dma_start3A_1076 : memref<8x64xf32, #tpu.memory_space<vmem>>) target_semaphore(%arg14 : memref<!tpu.dma_semaphore, #tpu.memory_space<semaphore_mem>>)
    %slice3A_1081 = vector.extract_strided_slice %get3A_836 {offsets = [6], sizes = [1], strides = [1]} : vector<16xi32> to vector<1xi32>
    %squeeze3A_1082 = vector.extract %slice3A_1081[0] : i32 from vector<1xi32>
    %dma_start3A_1083 = arith.constant 6 : i32
    %dma_start3A_1084 = arith.constant 0 : i32
    %dma_start3A_1085 = arith.constant 0 : i32
    %dma_start3A_1086 = tpu.memref_slice %arg12[%rem3A_826, %dma_start3A_1083, %dma_start3A_1084, %dma_start3A_1085] : memref<2x16x8x64xf32, #tpu.memory_space<vmem>> -> memref<1x1x8x64xf32, #tpu.memory_space<vmem>>
    %dma_start3A_1087 = tpu.memref_squeeze %dma_start3A_1086 : memref<1x1x8x64xf32, #tpu.memory_space<vmem>> -> memref<8x64xf32, #tpu.memory_space<vmem>>
    %dma_start3A_1088 = arith.constant 0 : i32
    %dma_start3A_1089 = arith.constant 0 : i32
    %dma_start3A_1090 = tpu.memref_slice %arg5[%squeeze3A_1082, %dma_start3A_1088, %dma_start3A_1089] : memref<125000x8x64xf32, #tpu.memory_space<hbm>> -> memref<1x8x64xf32, #tpu.memory_space<hbm>>
    %dma_start3A_1091 = tpu.memref_squeeze %dma_start3A_1090 : memref<1x8x64xf32, #tpu.memory_space<hbm>> -> memref<8x64xf32, #tpu.memory_space<hbm>>
    %dma_start3A_1092 = arith.constant 0 : i32
    %dma_start3A_1093 = arith.constant 0 : i32
    %dma_start3A_1094 = tpu.memref_slice %arg12[%rem3A_826, %dma_start3A_1083, %dma_start3A_1092, %dma_start3A_1093] : memref<2x16x8x64xf32, #tpu.memory_space<vmem>> -> memref<1x1x8x64xf32, #tpu.memory_space<vmem>>
    %dma_start3A_1095 = tpu.memref_squeeze %dma_start3A_1094 : memref<1x1x8x64xf32, #tpu.memory_space<vmem>> -> memref<8x64xf32, #tpu.memory_space<vmem>>
    %dma_start3A_1096 = arith.constant 0 : i32
    %dma_start3A_1097 = arith.constant 0 : i32
    %dma_start3A_1098 = tpu.memref_slice %arg5[%squeeze3A_1082, %dma_start3A_1096, %dma_start3A_1097] : memref<125000x8x64xf32, #tpu.memory_space<hbm>> -> memref<1x8x64xf32, #tpu.memory_space<hbm>>
    %dma_start3A_1099 = tpu.memref_squeeze %dma_start3A_1098 : memref<1x8x64xf32, #tpu.memory_space<hbm>> -> memref<8x64xf32, #tpu.memory_space<hbm>>
    tpu.enqueue_dma source(%dma_start3A_1099 : memref<8x64xf32, #tpu.memory_space<hbm>>) target(%dma_start3A_1095 : memref<8x64xf32, #tpu.memory_space<vmem>>) target_semaphore(%arg14 : memref<!tpu.dma_semaphore, #tpu.memory_space<semaphore_mem>>)
    %slice3A_1100 = vector.extract_strided_slice %get3A_831 {offsets = [7], sizes = [1], strides = [1]} : vector<16xi32> to vector<1xi32>
    %squeeze3A_1101 = vector.extract %slice3A_1100[0] : i32 from vector<1xi32>
    %dma_start3A_1102 = arith.constant 7 : i32
    %dma_start3A_1103 = arith.constant 0 : i32
    %dma_start3A_1104 = arith.constant 0 : i32
    %dma_start3A_1105 = tpu.memref_slice %arg11[%rem3A_826, %dma_start3A_1102, %dma_start3A_1103, %dma_start3A_1104] : memref<2x16x8x64xf32, #tpu.memory_space<vmem>> -> memref<1x1x8x64xf32, #tpu.memory_space<vmem>>
    %dma_start3A_1106 = tpu.memref_squeeze %dma_start3A_1105 : memref<1x1x8x64xf32, #tpu.memory_space<vmem>> -> memref<8x64xf32, #tpu.memory_space<vmem>>
    %dma_start3A_1107 = arith.constant 0 : i32
    %dma_start3A_1108 = arith.constant 0 : i32
    %dma_start3A_1109 = tpu.memref_slice %arg4[%squeeze3A_1101, %dma_start3A_1107, %dma_start3A_1108] : memref<125000x8x64xf32, #tpu.memory_space<hbm>> -> memref<1x8x64xf32, #tpu.memory_space<hbm>>
    %dma_start3A_1110 = tpu.memref_squeeze %dma_start3A_1109 : memref<1x8x64xf32, #tpu.memory_space<hbm>> -> memref<8x64xf32, #tpu.memory_space<hbm>>
    %dma_start3A_1111 = arith.constant 0 : i32
    %dma_start3A_1112 = arith.constant 0 : i32
    %dma_start3A_1113 = tpu.memref_slice %arg11[%rem3A_826, %dma_start3A_1102, %dma_start3A_1111, %dma_start3A_1112] : memref<2x16x8x64xf32, #tpu.memory_space<vmem>> -> memref<1x1x8x64xf32, #tpu.memory_space<vmem>>
    %dma_start3A_1114 = tpu.memref_squeeze %dma_start3A_1113 : memref<1x1x8x64xf32, #tpu.memory_space<vmem>> -> memref<8x64xf32, #tpu.memory_space<vmem>>
    %dma_start3A_1115 = arith.constant 0 : i32
    %dma_start3A_1116 = arith.constant 0 : i32
    %dma_start3A_1117 = tpu.memref_slice %arg4[%squeeze3A_1101, %dma_start3A_1115, %dma_start3A_1116] : memref<125000x8x64xf32, #tpu.memory_space<hbm>> -> memref<1x8x64xf32, #tpu.memory_space<hbm>>
    %dma_start3A_1118 = tpu.memref_squeeze %dma_start3A_1117 : memref<1x8x64xf32, #tpu.memory_space<hbm>> -> memref<8x64xf32, #tpu.memory_space<hbm>>
    tpu.enqueue_dma source(%dma_start3A_1118 : memref<8x64xf32, #tpu.memory_space<hbm>>) target(%dma_start3A_1114 : memref<8x64xf32, #tpu.memory_space<vmem>>) target_semaphore(%arg14 : memref<!tpu.dma_semaphore, #tpu.memory_space<semaphore_mem>>)
    %slice3A_1119 = vector.extract_strided_slice %get3A_836 {offsets = [7], sizes = [1], strides = [1]} : vector<16xi32> to vector<1xi32>
    %squeeze3A_1120 = vector.extract %slice3A_1119[0] : i32 from vector<1xi32>
    %dma_start3A_1121 = arith.constant 7 : i32
    %dma_start3A_1122 = arith.constant 0 : i32
    %dma_start3A_1123 = arith.constant 0 : i32
    %dma_start3A_1124 = tpu.memref_slice %arg12[%rem3A_826, %dma_start3A_1121, %dma_start3A_1122, %dma_start3A_1123] : memref<2x16x8x64xf32, #tpu.memory_space<vmem>> -> memref<1x1x8x64xf32, #tpu.memory_space<vmem>>
    %dma_start3A_1125 = tpu.memref_squeeze %dma_start3A_1124 : memref<1x1x8x64xf32, #tpu.memory_space<vmem>> -> memref<8x64xf32, #tpu.memory_space<vmem>>
    %dma_start3A_1126 = arith.constant 0 : i32
    %dma_start3A_1127 = arith.constant 0 : i32
    %dma_start3A_1128 = tpu.memref_slice %arg5[%squeeze3A_1120, %dma_start3A_1126, %dma_start3A_1127] : memref<125000x8x64xf32, #tpu.memory_space<hbm>> -> memref<1x8x64xf32, #tpu.memory_space<hbm>>
    %dma_start3A_1129 = tpu.memref_squeeze %dma_start3A_1128 : memref<1x8x64xf32, #tpu.memory_space<hbm>> -> memref<8x64xf32, #tpu.memory_space<hbm>>
    %dma_start3A_1130 = arith.constant 0 : i32
    %dma_start3A_1131 = arith.constant 0 : i32
    %dma_start3A_1132 = tpu.memref_slice %arg12[%rem3A_826, %dma_start3A_1121, %dma_start3A_1130, %dma_start3A_1131] : memref<2x16x8x64xf32, #tpu.memory_space<vmem>> -> memref<1x1x8x64xf32, #tpu.memory_space<vmem>>
    %dma_start3A_1133 = tpu.memref_squeeze %dma_start3A_1132 : memref<1x1x8x64xf32, #tpu.memory_space<vmem>> -> memref<8x64xf32, #tpu.memory_space<vmem>>
    %dma_start3A_1134 = arith.constant 0 : i32
    %dma_start3A_1135 = arith.constant 0 : i32
    %dma_start3A_1136 = tpu.memref_slice %arg5[%squeeze3A_1120, %dma_start3A_1134, %dma_start3A_1135] : memref<125000x8x64xf32, #tpu.memory_space<hbm>> -> memref<1x8x64xf32, #tpu.memory_space<hbm>>
    %dma_start3A_1137 = tpu.memref_squeeze %dma_start3A_1136 : memref<1x8x64xf32, #tpu.memory_space<hbm>> -> memref<8x64xf32, #tpu.memory_space<hbm>>
    tpu.enqueue_dma source(%dma_start3A_1137 : memref<8x64xf32, #tpu.memory_space<hbm>>) target(%dma_start3A_1133 : memref<8x64xf32, #tpu.memory_space<vmem>>) target_semaphore(%arg14 : memref<!tpu.dma_semaphore, #tpu.memory_space<semaphore_mem>>)
    %slice3A_1138 = vector.extract_strided_slice %get3A_831 {offsets = [8], sizes = [1], strides = [1]} : vector<16xi32> to vector<1xi32>
    %squeeze3A_1139 = vector.extract %slice3A_1138[0] : i32 from vector<1xi32>
    %dma_start3A_1140 = arith.constant 8 : i32
    %dma_start3A_1141 = arith.constant 0 : i32
    %dma_start3A_1142 = arith.constant 0 : i32
    %dma_start3A_1143 = tpu.memref_slice %arg11[%rem3A_826, %dma_start3A_1140, %dma_start3A_1141, %dma_start3A_1142] : memref<2x16x8x64xf32, #tpu.memory_space<vmem>> -> memref<1x1x8x64xf32, #tpu.memory_space<vmem>>
    %dma_start3A_1144 = tpu.memref_squeeze %dma_start3A_1143 : memref<1x1x8x64xf32, #tpu.memory_space<vmem>> -> memref<8x64xf32, #tpu.memory_space<vmem>>
    %dma_start3A_1145 = arith.constant 0 : i32
    %dma_start3A_1146 = arith.constant 0 : i32
    %dma_start3A_1147 = tpu.memref_slice %arg4[%squeeze3A_1139, %dma_start3A_1145, %dma_start3A_1146] : memref<125000x8x64xf32, #tpu.memory_space<hbm>> -> memref<1x8x64xf32, #tpu.memory_space<hbm>>
    %dma_start3A_1148 = tpu.memref_squeeze %dma_start3A_1147 : memref<1x8x64xf32, #tpu.memory_space<hbm>> -> memref<8x64xf32, #tpu.memory_space<hbm>>
    %dma_start3A_1149 = arith.constant 0 : i32
    %dma_start3A_1150 = arith.constant 0 : i32
    %dma_start3A_1151 = tpu.memref_slice %arg11[%rem3A_826, %dma_start3A_1140, %dma_start3A_1149, %dma_start3A_1150] : memref<2x16x8x64xf32, #tpu.memory_space<vmem>> -> memref<1x1x8x64xf32, #tpu.memory_space<vmem>>
    %dma_start3A_1152 = tpu.memref_squeeze %dma_start3A_1151 : memref<1x1x8x64xf32, #tpu.memory_space<vmem>> -> memref<8x64xf32, #tpu.memory_space<vmem>>
    %dma_start3A_1153 = arith.constant 0 : i32
    %dma_start3A_1154 = arith.constant 0 : i32
    %dma_start3A_1155 = tpu.memref_slice %arg4[%squeeze3A_1139, %dma_start3A_1153, %dma_start3A_1154] : memref<125000x8x64xf32, #tpu.memory_space<hbm>> -> memref<1x8x64xf32, #tpu.memory_space<hbm>>
    %dma_start3A_1156 = tpu.memref_squeeze %dma_start3A_1155 : memref<1x8x64xf32, #tpu.memory_space<hbm>> -> memref<8x64xf32, #tpu.memory_space<hbm>>
    tpu.enqueue_dma source(%dma_start3A_1156 : memref<8x64xf32, #tpu.memory_space<hbm>>) target(%dma_start3A_1152 : memref<8x64xf32, #tpu.memory_space<vmem>>) target_semaphore(%arg14 : memref<!tpu.dma_semaphore, #tpu.memory_space<semaphore_mem>>)
    %slice3A_1157 = vector.extract_strided_slice %get3A_836 {offsets = [8], sizes = [1], strides = [1]} : vector<16xi32> to vector<1xi32>
    %squeeze3A_1158 = vector.extract %slice3A_1157[0] : i32 from vector<1xi32>
    %dma_start3A_1159 = arith.constant 8 : i32
    %dma_start3A_1160 = arith.constant 0 : i32
    %dma_start3A_1161 = arith.constant 0 : i32
    %dma_start3A_1162 = tpu.memref_slice %arg12[%rem3A_826, %dma_start3A_1159, %dma_start3A_1160, %dma_start3A_1161] : memref<2x16x8x64xf32, #tpu.memory_space<vmem>> -> memref<1x1x8x64xf32, #tpu.memory_space<vmem>>
    %dma_start3A_1163 = tpu.memref_squeeze %dma_start3A_1162 : memref<1x1x8x64xf32, #tpu.memory_space<vmem>> -> memref<8x64xf32, #tpu.memory_space<vmem>>
    %dma_start3A_1164 = arith.constant 0 : i32
    %dma_start3A_1165 = arith.constant 0 : i32
    %dma_start3A_1166 = tpu.memref_slice %arg5[%squeeze3A_1158, %dma_start3A_1164, %dma_start3A_1165] : memref<125000x8x64xf32, #tpu.memory_space<hbm>> -> memref<1x8x64xf32, #tpu.memory_space<hbm>>
    %dma_start3A_1167 = tpu.memref_squeeze %dma_start3A_1166 : memref<1x8x64xf32, #tpu.memory_space<hbm>> -> memref<8x64xf32, #tpu.memory_space<hbm>>
    %dma_start3A_1168 = arith.constant 0 : i32
    %dma_start3A_1169 = arith.constant 0 : i32
    %dma_start3A_1170 = tpu.memref_slice %arg12[%rem3A_826, %dma_start3A_1159, %dma_start3A_1168, %dma_start3A_1169] : memref<2x16x8x64xf32, #tpu.memory_space<vmem>> -> memref<1x1x8x64xf32, #tpu.memory_space<vmem>>
    %dma_start3A_1171 = tpu.memref_squeeze %dma_start3A_1170 : memref<1x1x8x64xf32, #tpu.memory_space<vmem>> -> memref<8x64xf32, #tpu.memory_space<vmem>>
    %dma_start3A_1172 = arith.constant 0 : i32
    %dma_start3A_1173 = arith.constant 0 : i32
    %dma_start3A_1174 = tpu.memref_slice %arg5[%squeeze3A_1158, %dma_start3A_1172, %dma_start3A_1173] : memref<125000x8x64xf32, #tpu.memory_space<hbm>> -> memref<1x8x64xf32, #tpu.memory_space<hbm>>
    %dma_start3A_1175 = tpu.memref_squeeze %dma_start3A_1174 : memref<1x8x64xf32, #tpu.memory_space<hbm>> -> memref<8x64xf32, #tpu.memory_space<hbm>>
    tpu.enqueue_dma source(%dma_start3A_1175 : memref<8x64xf32, #tpu.memory_space<hbm>>) target(%dma_start3A_1171 : memref<8x64xf32, #tpu.memory_space<vmem>>) target_semaphore(%arg14 : memref<!tpu.dma_semaphore, #tpu.memory_space<semaphore_mem>>)
    %slice3A_1176 = vector.extract_strided_slice %get3A_831 {offsets = [9], sizes = [1], strides = [1]} : vector<16xi32> to vector<1xi32>
    %squeeze3A_1177 = vector.extract %slice3A_1176[0] : i32 from vector<1xi32>
    %dma_start3A_1178 = arith.constant 9 : i32
    %dma_start3A_1179 = arith.constant 0 : i32
    %dma_start3A_1180 = arith.constant 0 : i32
    %dma_start3A_1181 = tpu.memref_slice %arg11[%rem3A_826, %dma_start3A_1178, %dma_start3A_1179, %dma_start3A_1180] : memref<2x16x8x64xf32, #tpu.memory_space<vmem>> -> memref<1x1x8x64xf32, #tpu.memory_space<vmem>>
    %dma_start3A_1182 = tpu.memref_squeeze %dma_start3A_1181 : memref<1x1x8x64xf32, #tpu.memory_space<vmem>> -> memref<8x64xf32, #tpu.memory_space<vmem>>
    %dma_start3A_1183 = arith.constant 0 : i32
    %dma_start3A_1184 = arith.constant 0 : i32
    %dma_start3A_1185 = tpu.memref_slice %arg4[%squeeze3A_1177, %dma_start3A_1183, %dma_start3A_1184] : memref<125000x8x64xf32, #tpu.memory_space<hbm>> -> memref<1x8x64xf32, #tpu.memory_space<hbm>>
    %dma_start3A_1186 = tpu.memref_squeeze %dma_start3A_1185 : memref<1x8x64xf32, #tpu.memory_space<hbm>> -> memref<8x64xf32, #tpu.memory_space<hbm>>
    %dma_start3A_1187 = arith.constant 0 : i32
    %dma_start3A_1188 = arith.constant 0 : i32
    %dma_start3A_1189 = tpu.memref_slice %arg11[%rem3A_826, %dma_start3A_1178, %dma_start3A_1187, %dma_start3A_1188] : memref<2x16x8x64xf32, #tpu.memory_space<vmem>> -> memref<1x1x8x64xf32, #tpu.memory_space<vmem>>
    %dma_start3A_1190 = tpu.memref_squeeze %dma_start3A_1189 : memref<1x1x8x64xf32, #tpu.memory_space<vmem>> -> memref<8x64xf32, #tpu.memory_space<vmem>>
    %dma_start3A_1191 = arith.constant 0 : i32
    %dma_start3A_1192 = arith.constant 0 : i32
    %dma_start3A_1193 = tpu.memref_slice %arg4[%squeeze3A_1177, %dma_start3A_1191, %dma_start3A_1192] : memref<125000x8x64xf32, #tpu.memory_space<hbm>> -> memref<1x8x64xf32, #tpu.memory_space<hbm>>
    %dma_start3A_1194 = tpu.memref_squeeze %dma_start3A_1193 : memref<1x8x64xf32, #tpu.memory_space<hbm>> -> memref<8x64xf32, #tpu.memory_space<hbm>>
    tpu.enqueue_dma source(%dma_start3A_1194 : memref<8x64xf32, #tpu.memory_space<hbm>>) target(%dma_start3A_1190 : memref<8x64xf32, #tpu.memory_space<vmem>>) target_semaphore(%arg14 : memref<!tpu.dma_semaphore, #tpu.memory_space<semaphore_mem>>)
    %slice3A_1195 = vector.extract_strided_slice %get3A_836 {offsets = [9], sizes = [1], strides = [1]} : vector<16xi32> to vector<1xi32>
    %squeeze3A_1196 = vector.extract %slice3A_1195[0] : i32 from vector<1xi32>
    %dma_start3A_1197 = arith.constant 9 : i32
    %dma_start3A_1198 = arith.constant 0 : i32
    %dma_start3A_1199 = arith.constant 0 : i32
    %dma_start3A_1200 = tpu.memref_slice %arg12[%rem3A_826, %dma_start3A_1197, %dma_start3A_1198, %dma_start3A_1199] : memref<2x16x8x64xf32, #tpu.memory_space<vmem>> -> memref<1x1x8x64xf32, #tpu.memory_space<vmem>>
    %dma_start3A_1201 = tpu.memref_squeeze %dma_start3A_1200 : memref<1x1x8x64xf32, #tpu.memory_space<vmem>> -> memref<8x64xf32, #tpu.memory_space<vmem>>
    %dma_start3A_1202 = arith.constant 0 : i32
    %dma_start3A_1203 = arith.constant 0 : i32
    %dma_start3A_1204 = tpu.memref_slice %arg5[%squeeze3A_1196, %dma_start3A_1202, %dma_start3A_1203] : memref<125000x8x64xf32, #tpu.memory_space<hbm>> -> memref<1x8x64xf32, #tpu.memory_space<hbm>>
    %dma_start3A_1205 = tpu.memref_squeeze %dma_start3A_1204 : memref<1x8x64xf32, #tpu.memory_space<hbm>> -> memref<8x64xf32, #tpu.memory_space<hbm>>
    %dma_start3A_1206 = arith.constant 0 : i32
    %dma_start3A_1207 = arith.constant 0 : i32
    %dma_start3A_1208 = tpu.memref_slice %arg12[%rem3A_826, %dma_start3A_1197, %dma_start3A_1206, %dma_start3A_1207] : memref<2x16x8x64xf32, #tpu.memory_space<vmem>> -> memref<1x1x8x64xf32, #tpu.memory_space<vmem>>
    %dma_start3A_1209 = tpu.memref_squeeze %dma_start3A_1208 : memref<1x1x8x64xf32, #tpu.memory_space<vmem>> -> memref<8x64xf32, #tpu.memory_space<vmem>>
    %dma_start3A_1210 = arith.constant 0 : i32
    %dma_start3A_1211 = arith.constant 0 : i32
    %dma_start3A_1212 = tpu.memref_slice %arg5[%squeeze3A_1196, %dma_start3A_1210, %dma_start3A_1211] : memref<125000x8x64xf32, #tpu.memory_space<hbm>> -> memref<1x8x64xf32, #tpu.memory_space<hbm>>
    %dma_start3A_1213 = tpu.memref_squeeze %dma_start3A_1212 : memref<1x8x64xf32, #tpu.memory_space<hbm>> -> memref<8x64xf32, #tpu.memory_space<hbm>>
    tpu.enqueue_dma source(%dma_start3A_1213 : memref<8x64xf32, #tpu.memory_space<hbm>>) target(%dma_start3A_1209 : memref<8x64xf32, #tpu.memory_space<vmem>>) target_semaphore(%arg14 : memref<!tpu.dma_semaphore, #tpu.memory_space<semaphore_mem>>)
    %slice3A_1214 = vector.extract_strided_slice %get3A_831 {offsets = [10], sizes = [1], strides = [1]} : vector<16xi32> to vector<1xi32>
    %squeeze3A_1215 = vector.extract %slice3A_1214[0] : i32 from vector<1xi32>
    %dma_start3A_1216 = arith.constant 10 : i32
    %dma_start3A_1217 = arith.constant 0 : i32
    %dma_start3A_1218 = arith.constant 0 : i32
    %dma_start3A_1219 = tpu.memref_slice %arg11[%rem3A_826, %dma_start3A_1216, %dma_start3A_1217, %dma_start3A_1218] : memref<2x16x8x64xf32, #tpu.memory_space<vmem>> -> memref<1x1x8x64xf32, #tpu.memory_space<vmem>>
    %dma_start3A_1220 = tpu.memref_squeeze %dma_start3A_1219 : memref<1x1x8x64xf32, #tpu.memory_space<vmem>> -> memref<8x64xf32, #tpu.memory_space<vmem>>
    %dma_start3A_1221 = arith.constant 0 : i32
    %dma_start3A_1222 = arith.constant 0 : i32
    %dma_start3A_1223 = tpu.memref_slice %arg4[%squeeze3A_1215, %dma_start3A_1221, %dma_start3A_1222] : memref<125000x8x64xf32, #tpu.memory_space<hbm>> -> memref<1x8x64xf32, #tpu.memory_space<hbm>>
    %dma_start3A_1224 = tpu.memref_squeeze %dma_start3A_1223 : memref<1x8x64xf32, #tpu.memory_space<hbm>> -> memref<8x64xf32, #tpu.memory_space<hbm>>
    %dma_start3A_1225 = arith.constant 0 : i32
    %dma_start3A_1226 = arith.constant 0 : i32
    %dma_start3A_1227 = tpu.memref_slice %arg11[%rem3A_826, %dma_start3A_1216, %dma_start3A_1225, %dma_start3A_1226] : memref<2x16x8x64xf32, #tpu.memory_space<vmem>> -> memref<1x1x8x64xf32, #tpu.memory_space<vmem>>
    %dma_start3A_1228 = tpu.memref_squeeze %dma_start3A_1227 : memref<1x1x8x64xf32, #tpu.memory_space<vmem>> -> memref<8x64xf32, #tpu.memory_space<vmem>>
    %dma_start3A_1229 = arith.constant 0 : i32
    %dma_start3A_1230 = arith.constant 0 : i32
    %dma_start3A_1231 = tpu.memref_slice %arg4[%squeeze3A_1215, %dma_start3A_1229, %dma_start3A_1230] : memref<125000x8x64xf32, #tpu.memory_space<hbm>> -> memref<1x8x64xf32, #tpu.memory_space<hbm>>
    %dma_start3A_1232 = tpu.memref_squeeze %dma_start3A_1231 : memref<1x8x64xf32, #tpu.memory_space<hbm>> -> memref<8x64xf32, #tpu.memory_space<hbm>>
    tpu.enqueue_dma source(%dma_start3A_1232 : memref<8x64xf32, #tpu.memory_space<hbm>>) target(%dma_start3A_1228 : memref<8x64xf32, #tpu.memory_space<vmem>>) target_semaphore(%arg14 : memref<!tpu.dma_semaphore, #tpu.memory_space<semaphore_mem>>)
    %slice3A_1233 = vector.extract_strided_slice %get3A_836 {offsets = [10], sizes = [1], strides = [1]} : vector<16xi32> to vector<1xi32>
    %squeeze3A_1234 = vector.extract %slice3A_1233[0] : i32 from vector<1xi32>
    %dma_start3A_1235 = arith.constant 10 : i32
    %dma_start3A_1236 = arith.constant 0 : i32
    %dma_start3A_1237 = arith.constant 0 : i32
    %dma_start3A_1238 = tpu.memref_slice %arg12[%rem3A_826, %dma_start3A_1235, %dma_start3A_1236, %dma_start3A_1237] : memref<2x16x8x64xf32, #tpu.memory_space<vmem>> -> memref<1x1x8x64xf32, #tpu.memory_space<vmem>>
    %dma_start3A_1239 = tpu.memref_squeeze %dma_start3A_1238 : memref<1x1x8x64xf32, #tpu.memory_space<vmem>> -> memref<8x64xf32, #tpu.memory_space<vmem>>
    %dma_start3A_1240 = arith.constant 0 : i32
    %dma_start3A_1241 = arith.constant 0 : i32
    %dma_start3A_1242 = tpu.memref_slice %arg5[%squeeze3A_1234, %dma_start3A_1240, %dma_start3A_1241] : memref<125000x8x64xf32, #tpu.memory_space<hbm>> -> memref<1x8x64xf32, #tpu.memory_space<hbm>>
    %dma_start3A_1243 = tpu.memref_squeeze %dma_start3A_1242 : memref<1x8x64xf32, #tpu.memory_space<hbm>> -> memref<8x64xf32, #tpu.memory_space<hbm>>
    %dma_start3A_1244 = arith.constant 0 : i32
    %dma_start3A_1245 = arith.constant 0 : i32
    %dma_start3A_1246 = tpu.memref_slice %arg12[%rem3A_826, %dma_start3A_1235, %dma_start3A_1244, %dma_start3A_1245] : memref<2x16x8x64xf32, #tpu.memory_space<vmem>> -> memref<1x1x8x64xf32, #tpu.memory_space<vmem>>
    %dma_start3A_1247 = tpu.memref_squeeze %dma_start3A_1246 : memref<1x1x8x64xf32, #tpu.memory_space<vmem>> -> memref<8x64xf32, #tpu.memory_space<vmem>>
    %dma_start3A_1248 = arith.constant 0 : i32
    %dma_start3A_1249 = arith.constant 0 : i32
    %dma_start3A_1250 = tpu.memref_slice %arg5[%squeeze3A_1234, %dma_start3A_1248, %dma_start3A_1249] : memref<125000x8x64xf32, #tpu.memory_space<hbm>> -> memref<1x8x64xf32, #tpu.memory_space<hbm>>
    %dma_start3A_1251 = tpu.memref_squeeze %dma_start3A_1250 : memref<1x8x64xf32, #tpu.memory_space<hbm>> -> memref<8x64xf32, #tpu.memory_space<hbm>>
    tpu.enqueue_dma source(%dma_start3A_1251 : memref<8x64xf32, #tpu.memory_space<hbm>>) target(%dma_start3A_1247 : memref<8x64xf32, #tpu.memory_space<vmem>>) target_semaphore(%arg14 : memref<!tpu.dma_semaphore, #tpu.memory_space<semaphore_mem>>)
    %slice3A_1252 = vector.extract_strided_slice %get3A_831 {offsets = [11], sizes = [1], strides = [1]} : vector<16xi32> to vector<1xi32>
    %squeeze3A_1253 = vector.extract %slice3A_1252[0] : i32 from vector<1xi32>
    %dma_start3A_1254 = arith.constant 11 : i32
    %dma_start3A_1255 = arith.constant 0 : i32
    %dma_start3A_1256 = arith.constant 0 : i32
    %dma_start3A_1257 = tpu.memref_slice %arg11[%rem3A_826, %dma_start3A_1254, %dma_start3A_1255, %dma_start3A_1256] : memref<2x16x8x64xf32, #tpu.memory_space<vmem>> -> memref<1x1x8x64xf32, #tpu.memory_space<vmem>>
    %dma_start3A_1258 = tpu.memref_squeeze %dma_start3A_1257 : memref<1x1x8x64xf32, #tpu.memory_space<vmem>> -> memref<8x64xf32, #tpu.memory_space<vmem>>
    %dma_start3A_1259 = arith.constant 0 : i32
    %dma_start3A_1260 = arith.constant 0 : i32
    %dma_start3A_1261 = tpu.memref_slice %arg4[%squeeze3A_1253, %dma_start3A_1259, %dma_start3A_1260] : memref<125000x8x64xf32, #tpu.memory_space<hbm>> -> memref<1x8x64xf32, #tpu.memory_space<hbm>>
    %dma_start3A_1262 = tpu.memref_squeeze %dma_start3A_1261 : memref<1x8x64xf32, #tpu.memory_space<hbm>> -> memref<8x64xf32, #tpu.memory_space<hbm>>
    %dma_start3A_1263 = arith.constant 0 : i32
    %dma_start3A_1264 = arith.constant 0 : i32
    %dma_start3A_1265 = tpu.memref_slice %arg11[%rem3A_826, %dma_start3A_1254, %dma_start3A_1263, %dma_start3A_1264] : memref<2x16x8x64xf32, #tpu.memory_space<vmem>> -> memref<1x1x8x64xf32, #tpu.memory_space<vmem>>
    %dma_start3A_1266 = tpu.memref_squeeze %dma_start3A_1265 : memref<1x1x8x64xf32, #tpu.memory_space<vmem>> -> memref<8x64xf32, #tpu.memory_space<vmem>>
    %dma_start3A_1267 = arith.constant 0 : i32
    %dma_start3A_1268 = arith.constant 0 : i32
    %dma_start3A_1269 = tpu.memref_slice %arg4[%squeeze3A_1253, %dma_start3A_1267, %dma_start3A_1268] : memref<125000x8x64xf32, #tpu.memory_space<hbm>> -> memref<1x8x64xf32, #tpu.memory_space<hbm>>
    %dma_start3A_1270 = tpu.memref_squeeze %dma_start3A_1269 : memref<1x8x64xf32, #tpu.memory_space<hbm>> -> memref<8x64xf32, #tpu.memory_space<hbm>>
    tpu.enqueue_dma source(%dma_start3A_1270 : memref<8x64xf32, #tpu.memory_space<hbm>>) target(%dma_start3A_1266 : memref<8x64xf32, #tpu.memory_space<vmem>>) target_semaphore(%arg14 : memref<!tpu.dma_semaphore, #tpu.memory_space<semaphore_mem>>)
    %slice3A_1271 = vector.extract_strided_slice %get3A_836 {offsets = [11], sizes = [1], strides = [1]} : vector<16xi32> to vector<1xi32>
    %squeeze3A_1272 = vector.extract %slice3A_1271[0] : i32 from vector<1xi32>
    %dma_start3A_1273 = arith.constant 11 : i32
    %dma_start3A_1274 = arith.constant 0 : i32
    %dma_start3A_1275 = arith.constant 0 : i32
    %dma_start3A_1276 = tpu.memref_slice %arg12[%rem3A_826, %dma_start3A_1273, %dma_start3A_1274, %dma_start3A_1275] : memref<2x16x8x64xf32, #tpu.memory_space<vmem>> -> memref<1x1x8x64xf32, #tpu.memory_space<vmem>>
    %dma_start3A_1277 = tpu.memref_squeeze %dma_start3A_1276 : memref<1x1x8x64xf32, #tpu.memory_space<vmem>> -> memref<8x64xf32, #tpu.memory_space<vmem>>
    %dma_start3A_1278 = arith.constant 0 : i32
    %dma_start3A_1279 = arith.constant 0 : i32
    %dma_start3A_1280 = tpu.memref_slice %arg5[%squeeze3A_1272, %dma_start3A_1278, %dma_start3A_1279] : memref<125000x8x64xf32, #tpu.memory_space<hbm>> -> memref<1x8x64xf32, #tpu.memory_space<hbm>>
    %dma_start3A_1281 = tpu.memref_squeeze %dma_start3A_1280 : memref<1x8x64xf32, #tpu.memory_space<hbm>> -> memref<8x64xf32, #tpu.memory_space<hbm>>
    %dma_start3A_1282 = arith.constant 0 : i32
    %dma_start3A_1283 = arith.constant 0 : i32
    %dma_start3A_1284 = tpu.memref_slice %arg12[%rem3A_826, %dma_start3A_1273, %dma_start3A_1282, %dma_start3A_1283] : memref<2x16x8x64xf32, #tpu.memory_space<vmem>> -> memref<1x1x8x64xf32, #tpu.memory_space<vmem>>
    %dma_start3A_1285 = tpu.memref_squeeze %dma_start3A_1284 : memref<1x1x8x64xf32, #tpu.memory_space<vmem>> -> memref<8x64xf32, #tpu.memory_space<vmem>>
    %dma_start3A_1286 = arith.constant 0 : i32
    %dma_start3A_1287 = arith.constant 0 : i32
    %dma_start3A_1288 = tpu.memref_slice %arg5[%squeeze3A_1272, %dma_start3A_1286, %dma_start3A_1287] : memref<125000x8x64xf32, #tpu.memory_space<hbm>> -> memref<1x8x64xf32, #tpu.memory_space<hbm>>
    %dma_start3A_1289 = tpu.memref_squeeze %dma_start3A_1288 : memref<1x8x64xf32, #tpu.memory_space<hbm>> -> memref<8x64xf32, #tpu.memory_space<hbm>>
    tpu.enqueue_dma source(%dma_start3A_1289 : memref<8x64xf32, #tpu.memory_space<hbm>>) target(%dma_start3A_1285 : memref<8x64xf32, #tpu.memory_space<vmem>>) target_semaphore(%arg14 : memref<!tpu.dma_semaphore, #tpu.memory_space<semaphore_mem>>)
    %slice3A_1290 = vector.extract_strided_slice %get3A_831 {offsets = [12], sizes = [1], strides = [1]} : vector<16xi32> to vector<1xi32>
    %squeeze3A_1291 = vector.extract %slice3A_1290[0] : i32 from vector<1xi32>
    %dma_start3A_1292 = arith.constant 12 : i32
    %dma_start3A_1293 = arith.constant 0 : i32
    %dma_start3A_1294 = arith.constant 0 : i32
    %dma_start3A_1295 = tpu.memref_slice %arg11[%rem3A_826, %dma_start3A_1292, %dma_start3A_1293, %dma_start3A_1294] : memref<2x16x8x64xf32, #tpu.memory_space<vmem>> -> memref<1x1x8x64xf32, #tpu.memory_space<vmem>>
    %dma_start3A_1296 = tpu.memref_squeeze %dma_start3A_1295 : memref<1x1x8x64xf32, #tpu.memory_space<vmem>> -> memref<8x64xf32, #tpu.memory_space<vmem>>
    %dma_start3A_1297 = arith.constant 0 : i32
    %dma_start3A_1298 = arith.constant 0 : i32
    %dma_start3A_1299 = tpu.memref_slice %arg4[%squeeze3A_1291, %dma_start3A_1297, %dma_start3A_1298] : memref<125000x8x64xf32, #tpu.memory_space<hbm>> -> memref<1x8x64xf32, #tpu.memory_space<hbm>>
    %dma_start3A_1300 = tpu.memref_squeeze %dma_start3A_1299 : memref<1x8x64xf32, #tpu.memory_space<hbm>> -> memref<8x64xf32, #tpu.memory_space<hbm>>
    %dma_start3A_1301 = arith.constant 0 : i32
    %dma_start3A_1302 = arith.constant 0 : i32
    %dma_start3A_1303 = tpu.memref_slice %arg11[%rem3A_826, %dma_start3A_1292, %dma_start3A_1301, %dma_start3A_1302] : memref<2x16x8x64xf32, #tpu.memory_space<vmem>> -> memref<1x1x8x64xf32, #tpu.memory_space<vmem>>
    %dma_start3A_1304 = tpu.memref_squeeze %dma_start3A_1303 : memref<1x1x8x64xf32, #tpu.memory_space<vmem>> -> memref<8x64xf32, #tpu.memory_space<vmem>>
    %dma_start3A_1305 = arith.constant 0 : i32
    %dma_start3A_1306 = arith.constant 0 : i32
    %dma_start3A_1307 = tpu.memref_slice %arg4[%squeeze3A_1291, %dma_start3A_1305, %dma_start3A_1306] : memref<125000x8x64xf32, #tpu.memory_space<hbm>> -> memref<1x8x64xf32, #tpu.memory_space<hbm>>
    %dma_start3A_1308 = tpu.memref_squeeze %dma_start3A_1307 : memref<1x8x64xf32, #tpu.memory_space<hbm>> -> memref<8x64xf32, #tpu.memory_space<hbm>>
    tpu.enqueue_dma source(%dma_start3A_1308 : memref<8x64xf32, #tpu.memory_space<hbm>>) target(%dma_start3A_1304 : memref<8x64xf32, #tpu.memory_space<vmem>>) target_semaphore(%arg14 : memref<!tpu.dma_semaphore, #tpu.memory_space<semaphore_mem>>)
    %slice3A_1309 = vector.extract_strided_slice %get3A_836 {offsets = [12], sizes = [1], strides = [1]} : vector<16xi32> to vector<1xi32>
    %squeeze3A_1310 = vector.extract %slice3A_1309[0] : i32 from vector<1xi32>
    %dma_start3A_1311 = arith.constant 12 : i32
    %dma_start3A_1312 = arith.constant 0 : i32
    %dma_start3A_1313 = arith.constant 0 : i32
    %dma_start3A_1314 = tpu.memref_slice %arg12[%rem3A_826, %dma_start3A_1311, %dma_start3A_1312, %dma_start3A_1313] : memref<2x16x8x64xf32, #tpu.memory_space<vmem>> -> memref<1x1x8x64xf32, #tpu.memory_space<vmem>>
    %dma_start3A_1315 = tpu.memref_squeeze %dma_start3A_1314 : memref<1x1x8x64xf32, #tpu.memory_space<vmem>> -> memref<8x64xf32, #tpu.memory_space<vmem>>
    %dma_start3A_1316 = arith.constant 0 : i32
    %dma_start3A_1317 = arith.constant 0 : i32
    %dma_start3A_1318 = tpu.memref_slice %arg5[%squeeze3A_1310, %dma_start3A_1316, %dma_start3A_1317] : memref<125000x8x64xf32, #tpu.memory_space<hbm>> -> memref<1x8x64xf32, #tpu.memory_space<hbm>>
    %dma_start3A_1319 = tpu.memref_squeeze %dma_start3A_1318 : memref<1x8x64xf32, #tpu.memory_space<hbm>> -> memref<8x64xf32, #tpu.memory_space<hbm>>
    %dma_start3A_1320 = arith.constant 0 : i32
    %dma_start3A_1321 = arith.constant 0 : i32
    %dma_start3A_1322 = tpu.memref_slice %arg12[%rem3A_826, %dma_start3A_1311, %dma_start3A_1320, %dma_start3A_1321] : memref<2x16x8x64xf32, #tpu.memory_space<vmem>> -> memref<1x1x8x64xf32, #tpu.memory_space<vmem>>
    %dma_start3A_1323 = tpu.memref_squeeze %dma_start3A_1322 : memref<1x1x8x64xf32, #tpu.memory_space<vmem>> -> memref<8x64xf32, #tpu.memory_space<vmem>>
    %dma_start3A_1324 = arith.constant 0 : i32
    %dma_start3A_1325 = arith.constant 0 : i32
    %dma_start3A_1326 = tpu.memref_slice %arg5[%squeeze3A_1310, %dma_start3A_1324, %dma_start3A_1325] : memref<125000x8x64xf32, #tpu.memory_space<hbm>> -> memref<1x8x64xf32, #tpu.memory_space<hbm>>
    %dma_start3A_1327 = tpu.memref_squeeze %dma_start3A_1326 : memref<1x8x64xf32, #tpu.memory_space<hbm>> -> memref<8x64xf32, #tpu.memory_space<hbm>>
    tpu.enqueue_dma source(%dma_start3A_1327 : memref<8x64xf32, #tpu.memory_space<hbm>>) target(%dma_start3A_1323 : memref<8x64xf32, #tpu.memory_space<vmem>>) target_semaphore(%arg14 : memref<!tpu.dma_semaphore, #tpu.memory_space<semaphore_mem>>)
    %slice3A_1328 = vector.extract_strided_slice %get3A_831 {offsets = [13], sizes = [1], strides = [1]} : vector<16xi32> to vector<1xi32>
    %squeeze3A_1329 = vector.extract %slice3A_1328[0] : i32 from vector<1xi32>
    %dma_start3A_1330 = arith.constant 13 : i32
    %dma_start3A_1331 = arith.constant 0 : i32
    %dma_start3A_1332 = arith.constant 0 : i32
    %dma_start3A_1333 = tpu.memref_slice %arg11[%rem3A_826, %dma_start3A_1330, %dma_start3A_1331, %dma_start3A_1332] : memref<2x16x8x64xf32, #tpu.memory_space<vmem>> -> memref<1x1x8x64xf32, #tpu.memory_space<vmem>>
    %dma_start3A_1334 = tpu.memref_squeeze %dma_start3A_1333 : memref<1x1x8x64xf32, #tpu.memory_space<vmem>> -> memref<8x64xf32, #tpu.memory_space<vmem>>
    %dma_start3A_1335 = arith.constant 0 : i32
    %dma_start3A_1336 = arith.constant 0 : i32
    %dma_start3A_1337 = tpu.memref_slice %arg4[%squeeze3A_1329, %dma_start3A_1335, %dma_start3A_1336] : memref<125000x8x64xf32, #tpu.memory_space<hbm>> -> memref<1x8x64xf32, #tpu.memory_space<hbm>>
    %dma_start3A_1338 = tpu.memref_squeeze %dma_start3A_1337 : memref<1x8x64xf32, #tpu.memory_space<hbm>> -> memref<8x64xf32, #tpu.memory_space<hbm>>
    %dma_start3A_1339 = arith.constant 0 : i32
    %dma_start3A_1340 = arith.constant 0 : i32
    %dma_start3A_1341 = tpu.memref_slice %arg11[%rem3A_826, %dma_start3A_1330, %dma_start3A_1339, %dma_start3A_1340] : memref<2x16x8x64xf32, #tpu.memory_space<vmem>> -> memref<1x1x8x64xf32, #tpu.memory_space<vmem>>
    %dma_start3A_1342 = tpu.memref_squeeze %dma_start3A_1341 : memref<1x1x8x64xf32, #tpu.memory_space<vmem>> -> memref<8x64xf32, #tpu.memory_space<vmem>>
    %dma_start3A_1343 = arith.constant 0 : i32
    %dma_start3A_1344 = arith.constant 0 : i32
    %dma_start3A_1345 = tpu.memref_slice %arg4[%squeeze3A_1329, %dma_start3A_1343, %dma_start3A_1344] : memref<125000x8x64xf32, #tpu.memory_space<hbm>> -> memref<1x8x64xf32, #tpu.memory_space<hbm>>
    %dma_start3A_1346 = tpu.memref_squeeze %dma_start3A_1345 : memref<1x8x64xf32, #tpu.memory_space<hbm>> -> memref<8x64xf32, #tpu.memory_space<hbm>>
    tpu.enqueue_dma source(%dma_start3A_1346 : memref<8x64xf32, #tpu.memory_space<hbm>>) target(%dma_start3A_1342 : memref<8x64xf32, #tpu.memory_space<vmem>>) target_semaphore(%arg14 : memref<!tpu.dma_semaphore, #tpu.memory_space<semaphore_mem>>)
    %slice3A_1347 = vector.extract_strided_slice %get3A_836 {offsets = [13], sizes = [1], strides = [1]} : vector<16xi32> to vector<1xi32>
    %squeeze3A_1348 = vector.extract %slice3A_1347[0] : i32 from vector<1xi32>
    %dma_start3A_1349 = arith.constant 13 : i32
    %dma_start3A_1350 = arith.constant 0 : i32
    %dma_start3A_1351 = arith.constant 0 : i32
    %dma_start3A_1352 = tpu.memref_slice %arg12[%rem3A_826, %dma_start3A_1349, %dma_start3A_1350, %dma_start3A_1351] : memref<2x16x8x64xf32, #tpu.memory_space<vmem>> -> memref<1x1x8x64xf32, #tpu.memory_space<vmem>>
    %dma_start3A_1353 = tpu.memref_squeeze %dma_start3A_1352 : memref<1x1x8x64xf32, #tpu.memory_space<vmem>> -> memref<8x64xf32, #tpu.memory_space<vmem>>
    %dma_start3A_1354 = arith.constant 0 : i32
    %dma_start3A_1355 = arith.constant 0 : i32
    %dma_start3A_1356 = tpu.memref_slice %arg5[%squeeze3A_1348, %dma_start3A_1354, %dma_start3A_1355] : memref<125000x8x64xf32, #tpu.memory_space<hbm>> -> memref<1x8x64xf32, #tpu.memory_space<hbm>>
    %dma_start3A_1357 = tpu.memref_squeeze %dma_start3A_1356 : memref<1x8x64xf32, #tpu.memory_space<hbm>> -> memref<8x64xf32, #tpu.memory_space<hbm>>
    %dma_start3A_1358 = arith.constant 0 : i32
    %dma_start3A_1359 = arith.constant 0 : i32
    %dma_start3A_1360 = tpu.memref_slice %arg12[%rem3A_826, %dma_start3A_1349, %dma_start3A_1358, %dma_start3A_1359] : memref<2x16x8x64xf32, #tpu.memory_space<vmem>> -> memref<1x1x8x64xf32, #tpu.memory_space<vmem>>
    %dma_start3A_1361 = tpu.memref_squeeze %dma_start3A_1360 : memref<1x1x8x64xf32, #tpu.memory_space<vmem>> -> memref<8x64xf32, #tpu.memory_space<vmem>>
    %dma_start3A_1362 = arith.constant 0 : i32
    %dma_start3A_1363 = arith.constant 0 : i32
    %dma_start3A_1364 = tpu.memref_slice %arg5[%squeeze3A_1348, %dma_start3A_1362, %dma_start3A_1363] : memref<125000x8x64xf32, #tpu.memory_space<hbm>> -> memref<1x8x64xf32, #tpu.memory_space<hbm>>
    %dma_start3A_1365 = tpu.memref_squeeze %dma_start3A_1364 : memref<1x8x64xf32, #tpu.memory_space<hbm>> -> memref<8x64xf32, #tpu.memory_space<hbm>>
    tpu.enqueue_dma source(%dma_start3A_1365 : memref<8x64xf32, #tpu.memory_space<hbm>>) target(%dma_start3A_1361 : memref<8x64xf32, #tpu.memory_space<vmem>>) target_semaphore(%arg14 : memref<!tpu.dma_semaphore, #tpu.memory_space<semaphore_mem>>)
    %slice3A_1366 = vector.extract_strided_slice %get3A_831 {offsets = [14], sizes = [1], strides = [1]} : vector<16xi32> to vector<1xi32>
    %squeeze3A_1367 = vector.extract %slice3A_1366[0] : i32 from vector<1xi32>
    %dma_start3A_1368 = arith.constant 14 : i32
    %dma_start3A_1369 = arith.constant 0 : i32
    %dma_start3A_1370 = arith.constant 0 : i32
    %dma_start3A_1371 = tpu.memref_slice %arg11[%rem3A_826, %dma_start3A_1368, %dma_start3A_1369, %dma_start3A_1370] : memref<2x16x8x64xf32, #tpu.memory_space<vmem>> -> memref<1x1x8x64xf32, #tpu.memory_space<vmem>>
    %dma_start3A_1372 = tpu.memref_squeeze %dma_start3A_1371 : memref<1x1x8x64xf32, #tpu.memory_space<vmem>> -> memref<8x64xf32, #tpu.memory_space<vmem>>
    %dma_start3A_1373 = arith.constant 0 : i32
    %dma_start3A_1374 = arith.constant 0 : i32
    %dma_start3A_1375 = tpu.memref_slice %arg4[%squeeze3A_1367, %dma_start3A_1373, %dma_start3A_1374] : memref<125000x8x64xf32, #tpu.memory_space<hbm>> -> memref<1x8x64xf32, #tpu.memory_space<hbm>>
    %dma_start3A_1376 = tpu.memref_squeeze %dma_start3A_1375 : memref<1x8x64xf32, #tpu.memory_space<hbm>> -> memref<8x64xf32, #tpu.memory_space<hbm>>
    %dma_start3A_1377 = arith.constant 0 : i32
    %dma_start3A_1378 = arith.constant 0 : i32
    %dma_start3A_1379 = tpu.memref_slice %arg11[%rem3A_826, %dma_start3A_1368, %dma_start3A_1377, %dma_start3A_1378] : memref<2x16x8x64xf32, #tpu.memory_space<vmem>> -> memref<1x1x8x64xf32, #tpu.memory_space<vmem>>
    %dma_start3A_1380 = tpu.memref_squeeze %dma_start3A_1379 : memref<1x1x8x64xf32, #tpu.memory_space<vmem>> -> memref<8x64xf32, #tpu.memory_space<vmem>>
    %dma_start3A_1381 = arith.constant 0 : i32
    %dma_start3A_1382 = arith.constant 0 : i32
    %dma_start3A_1383 = tpu.memref_slice %arg4[%squeeze3A_1367, %dma_start3A_1381, %dma_start3A_1382] : memref<125000x8x64xf32, #tpu.memory_space<hbm>> -> memref<1x8x64xf32, #tpu.memory_space<hbm>>
    %dma_start3A_1384 = tpu.memref_squeeze %dma_start3A_1383 : memref<1x8x64xf32, #tpu.memory_space<hbm>> -> memref<8x64xf32, #tpu.memory_space<hbm>>
    tpu.enqueue_dma source(%dma_start3A_1384 : memref<8x64xf32, #tpu.memory_space<hbm>>) target(%dma_start3A_1380 : memref<8x64xf32, #tpu.memory_space<vmem>>) target_semaphore(%arg14 : memref<!tpu.dma_semaphore, #tpu.memory_space<semaphore_mem>>)
    %slice3A_1385 = vector.extract_strided_slice %get3A_836 {offsets = [14], sizes = [1], strides = [1]} : vector<16xi32> to vector<1xi32>
    %squeeze3A_1386 = vector.extract %slice3A_1385[0] : i32 from vector<1xi32>
    %dma_start3A_1387 = arith.constant 14 : i32
    %dma_start3A_1388 = arith.constant 0 : i32
    %dma_start3A_1389 = arith.constant 0 : i32
    %dma_start3A_1390 = tpu.memref_slice %arg12[%rem3A_826, %dma_start3A_1387, %dma_start3A_1388, %dma_start3A_1389] : memref<2x16x8x64xf32, #tpu.memory_space<vmem>> -> memref<1x1x8x64xf32, #tpu.memory_space<vmem>>
    %dma_start3A_1391 = tpu.memref_squeeze %dma_start3A_1390 : memref<1x1x8x64xf32, #tpu.memory_space<vmem>> -> memref<8x64xf32, #tpu.memory_space<vmem>>
    %dma_start3A_1392 = arith.constant 0 : i32
    %dma_start3A_1393 = arith.constant 0 : i32
    %dma_start3A_1394 = tpu.memref_slice %arg5[%squeeze3A_1386, %dma_start3A_1392, %dma_start3A_1393] : memref<125000x8x64xf32, #tpu.memory_space<hbm>> -> memref<1x8x64xf32, #tpu.memory_space<hbm>>
    %dma_start3A_1395 = tpu.memref_squeeze %dma_start3A_1394 : memref<1x8x64xf32, #tpu.memory_space<hbm>> -> memref<8x64xf32, #tpu.memory_space<hbm>>
    %dma_start3A_1396 = arith.constant 0 : i32
    %dma_start3A_1397 = arith.constant 0 : i32
    %dma_start3A_1398 = tpu.memref_slice %arg12[%rem3A_826, %dma_start3A_1387, %dma_start3A_1396, %dma_start3A_1397] : memref<2x16x8x64xf32, #tpu.memory_space<vmem>> -> memref<1x1x8x64xf32, #tpu.memory_space<vmem>>
    %dma_start3A_1399 = tpu.memref_squeeze %dma_start3A_1398 : memref<1x1x8x64xf32, #tpu.memory_space<vmem>> -> memref<8x64xf32, #tpu.memory_space<vmem>>
    %dma_start3A_1400 = arith.constant 0 : i32
    %dma_start3A_1401 = arith.constant 0 : i32
    %dma_start3A_1402 = tpu.memref_slice %arg5[%squeeze3A_1386, %dma_start3A_1400, %dma_start3A_1401] : memref<125000x8x64xf32, #tpu.memory_space<hbm>> -> memref<1x8x64xf32, #tpu.memory_space<hbm>>
    %dma_start3A_1403 = tpu.memref_squeeze %dma_start3A_1402 : memref<1x8x64xf32, #tpu.memory_space<hbm>> -> memref<8x64xf32, #tpu.memory_space<hbm>>
    tpu.enqueue_dma source(%dma_start3A_1403 : memref<8x64xf32, #tpu.memory_space<hbm>>) target(%dma_start3A_1399 : memref<8x64xf32, #tpu.memory_space<vmem>>) target_semaphore(%arg14 : memref<!tpu.dma_semaphore, #tpu.memory_space<semaphore_mem>>)
    %slice3A_1404 = vector.extract_strided_slice %get3A_831 {offsets = [15], sizes = [1], strides = [1]} : vector<16xi32> to vector<1xi32>
    %squeeze3A_1405 = vector.extract %slice3A_1404[0] : i32 from vector<1xi32>
    %dma_start3A_1406 = arith.constant 15 : i32
    %dma_start3A_1407 = arith.constant 0 : i32
    %dma_start3A_1408 = arith.constant 0 : i32
    %dma_start3A_1409 = tpu.memref_slice %arg11[%rem3A_826, %dma_start3A_1406, %dma_start3A_1407, %dma_start3A_1408] : memref<2x16x8x64xf32, #tpu.memory_space<vmem>> -> memref<1x1x8x64xf32, #tpu.memory_space<vmem>>
    %dma_start3A_1410 = tpu.memref_squeeze %dma_start3A_1409 : memref<1x1x8x64xf32, #tpu.memory_space<vmem>> -> memref<8x64xf32, #tpu.memory_space<vmem>>
    %dma_start3A_1411 = arith.constant 0 : i32
    %dma_start3A_1412 = arith.constant 0 : i32
    %dma_start3A_1413 = tpu.memref_slice %arg4[%squeeze3A_1405, %dma_start3A_1411, %dma_start3A_1412] : memref<125000x8x64xf32, #tpu.memory_space<hbm>> -> memref<1x8x64xf32, #tpu.memory_space<hbm>>
    %dma_start3A_1414 = tpu.memref_squeeze %dma_start3A_1413 : memref<1x8x64xf32, #tpu.memory_space<hbm>> -> memref<8x64xf32, #tpu.memory_space<hbm>>
    %dma_start3A_1415 = arith.constant 0 : i32
    %dma_start3A_1416 = arith.constant 0 : i32
    %dma_start3A_1417 = tpu.memref_slice %arg11[%rem3A_826, %dma_start3A_1406, %dma_start3A_1415, %dma_start3A_1416] : memref<2x16x8x64xf32, #tpu.memory_space<vmem>> -> memref<1x1x8x64xf32, #tpu.memory_space<vmem>>
    %dma_start3A_1418 = tpu.memref_squeeze %dma_start3A_1417 : memref<1x1x8x64xf32, #tpu.memory_space<vmem>> -> memref<8x64xf32, #tpu.memory_space<vmem>>
    %dma_start3A_1419 = arith.constant 0 : i32
    %dma_start3A_1420 = arith.constant 0 : i32
    %dma_start3A_1421 = tpu.memref_slice %arg4[%squeeze3A_1405, %dma_start3A_1419, %dma_start3A_1420] : memref<125000x8x64xf32, #tpu.memory_space<hbm>> -> memref<1x8x64xf32, #tpu.memory_space<hbm>>
    %dma_start3A_1422 = tpu.memref_squeeze %dma_start3A_1421 : memref<1x8x64xf32, #tpu.memory_space<hbm>> -> memref<8x64xf32, #tpu.memory_space<hbm>>
    tpu.enqueue_dma source(%dma_start3A_1422 : memref<8x64xf32, #tpu.memory_space<hbm>>) target(%dma_start3A_1418 : memref<8x64xf32, #tpu.memory_space<vmem>>) target_semaphore(%arg14 : memref<!tpu.dma_semaphore, #tpu.memory_space<semaphore_mem>>)
    %slice3A_1423 = vector.extract_strided_slice %get3A_836 {offsets = [15], sizes = [1], strides = [1]} : vector<16xi32> to vector<1xi32>
    %squeeze3A_1424 = vector.extract %slice3A_1423[0] : i32 from vector<1xi32>
    %dma_start3A_1425 = arith.constant 15 : i32
    %dma_start3A_1426 = arith.constant 0 : i32
    %dma_start3A_1427 = arith.constant 0 : i32
    %dma_start3A_1428 = tpu.memref_slice %arg12[%rem3A_826, %dma_start3A_1425, %dma_start3A_1426, %dma_start3A_1427] : memref<2x16x8x64xf32, #tpu.memory_space<vmem>> -> memref<1x1x8x64xf32, #tpu.memory_space<vmem>>
    %dma_start3A_1429 = tpu.memref_squeeze %dma_start3A_1428 : memref<1x1x8x64xf32, #tpu.memory_space<vmem>> -> memref<8x64xf32, #tpu.memory_space<vmem>>
    %dma_start3A_1430 = arith.constant 0 : i32
    %dma_start3A_1431 = arith.constant 0 : i32
    %dma_start3A_1432 = tpu.memref_slice %arg5[%squeeze3A_1424, %dma_start3A_1430, %dma_start3A_1431] : memref<125000x8x64xf32, #tpu.memory_space<hbm>> -> memref<1x8x64xf32, #tpu.memory_space<hbm>>
    %dma_start3A_1433 = tpu.memref_squeeze %dma_start3A_1432 : memref<1x8x64xf32, #tpu.memory_space<hbm>> -> memref<8x64xf32, #tpu.memory_space<hbm>>
    %dma_start3A_1434 = arith.constant 0 : i32
    %dma_start3A_1435 = arith.constant 0 : i32
    %dma_start3A_1436 = tpu.memref_slice %arg12[%rem3A_826, %dma_start3A_1425, %dma_start3A_1434, %dma_start3A_1435] : memref<2x16x8x64xf32, #tpu.memory_space<vmem>> -> memref<1x1x8x64xf32, #tpu.memory_space<vmem>>
    %dma_start3A_1437 = tpu.memref_squeeze %dma_start3A_1436 : memref<1x1x8x64xf32, #tpu.memory_space<vmem>> -> memref<8x64xf32, #tpu.memory_space<vmem>>
    %dma_start3A_1438 = arith.constant 0 : i32
    %dma_start3A_1439 = arith.constant 0 : i32
    %dma_start3A_1440 = tpu.memref_slice %arg5[%squeeze3A_1424, %dma_start3A_1438, %dma_start3A_1439] : memref<125000x8x64xf32, #tpu.memory_space<hbm>> -> memref<1x8x64xf32, #tpu.memory_space<hbm>>
    %dma_start3A_1441 = tpu.memref_squeeze %dma_start3A_1440 : memref<1x8x64xf32, #tpu.memory_space<hbm>> -> memref<8x64xf32, #tpu.memory_space<hbm>>
    tpu.enqueue_dma source(%dma_start3A_1441 : memref<8x64xf32, #tpu.memory_space<hbm>>) target(%dma_start3A_1437 : memref<8x64xf32, #tpu.memory_space<vmem>>) target_semaphore(%arg14 : memref<!tpu.dma_semaphore, #tpu.memory_space<semaphore_mem>>)
    %scan3A = arith.constant 0 : i32
    %scan3A_1442 = arith.constant 0 : i32
    %scan3A_1443 = arith.constant 32 : i32
    %scan3A_1444 = arith.addi %scan3A_1442, %scan3A_1443 : i32
    %scan3A_1445 = arith.constant 1 : i32
    scf.for %scan3A_1447 = %scan3A_1442 to %scan3A_1444 step %scan3A_1445  : i32 {
      %add3A_1448 = arith.constant 1 : i32
      %add3A_1449 = arith.addi %scan3A_1447, %add3A_1448 : i32
      %lt3A = arith.constant 32 : i32
      %lt3A_1450 = arith.cmpi slt, %add3A_1449, %lt3A : i32
      %convert_element_type3A = arith.extui %lt3A_1450 : i1 to i32
      %cond3A = arith.constant 0 : i32
      %cond3A_1451 = arith.cmpi ne, %convert_element_type3A, %cond3A : i32
      scf.if %cond3A_1451 {
        %add3A_2933 = arith.constant 1 : i32
        %add3A_2934 = arith.addi %scan3A_1447, %add3A_2933 : i32
        %rem3A_2935 = arith.constant 2 : i32
        %rem3A_2936 = arith.remsi %add3A_2934, %rem3A_2935 : i32
        %get3A_2937 = arith.index_cast %add3A_2934 : i32 to index
        %get3A_2938 = arith.constant 0 : index
        %get3A_2939 = tpu.vector_load %arg9[%get3A_2937, %get3A_2938] {strides = array<i32>} : memref<32x16xi32, #tpu.memory_space<vmem>>, vector<1x16xi32>,
        %get3A_2940 = vector.shape_cast %get3A_2939 : vector<1x16xi32> to vector<16xi32>
        %get3A_2941 = arith.index_cast %add3A_2934 : i32 to index
        %get3A_2942 = arith.constant 0 : index
        %get3A_2943 = tpu.vector_load %arg10[%get3A_2941, %get3A_2942] {strides = array<i32>} : memref<32x16xi32, #tpu.memory_space<vmem>>, vector<1x16xi32>,
        %get3A_2944 = vector.shape_cast %get3A_2943 : vector<1x16xi32> to vector<16xi32>
        %slice3A_2945 = vector.extract_strided_slice %get3A_2940 {offsets = [0], sizes = [1], strides = [1]} : vector<16xi32> to vector<1xi32>
        %squeeze3A_2946 = vector.extract %slice3A_2945[0] : i32 from vector<1xi32>
        %dma_start3A_2947 = arith.constant 0 : i32
        %dma_start3A_2948 = arith.constant 0 : i32
        %dma_start3A_2949 = arith.constant 0 : i32
        %dma_start3A_2950 = tpu.memref_slice %arg11[%rem3A_2936, %dma_start3A_2947, %dma_start3A_2948, %dma_start3A_2949] : memref<2x16x8x64xf32, #tpu.memory_space<vmem>> -> memref<1x1x8x64xf32, #tpu.memory_space<vmem>>
        %dma_start3A_2951 = tpu.memref_squeeze %dma_start3A_2950 : memref<1x1x8x64xf32, #tpu.memory_space<vmem>> -> memref<8x64xf32, #tpu.memory_space<vmem>>
        %dma_start3A_2952 = arith.constant 0 : i32
        %dma_start3A_2953 = arith.constant 0 : i32
        %dma_start3A_2954 = tpu.memref_slice %arg4[%squeeze3A_2946, %dma_start3A_2952, %dma_start3A_2953] : memref<125000x8x64xf32, #tpu.memory_space<hbm>> -> memref<1x8x64xf32, #tpu.memory_space<hbm>>
        %dma_start3A_2955 = tpu.memref_squeeze %dma_start3A_2954 : memref<1x8x64xf32, #tpu.memory_space<hbm>> -> memref<8x64xf32, #tpu.memory_space<hbm>>
        %dma_start3A_2956 = arith.constant 0 : i32
        %dma_start3A_2957 = arith.constant 0 : i32
        %dma_start3A_2958 = tpu.memref_slice %arg11[%rem3A_2936, %dma_start3A_2947, %dma_start3A_2956, %dma_start3A_2957] : memref<2x16x8x64xf32, #tpu.memory_space<vmem>> -> memref<1x1x8x64xf32, #tpu.memory_space<vmem>>
        %dma_start3A_2959 = tpu.memref_squeeze %dma_start3A_2958 : memref<1x1x8x64xf32, #tpu.memory_space<vmem>> -> memref<8x64xf32, #tpu.memory_space<vmem>>
        %dma_start3A_2960 = arith.constant 0 : i32
        %dma_start3A_2961 = arith.constant 0 : i32
        %dma_start3A_2962 = tpu.memref_slice %arg4[%squeeze3A_2946, %dma_start3A_2960, %dma_start3A_2961] : memref<125000x8x64xf32, #tpu.memory_space<hbm>> -> memref<1x8x64xf32, #tpu.memory_space<hbm>>
        %dma_start3A_2963 = tpu.memref_squeeze %dma_start3A_2962 : memref<1x8x64xf32, #tpu.memory_space<hbm>> -> memref<8x64xf32, #tpu.memory_space<hbm>>
        tpu.enqueue_dma source(%dma_start3A_2963 : memref<8x64xf32, #tpu.memory_space<hbm>>) target(%dma_start3A_2959 : memref<8x64xf32, #tpu.memory_space<vmem>>) target_semaphore(%arg14 : memref<!tpu.dma_semaphore, #tpu.memory_space<semaphore_mem>>)
        %slice3A_2964 = vector.extract_strided_slice %get3A_2944 {offsets = [0], sizes = [1], strides = [1]} : vector<16xi32> to vector<1xi32>
        %squeeze3A_2965 = vector.extract %slice3A_2964[0] : i32 from vector<1xi32>
        %dma_start3A_2966 = arith.constant 0 : i32
        %dma_start3A_2967 = arith.constant 0 : i32
        %dma_start3A_2968 = arith.constant 0 : i32
        %dma_start3A_2969 = tpu.memref_slice %arg12[%rem3A_2936, %dma_start3A_2966, %dma_start3A_2967, %dma_start3A_2968] : memref<2x16x8x64xf32, #tpu.memory_space<vmem>> -> memref<1x1x8x64xf32, #tpu.memory_space<vmem>>
        %dma_start3A_2970 = tpu.memref_squeeze %dma_start3A_2969 : memref<1x1x8x64xf32, #tpu.memory_space<vmem>> -> memref<8x64xf32, #tpu.memory_space<vmem>>
        %dma_start3A_2971 = arith.constant 0 : i32
        %dma_start3A_2972 = arith.constant 0 : i32
        %dma_start3A_2973 = tpu.memref_slice %arg5[%squeeze3A_2965, %dma_start3A_2971, %dma_start3A_2972] : memref<125000x8x64xf32, #tpu.memory_space<hbm>> -> memref<1x8x64xf32, #tpu.memory_space<hbm>>
        %dma_start3A_2974 = tpu.memref_squeeze %dma_start3A_2973 : memref<1x8x64xf32, #tpu.memory_space<hbm>> -> memref<8x64xf32, #tpu.memory_space<hbm>>
        %dma_start3A_2975 = arith.constant 0 : i32
        %dma_start3A_2976 = arith.constant 0 : i32
        %dma_start3A_2977 = tpu.memref_slice %arg12[%rem3A_2936, %dma_start3A_2966, %dma_start3A_2975, %dma_start3A_2976] : memref<2x16x8x64xf32, #tpu.memory_space<vmem>> -> memref<1x1x8x64xf32, #tpu.memory_space<vmem>>
        %dma_start3A_2978 = tpu.memref_squeeze %dma_start3A_2977 : memref<1x1x8x64xf32, #tpu.memory_space<vmem>> -> memref<8x64xf32, #tpu.memory_space<vmem>>
        %dma_start3A_2979 = arith.constant 0 : i32
        %dma_start3A_2980 = arith.constant 0 : i32
        %dma_start3A_2981 = tpu.memref_slice %arg5[%squeeze3A_2965, %dma_start3A_2979, %dma_start3A_2980] : memref<125000x8x64xf32, #tpu.memory_space<hbm>> -> memref<1x8x64xf32, #tpu.memory_space<hbm>>
        %dma_start3A_2982 = tpu.memref_squeeze %dma_start3A_2981 : memref<1x8x64xf32, #tpu.memory_space<hbm>> -> memref<8x64xf32, #tpu.memory_space<hbm>>
        tpu.enqueue_dma source(%dma_start3A_2982 : memref<8x64xf32, #tpu.memory_space<hbm>>) target(%dma_start3A_2978 : memref<8x64xf32, #tpu.memory_space<vmem>>) target_semaphore(%arg14 : memref<!tpu.dma_semaphore, #tpu.memory_space<semaphore_mem>>)
        %slice3A_2983 = vector.extract_strided_slice %get3A_2940 {offsets = [1], sizes = [1], strides = [1]} : vector<16xi32> to vector<1xi32>
        %squeeze3A_2984 = vector.extract %slice3A_2983[0] : i32 from vector<1xi32>
        %dma_start3A_2985 = arith.constant 1 : i32
        %dma_start3A_2986 = arith.constant 0 : i32
        %dma_start3A_2987 = arith.constant 0 : i32
        %dma_start3A_2988 = tpu.memref_slice %arg11[%rem3A_2936, %dma_start3A_2985, %dma_start3A_2986, %dma_start3A_2987] : memref<2x16x8x64xf32, #tpu.memory_space<vmem>> -> memref<1x1x8x64xf32, #tpu.memory_space<vmem>>
        %dma_start3A_2989 = tpu.memref_squeeze %dma_start3A_2988 : memref<1x1x8x64xf32, #tpu.memory_space<vmem>> -> memref<8x64xf32, #tpu.memory_space<vmem>>
        %dma_start3A_2990 = arith.constant 0 : i32
        %dma_start3A_2991 = arith.constant 0 : i32
        %dma_start3A_2992 = tpu.memref_slice %arg4[%squeeze3A_2984, %dma_start3A_2990, %dma_start3A_2991] : memref<125000x8x64xf32, #tpu.memory_space<hbm>> -> memref<1x8x64xf32, #tpu.memory_space<hbm>>
        %dma_start3A_2993 = tpu.memref_squeeze %dma_start3A_2992 : memref<1x8x64xf32, #tpu.memory_space<hbm>> -> memref<8x64xf32, #tpu.memory_space<hbm>>
        %dma_start3A_2994 = arith.constant 0 : i32
        %dma_start3A_2995 = arith.constant 0 : i32
        %dma_start3A_2996 = tpu.memref_slice %arg11[%rem3A_2936, %dma_start3A_2985, %dma_start3A_2994, %dma_start3A_2995] : memref<2x16x8x64xf32, #tpu.memory_space<vmem>> -> memref<1x1x8x64xf32, #tpu.memory_space<vmem>>
        %dma_start3A_2997 = tpu.memref_squeeze %dma_start3A_2996 : memref<1x1x8x64xf32, #tpu.memory_space<vmem>> -> memref<8x64xf32, #tpu.memory_space<vmem>>
        %dma_start3A_2998 = arith.constant 0 : i32
        %dma_start3A_2999 = arith.constant 0 : i32
        %dma_start3A_3000 = tpu.memref_slice %arg4[%squeeze3A_2984, %dma_start3A_2998, %dma_start3A_2999] : memref<125000x8x64xf32, #tpu.memory_space<hbm>> -> memref<1x8x64xf32, #tpu.memory_space<hbm>>
        %dma_start3A_3001 = tpu.memref_squeeze %dma_start3A_3000 : memref<1x8x64xf32, #tpu.memory_space<hbm>> -> memref<8x64xf32, #tpu.memory_space<hbm>>
        tpu.enqueue_dma source(%dma_start3A_3001 : memref<8x64xf32, #tpu.memory_space<hbm>>) target(%dma_start3A_2997 : memref<8x64xf32, #tpu.memory_space<vmem>>) target_semaphore(%arg14 : memref<!tpu.dma_semaphore, #tpu.memory_space<semaphore_mem>>)
        %slice3A_3002 = vector.extract_strided_slice %get3A_2944 {offsets = [1], sizes = [1], strides = [1]} : vector<16xi32> to vector<1xi32>
        %squeeze3A_3003 = vector.extract %slice3A_3002[0] : i32 from vector<1xi32>
        %dma_start3A_3004 = arith.constant 1 : i32
        %dma_start3A_3005 = arith.constant 0 : i32
        %dma_start3A_3006 = arith.constant 0 : i32
        %dma_start3A_3007 = tpu.memref_slice %arg12[%rem3A_2936, %dma_start3A_3004, %dma_start3A_3005, %dma_start3A_3006] : memref<2x16x8x64xf32, #tpu.memory_space<vmem>> -> memref<1x1x8x64xf32, #tpu.memory_space<vmem>>
        %dma_start3A_3008 = tpu.memref_squeeze %dma_start3A_3007 : memref<1x1x8x64xf32, #tpu.memory_space<vmem>> -> memref<8x64xf32, #tpu.memory_space<vmem>>
        %dma_start3A_3009 = arith.constant 0 : i32
        %dma_start3A_3010 = arith.constant 0 : i32
        %dma_start3A_3011 = tpu.memref_slice %arg5[%squeeze3A_3003, %dma_start3A_3009, %dma_start3A_3010] : memref<125000x8x64xf32, #tpu.memory_space<hbm>> -> memref<1x8x64xf32, #tpu.memory_space<hbm>>
        %dma_start3A_3012 = tpu.memref_squeeze %dma_start3A_3011 : memref<1x8x64xf32, #tpu.memory_space<hbm>> -> memref<8x64xf32, #tpu.memory_space<hbm>>
        %dma_start3A_3013 = arith.constant 0 : i32
        %dma_start3A_3014 = arith.constant 0 : i32
        %dma_start3A_3015 = tpu.memref_slice %arg12[%rem3A_2936, %dma_start3A_3004, %dma_start3A_3013, %dma_start3A_3014] : memref<2x16x8x64xf32, #tpu.memory_space<vmem>> -> memref<1x1x8x64xf32, #tpu.memory_space<vmem>>
        %dma_start3A_3016 = tpu.memref_squeeze %dma_start3A_3015 : memref<1x1x8x64xf32, #tpu.memory_space<vmem>> -> memref<8x64xf32, #tpu.memory_space<vmem>>
        %dma_start3A_3017 = arith.constant 0 : i32
        %dma_start3A_3018 = arith.constant 0 : i32
        %dma_start3A_3019 = tpu.memref_slice %arg5[%squeeze3A_3003, %dma_start3A_3017, %dma_start3A_3018] : memref<125000x8x64xf32, #tpu.memory_space<hbm>> -> memref<1x8x64xf32, #tpu.memory_space<hbm>>
        %dma_start3A_3020 = tpu.memref_squeeze %dma_start3A_3019 : memref<1x8x64xf32, #tpu.memory_space<hbm>> -> memref<8x64xf32, #tpu.memory_space<hbm>>
        tpu.enqueue_dma source(%dma_start3A_3020 : memref<8x64xf32, #tpu.memory_space<hbm>>) target(%dma_start3A_3016 : memref<8x64xf32, #tpu.memory_space<vmem>>) target_semaphore(%arg14 : memref<!tpu.dma_semaphore, #tpu.memory_space<semaphore_mem>>)
        %slice3A_3021 = vector.extract_strided_slice %get3A_2940 {offsets = [2], sizes = [1], strides = [1]} : vector<16xi32> to vector<1xi32>
        %squeeze3A_3022 = vector.extract %slice3A_3021[0] : i32 from vector<1xi32>
        %dma_start3A_3023 = arith.constant 2 : i32
        %dma_start3A_3024 = arith.constant 0 : i32
        %dma_start3A_3025 = arith.constant 0 : i32
        %dma_start3A_3026 = tpu.memref_slice %arg11[%rem3A_2936, %dma_start3A_3023, %dma_start3A_3024, %dma_start3A_3025] : memref<2x16x8x64xf32, #tpu.memory_space<vmem>> -> memref<1x1x8x64xf32, #tpu.memory_space<vmem>>
        %dma_start3A_3027 = tpu.memref_squeeze %dma_start3A_3026 : memref<1x1x8x64xf32, #tpu.memory_space<vmem>> -> memref<8x64xf32, #tpu.memory_space<vmem>>
        %dma_start3A_3028 = arith.constant 0 : i32
        %dma_start3A_3029 = arith.constant 0 : i32
        %dma_start3A_3030 = tpu.memref_slice %arg4[%squeeze3A_3022, %dma_start3A_3028, %dma_start3A_3029] : memref<125000x8x64xf32, #tpu.memory_space<hbm>> -> memref<1x8x64xf32, #tpu.memory_space<hbm>>
        %dma_start3A_3031 = tpu.memref_squeeze %dma_start3A_3030 : memref<1x8x64xf32, #tpu.memory_space<hbm>> -> memref<8x64xf32, #tpu.memory_space<hbm>>
        %dma_start3A_3032 = arith.constant 0 : i32
        %dma_start3A_3033 = arith.constant 0 : i32
        %dma_start3A_3034 = tpu.memref_slice %arg11[%rem3A_2936, %dma_start3A_3023, %dma_start3A_3032, %dma_start3A_3033] : memref<2x16x8x64xf32, #tpu.memory_space<vmem>> -> memref<1x1x8x64xf32, #tpu.memory_space<vmem>>
        %dma_start3A_3035 = tpu.memref_squeeze %dma_start3A_3034 : memref<1x1x8x64xf32, #tpu.memory_space<vmem>> -> memref<8x64xf32, #tpu.memory_space<vmem>>
        %dma_start3A_3036 = arith.constant 0 : i32
        %dma_start3A_3037 = arith.constant 0 : i32
        %dma_start3A_3038 = tpu.memref_slice %arg4[%squeeze3A_3022, %dma_start3A_3036, %dma_start3A_3037] : memref<125000x8x64xf32, #tpu.memory_space<hbm>> -> memref<1x8x64xf32, #tpu.memory_space<hbm>>
        %dma_start3A_3039 = tpu.memref_squeeze %dma_start3A_3038 : memref<1x8x64xf32, #tpu.memory_space<hbm>> -> memref<8x64xf32, #tpu.memory_space<hbm>>
        tpu.enqueue_dma source(%dma_start3A_3039 : memref<8x64xf32, #tpu.memory_space<hbm>>) target(%dma_start3A_3035 : memref<8x64xf32, #tpu.memory_space<vmem>>) target_semaphore(%arg14 : memref<!tpu.dma_semaphore, #tpu.memory_space<semaphore_mem>>)
        %slice3A_3040 = vector.extract_strided_slice %get3A_2944 {offsets = [2], sizes = [1], strides = [1]} : vector<16xi32> to vector<1xi32>
        %squeeze3A_3041 = vector.extract %slice3A_3040[0] : i32 from vector<1xi32>
        %dma_start3A_3042 = arith.constant 2 : i32
        %dma_start3A_3043 = arith.constant 0 : i32
        %dma_start3A_3044 = arith.constant 0 : i32
        %dma_start3A_3045 = tpu.memref_slice %arg12[%rem3A_2936, %dma_start3A_3042, %dma_start3A_3043, %dma_start3A_3044] : memref<2x16x8x64xf32, #tpu.memory_space<vmem>> -> memref<1x1x8x64xf32, #tpu.memory_space<vmem>>
        %dma_start3A_3046 = tpu.memref_squeeze %dma_start3A_3045 : memref<1x1x8x64xf32, #tpu.memory_space<vmem>> -> memref<8x64xf32, #tpu.memory_space<vmem>>
        %dma_start3A_3047 = arith.constant 0 : i32
        %dma_start3A_3048 = arith.constant 0 : i32
        %dma_start3A_3049 = tpu.memref_slice %arg5[%squeeze3A_3041, %dma_start3A_3047, %dma_start3A_3048] : memref<125000x8x64xf32, #tpu.memory_space<hbm>> -> memref<1x8x64xf32, #tpu.memory_space<hbm>>
        %dma_start3A_3050 = tpu.memref_squeeze %dma_start3A_3049 : memref<1x8x64xf32, #tpu.memory_space<hbm>> -> memref<8x64xf32, #tpu.memory_space<hbm>>
        %dma_start3A_3051 = arith.constant 0 : i32
        %dma_start3A_3052 = arith.constant 0 : i32
        %dma_start3A_3053 = tpu.memref_slice %arg12[%rem3A_2936, %dma_start3A_3042, %dma_start3A_3051, %dma_start3A_3052] : memref<2x16x8x64xf32, #tpu.memory_space<vmem>> -> memref<1x1x8x64xf32, #tpu.memory_space<vmem>>
        %dma_start3A_3054 = tpu.memref_squeeze %dma_start3A_3053 : memref<1x1x8x64xf32, #tpu.memory_space<vmem>> -> memref<8x64xf32, #tpu.memory_space<vmem>>
        %dma_start3A_3055 = arith.constant 0 : i32
        %dma_start3A_3056 = arith.constant 0 : i32
        %dma_start3A_3057 = tpu.memref_slice %arg5[%squeeze3A_3041, %dma_start3A_3055, %dma_start3A_3056] : memref<125000x8x64xf32, #tpu.memory_space<hbm>> -> memref<1x8x64xf32, #tpu.memory_space<hbm>>
        %dma_start3A_3058 = tpu.memref_squeeze %dma_start3A_3057 : memref<1x8x64xf32, #tpu.memory_space<hbm>> -> memref<8x64xf32, #tpu.memory_space<hbm>>
        tpu.enqueue_dma source(%dma_start3A_3058 : memref<8x64xf32, #tpu.memory_space<hbm>>) target(%dma_start3A_3054 : memref<8x64xf32, #tpu.memory_space<vmem>>) target_semaphore(%arg14 : memref<!tpu.dma_semaphore, #tpu.memory_space<semaphore_mem>>)
        %slice3A_3059 = vector.extract_strided_slice %get3A_2940 {offsets = [3], sizes = [1], strides = [1]} : vector<16xi32> to vector<1xi32>
        %squeeze3A_3060 = vector.extract %slice3A_3059[0] : i32 from vector<1xi32>
        %dma_start3A_3061 = arith.constant 3 : i32
        %dma_start3A_3062 = arith.constant 0 : i32
        %dma_start3A_3063 = arith.constant 0 : i32
        %dma_start3A_3064 = tpu.memref_slice %arg11[%rem3A_2936, %dma_start3A_3061, %dma_start3A_3062, %dma_start3A_3063] : memref<2x16x8x64xf32, #tpu.memory_space<vmem>> -> memref<1x1x8x64xf32, #tpu.memory_space<vmem>>
        %dma_start3A_3065 = tpu.memref_squeeze %dma_start3A_3064 : memref<1x1x8x64xf32, #tpu.memory_space<vmem>> -> memref<8x64xf32, #tpu.memory_space<vmem>>
        %dma_start3A_3066 = arith.constant 0 : i32
        %dma_start3A_3067 = arith.constant 0 : i32
        %dma_start3A_3068 = tpu.memref_slice %arg4[%squeeze3A_3060, %dma_start3A_3066, %dma_start3A_3067] : memref<125000x8x64xf32, #tpu.memory_space<hbm>> -> memref<1x8x64xf32, #tpu.memory_space<hbm>>
        %dma_start3A_3069 = tpu.memref_squeeze %dma_start3A_3068 : memref<1x8x64xf32, #tpu.memory_space<hbm>> -> memref<8x64xf32, #tpu.memory_space<hbm>>
        %dma_start3A_3070 = arith.constant 0 : i32
        %dma_start3A_3071 = arith.constant 0 : i32
        %dma_start3A_3072 = tpu.memref_slice %arg11[%rem3A_2936, %dma_start3A_3061, %dma_start3A_3070, %dma_start3A_3071] : memref<2x16x8x64xf32, #tpu.memory_space<vmem>> -> memref<1x1x8x64xf32, #tpu.memory_space<vmem>>
        %dma_start3A_3073 = tpu.memref_squeeze %dma_start3A_3072 : memref<1x1x8x64xf32, #tpu.memory_space<vmem>> -> memref<8x64xf32, #tpu.memory_space<vmem>>
        %dma_start3A_3074 = arith.constant 0 : i32
        %dma_start3A_3075 = arith.constant 0 : i32
        %dma_start3A_3076 = tpu.memref_slice %arg4[%squeeze3A_3060, %dma_start3A_3074, %dma_start3A_3075] : memref<125000x8x64xf32, #tpu.memory_space<hbm>> -> memref<1x8x64xf32, #tpu.memory_space<hbm>>
        %dma_start3A_3077 = tpu.memref_squeeze %dma_start3A_3076 : memref<1x8x64xf32, #tpu.memory_space<hbm>> -> memref<8x64xf32, #tpu.memory_space<hbm>>
        tpu.enqueue_dma source(%dma_start3A_3077 : memref<8x64xf32, #tpu.memory_space<hbm>>) target(%dma_start3A_3073 : memref<8x64xf32, #tpu.memory_space<vmem>>) target_semaphore(%arg14 : memref<!tpu.dma_semaphore, #tpu.memory_space<semaphore_mem>>)
        %slice3A_3078 = vector.extract_strided_slice %get3A_2944 {offsets = [3], sizes = [1], strides = [1]} : vector<16xi32> to vector<1xi32>
        %squeeze3A_3079 = vector.extract %slice3A_3078[0] : i32 from vector<1xi32>
        %dma_start3A_3080 = arith.constant 3 : i32
        %dma_start3A_3081 = arith.constant 0 : i32
        %dma_start3A_3082 = arith.constant 0 : i32
        %dma_start3A_3083 = tpu.memref_slice %arg12[%rem3A_2936, %dma_start3A_3080, %dma_start3A_3081, %dma_start3A_3082] : memref<2x16x8x64xf32, #tpu.memory_space<vmem>> -> memref<1x1x8x64xf32, #tpu.memory_space<vmem>>
        %dma_start3A_3084 = tpu.memref_squeeze %dma_start3A_3083 : memref<1x1x8x64xf32, #tpu.memory_space<vmem>> -> memref<8x64xf32, #tpu.memory_space<vmem>>
        %dma_start3A_3085 = arith.constant 0 : i32
        %dma_start3A_3086 = arith.constant 0 : i32
        %dma_start3A_3087 = tpu.memref_slice %arg5[%squeeze3A_3079, %dma_start3A_3085, %dma_start3A_3086] : memref<125000x8x64xf32, #tpu.memory_space<hbm>> -> memref<1x8x64xf32, #tpu.memory_space<hbm>>
        %dma_start3A_3088 = tpu.memref_squeeze %dma_start3A_3087 : memref<1x8x64xf32, #tpu.memory_space<hbm>> -> memref<8x64xf32, #tpu.memory_space<hbm>>
        %dma_start3A_3089 = arith.constant 0 : i32
        %dma_start3A_3090 = arith.constant 0 : i32
        %dma_start3A_3091 = tpu.memref_slice %arg12[%rem3A_2936, %dma_start3A_3080, %dma_start3A_3089, %dma_start3A_3090] : memref<2x16x8x64xf32, #tpu.memory_space<vmem>> -> memref<1x1x8x64xf32, #tpu.memory_space<vmem>>
        %dma_start3A_3092 = tpu.memref_squeeze %dma_start3A_3091 : memref<1x1x8x64xf32, #tpu.memory_space<vmem>> -> memref<8x64xf32, #tpu.memory_space<vmem>>
        %dma_start3A_3093 = arith.constant 0 : i32
        %dma_start3A_3094 = arith.constant 0 : i32
        %dma_start3A_3095 = tpu.memref_slice %arg5[%squeeze3A_3079, %dma_start3A_3093, %dma_start3A_3094] : memref<125000x8x64xf32, #tpu.memory_space<hbm>> -> memref<1x8x64xf32, #tpu.memory_space<hbm>>
        %dma_start3A_3096 = tpu.memref_squeeze %dma_start3A_3095 : memref<1x8x64xf32, #tpu.memory_space<hbm>> -> memref<8x64xf32, #tpu.memory_space<hbm>>
        tpu.enqueue_dma source(%dma_start3A_3096 : memref<8x64xf32, #tpu.memory_space<hbm>>) target(%dma_start3A_3092 : memref<8x64xf32, #tpu.memory_space<vmem>>) target_semaphore(%arg14 : memref<!tpu.dma_semaphore, #tpu.memory_space<semaphore_mem>>)
        %slice3A_3097 = vector.extract_strided_slice %get3A_2940 {offsets = [4], sizes = [1], strides = [1]} : vector<16xi32> to vector<1xi32>
        %squeeze3A_3098 = vector.extract %slice3A_3097[0] : i32 from vector<1xi32>
        %dma_start3A_3099 = arith.constant 4 : i32
        %dma_start3A_3100 = arith.constant 0 : i32
        %dma_start3A_3101 = arith.constant 0 : i32
        %dma_start3A_3102 = tpu.memref_slice %arg11[%rem3A_2936, %dma_start3A_3099, %dma_start3A_3100, %dma_start3A_3101] : memref<2x16x8x64xf32, #tpu.memory_space<vmem>> -> memref<1x1x8x64xf32, #tpu.memory_space<vmem>>
        %dma_start3A_3103 = tpu.memref_squeeze %dma_start3A_3102 : memref<1x1x8x64xf32, #tpu.memory_space<vmem>> -> memref<8x64xf32, #tpu.memory_space<vmem>>
        %dma_start3A_3104 = arith.constant 0 : i32
        %dma_start3A_3105 = arith.constant 0 : i32
        %dma_start3A_3106 = tpu.memref_slice %arg4[%squeeze3A_3098, %dma_start3A_3104, %dma_start3A_3105] : memref<125000x8x64xf32, #tpu.memory_space<hbm>> -> memref<1x8x64xf32, #tpu.memory_space<hbm>>
        %dma_start3A_3107 = tpu.memref_squeeze %dma_start3A_3106 : memref<1x8x64xf32, #tpu.memory_space<hbm>> -> memref<8x64xf32, #tpu.memory_space<hbm>>
        %dma_start3A_3108 = arith.constant 0 : i32
        %dma_start3A_3109 = arith.constant 0 : i32
        %dma_start3A_3110 = tpu.memref_slice %arg11[%rem3A_2936, %dma_start3A_3099, %dma_start3A_3108, %dma_start3A_3109] : memref<2x16x8x64xf32, #tpu.memory_space<vmem>> -> memref<1x1x8x64xf32, #tpu.memory_space<vmem>>
        %dma_start3A_3111 = tpu.memref_squeeze %dma_start3A_3110 : memref<1x1x8x64xf32, #tpu.memory_space<vmem>> -> memref<8x64xf32, #tpu.memory_space<vmem>>
        %dma_start3A_3112 = arith.constant 0 : i32
        %dma_start3A_3113 = arith.constant 0 : i32
        %dma_start3A_3114 = tpu.memref_slice %arg4[%squeeze3A_3098, %dma_start3A_3112, %dma_start3A_3113] : memref<125000x8x64xf32, #tpu.memory_space<hbm>> -> memref<1x8x64xf32, #tpu.memory_space<hbm>>
        %dma_start3A_3115 = tpu.memref_squeeze %dma_start3A_3114 : memref<1x8x64xf32, #tpu.memory_space<hbm>> -> memref<8x64xf32, #tpu.memory_space<hbm>>
        tpu.enqueue_dma source(%dma_start3A_3115 : memref<8x64xf32, #tpu.memory_space<hbm>>) target(%dma_start3A_3111 : memref<8x64xf32, #tpu.memory_space<vmem>>) target_semaphore(%arg14 : memref<!tpu.dma_semaphore, #tpu.memory_space<semaphore_mem>>)
        %slice3A_3116 = vector.extract_strided_slice %get3A_2944 {offsets = [4], sizes = [1], strides = [1]} : vector<16xi32> to vector<1xi32>
        %squeeze3A_3117 = vector.extract %slice3A_3116[0] : i32 from vector<1xi32>
        %dma_start3A_3118 = arith.constant 4 : i32
        %dma_start3A_3119 = arith.constant 0 : i32
        %dma_start3A_3120 = arith.constant 0 : i32
        %dma_start3A_3121 = tpu.memref_slice %arg12[%rem3A_2936, %dma_start3A_3118, %dma_start3A_3119, %dma_start3A_3120] : memref<2x16x8x64xf32, #tpu.memory_space<vmem>> -> memref<1x1x8x64xf32, #tpu.memory_space<vmem>>
        %dma_start3A_3122 = tpu.memref_squeeze %dma_start3A_3121 : memref<1x1x8x64xf32, #tpu.memory_space<vmem>> -> memref<8x64xf32, #tpu.memory_space<vmem>>
        %dma_start3A_3123 = arith.constant 0 : i32
        %dma_start3A_3124 = arith.constant 0 : i32
        %dma_start3A_3125 = tpu.memref_slice %arg5[%squeeze3A_3117, %dma_start3A_3123, %dma_start3A_3124] : memref<125000x8x64xf32, #tpu.memory_space<hbm>> -> memref<1x8x64xf32, #tpu.memory_space<hbm>>
        %dma_start3A_3126 = tpu.memref_squeeze %dma_start3A_3125 : memref<1x8x64xf32, #tpu.memory_space<hbm>> -> memref<8x64xf32, #tpu.memory_space<hbm>>
        %dma_start3A_3127 = arith.constant 0 : i32
        %dma_start3A_3128 = arith.constant 0 : i32
        %dma_start3A_3129 = tpu.memref_slice %arg12[%rem3A_2936, %dma_start3A_3118, %dma_start3A_3127, %dma_start3A_3128] : memref<2x16x8x64xf32, #tpu.memory_space<vmem>> -> memref<1x1x8x64xf32, #tpu.memory_space<vmem>>
        %dma_start3A_3130 = tpu.memref_squeeze %dma_start3A_3129 : memref<1x1x8x64xf32, #tpu.memory_space<vmem>> -> memref<8x64xf32, #tpu.memory_space<vmem>>
        %dma_start3A_3131 = arith.constant 0 : i32
        %dma_start3A_3132 = arith.constant 0 : i32
        %dma_start3A_3133 = tpu.memref_slice %arg5[%squeeze3A_3117, %dma_start3A_3131, %dma_start3A_3132] : memref<125000x8x64xf32, #tpu.memory_space<hbm>> -> memref<1x8x64xf32, #tpu.memory_space<hbm>>
        %dma_start3A_3134 = tpu.memref_squeeze %dma_start3A_3133 : memref<1x8x64xf32, #tpu.memory_space<hbm>> -> memref<8x64xf32, #tpu.memory_space<hbm>>
        tpu.enqueue_dma source(%dma_start3A_3134 : memref<8x64xf32, #tpu.memory_space<hbm>>) target(%dma_start3A_3130 : memref<8x64xf32, #tpu.memory_space<vmem>>) target_semaphore(%arg14 : memref<!tpu.dma_semaphore, #tpu.memory_space<semaphore_mem>>)
        %slice3A_3135 = vector.extract_strided_slice %get3A_2940 {offsets = [5], sizes = [1], strides = [1]} : vector<16xi32> to vector<1xi32>
        %squeeze3A_3136 = vector.extract %slice3A_3135[0] : i32 from vector<1xi32>
        %dma_start3A_3137 = arith.constant 5 : i32
        %dma_start3A_3138 = arith.constant 0 : i32
        %dma_start3A_3139 = arith.constant 0 : i32
        %dma_start3A_3140 = tpu.memref_slice %arg11[%rem3A_2936, %dma_start3A_3137, %dma_start3A_3138, %dma_start3A_3139] : memref<2x16x8x64xf32, #tpu.memory_space<vmem>> -> memref<1x1x8x64xf32, #tpu.memory_space<vmem>>
        %dma_start3A_3141 = tpu.memref_squeeze %dma_start3A_3140 : memref<1x1x8x64xf32, #tpu.memory_space<vmem>> -> memref<8x64xf32, #tpu.memory_space<vmem>>
        %dma_start3A_3142 = arith.constant 0 : i32
        %dma_start3A_3143 = arith.constant 0 : i32
        %dma_start3A_3144 = tpu.memref_slice %arg4[%squeeze3A_3136, %dma_start3A_3142, %dma_start3A_3143] : memref<125000x8x64xf32, #tpu.memory_space<hbm>> -> memref<1x8x64xf32, #tpu.memory_space<hbm>>
        %dma_start3A_3145 = tpu.memref_squeeze %dma_start3A_3144 : memref<1x8x64xf32, #tpu.memory_space<hbm>> -> memref<8x64xf32, #tpu.memory_space<hbm>>
        %dma_start3A_3146 = arith.constant 0 : i32
        %dma_start3A_3147 = arith.constant 0 : i32
        %dma_start3A_3148 = tpu.memref_slice %arg11[%rem3A_2936, %dma_start3A_3137, %dma_start3A_3146, %dma_start3A_3147] : memref<2x16x8x64xf32, #tpu.memory_space<vmem>> -> memref<1x1x8x64xf32, #tpu.memory_space<vmem>>
        %dma_start3A_3149 = tpu.memref_squeeze %dma_start3A_3148 : memref<1x1x8x64xf32, #tpu.memory_space<vmem>> -> memref<8x64xf32, #tpu.memory_space<vmem>>
        %dma_start3A_3150 = arith.constant 0 : i32
        %dma_start3A_3151 = arith.constant 0 : i32
        %dma_start3A_3152 = tpu.memref_slice %arg4[%squeeze3A_3136, %dma_start3A_3150, %dma_start3A_3151] : memref<125000x8x64xf32, #tpu.memory_space<hbm>> -> memref<1x8x64xf32, #tpu.memory_space<hbm>>
        %dma_start3A_3153 = tpu.memref_squeeze %dma_start3A_3152 : memref<1x8x64xf32, #tpu.memory_space<hbm>> -> memref<8x64xf32, #tpu.memory_space<hbm>>
        tpu.enqueue_dma source(%dma_start3A_3153 : memref<8x64xf32, #tpu.memory_space<hbm>>) target(%dma_start3A_3149 : memref<8x64xf32, #tpu.memory_space<vmem>>) target_semaphore(%arg14 : memref<!tpu.dma_semaphore, #tpu.memory_space<semaphore_mem>>)
        %slice3A_3154 = vector.extract_strided_slice %get3A_2944 {offsets = [5], sizes = [1], strides = [1]} : vector<16xi32> to vector<1xi32>
        %squeeze3A_3155 = vector.extract %slice3A_3154[0] : i32 from vector<1xi32>
        %dma_start3A_3156 = arith.constant 5 : i32
        %dma_start3A_3157 = arith.constant 0 : i32
        %dma_start3A_3158 = arith.constant 0 : i32
        %dma_start3A_3159 = tpu.memref_slice %arg12[%rem3A_2936, %dma_start3A_3156, %dma_start3A_3157, %dma_start3A_3158] : memref<2x16x8x64xf32, #tpu.memory_space<vmem>> -> memref<1x1x8x64xf32, #tpu.memory_space<vmem>>
        %dma_start3A_3160 = tpu.memref_squeeze %dma_start3A_3159 : memref<1x1x8x64xf32, #tpu.memory_space<vmem>> -> memref<8x64xf32, #tpu.memory_space<vmem>>
        %dma_start3A_3161 = arith.constant 0 : i32
        %dma_start3A_3162 = arith.constant 0 : i32
        %dma_start3A_3163 = tpu.memref_slice %arg5[%squeeze3A_3155, %dma_start3A_3161, %dma_start3A_3162] : memref<125000x8x64xf32, #tpu.memory_space<hbm>> -> memref<1x8x64xf32, #tpu.memory_space<hbm>>
        %dma_start3A_3164 = tpu.memref_squeeze %dma_start3A_3163 : memref<1x8x64xf32, #tpu.memory_space<hbm>> -> memref<8x64xf32, #tpu.memory_space<hbm>>
        %dma_start3A_3165 = arith.constant 0 : i32
        %dma_start3A_3166 = arith.constant 0 : i32
        %dma_start3A_3167 = tpu.memref_slice %arg12[%rem3A_2936, %dma_start3A_3156, %dma_start3A_3165, %dma_start3A_3166] : memref<2x16x8x64xf32, #tpu.memory_space<vmem>> -> memref<1x1x8x64xf32, #tpu.memory_space<vmem>>
        %dma_start3A_3168 = tpu.memref_squeeze %dma_start3A_3167 : memref<1x1x8x64xf32, #tpu.memory_space<vmem>> -> memref<8x64xf32, #tpu.memory_space<vmem>>
        %dma_start3A_3169 = arith.constant 0 : i32
        %dma_start3A_3170 = arith.constant 0 : i32
        %dma_start3A_3171 = tpu.memref_slice %arg5[%squeeze3A_3155, %dma_start3A_3169, %dma_start3A_3170] : memref<125000x8x64xf32, #tpu.memory_space<hbm>> -> memref<1x8x64xf32, #tpu.memory_space<hbm>>
        %dma_start3A_3172 = tpu.memref_squeeze %dma_start3A_3171 : memref<1x8x64xf32, #tpu.memory_space<hbm>> -> memref<8x64xf32, #tpu.memory_space<hbm>>
        tpu.enqueue_dma source(%dma_start3A_3172 : memref<8x64xf32, #tpu.memory_space<hbm>>) target(%dma_start3A_3168 : memref<8x64xf32, #tpu.memory_space<vmem>>) target_semaphore(%arg14 : memref<!tpu.dma_semaphore, #tpu.memory_space<semaphore_mem>>)
        %slice3A_3173 = vector.extract_strided_slice %get3A_2940 {offsets = [6], sizes = [1], strides = [1]} : vector<16xi32> to vector<1xi32>
        %squeeze3A_3174 = vector.extract %slice3A_3173[0] : i32 from vector<1xi32>
        %dma_start3A_3175 = arith.constant 6 : i32
        %dma_start3A_3176 = arith.constant 0 : i32
        %dma_start3A_3177 = arith.constant 0 : i32
        %dma_start3A_3178 = tpu.memref_slice %arg11[%rem3A_2936, %dma_start3A_3175, %dma_start3A_3176, %dma_start3A_3177] : memref<2x16x8x64xf32, #tpu.memory_space<vmem>> -> memref<1x1x8x64xf32, #tpu.memory_space<vmem>>
        %dma_start3A_3179 = tpu.memref_squeeze %dma_start3A_3178 : memref<1x1x8x64xf32, #tpu.memory_space<vmem>> -> memref<8x64xf32, #tpu.memory_space<vmem>>
        %dma_start3A_3180 = arith.constant 0 : i32
        %dma_start3A_3181 = arith.constant 0 : i32
        %dma_start3A_3182 = tpu.memref_slice %arg4[%squeeze3A_3174, %dma_start3A_3180, %dma_start3A_3181] : memref<125000x8x64xf32, #tpu.memory_space<hbm>> -> memref<1x8x64xf32, #tpu.memory_space<hbm>>
        %dma_start3A_3183 = tpu.memref_squeeze %dma_start3A_3182 : memref<1x8x64xf32, #tpu.memory_space<hbm>> -> memref<8x64xf32, #tpu.memory_space<hbm>>
        %dma_start3A_3184 = arith.constant 0 : i32
        %dma_start3A_3185 = arith.constant 0 : i32
        %dma_start3A_3186 = tpu.memref_slice %arg11[%rem3A_2936, %dma_start3A_3175, %dma_start3A_3184, %dma_start3A_3185] : memref<2x16x8x64xf32, #tpu.memory_space<vmem>> -> memref<1x1x8x64xf32, #tpu.memory_space<vmem>>
        %dma_start3A_3187 = tpu.memref_squeeze %dma_start3A_3186 : memref<1x1x8x64xf32, #tpu.memory_space<vmem>> -> memref<8x64xf32, #tpu.memory_space<vmem>>
        %dma_start3A_3188 = arith.constant 0 : i32
        %dma_start3A_3189 = arith.constant 0 : i32
        %dma_start3A_3190 = tpu.memref_slice %arg4[%squeeze3A_3174, %dma_start3A_3188, %dma_start3A_3189] : memref<125000x8x64xf32, #tpu.memory_space<hbm>> -> memref<1x8x64xf32, #tpu.memory_space<hbm>>
        %dma_start3A_3191 = tpu.memref_squeeze %dma_start3A_3190 : memref<1x8x64xf32, #tpu.memory_space<hbm>> -> memref<8x64xf32, #tpu.memory_space<hbm>>
        tpu.enqueue_dma source(%dma_start3A_3191 : memref<8x64xf32, #tpu.memory_space<hbm>>) target(%dma_start3A_3187 : memref<8x64xf32, #tpu.memory_space<vmem>>) target_semaphore(%arg14 : memref<!tpu.dma_semaphore, #tpu.memory_space<semaphore_mem>>)
        %slice3A_3192 = vector.extract_strided_slice %get3A_2944 {offsets = [6], sizes = [1], strides = [1]} : vector<16xi32> to vector<1xi32>
        %squeeze3A_3193 = vector.extract %slice3A_3192[0] : i32 from vector<1xi32>
        %dma_start3A_3194 = arith.constant 6 : i32
        %dma_start3A_3195 = arith.constant 0 : i32
        %dma_start3A_3196 = arith.constant 0 : i32
        %dma_start3A_3197 = tpu.memref_slice %arg12[%rem3A_2936, %dma_start3A_3194, %dma_start3A_3195, %dma_start3A_3196] : memref<2x16x8x64xf32, #tpu.memory_space<vmem>> -> memref<1x1x8x64xf32, #tpu.memory_space<vmem>>
        %dma_start3A_3198 = tpu.memref_squeeze %dma_start3A_3197 : memref<1x1x8x64xf32, #tpu.memory_space<vmem>> -> memref<8x64xf32, #tpu.memory_space<vmem>>
        %dma_start3A_3199 = arith.constant 0 : i32
        %dma_start3A_3200 = arith.constant 0 : i32
        %dma_start3A_3201 = tpu.memref_slice %arg5[%squeeze3A_3193, %dma_start3A_3199, %dma_start3A_3200] : memref<125000x8x64xf32, #tpu.memory_space<hbm>> -> memref<1x8x64xf32, #tpu.memory_space<hbm>>
        %dma_start3A_3202 = tpu.memref_squeeze %dma_start3A_3201 : memref<1x8x64xf32, #tpu.memory_space<hbm>> -> memref<8x64xf32, #tpu.memory_space<hbm>>
        %dma_start3A_3203 = arith.constant 0 : i32
        %dma_start3A_3204 = arith.constant 0 : i32
        %dma_start3A_3205 = tpu.memref_slice %arg12[%rem3A_2936, %dma_start3A_3194, %dma_start3A_3203, %dma_start3A_3204] : memref<2x16x8x64xf32, #tpu.memory_space<vmem>> -> memref<1x1x8x64xf32, #tpu.memory_space<vmem>>
        %dma_start3A_3206 = tpu.memref_squeeze %dma_start3A_3205 : memref<1x1x8x64xf32, #tpu.memory_space<vmem>> -> memref<8x64xf32, #tpu.memory_space<vmem>>
        %dma_start3A_3207 = arith.constant 0 : i32
        %dma_start3A_3208 = arith.constant 0 : i32
        %dma_start3A_3209 = tpu.memref_slice %arg5[%squeeze3A_3193, %dma_start3A_3207, %dma_start3A_3208] : memref<125000x8x64xf32, #tpu.memory_space<hbm>> -> memref<1x8x64xf32, #tpu.memory_space<hbm>>
        %dma_start3A_3210 = tpu.memref_squeeze %dma_start3A_3209 : memref<1x8x64xf32, #tpu.memory_space<hbm>> -> memref<8x64xf32, #tpu.memory_space<hbm>>
        tpu.enqueue_dma source(%dma_start3A_3210 : memref<8x64xf32, #tpu.memory_space<hbm>>) target(%dma_start3A_3206 : memref<8x64xf32, #tpu.memory_space<vmem>>) target_semaphore(%arg14 : memref<!tpu.dma_semaphore, #tpu.memory_space<semaphore_mem>>)
        %slice3A_3211 = vector.extract_strided_slice %get3A_2940 {offsets = [7], sizes = [1], strides = [1]} : vector<16xi32> to vector<1xi32>
        %squeeze3A_3212 = vector.extract %slice3A_3211[0] : i32 from vector<1xi32>
        %dma_start3A_3213 = arith.constant 7 : i32
        %dma_start3A_3214 = arith.constant 0 : i32
        %dma_start3A_3215 = arith.constant 0 : i32
        %dma_start3A_3216 = tpu.memref_slice %arg11[%rem3A_2936, %dma_start3A_3213, %dma_start3A_3214, %dma_start3A_3215] : memref<2x16x8x64xf32, #tpu.memory_space<vmem>> -> memref<1x1x8x64xf32, #tpu.memory_space<vmem>>
        %dma_start3A_3217 = tpu.memref_squeeze %dma_start3A_3216 : memref<1x1x8x64xf32, #tpu.memory_space<vmem>> -> memref<8x64xf32, #tpu.memory_space<vmem>>
        %dma_start3A_3218 = arith.constant 0 : i32
        %dma_start3A_3219 = arith.constant 0 : i32
        %dma_start3A_3220 = tpu.memref_slice %arg4[%squeeze3A_3212, %dma_start3A_3218, %dma_start3A_3219] : memref<125000x8x64xf32, #tpu.memory_space<hbm>> -> memref<1x8x64xf32, #tpu.memory_space<hbm>>
        %dma_start3A_3221 = tpu.memref_squeeze %dma_start3A_3220 : memref<1x8x64xf32, #tpu.memory_space<hbm>> -> memref<8x64xf32, #tpu.memory_space<hbm>>
        %dma_start3A_3222 = arith.constant 0 : i32
        %dma_start3A_3223 = arith.constant 0 : i32
        %dma_start3A_3224 = tpu.memref_slice %arg11[%rem3A_2936, %dma_start3A_3213, %dma_start3A_3222, %dma_start3A_3223] : memref<2x16x8x64xf32, #tpu.memory_space<vmem>> -> memref<1x1x8x64xf32, #tpu.memory_space<vmem>>
        %dma_start3A_3225 = tpu.memref_squeeze %dma_start3A_3224 : memref<1x1x8x64xf32, #tpu.memory_space<vmem>> -> memref<8x64xf32, #tpu.memory_space<vmem>>
        %dma_start3A_3226 = arith.constant 0 : i32
        %dma_start3A_3227 = arith.constant 0 : i32
        %dma_start3A_3228 = tpu.memref_slice %arg4[%squeeze3A_3212, %dma_start3A_3226, %dma_start3A_3227] : memref<125000x8x64xf32, #tpu.memory_space<hbm>> -> memref<1x8x64xf32, #tpu.memory_space<hbm>>
        %dma_start3A_3229 = tpu.memref_squeeze %dma_start3A_3228 : memref<1x8x64xf32, #tpu.memory_space<hbm>> -> memref<8x64xf32, #tpu.memory_space<hbm>>
        tpu.enqueue_dma source(%dma_start3A_3229 : memref<8x64xf32, #tpu.memory_space<hbm>>) target(%dma_start3A_3225 : memref<8x64xf32, #tpu.memory_space<vmem>>) target_semaphore(%arg14 : memref<!tpu.dma_semaphore, #tpu.memory_space<semaphore_mem>>)
        %slice3A_3230 = vector.extract_strided_slice %get3A_2944 {offsets = [7], sizes = [1], strides = [1]} : vector<16xi32> to vector<1xi32>
        %squeeze3A_3231 = vector.extract %slice3A_3230[0] : i32 from vector<1xi32>
        %dma_start3A_3232 = arith.constant 7 : i32
        %dma_start3A_3233 = arith.constant 0 : i32
        %dma_start3A_3234 = arith.constant 0 : i32
        %dma_start3A_3235 = tpu.memref_slice %arg12[%rem3A_2936, %dma_start3A_3232, %dma_start3A_3233, %dma_start3A_3234] : memref<2x16x8x64xf32, #tpu.memory_space<vmem>> -> memref<1x1x8x64xf32, #tpu.memory_space<vmem>>
        %dma_start3A_3236 = tpu.memref_squeeze %dma_start3A_3235 : memref<1x1x8x64xf32, #tpu.memory_space<vmem>> -> memref<8x64xf32, #tpu.memory_space<vmem>>
        %dma_start3A_3237 = arith.constant 0 : i32
        %dma_start3A_3238 = arith.constant 0 : i32
        %dma_start3A_3239 = tpu.memref_slice %arg5[%squeeze3A_3231, %dma_start3A_3237, %dma_start3A_3238] : memref<125000x8x64xf32, #tpu.memory_space<hbm>> -> memref<1x8x64xf32, #tpu.memory_space<hbm>>
        %dma_start3A_3240 = tpu.memref_squeeze %dma_start3A_3239 : memref<1x8x64xf32, #tpu.memory_space<hbm>> -> memref<8x64xf32, #tpu.memory_space<hbm>>
        %dma_start3A_3241 = arith.constant 0 : i32
        %dma_start3A_3242 = arith.constant 0 : i32
        %dma_start3A_3243 = tpu.memref_slice %arg12[%rem3A_2936, %dma_start3A_3232, %dma_start3A_3241, %dma_start3A_3242] : memref<2x16x8x64xf32, #tpu.memory_space<vmem>> -> memref<1x1x8x64xf32, #tpu.memory_space<vmem>>
        %dma_start3A_3244 = tpu.memref_squeeze %dma_start3A_3243 : memref<1x1x8x64xf32, #tpu.memory_space<vmem>> -> memref<8x64xf32, #tpu.memory_space<vmem>>
        %dma_start3A_3245 = arith.constant 0 : i32
        %dma_start3A_3246 = arith.constant 0 : i32
        %dma_start3A_3247 = tpu.memref_slice %arg5[%squeeze3A_3231, %dma_start3A_3245, %dma_start3A_3246] : memref<125000x8x64xf32, #tpu.memory_space<hbm>> -> memref<1x8x64xf32, #tpu.memory_space<hbm>>
        %dma_start3A_3248 = tpu.memref_squeeze %dma_start3A_3247 : memref<1x8x64xf32, #tpu.memory_space<hbm>> -> memref<8x64xf32, #tpu.memory_space<hbm>>
        tpu.enqueue_dma source(%dma_start3A_3248 : memref<8x64xf32, #tpu.memory_space<hbm>>) target(%dma_start3A_3244 : memref<8x64xf32, #tpu.memory_space<vmem>>) target_semaphore(%arg14 : memref<!tpu.dma_semaphore, #tpu.memory_space<semaphore_mem>>)
        %slice3A_3249 = vector.extract_strided_slice %get3A_2940 {offsets = [8], sizes = [1], strides = [1]} : vector<16xi32> to vector<1xi32>
        %squeeze3A_3250 = vector.extract %slice3A_3249[0] : i32 from vector<1xi32>
        %dma_start3A_3251 = arith.constant 8 : i32
        %dma_start3A_3252 = arith.constant 0 : i32
        %dma_start3A_3253 = arith.constant 0 : i32
        %dma_start3A_3254 = tpu.memref_slice %arg11[%rem3A_2936, %dma_start3A_3251, %dma_start3A_3252, %dma_start3A_3253] : memref<2x16x8x64xf32, #tpu.memory_space<vmem>> -> memref<1x1x8x64xf32, #tpu.memory_space<vmem>>
        %dma_start3A_3255 = tpu.memref_squeeze %dma_start3A_3254 : memref<1x1x8x64xf32, #tpu.memory_space<vmem>> -> memref<8x64xf32, #tpu.memory_space<vmem>>
        %dma_start3A_3256 = arith.constant 0 : i32
        %dma_start3A_3257 = arith.constant 0 : i32
        %dma_start3A_3258 = tpu.memref_slice %arg4[%squeeze3A_3250, %dma_start3A_3256, %dma_start3A_3257] : memref<125000x8x64xf32, #tpu.memory_space<hbm>> -> memref<1x8x64xf32, #tpu.memory_space<hbm>>
        %dma_start3A_3259 = tpu.memref_squeeze %dma_start3A_3258 : memref<1x8x64xf32, #tpu.memory_space<hbm>> -> memref<8x64xf32, #tpu.memory_space<hbm>>
        %dma_start3A_3260 = arith.constant 0 : i32
        %dma_start3A_3261 = arith.constant 0 : i32
        %dma_start3A_3262 = tpu.memref_slice %arg11[%rem3A_2936, %dma_start3A_3251, %dma_start3A_3260, %dma_start3A_3261] : memref<2x16x8x64xf32, #tpu.memory_space<vmem>> -> memref<1x1x8x64xf32, #tpu.memory_space<vmem>>
        %dma_start3A_3263 = tpu.memref_squeeze %dma_start3A_3262 : memref<1x1x8x64xf32, #tpu.memory_space<vmem>> -> memref<8x64xf32, #tpu.memory_space<vmem>>
        %dma_start3A_3264 = arith.constant 0 : i32
        %dma_start3A_3265 = arith.constant 0 : i32
        %dma_start3A_3266 = tpu.memref_slice %arg4[%squeeze3A_3250, %dma_start3A_3264, %dma_start3A_3265] : memref<125000x8x64xf32, #tpu.memory_space<hbm>> -> memref<1x8x64xf32, #tpu.memory_space<hbm>>
        %dma_start3A_3267 = tpu.memref_squeeze %dma_start3A_3266 : memref<1x8x64xf32, #tpu.memory_space<hbm>> -> memref<8x64xf32, #tpu.memory_space<hbm>>
        tpu.enqueue_dma source(%dma_start3A_3267 : memref<8x64xf32, #tpu.memory_space<hbm>>) target(%dma_start3A_3263 : memref<8x64xf32, #tpu.memory_space<vmem>>) target_semaphore(%arg14 : memref<!tpu.dma_semaphore, #tpu.memory_space<semaphore_mem>>)
        %slice3A_3268 = vector.extract_strided_slice %get3A_2944 {offsets = [8], sizes = [1], strides = [1]} : vector<16xi32> to vector<1xi32>
        %squeeze3A_3269 = vector.extract %slice3A_3268[0] : i32 from vector<1xi32>
        %dma_start3A_3270 = arith.constant 8 : i32
        %dma_start3A_3271 = arith.constant 0 : i32
        %dma_start3A_3272 = arith.constant 0 : i32
        %dma_start3A_3273 = tpu.memref_slice %arg12[%rem3A_2936, %dma_start3A_3270, %dma_start3A_3271, %dma_start3A_3272] : memref<2x16x8x64xf32, #tpu.memory_space<vmem>> -> memref<1x1x8x64xf32, #tpu.memory_space<vmem>>
        %dma_start3A_3274 = tpu.memref_squeeze %dma_start3A_3273 : memref<1x1x8x64xf32, #tpu.memory_space<vmem>> -> memref<8x64xf32, #tpu.memory_space<vmem>>
        %dma_start3A_3275 = arith.constant 0 : i32
        %dma_start3A_3276 = arith.constant 0 : i32
        %dma_start3A_3277 = tpu.memref_slice %arg5[%squeeze3A_3269, %dma_start3A_3275, %dma_start3A_3276] : memref<125000x8x64xf32, #tpu.memory_space<hbm>> -> memref<1x8x64xf32, #tpu.memory_space<hbm>>
        %dma_start3A_3278 = tpu.memref_squeeze %dma_start3A_3277 : memref<1x8x64xf32, #tpu.memory_space<hbm>> -> memref<8x64xf32, #tpu.memory_space<hbm>>
        %dma_start3A_3279 = arith.constant 0 : i32
        %dma_start3A_3280 = arith.constant 0 : i32
        %dma_start3A_3281 = tpu.memref_slice %arg12[%rem3A_2936, %dma_start3A_3270, %dma_start3A_3279, %dma_start3A_3280] : memref<2x16x8x64xf32, #tpu.memory_space<vmem>> -> memref<1x1x8x64xf32, #tpu.memory_space<vmem>>
        %dma_start3A_3282 = tpu.memref_squeeze %dma_start3A_3281 : memref<1x1x8x64xf32, #tpu.memory_space<vmem>> -> memref<8x64xf32, #tpu.memory_space<vmem>>
        %dma_start3A_3283 = arith.constant 0 : i32
        %dma_start3A_3284 = arith.constant 0 : i32
        %dma_start3A_3285 = tpu.memref_slice %arg5[%squeeze3A_3269, %dma_start3A_3283, %dma_start3A_3284] : memref<125000x8x64xf32, #tpu.memory_space<hbm>> -> memref<1x8x64xf32, #tpu.memory_space<hbm>>
        %dma_start3A_3286 = tpu.memref_squeeze %dma_start3A_3285 : memref<1x8x64xf32, #tpu.memory_space<hbm>> -> memref<8x64xf32, #tpu.memory_space<hbm>>
        tpu.enqueue_dma source(%dma_start3A_3286 : memref<8x64xf32, #tpu.memory_space<hbm>>) target(%dma_start3A_3282 : memref<8x64xf32, #tpu.memory_space<vmem>>) target_semaphore(%arg14 : memref<!tpu.dma_semaphore, #tpu.memory_space<semaphore_mem>>)
        %slice3A_3287 = vector.extract_strided_slice %get3A_2940 {offsets = [9], sizes = [1], strides = [1]} : vector<16xi32> to vector<1xi32>
        %squeeze3A_3288 = vector.extract %slice3A_3287[0] : i32 from vector<1xi32>
        %dma_start3A_3289 = arith.constant 9 : i32
        %dma_start3A_3290 = arith.constant 0 : i32
        %dma_start3A_3291 = arith.constant 0 : i32
        %dma_start3A_3292 = tpu.memref_slice %arg11[%rem3A_2936, %dma_start3A_3289, %dma_start3A_3290, %dma_start3A_3291] : memref<2x16x8x64xf32, #tpu.memory_space<vmem>> -> memref<1x1x8x64xf32, #tpu.memory_space<vmem>>
        %dma_start3A_3293 = tpu.memref_squeeze %dma_start3A_3292 : memref<1x1x8x64xf32, #tpu.memory_space<vmem>> -> memref<8x64xf32, #tpu.memory_space<vmem>>
        %dma_start3A_3294 = arith.constant 0 : i32
        %dma_start3A_3295 = arith.constant 0 : i32
        %dma_start3A_3296 = tpu.memref_slice %arg4[%squeeze3A_3288, %dma_start3A_3294, %dma_start3A_3295] : memref<125000x8x64xf32, #tpu.memory_space<hbm>> -> memref<1x8x64xf32, #tpu.memory_space<hbm>>
        %dma_start3A_3297 = tpu.memref_squeeze %dma_start3A_3296 : memref<1x8x64xf32, #tpu.memory_space<hbm>> -> memref<8x64xf32, #tpu.memory_space<hbm>>
        %dma_start3A_3298 = arith.constant 0 : i32
        %dma_start3A_3299 = arith.constant 0 : i32
        %dma_start3A_3300 = tpu.memref_slice %arg11[%rem3A_2936, %dma_start3A_3289, %dma_start3A_3298, %dma_start3A_3299] : memref<2x16x8x64xf32, #tpu.memory_space<vmem>> -> memref<1x1x8x64xf32, #tpu.memory_space<vmem>>
        %dma_start3A_3301 = tpu.memref_squeeze %dma_start3A_3300 : memref<1x1x8x64xf32, #tpu.memory_space<vmem>> -> memref<8x64xf32, #tpu.memory_space<vmem>>
        %dma_start3A_3302 = arith.constant 0 : i32
        %dma_start3A_3303 = arith.constant 0 : i32
        %dma_start3A_3304 = tpu.memref_slice %arg4[%squeeze3A_3288, %dma_start3A_3302, %dma_start3A_3303] : memref<125000x8x64xf32, #tpu.memory_space<hbm>> -> memref<1x8x64xf32, #tpu.memory_space<hbm>>
        %dma_start3A_3305 = tpu.memref_squeeze %dma_start3A_3304 : memref<1x8x64xf32, #tpu.memory_space<hbm>> -> memref<8x64xf32, #tpu.memory_space<hbm>>
        tpu.enqueue_dma source(%dma_start3A_3305 : memref<8x64xf32, #tpu.memory_space<hbm>>) target(%dma_start3A_3301 : memref<8x64xf32, #tpu.memory_space<vmem>>) target_semaphore(%arg14 : memref<!tpu.dma_semaphore, #tpu.memory_space<semaphore_mem>>)
        %slice3A_3306 = vector.extract_strided_slice %get3A_2944 {offsets = [9], sizes = [1], strides = [1]} : vector<16xi32> to vector<1xi32>
        %squeeze3A_3307 = vector.extract %slice3A_3306[0] : i32 from vector<1xi32>
        %dma_start3A_3308 = arith.constant 9 : i32
        %dma_start3A_3309 = arith.constant 0 : i32
        %dma_start3A_3310 = arith.constant 0 : i32
        %dma_start3A_3311 = tpu.memref_slice %arg12[%rem3A_2936, %dma_start3A_3308, %dma_start3A_3309, %dma_start3A_3310] : memref<2x16x8x64xf32, #tpu.memory_space<vmem>> -> memref<1x1x8x64xf32, #tpu.memory_space<vmem>>
        %dma_start3A_3312 = tpu.memref_squeeze %dma_start3A_3311 : memref<1x1x8x64xf32, #tpu.memory_space<vmem>> -> memref<8x64xf32, #tpu.memory_space<vmem>>
        %dma_start3A_3313 = arith.constant 0 : i32
        %dma_start3A_3314 = arith.constant 0 : i32
        %dma_start3A_3315 = tpu.memref_slice %arg5[%squeeze3A_3307, %dma_start3A_3313, %dma_start3A_3314] : memref<125000x8x64xf32, #tpu.memory_space<hbm>> -> memref<1x8x64xf32, #tpu.memory_space<hbm>>
        %dma_start3A_3316 = tpu.memref_squeeze %dma_start3A_3315 : memref<1x8x64xf32, #tpu.memory_space<hbm>> -> memref<8x64xf32, #tpu.memory_space<hbm>>
        %dma_start3A_3317 = arith.constant 0 : i32
        %dma_start3A_3318 = arith.constant 0 : i32
        %dma_start3A_3319 = tpu.memref_slice %arg12[%rem3A_2936, %dma_start3A_3308, %dma_start3A_3317, %dma_start3A_3318] : memref<2x16x8x64xf32, #tpu.memory_space<vmem>> -> memref<1x1x8x64xf32, #tpu.memory_space<vmem>>
        %dma_start3A_3320 = tpu.memref_squeeze %dma_start3A_3319 : memref<1x1x8x64xf32, #tpu.memory_space<vmem>> -> memref<8x64xf32, #tpu.memory_space<vmem>>
        %dma_start3A_3321 = arith.constant 0 : i32
        %dma_start3A_3322 = arith.constant 0 : i32
        %dma_start3A_3323 = tpu.memref_slice %arg5[%squeeze3A_3307, %dma_start3A_3321, %dma_start3A_3322] : memref<125000x8x64xf32, #tpu.memory_space<hbm>> -> memref<1x8x64xf32, #tpu.memory_space<hbm>>
        %dma_start3A_3324 = tpu.memref_squeeze %dma_start3A_3323 : memref<1x8x64xf32, #tpu.memory_space<hbm>> -> memref<8x64xf32, #tpu.memory_space<hbm>>
        tpu.enqueue_dma source(%dma_start3A_3324 : memref<8x64xf32, #tpu.memory_space<hbm>>) target(%dma_start3A_3320 : memref<8x64xf32, #tpu.memory_space<vmem>>) target_semaphore(%arg14 : memref<!tpu.dma_semaphore, #tpu.memory_space<semaphore_mem>>)
        %slice3A_3325 = vector.extract_strided_slice %get3A_2940 {offsets = [10], sizes = [1], strides = [1]} : vector<16xi32> to vector<1xi32>
        %squeeze3A_3326 = vector.extract %slice3A_3325[0] : i32 from vector<1xi32>
        %dma_start3A_3327 = arith.constant 10 : i32
        %dma_start3A_3328 = arith.constant 0 : i32
        %dma_start3A_3329 = arith.constant 0 : i32
        %dma_start3A_3330 = tpu.memref_slice %arg11[%rem3A_2936, %dma_start3A_3327, %dma_start3A_3328, %dma_start3A_3329] : memref<2x16x8x64xf32, #tpu.memory_space<vmem>> -> memref<1x1x8x64xf32, #tpu.memory_space<vmem>>
        %dma_start3A_3331 = tpu.memref_squeeze %dma_start3A_3330 : memref<1x1x8x64xf32, #tpu.memory_space<vmem>> -> memref<8x64xf32, #tpu.memory_space<vmem>>
        %dma_start3A_3332 = arith.constant 0 : i32
        %dma_start3A_3333 = arith.constant 0 : i32
        %dma_start3A_3334 = tpu.memref_slice %arg4[%squeeze3A_3326, %dma_start3A_3332, %dma_start3A_3333] : memref<125000x8x64xf32, #tpu.memory_space<hbm>> -> memref<1x8x64xf32, #tpu.memory_space<hbm>>
        %dma_start3A_3335 = tpu.memref_squeeze %dma_start3A_3334 : memref<1x8x64xf32, #tpu.memory_space<hbm>> -> memref<8x64xf32, #tpu.memory_space<hbm>>
        %dma_start3A_3336 = arith.constant 0 : i32
        %dma_start3A_3337 = arith.constant 0 : i32
        %dma_start3A_3338 = tpu.memref_slice %arg11[%rem3A_2936, %dma_start3A_3327, %dma_start3A_3336, %dma_start3A_3337] : memref<2x16x8x64xf32, #tpu.memory_space<vmem>> -> memref<1x1x8x64xf32, #tpu.memory_space<vmem>>
        %dma_start3A_3339 = tpu.memref_squeeze %dma_start3A_3338 : memref<1x1x8x64xf32, #tpu.memory_space<vmem>> -> memref<8x64xf32, #tpu.memory_space<vmem>>
        %dma_start3A_3340 = arith.constant 0 : i32
        %dma_start3A_3341 = arith.constant 0 : i32
        %dma_start3A_3342 = tpu.memref_slice %arg4[%squeeze3A_3326, %dma_start3A_3340, %dma_start3A_3341] : memref<125000x8x64xf32, #tpu.memory_space<hbm>> -> memref<1x8x64xf32, #tpu.memory_space<hbm>>
        %dma_start3A_3343 = tpu.memref_squeeze %dma_start3A_3342 : memref<1x8x64xf32, #tpu.memory_space<hbm>> -> memref<8x64xf32, #tpu.memory_space<hbm>>
        tpu.enqueue_dma source(%dma_start3A_3343 : memref<8x64xf32, #tpu.memory_space<hbm>>) target(%dma_start3A_3339 : memref<8x64xf32, #tpu.memory_space<vmem>>) target_semaphore(%arg14 : memref<!tpu.dma_semaphore, #tpu.memory_space<semaphore_mem>>)
        %slice3A_3344 = vector.extract_strided_slice %get3A_2944 {offsets = [10], sizes = [1], strides = [1]} : vector<16xi32> to vector<1xi32>
        %squeeze3A_3345 = vector.extract %slice3A_3344[0] : i32 from vector<1xi32>
        %dma_start3A_3346 = arith.constant 10 : i32
        %dma_start3A_3347 = arith.constant 0 : i32
        %dma_start3A_3348 = arith.constant 0 : i32
        %dma_start3A_3349 = tpu.memref_slice %arg12[%rem3A_2936, %dma_start3A_3346, %dma_start3A_3347, %dma_start3A_3348] : memref<2x16x8x64xf32, #tpu.memory_space<vmem>> -> memref<1x1x8x64xf32, #tpu.memory_space<vmem>>
        %dma_start3A_3350 = tpu.memref_squeeze %dma_start3A_3349 : memref<1x1x8x64xf32, #tpu.memory_space<vmem>> -> memref<8x64xf32, #tpu.memory_space<vmem>>
        %dma_start3A_3351 = arith.constant 0 : i32
        %dma_start3A_3352 = arith.constant 0 : i32
        %dma_start3A_3353 = tpu.memref_slice %arg5[%squeeze3A_3345, %dma_start3A_3351, %dma_start3A_3352] : memref<125000x8x64xf32, #tpu.memory_space<hbm>> -> memref<1x8x64xf32, #tpu.memory_space<hbm>>
        %dma_start3A_3354 = tpu.memref_squeeze %dma_start3A_3353 : memref<1x8x64xf32, #tpu.memory_space<hbm>> -> memref<8x64xf32, #tpu.memory_space<hbm>>
        %dma_start3A_3355 = arith.constant 0 : i32
        %dma_start3A_3356 = arith.constant 0 : i32
        %dma_start3A_3357 = tpu.memref_slice %arg12[%rem3A_2936, %dma_start3A_3346, %dma_start3A_3355, %dma_start3A_3356] : memref<2x16x8x64xf32, #tpu.memory_space<vmem>> -> memref<1x1x8x64xf32, #tpu.memory_space<vmem>>
        %dma_start3A_3358 = tpu.memref_squeeze %dma_start3A_3357 : memref<1x1x8x64xf32, #tpu.memory_space<vmem>> -> memref<8x64xf32, #tpu.memory_space<vmem>>
        %dma_start3A_3359 = arith.constant 0 : i32
        %dma_start3A_3360 = arith.constant 0 : i32
        %dma_start3A_3361 = tpu.memref_slice %arg5[%squeeze3A_3345, %dma_start3A_3359, %dma_start3A_3360] : memref<125000x8x64xf32, #tpu.memory_space<hbm>> -> memref<1x8x64xf32, #tpu.memory_space<hbm>>
        %dma_start3A_3362 = tpu.memref_squeeze %dma_start3A_3361 : memref<1x8x64xf32, #tpu.memory_space<hbm>> -> memref<8x64xf32, #tpu.memory_space<hbm>>
        tpu.enqueue_dma source(%dma_start3A_3362 : memref<8x64xf32, #tpu.memory_space<hbm>>) target(%dma_start3A_3358 : memref<8x64xf32, #tpu.memory_space<vmem>>) target_semaphore(%arg14 : memref<!tpu.dma_semaphore, #tpu.memory_space<semaphore_mem>>)
        %slice3A_3363 = vector.extract_strided_slice %get3A_2940 {offsets = [11], sizes = [1], strides = [1]} : vector<16xi32> to vector<1xi32>
        %squeeze3A_3364 = vector.extract %slice3A_3363[0] : i32 from vector<1xi32>
        %dma_start3A_3365 = arith.constant 11 : i32
        %dma_start3A_3366 = arith.constant 0 : i32
        %dma_start3A_3367 = arith.constant 0 : i32
        %dma_start3A_3368 = tpu.memref_slice %arg11[%rem3A_2936, %dma_start3A_3365, %dma_start3A_3366, %dma_start3A_3367] : memref<2x16x8x64xf32, #tpu.memory_space<vmem>> -> memref<1x1x8x64xf32, #tpu.memory_space<vmem>>
        %dma_start3A_3369 = tpu.memref_squeeze %dma_start3A_3368 : memref<1x1x8x64xf32, #tpu.memory_space<vmem>> -> memref<8x64xf32, #tpu.memory_space<vmem>>
        %dma_start3A_3370 = arith.constant 0 : i32
        %dma_start3A_3371 = arith.constant 0 : i32
        %dma_start3A_3372 = tpu.memref_slice %arg4[%squeeze3A_3364, %dma_start3A_3370, %dma_start3A_3371] : memref<125000x8x64xf32, #tpu.memory_space<hbm>> -> memref<1x8x64xf32, #tpu.memory_space<hbm>>
        %dma_start3A_3373 = tpu.memref_squeeze %dma_start3A_3372 : memref<1x8x64xf32, #tpu.memory_space<hbm>> -> memref<8x64xf32, #tpu.memory_space<hbm>>
        %dma_start3A_3374 = arith.constant 0 : i32
        %dma_start3A_3375 = arith.constant 0 : i32
        %dma_start3A_3376 = tpu.memref_slice %arg11[%rem3A_2936, %dma_start3A_3365, %dma_start3A_3374, %dma_start3A_3375] : memref<2x16x8x64xf32, #tpu.memory_space<vmem>> -> memref<1x1x8x64xf32, #tpu.memory_space<vmem>>
        %dma_start3A_3377 = tpu.memref_squeeze %dma_start3A_3376 : memref<1x1x8x64xf32, #tpu.memory_space<vmem>> -> memref<8x64xf32, #tpu.memory_space<vmem>>
        %dma_start3A_3378 = arith.constant 0 : i32
        %dma_start3A_3379 = arith.constant 0 : i32
        %dma_start3A_3380 = tpu.memref_slice %arg4[%squeeze3A_3364, %dma_start3A_3378, %dma_start3A_3379] : memref<125000x8x64xf32, #tpu.memory_space<hbm>> -> memref<1x8x64xf32, #tpu.memory_space<hbm>>
        %dma_start3A_3381 = tpu.memref_squeeze %dma_start3A_3380 : memref<1x8x64xf32, #tpu.memory_space<hbm>> -> memref<8x64xf32, #tpu.memory_space<hbm>>
        tpu.enqueue_dma source(%dma_start3A_3381 : memref<8x64xf32, #tpu.memory_space<hbm>>) target(%dma_start3A_3377 : memref<8x64xf32, #tpu.memory_space<vmem>>) target_semaphore(%arg14 : memref<!tpu.dma_semaphore, #tpu.memory_space<semaphore_mem>>)
        %slice3A_3382 = vector.extract_strided_slice %get3A_2944 {offsets = [11], sizes = [1], strides = [1]} : vector<16xi32> to vector<1xi32>
        %squeeze3A_3383 = vector.extract %slice3A_3382[0] : i32 from vector<1xi32>
        %dma_start3A_3384 = arith.constant 11 : i32
        %dma_start3A_3385 = arith.constant 0 : i32
        %dma_start3A_3386 = arith.constant 0 : i32
        %dma_start3A_3387 = tpu.memref_slice %arg12[%rem3A_2936, %dma_start3A_3384, %dma_start3A_3385, %dma_start3A_3386] : memref<2x16x8x64xf32, #tpu.memory_space<vmem>> -> memref<1x1x8x64xf32, #tpu.memory_space<vmem>>
        %dma_start3A_3388 = tpu.memref_squeeze %dma_start3A_3387 : memref<1x1x8x64xf32, #tpu.memory_space<vmem>> -> memref<8x64xf32, #tpu.memory_space<vmem>>
        %dma_start3A_3389 = arith.constant 0 : i32
        %dma_start3A_3390 = arith.constant 0 : i32
        %dma_start3A_3391 = tpu.memref_slice %arg5[%squeeze3A_3383, %dma_start3A_3389, %dma_start3A_3390] : memref<125000x8x64xf32, #tpu.memory_space<hbm>> -> memref<1x8x64xf32, #tpu.memory_space<hbm>>
        %dma_start3A_3392 = tpu.memref_squeeze %dma_start3A_3391 : memref<1x8x64xf32, #tpu.memory_space<hbm>> -> memref<8x64xf32, #tpu.memory_space<hbm>>
        %dma_start3A_3393 = arith.constant 0 : i32
        %dma_start3A_3394 = arith.constant 0 : i32
        %dma_start3A_3395 = tpu.memref_slice %arg12[%rem3A_2936, %dma_start3A_3384, %dma_start3A_3393, %dma_start3A_3394] : memref<2x16x8x64xf32, #tpu.memory_space<vmem>> -> memref<1x1x8x64xf32, #tpu.memory_space<vmem>>
        %dma_start3A_3396 = tpu.memref_squeeze %dma_start3A_3395 : memref<1x1x8x64xf32, #tpu.memory_space<vmem>> -> memref<8x64xf32, #tpu.memory_space<vmem>>
        %dma_start3A_3397 = arith.constant 0 : i32
        %dma_start3A_3398 = arith.constant 0 : i32
        %dma_start3A_3399 = tpu.memref_slice %arg5[%squeeze3A_3383, %dma_start3A_3397, %dma_start3A_3398] : memref<125000x8x64xf32, #tpu.memory_space<hbm>> -> memref<1x8x64xf32, #tpu.memory_space<hbm>>
        %dma_start3A_3400 = tpu.memref_squeeze %dma_start3A_3399 : memref<1x8x64xf32, #tpu.memory_space<hbm>> -> memref<8x64xf32, #tpu.memory_space<hbm>>
        tpu.enqueue_dma source(%dma_start3A_3400 : memref<8x64xf32, #tpu.memory_space<hbm>>) target(%dma_start3A_3396 : memref<8x64xf32, #tpu.memory_space<vmem>>) target_semaphore(%arg14 : memref<!tpu.dma_semaphore, #tpu.memory_space<semaphore_mem>>)
        %slice3A_3401 = vector.extract_strided_slice %get3A_2940 {offsets = [12], sizes = [1], strides = [1]} : vector<16xi32> to vector<1xi32>
        %squeeze3A_3402 = vector.extract %slice3A_3401[0] : i32 from vector<1xi32>
        %dma_start3A_3403 = arith.constant 12 : i32
        %dma_start3A_3404 = arith.constant 0 : i32
        %dma_start3A_3405 = arith.constant 0 : i32
        %dma_start3A_3406 = tpu.memref_slice %arg11[%rem3A_2936, %dma_start3A_3403, %dma_start3A_3404, %dma_start3A_3405] : memref<2x16x8x64xf32, #tpu.memory_space<vmem>> -> memref<1x1x8x64xf32, #tpu.memory_space<vmem>>
        %dma_start3A_3407 = tpu.memref_squeeze %dma_start3A_3406 : memref<1x1x8x64xf32, #tpu.memory_space<vmem>> -> memref<8x64xf32, #tpu.memory_space<vmem>>
        %dma_start3A_3408 = arith.constant 0 : i32
        %dma_start3A_3409 = arith.constant 0 : i32
        %dma_start3A_3410 = tpu.memref_slice %arg4[%squeeze3A_3402, %dma_start3A_3408, %dma_start3A_3409] : memref<125000x8x64xf32, #tpu.memory_space<hbm>> -> memref<1x8x64xf32, #tpu.memory_space<hbm>>
        %dma_start3A_3411 = tpu.memref_squeeze %dma_start3A_3410 : memref<1x8x64xf32, #tpu.memory_space<hbm>> -> memref<8x64xf32, #tpu.memory_space<hbm>>
        %dma_start3A_3412 = arith.constant 0 : i32
        %dma_start3A_3413 = arith.constant 0 : i32
        %dma_start3A_3414 = tpu.memref_slice %arg11[%rem3A_2936, %dma_start3A_3403, %dma_start3A_3412, %dma_start3A_3413] : memref<2x16x8x64xf32, #tpu.memory_space<vmem>> -> memref<1x1x8x64xf32, #tpu.memory_space<vmem>>
        %dma_start3A_3415 = tpu.memref_squeeze %dma_start3A_3414 : memref<1x1x8x64xf32, #tpu.memory_space<vmem>> -> memref<8x64xf32, #tpu.memory_space<vmem>>
        %dma_start3A_3416 = arith.constant 0 : i32
        %dma_start3A_3417 = arith.constant 0 : i32
        %dma_start3A_3418 = tpu.memref_slice %arg4[%squeeze3A_3402, %dma_start3A_3416, %dma_start3A_3417] : memref<125000x8x64xf32, #tpu.memory_space<hbm>> -> memref<1x8x64xf32, #tpu.memory_space<hbm>>
        %dma_start3A_3419 = tpu.memref_squeeze %dma_start3A_3418 : memref<1x8x64xf32, #tpu.memory_space<hbm>> -> memref<8x64xf32, #tpu.memory_space<hbm>>
        tpu.enqueue_dma source(%dma_start3A_3419 : memref<8x64xf32, #tpu.memory_space<hbm>>) target(%dma_start3A_3415 : memref<8x64xf32, #tpu.memory_space<vmem>>) target_semaphore(%arg14 : memref<!tpu.dma_semaphore, #tpu.memory_space<semaphore_mem>>)
        %slice3A_3420 = vector.extract_strided_slice %get3A_2944 {offsets = [12], sizes = [1], strides = [1]} : vector<16xi32> to vector<1xi32>
        %squeeze3A_3421 = vector.extract %slice3A_3420[0] : i32 from vector<1xi32>
        %dma_start3A_3422 = arith.constant 12 : i32
        %dma_start3A_3423 = arith.constant 0 : i32
        %dma_start3A_3424 = arith.constant 0 : i32
        %dma_start3A_3425 = tpu.memref_slice %arg12[%rem3A_2936, %dma_start3A_3422, %dma_start3A_3423, %dma_start3A_3424] : memref<2x16x8x64xf32, #tpu.memory_space<vmem>> -> memref<1x1x8x64xf32, #tpu.memory_space<vmem>>
        %dma_start3A_3426 = tpu.memref_squeeze %dma_start3A_3425 : memref<1x1x8x64xf32, #tpu.memory_space<vmem>> -> memref<8x64xf32, #tpu.memory_space<vmem>>
        %dma_start3A_3427 = arith.constant 0 : i32
        %dma_start3A_3428 = arith.constant 0 : i32
        %dma_start3A_3429 = tpu.memref_slice %arg5[%squeeze3A_3421, %dma_start3A_3427, %dma_start3A_3428] : memref<125000x8x64xf32, #tpu.memory_space<hbm>> -> memref<1x8x64xf32, #tpu.memory_space<hbm>>
        %dma_start3A_3430 = tpu.memref_squeeze %dma_start3A_3429 : memref<1x8x64xf32, #tpu.memory_space<hbm>> -> memref<8x64xf32, #tpu.memory_space<hbm>>
        %dma_start3A_3431 = arith.constant 0 : i32
        %dma_start3A_3432 = arith.constant 0 : i32
        %dma_start3A_3433 = tpu.memref_slice %arg12[%rem3A_2936, %dma_start3A_3422, %dma_start3A_3431, %dma_start3A_3432] : memref<2x16x8x64xf32, #tpu.memory_space<vmem>> -> memref<1x1x8x64xf32, #tpu.memory_space<vmem>>
        %dma_start3A_3434 = tpu.memref_squeeze %dma_start3A_3433 : memref<1x1x8x64xf32, #tpu.memory_space<vmem>> -> memref<8x64xf32, #tpu.memory_space<vmem>>
        %dma_start3A_3435 = arith.constant 0 : i32
        %dma_start3A_3436 = arith.constant 0 : i32
        %dma_start3A_3437 = tpu.memref_slice %arg5[%squeeze3A_3421, %dma_start3A_3435, %dma_start3A_3436] : memref<125000x8x64xf32, #tpu.memory_space<hbm>> -> memref<1x8x64xf32, #tpu.memory_space<hbm>>
        %dma_start3A_3438 = tpu.memref_squeeze %dma_start3A_3437 : memref<1x8x64xf32, #tpu.memory_space<hbm>> -> memref<8x64xf32, #tpu.memory_space<hbm>>
        tpu.enqueue_dma source(%dma_start3A_3438 : memref<8x64xf32, #tpu.memory_space<hbm>>) target(%dma_start3A_3434 : memref<8x64xf32, #tpu.memory_space<vmem>>) target_semaphore(%arg14 : memref<!tpu.dma_semaphore, #tpu.memory_space<semaphore_mem>>)
        %slice3A_3439 = vector.extract_strided_slice %get3A_2940 {offsets = [13], sizes = [1], strides = [1]} : vector<16xi32> to vector<1xi32>
        %squeeze3A_3440 = vector.extract %slice3A_3439[0] : i32 from vector<1xi32>
        %dma_start3A_3441 = arith.constant 13 : i32
        %dma_start3A_3442 = arith.constant 0 : i32
        %dma_start3A_3443 = arith.constant 0 : i32
        %dma_start3A_3444 = tpu.memref_slice %arg11[%rem3A_2936, %dma_start3A_3441, %dma_start3A_3442, %dma_start3A_3443] : memref<2x16x8x64xf32, #tpu.memory_space<vmem>> -> memref<1x1x8x64xf32, #tpu.memory_space<vmem>>
        %dma_start3A_3445 = tpu.memref_squeeze %dma_start3A_3444 : memref<1x1x8x64xf32, #tpu.memory_space<vmem>> -> memref<8x64xf32, #tpu.memory_space<vmem>>
        %dma_start3A_3446 = arith.constant 0 : i32
        %dma_start3A_3447 = arith.constant 0 : i32
        %dma_start3A_3448 = tpu.memref_slice %arg4[%squeeze3A_3440, %dma_start3A_3446, %dma_start3A_3447] : memref<125000x8x64xf32, #tpu.memory_space<hbm>> -> memref<1x8x64xf32, #tpu.memory_space<hbm>>
        %dma_start3A_3449 = tpu.memref_squeeze %dma_start3A_3448 : memref<1x8x64xf32, #tpu.memory_space<hbm>> -> memref<8x64xf32, #tpu.memory_space<hbm>>
        %dma_start3A_3450 = arith.constant 0 : i32
        %dma_start3A_3451 = arith.constant 0 : i32
        %dma_start3A_3452 = tpu.memref_slice %arg11[%rem3A_2936, %dma_start3A_3441, %dma_start3A_3450, %dma_start3A_3451] : memref<2x16x8x64xf32, #tpu.memory_space<vmem>> -> memref<1x1x8x64xf32, #tpu.memory_space<vmem>>
        %dma_start3A_3453 = tpu.memref_squeeze %dma_start3A_3452 : memref<1x1x8x64xf32, #tpu.memory_space<vmem>> -> memref<8x64xf32, #tpu.memory_space<vmem>>
        %dma_start3A_3454 = arith.constant 0 : i32
        %dma_start3A_3455 = arith.constant 0 : i32
        %dma_start3A_3456 = tpu.memref_slice %arg4[%squeeze3A_3440, %dma_start3A_3454, %dma_start3A_3455] : memref<125000x8x64xf32, #tpu.memory_space<hbm>> -> memref<1x8x64xf32, #tpu.memory_space<hbm>>
        %dma_start3A_3457 = tpu.memref_squeeze %dma_start3A_3456 : memref<1x8x64xf32, #tpu.memory_space<hbm>> -> memref<8x64xf32, #tpu.memory_space<hbm>>
        tpu.enqueue_dma source(%dma_start3A_3457 : memref<8x64xf32, #tpu.memory_space<hbm>>) target(%dma_start3A_3453 : memref<8x64xf32, #tpu.memory_space<vmem>>) target_semaphore(%arg14 : memref<!tpu.dma_semaphore, #tpu.memory_space<semaphore_mem>>)
        %slice3A_3458 = vector.extract_strided_slice %get3A_2944 {offsets = [13], sizes = [1], strides = [1]} : vector<16xi32> to vector<1xi32>
        %squeeze3A_3459 = vector.extract %slice3A_3458[0] : i32 from vector<1xi32>
        %dma_start3A_3460 = arith.constant 13 : i32
        %dma_start3A_3461 = arith.constant 0 : i32
        %dma_start3A_3462 = arith.constant 0 : i32
        %dma_start3A_3463 = tpu.memref_slice %arg12[%rem3A_2936, %dma_start3A_3460, %dma_start3A_3461, %dma_start3A_3462] : memref<2x16x8x64xf32, #tpu.memory_space<vmem>> -> memref<1x1x8x64xf32, #tpu.memory_space<vmem>>
        %dma_start3A_3464 = tpu.memref_squeeze %dma_start3A_3463 : memref<1x1x8x64xf32, #tpu.memory_space<vmem>> -> memref<8x64xf32, #tpu.memory_space<vmem>>
        %dma_start3A_3465 = arith.constant 0 : i32
        %dma_start3A_3466 = arith.constant 0 : i32
        %dma_start3A_3467 = tpu.memref_slice %arg5[%squeeze3A_3459, %dma_start3A_3465, %dma_start3A_3466] : memref<125000x8x64xf32, #tpu.memory_space<hbm>> -> memref<1x8x64xf32, #tpu.memory_space<hbm>>
        %dma_start3A_3468 = tpu.memref_squeeze %dma_start3A_3467 : memref<1x8x64xf32, #tpu.memory_space<hbm>> -> memref<8x64xf32, #tpu.memory_space<hbm>>
        %dma_start3A_3469 = arith.constant 0 : i32
        %dma_start3A_3470 = arith.constant 0 : i32
        %dma_start3A_3471 = tpu.memref_slice %arg12[%rem3A_2936, %dma_start3A_3460, %dma_start3A_3469, %dma_start3A_3470] : memref<2x16x8x64xf32, #tpu.memory_space<vmem>> -> memref<1x1x8x64xf32, #tpu.memory_space<vmem>>
        %dma_start3A_3472 = tpu.memref_squeeze %dma_start3A_3471 : memref<1x1x8x64xf32, #tpu.memory_space<vmem>> -> memref<8x64xf32, #tpu.memory_space<vmem>>
        %dma_start3A_3473 = arith.constant 0 : i32
        %dma_start3A_3474 = arith.constant 0 : i32
        %dma_start3A_3475 = tpu.memref_slice %arg5[%squeeze3A_3459, %dma_start3A_3473, %dma_start3A_3474] : memref<125000x8x64xf32, #tpu.memory_space<hbm>> -> memref<1x8x64xf32, #tpu.memory_space<hbm>>
        %dma_start3A_3476 = tpu.memref_squeeze %dma_start3A_3475 : memref<1x8x64xf32, #tpu.memory_space<hbm>> -> memref<8x64xf32, #tpu.memory_space<hbm>>
        tpu.enqueue_dma source(%dma_start3A_3476 : memref<8x64xf32, #tpu.memory_space<hbm>>) target(%dma_start3A_3472 : memref<8x64xf32, #tpu.memory_space<vmem>>) target_semaphore(%arg14 : memref<!tpu.dma_semaphore, #tpu.memory_space<semaphore_mem>>)
        %slice3A_3477 = vector.extract_strided_slice %get3A_2940 {offsets = [14], sizes = [1], strides = [1]} : vector<16xi32> to vector<1xi32>
        %squeeze3A_3478 = vector.extract %slice3A_3477[0] : i32 from vector<1xi32>
        %dma_start3A_3479 = arith.constant 14 : i32
        %dma_start3A_3480 = arith.constant 0 : i32
        %dma_start3A_3481 = arith.constant 0 : i32
        %dma_start3A_3482 = tpu.memref_slice %arg11[%rem3A_2936, %dma_start3A_3479, %dma_start3A_3480, %dma_start3A_3481] : memref<2x16x8x64xf32, #tpu.memory_space<vmem>> -> memref<1x1x8x64xf32, #tpu.memory_space<vmem>>
        %dma_start3A_3483 = tpu.memref_squeeze %dma_start3A_3482 : memref<1x1x8x64xf32, #tpu.memory_space<vmem>> -> memref<8x64xf32, #tpu.memory_space<vmem>>
        %dma_start3A_3484 = arith.constant 0 : i32
        %dma_start3A_3485 = arith.constant 0 : i32
        %dma_start3A_3486 = tpu.memref_slice %arg4[%squeeze3A_3478, %dma_start3A_3484, %dma_start3A_3485] : memref<125000x8x64xf32, #tpu.memory_space<hbm>> -> memref<1x8x64xf32, #tpu.memory_space<hbm>>
        %dma_start3A_3487 = tpu.memref_squeeze %dma_start3A_3486 : memref<1x8x64xf32, #tpu.memory_space<hbm>> -> memref<8x64xf32, #tpu.memory_space<hbm>>
        %dma_start3A_3488 = arith.constant 0 : i32
        %dma_start3A_3489 = arith.constant 0 : i32
        %dma_start3A_3490 = tpu.memref_slice %arg11[%rem3A_2936, %dma_start3A_3479, %dma_start3A_3488, %dma_start3A_3489] : memref<2x16x8x64xf32, #tpu.memory_space<vmem>> -> memref<1x1x8x64xf32, #tpu.memory_space<vmem>>
        %dma_start3A_3491 = tpu.memref_squeeze %dma_start3A_3490 : memref<1x1x8x64xf32, #tpu.memory_space<vmem>> -> memref<8x64xf32, #tpu.memory_space<vmem>>
        %dma_start3A_3492 = arith.constant 0 : i32
        %dma_start3A_3493 = arith.constant 0 : i32
        %dma_start3A_3494 = tpu.memref_slice %arg4[%squeeze3A_3478, %dma_start3A_3492, %dma_start3A_3493] : memref<125000x8x64xf32, #tpu.memory_space<hbm>> -> memref<1x8x64xf32, #tpu.memory_space<hbm>>
        %dma_start3A_3495 = tpu.memref_squeeze %dma_start3A_3494 : memref<1x8x64xf32, #tpu.memory_space<hbm>> -> memref<8x64xf32, #tpu.memory_space<hbm>>
        tpu.enqueue_dma source(%dma_start3A_3495 : memref<8x64xf32, #tpu.memory_space<hbm>>) target(%dma_start3A_3491 : memref<8x64xf32, #tpu.memory_space<vmem>>) target_semaphore(%arg14 : memref<!tpu.dma_semaphore, #tpu.memory_space<semaphore_mem>>)
        %slice3A_3496 = vector.extract_strided_slice %get3A_2944 {offsets = [14], sizes = [1], strides = [1]} : vector<16xi32> to vector<1xi32>
        %squeeze3A_3497 = vector.extract %slice3A_3496[0] : i32 from vector<1xi32>
        %dma_start3A_3498 = arith.constant 14 : i32
        %dma_start3A_3499 = arith.constant 0 : i32
        %dma_start3A_3500 = arith.constant 0 : i32
        %dma_start3A_3501 = tpu.memref_slice %arg12[%rem3A_2936, %dma_start3A_3498, %dma_start3A_3499, %dma_start3A_3500] : memref<2x16x8x64xf32, #tpu.memory_space<vmem>> -> memref<1x1x8x64xf32, #tpu.memory_space<vmem>>
        %dma_start3A_3502 = tpu.memref_squeeze %dma_start3A_3501 : memref<1x1x8x64xf32, #tpu.memory_space<vmem>> -> memref<8x64xf32, #tpu.memory_space<vmem>>
        %dma_start3A_3503 = arith.constant 0 : i32
        %dma_start3A_3504 = arith.constant 0 : i32
        %dma_start3A_3505 = tpu.memref_slice %arg5[%squeeze3A_3497, %dma_start3A_3503, %dma_start3A_3504] : memref<125000x8x64xf32, #tpu.memory_space<hbm>> -> memref<1x8x64xf32, #tpu.memory_space<hbm>>
        %dma_start3A_3506 = tpu.memref_squeeze %dma_start3A_3505 : memref<1x8x64xf32, #tpu.memory_space<hbm>> -> memref<8x64xf32, #tpu.memory_space<hbm>>
        %dma_start3A_3507 = arith.constant 0 : i32
        %dma_start3A_3508 = arith.constant 0 : i32
        %dma_start3A_3509 = tpu.memref_slice %arg12[%rem3A_2936, %dma_start3A_3498, %dma_start3A_3507, %dma_start3A_3508] : memref<2x16x8x64xf32, #tpu.memory_space<vmem>> -> memref<1x1x8x64xf32, #tpu.memory_space<vmem>>
        %dma_start3A_3510 = tpu.memref_squeeze %dma_start3A_3509 : memref<1x1x8x64xf32, #tpu.memory_space<vmem>> -> memref<8x64xf32, #tpu.memory_space<vmem>>
        %dma_start3A_3511 = arith.constant 0 : i32
        %dma_start3A_3512 = arith.constant 0 : i32
        %dma_start3A_3513 = tpu.memref_slice %arg5[%squeeze3A_3497, %dma_start3A_3511, %dma_start3A_3512] : memref<125000x8x64xf32, #tpu.memory_space<hbm>> -> memref<1x8x64xf32, #tpu.memory_space<hbm>>
        %dma_start3A_3514 = tpu.memref_squeeze %dma_start3A_3513 : memref<1x8x64xf32, #tpu.memory_space<hbm>> -> memref<8x64xf32, #tpu.memory_space<hbm>>
        tpu.enqueue_dma source(%dma_start3A_3514 : memref<8x64xf32, #tpu.memory_space<hbm>>) target(%dma_start3A_3510 : memref<8x64xf32, #tpu.memory_space<vmem>>) target_semaphore(%arg14 : memref<!tpu.dma_semaphore, #tpu.memory_space<semaphore_mem>>)
        %slice3A_3515 = vector.extract_strided_slice %get3A_2940 {offsets = [15], sizes = [1], strides = [1]} : vector<16xi32> to vector<1xi32>
        %squeeze3A_3516 = vector.extract %slice3A_3515[0] : i32 from vector<1xi32>
        %dma_start3A_3517 = arith.constant 15 : i32
        %dma_start3A_3518 = arith.constant 0 : i32
        %dma_start3A_3519 = arith.constant 0 : i32
        %dma_start3A_3520 = tpu.memref_slice %arg11[%rem3A_2936, %dma_start3A_3517, %dma_start3A_3518, %dma_start3A_3519] : memref<2x16x8x64xf32, #tpu.memory_space<vmem>> -> memref<1x1x8x64xf32, #tpu.memory_space<vmem>>
        %dma_start3A_3521 = tpu.memref_squeeze %dma_start3A_3520 : memref<1x1x8x64xf32, #tpu.memory_space<vmem>> -> memref<8x64xf32, #tpu.memory_space<vmem>>
        %dma_start3A_3522 = arith.constant 0 : i32
        %dma_start3A_3523 = arith.constant 0 : i32
        %dma_start3A_3524 = tpu.memref_slice %arg4[%squeeze3A_3516, %dma_start3A_3522, %dma_start3A_3523] : memref<125000x8x64xf32, #tpu.memory_space<hbm>> -> memref<1x8x64xf32, #tpu.memory_space<hbm>>
        %dma_start3A_3525 = tpu.memref_squeeze %dma_start3A_3524 : memref<1x8x64xf32, #tpu.memory_space<hbm>> -> memref<8x64xf32, #tpu.memory_space<hbm>>
        %dma_start3A_3526 = arith.constant 0 : i32
        %dma_start3A_3527 = arith.constant 0 : i32
        %dma_start3A_3528 = tpu.memref_slice %arg11[%rem3A_2936, %dma_start3A_3517, %dma_start3A_3526, %dma_start3A_3527] : memref<2x16x8x64xf32, #tpu.memory_space<vmem>> -> memref<1x1x8x64xf32, #tpu.memory_space<vmem>>
        %dma_start3A_3529 = tpu.memref_squeeze %dma_start3A_3528 : memref<1x1x8x64xf32, #tpu.memory_space<vmem>> -> memref<8x64xf32, #tpu.memory_space<vmem>>
        %dma_start3A_3530 = arith.constant 0 : i32
        %dma_start3A_3531 = arith.constant 0 : i32
        %dma_start3A_3532 = tpu.memref_slice %arg4[%squeeze3A_3516, %dma_start3A_3530, %dma_start3A_3531] : memref<125000x8x64xf32, #tpu.memory_space<hbm>> -> memref<1x8x64xf32, #tpu.memory_space<hbm>>
        %dma_start3A_3533 = tpu.memref_squeeze %dma_start3A_3532 : memref<1x8x64xf32, #tpu.memory_space<hbm>> -> memref<8x64xf32, #tpu.memory_space<hbm>>
        tpu.enqueue_dma source(%dma_start3A_3533 : memref<8x64xf32, #tpu.memory_space<hbm>>) target(%dma_start3A_3529 : memref<8x64xf32, #tpu.memory_space<vmem>>) target_semaphore(%arg14 : memref<!tpu.dma_semaphore, #tpu.memory_space<semaphore_mem>>)
        %slice3A_3534 = vector.extract_strided_slice %get3A_2944 {offsets = [15], sizes = [1], strides = [1]} : vector<16xi32> to vector<1xi32>
        %squeeze3A_3535 = vector.extract %slice3A_3534[0] : i32 from vector<1xi32>
        %dma_start3A_3536 = arith.constant 15 : i32
        %dma_start3A_3537 = arith.constant 0 : i32
        %dma_start3A_3538 = arith.constant 0 : i32
        %dma_start3A_3539 = tpu.memref_slice %arg12[%rem3A_2936, %dma_start3A_3536, %dma_start3A_3537, %dma_start3A_3538] : memref<2x16x8x64xf32, #tpu.memory_space<vmem>> -> memref<1x1x8x64xf32, #tpu.memory_space<vmem>>
        %dma_start3A_3540 = tpu.memref_squeeze %dma_start3A_3539 : memref<1x1x8x64xf32, #tpu.memory_space<vmem>> -> memref<8x64xf32, #tpu.memory_space<vmem>>
        %dma_start3A_3541 = arith.constant 0 : i32
        %dma_start3A_3542 = arith.constant 0 : i32
        %dma_start3A_3543 = tpu.memref_slice %arg5[%squeeze3A_3535, %dma_start3A_3541, %dma_start3A_3542] : memref<125000x8x64xf32, #tpu.memory_space<hbm>> -> memref<1x8x64xf32, #tpu.memory_space<hbm>>
        %dma_start3A_3544 = tpu.memref_squeeze %dma_start3A_3543 : memref<1x8x64xf32, #tpu.memory_space<hbm>> -> memref<8x64xf32, #tpu.memory_space<hbm>>
        %dma_start3A_3545 = arith.constant 0 : i32
        %dma_start3A_3546 = arith.constant 0 : i32
        %dma_start3A_3547 = tpu.memref_slice %arg12[%rem3A_2936, %dma_start3A_3536, %dma_start3A_3545, %dma_start3A_3546] : memref<2x16x8x64xf32, #tpu.memory_space<vmem>> -> memref<1x1x8x64xf32, #tpu.memory_space<vmem>>
        %dma_start3A_3548 = tpu.memref_squeeze %dma_start3A_3547 : memref<1x1x8x64xf32, #tpu.memory_space<vmem>> -> memref<8x64xf32, #tpu.memory_space<vmem>>
        %dma_start3A_3549 = arith.constant 0 : i32
        %dma_start3A_3550 = arith.constant 0 : i32
        %dma_start3A_3551 = tpu.memref_slice %arg5[%squeeze3A_3535, %dma_start3A_3549, %dma_start3A_3550] : memref<125000x8x64xf32, #tpu.memory_space<hbm>> -> memref<1x8x64xf32, #tpu.memory_space<hbm>>
        %dma_start3A_3552 = tpu.memref_squeeze %dma_start3A_3551 : memref<1x8x64xf32, #tpu.memory_space<hbm>> -> memref<8x64xf32, #tpu.memory_space<hbm>>
        tpu.enqueue_dma source(%dma_start3A_3552 : memref<8x64xf32, #tpu.memory_space<hbm>>) target(%dma_start3A_3548 : memref<8x64xf32, #tpu.memory_space<vmem>>) target_semaphore(%arg14 : memref<!tpu.dma_semaphore, #tpu.memory_space<semaphore_mem>>)
      } else {
      }
      %rem3A_1452 = arith.constant 2 : i32
      %rem3A_1453 = arith.remsi %scan3A_1447, %rem3A_1452 : i32
      %dma_wait3A = arith.constant 0 : i32
      %dma_wait3A_1454 = arith.constant 0 : i32
      %dma_wait3A_1455 = arith.constant 0 : i32
      %dma_wait3A_1456 = tpu.memref_slice %arg11[%rem3A_1453, %dma_wait3A, %dma_wait3A_1454, %dma_wait3A_1455] : memref<2x16x8x64xf32, #tpu.memory_space<vmem>> -> memref<1x16x8x64xf32, #tpu.memory_space<vmem>>
      %dma_wait3A_1457 = tpu.memref_squeeze %dma_wait3A_1456 : memref<1x16x8x64xf32, #tpu.memory_space<vmem>> -> memref<16x8x64xf32, #tpu.memory_space<vmem>>
      %dma_wait3A_1458 = arith.constant 0 : i32
      %dma_wait3A_1459 = arith.constant 0 : i32
      %dma_wait3A_1460 = arith.constant 0 : i32
      %dma_wait3A_1461 = tpu.memref_slice %arg4[%dma_wait3A_1458, %dma_wait3A_1459, %dma_wait3A_1460] : memref<125000x8x64xf32, #tpu.memory_space<hbm>> -> memref<16x8x64xf32, #tpu.memory_space<hbm>>
      %dma_wait3A_1462 = arith.constant 0 : i32
      %dma_wait3A_1463 = arith.constant 0 : i32
      %dma_wait3A_1464 = arith.constant 0 : i32
      %dma_wait3A_1465 = tpu.memref_slice %arg11[%rem3A_1453, %dma_wait3A_1462, %dma_wait3A_1463, %dma_wait3A_1464] : memref<2x16x8x64xf32, #tpu.memory_space<vmem>> -> memref<1x16x8x64xf32, #tpu.memory_space<vmem>>
      %dma_wait3A_1466 = tpu.memref_squeeze %dma_wait3A_1465 : memref<1x16x8x64xf32, #tpu.memory_space<vmem>> -> memref<16x8x64xf32, #tpu.memory_space<vmem>>
      %dma_wait3A_1467 = arith.constant 0 : i32
      %dma_wait3A_1468 = arith.constant 0 : i32
      %dma_wait3A_1469 = arith.constant 0 : i32
      %dma_wait3A_1470 = tpu.memref_slice %arg4[%dma_wait3A_1467, %dma_wait3A_1468, %dma_wait3A_1469] : memref<125000x8x64xf32, #tpu.memory_space<hbm>> -> memref<16x8x64xf32, #tpu.memory_space<hbm>>
      tpu.wait_dma2 semaphore(%arg14 : memref<!tpu.dma_semaphore, #tpu.memory_space<semaphore_mem>>) src(%dma_wait3A_1470 : memref<16x8x64xf32, #tpu.memory_space<hbm>>) dst(%dma_wait3A_1466 : memref<16x8x64xf32, #tpu.memory_space<vmem>>)
      %dma_wait3A_1471 = arith.constant 0 : i32
      %dma_wait3A_1472 = arith.constant 0 : i32
      %dma_wait3A_1473 = arith.constant 0 : i32
      %dma_wait3A_1474 = tpu.memref_slice %arg12[%rem3A_1453, %dma_wait3A_1471, %dma_wait3A_1472, %dma_wait3A_1473] : memref<2x16x8x64xf32, #tpu.memory_space<vmem>> -> memref<1x16x8x64xf32, #tpu.memory_space<vmem>>
      %dma_wait3A_1475 = tpu.memref_squeeze %dma_wait3A_1474 : memref<1x16x8x64xf32, #tpu.memory_space<vmem>> -> memref<16x8x64xf32, #tpu.memory_space<vmem>>
      %dma_wait3A_1476 = arith.constant 0 : i32
      %dma_wait3A_1477 = arith.constant 0 : i32
      %dma_wait3A_1478 = arith.constant 0 : i32
      %dma_wait3A_1479 = tpu.memref_slice %arg5[%dma_wait3A_1476, %dma_wait3A_1477, %dma_wait3A_1478] : memref<125000x8x64xf32, #tpu.memory_space<hbm>> -> memref<16x8x64xf32, #tpu.memory_space<hbm>>
      %dma_wait3A_1480 = arith.constant 0 : i32
      %dma_wait3A_1481 = arith.constant 0 : i32
      %dma_wait3A_1482 = arith.constant 0 : i32
      %dma_wait3A_1483 = tpu.memref_slice %arg12[%rem3A_1453, %dma_wait3A_1480, %dma_wait3A_1481, %dma_wait3A_1482] : memref<2x16x8x64xf32, #tpu.memory_space<vmem>> -> memref<1x16x8x64xf32, #tpu.memory_space<vmem>>
      %dma_wait3A_1484 = tpu.memref_squeeze %dma_wait3A_1483 : memref<1x16x8x64xf32, #tpu.memory_space<vmem>> -> memref<16x8x64xf32, #tpu.memory_space<vmem>>
      %dma_wait3A_1485 = arith.constant 0 : i32
      %dma_wait3A_1486 = arith.constant 0 : i32
      %dma_wait3A_1487 = arith.constant 0 : i32
      %dma_wait3A_1488 = tpu.memref_slice %arg5[%dma_wait3A_1485, %dma_wait3A_1486, %dma_wait3A_1487] : memref<125000x8x64xf32, #tpu.memory_space<hbm>> -> memref<16x8x64xf32, #tpu.memory_space<hbm>>
      tpu.wait_dma2 semaphore(%arg14 : memref<!tpu.dma_semaphore, #tpu.memory_space<semaphore_mem>>) src(%dma_wait3A_1488 : memref<16x8x64xf32, #tpu.memory_space<hbm>>) dst(%dma_wait3A_1484 : memref<16x8x64xf32, #tpu.memory_space<vmem>>)
      %rem3A_1489 = arith.constant 2 : i32
      %rem3A_1490 = arith.remsi %scan3A_1447, %rem3A_1489 : i32
      %mul3A_1491 = arith.constant 16 : i32
      %mul3A_1492 = arith.muli %scan3A_1447, %mul3A_1491 : i32
      %get3A_1493 = arith.index_cast %mul3A_1492 : i32 to index
      %get3A_1494 = tpu.vector_load %arg7[%get3A_1493] {strides = array<i32>} : memref<512xi32, #tpu.memory_space<vmem>>, vector<16xi32>,
      %get3A_1495 = vector.shape_cast %get3A_1494 : vector<16xi32> to vector<16xi32>
      %and3A_1496 = arith.constant 7 : i32
      %and3A_1497 = vector.broadcast %and3A_1496 : i32 to vector<16xi32>
      %and3A_1498 = arith.andi %get3A_1495, %and3A_1497 : vector<16xi32>
      %get3A_1499 = arith.index_cast %mul3A_1492 : i32 to index
      %get3A_1500 = tpu.vector_load %arg8[%get3A_1499] {strides = array<i32>} : memref<512xi32, #tpu.memory_space<vmem>>, vector<16xi32>,
      %get3A_1501 = vector.shape_cast %get3A_1500 : vector<16xi32> to vector<16xi32>
      %and3A_1502 = arith.constant 7 : i32
      %and3A_1503 = vector.broadcast %and3A_1502 : i32 to vector<16xi32>
      %and3A_1504 = arith.andi %get3A_1501, %and3A_1503 : vector<16xi32>
      %slice3A_1505 = vector.extract_strided_slice %and3A_1498 {offsets = [0], sizes = [1], strides = [1]} : vector<16xi32> to vector<1xi32>
      %squeeze3A_1506 = vector.extract %slice3A_1505[0] : i32 from vector<1xi32>
      %slice3A_1507 = vector.extract_strided_slice %and3A_1504 {offsets = [0], sizes = [1], strides = [1]} : vector<16xi32> to vector<1xi32>
      %squeeze3A_1508 = vector.extract %slice3A_1507[0] : i32 from vector<1xi32>
      %get3A_1509 = arith.constant 0 : i32
      %get3A_1510 = arith.index_cast %rem3A_1490 : i32 to index
      %get3A_1511 = arith.index_cast %get3A_1509 : i32 to index
      %get3A_1512 = arith.index_cast %squeeze3A_1506 : i32 to index
      %get3A_1513 = arith.constant 0 : index
      %get3A_1514 = tpu.vector_load %arg11[%get3A_1510, %get3A_1511, %get3A_1512, %get3A_1513] {strides = array<i32>} : memref<2x16x8x64xf32, #tpu.memory_space<vmem>>, vector<1x1x1x16xf32>,
      %get3A_1515 = vector.shape_cast %get3A_1514 : vector<1x1x1x16xf32> to vector<16xf32>
      %get3A_1516 = arith.constant 0 : i32
      %get3A_1517 = arith.index_cast %rem3A_1490 : i32 to index
      %get3A_1518 = arith.index_cast %get3A_1516 : i32 to index
      %get3A_1519 = arith.index_cast %squeeze3A_1508 : i32 to index
      %get3A_1520 = arith.constant 0 : index
      %get3A_1521 = tpu.vector_load %arg12[%get3A_1517, %get3A_1518, %get3A_1519, %get3A_1520] {strides = array<i32>} : memref<2x16x8x64xf32, #tpu.memory_space<vmem>>, vector<1x1x1x16xf32>,
      %get3A_1522 = vector.shape_cast %get3A_1521 : vector<1x1x1x16xf32> to vector<16xf32>
      %mul3A_1523 = arith.mulf %get3A_1515, %get3A_1522 : vector<16xf32>
      %get3A_1524 = arith.constant 0 : i32
      %get3A_1525 = arith.index_cast %rem3A_1490 : i32 to index
      %get3A_1526 = arith.index_cast %get3A_1524 : i32 to index
      %get3A_1527 = arith.index_cast %squeeze3A_1506 : i32 to index
      %get3A_1528 = arith.constant 16 : index
      %get3A_1529 = tpu.vector_load %arg11[%get3A_1525, %get3A_1526, %get3A_1527, %get3A_1528] {strides = array<i32>} : memref<2x16x8x64xf32, #tpu.memory_space<vmem>>, vector<1x1x1x16xf32>,
      %get3A_1530 = vector.shape_cast %get3A_1529 : vector<1x1x1x16xf32> to vector<16xf32>
      %get3A_1531 = arith.constant 0 : i32
      %get3A_1532 = arith.index_cast %rem3A_1490 : i32 to index
      %get3A_1533 = arith.index_cast %get3A_1531 : i32 to index
      %get3A_1534 = arith.index_cast %squeeze3A_1508 : i32 to index
      %get3A_1535 = arith.constant 16 : index
      %get3A_1536 = tpu.vector_load %arg12[%get3A_1532, %get3A_1533, %get3A_1534, %get3A_1535] {strides = array<i32>} : memref<2x16x8x64xf32, #tpu.memory_space<vmem>>, vector<1x1x1x16xf32>,
      %get3A_1537 = vector.shape_cast %get3A_1536 : vector<1x1x1x16xf32> to vector<16xf32>
      %mul3A_1538 = arith.mulf %get3A_1530, %get3A_1537 : vector<16xf32>
      %add3A_1539 = arith.addf %mul3A_1523, %mul3A_1538 : vector<16xf32>
      %get3A_1540 = arith.constant 0 : i32
      %get3A_1541 = arith.index_cast %rem3A_1490 : i32 to index
      %get3A_1542 = arith.index_cast %get3A_1540 : i32 to index
      %get3A_1543 = arith.index_cast %squeeze3A_1506 : i32 to index
      %get3A_1544 = arith.constant 32 : index
      %get3A_1545 = tpu.vector_load %arg11[%get3A_1541, %get3A_1542, %get3A_1543, %get3A_1544] {strides = array<i32>} : memref<2x16x8x64xf32, #tpu.memory_space<vmem>>, vector<1x1x1x16xf32>,
      %get3A_1546 = vector.shape_cast %get3A_1545 : vector<1x1x1x16xf32> to vector<16xf32>
      %get3A_1547 = arith.constant 0 : i32
      %get3A_1548 = arith.index_cast %rem3A_1490 : i32 to index
      %get3A_1549 = arith.index_cast %get3A_1547 : i32 to index
      %get3A_1550 = arith.index_cast %squeeze3A_1508 : i32 to index
      %get3A_1551 = arith.constant 32 : index
      %get3A_1552 = tpu.vector_load %arg12[%get3A_1548, %get3A_1549, %get3A_1550, %get3A_1551] {strides = array<i32>} : memref<2x16x8x64xf32, #tpu.memory_space<vmem>>, vector<1x1x1x16xf32>,
      %get3A_1553 = vector.shape_cast %get3A_1552 : vector<1x1x1x16xf32> to vector<16xf32>
      %mul3A_1554 = arith.mulf %get3A_1546, %get3A_1553 : vector<16xf32>
      %add3A_1555 = arith.addf %add3A_1539, %mul3A_1554 : vector<16xf32>
      %get3A_1556 = arith.constant 0 : i32
      %get3A_1557 = arith.index_cast %rem3A_1490 : i32 to index
      %get3A_1558 = arith.index_cast %get3A_1556 : i32 to index
      %get3A_1559 = arith.index_cast %squeeze3A_1506 : i32 to index
      %get3A_1560 = arith.constant 48 : index
      %get3A_1561 = tpu.vector_load %arg11[%get3A_1557, %get3A_1558, %get3A_1559, %get3A_1560] {strides = array<i32>} : memref<2x16x8x64xf32, #tpu.memory_space<vmem>>, vector<1x1x1x16xf32>,
      %get3A_1562 = vector.shape_cast %get3A_1561 : vector<1x1x1x16xf32> to vector<16xf32>
      %get3A_1563 = arith.constant 0 : i32
      %get3A_1564 = arith.index_cast %rem3A_1490 : i32 to index
      %get3A_1565 = arith.index_cast %get3A_1563 : i32 to index
      %get3A_1566 = arith.index_cast %squeeze3A_1508 : i32 to index
      %get3A_1567 = arith.constant 48 : index
      %get3A_1568 = tpu.vector_load %arg12[%get3A_1564, %get3A_1565, %get3A_1566, %get3A_1567] {strides = array<i32>} : memref<2x16x8x64xf32, #tpu.memory_space<vmem>>, vector<1x1x1x16xf32>,
      %get3A_1569 = vector.shape_cast %get3A_1568 : vector<1x1x1x16xf32> to vector<16xf32>
      %mul3A_1570 = arith.mulf %get3A_1562, %get3A_1569 : vector<16xf32>
      %add3A_1571 = arith.addf %add3A_1555, %mul3A_1570 : vector<16xf32>
      %slice3A_1572 = vector.extract_strided_slice %and3A_1498 {offsets = [1], sizes = [1], strides = [1]} : vector<16xi32> to vector<1xi32>
      %squeeze3A_1573 = vector.extract %slice3A_1572[0] : i32 from vector<1xi32>
      %slice3A_1574 = vector.extract_strided_slice %and3A_1504 {offsets = [1], sizes = [1], strides = [1]} : vector<16xi32> to vector<1xi32>
      %squeeze3A_1575 = vector.extract %slice3A_1574[0] : i32 from vector<1xi32>
      %get3A_1576 = arith.constant 1 : i32
      %get3A_1577 = arith.index_cast %rem3A_1490 : i32 to index
      %get3A_1578 = arith.index_cast %get3A_1576 : i32 to index
      %get3A_1579 = arith.index_cast %squeeze3A_1573 : i32 to index
      %get3A_1580 = arith.constant 0 : index
      %get3A_1581 = tpu.vector_load %arg11[%get3A_1577, %get3A_1578, %get3A_1579, %get3A_1580] {strides = array<i32>} : memref<2x16x8x64xf32, #tpu.memory_space<vmem>>, vector<1x1x1x16xf32>,
      %get3A_1582 = vector.shape_cast %get3A_1581 : vector<1x1x1x16xf32> to vector<16xf32>
      %get3A_1583 = arith.constant 1 : i32
      %get3A_1584 = arith.index_cast %rem3A_1490 : i32 to index
      %get3A_1585 = arith.index_cast %get3A_1583 : i32 to index
      %get3A_1586 = arith.index_cast %squeeze3A_1575 : i32 to index
      %get3A_1587 = arith.constant 0 : index
      %get3A_1588 = tpu.vector_load %arg12[%get3A_1584, %get3A_1585, %get3A_1586, %get3A_1587] {strides = array<i32>} : memref<2x16x8x64xf32, #tpu.memory_space<vmem>>, vector<1x1x1x16xf32>,
      %get3A_1589 = vector.shape_cast %get3A_1588 : vector<1x1x1x16xf32> to vector<16xf32>
      %mul3A_1590 = arith.mulf %get3A_1582, %get3A_1589 : vector<16xf32>
      %get3A_1591 = arith.constant 1 : i32
      %get3A_1592 = arith.index_cast %rem3A_1490 : i32 to index
      %get3A_1593 = arith.index_cast %get3A_1591 : i32 to index
      %get3A_1594 = arith.index_cast %squeeze3A_1573 : i32 to index
      %get3A_1595 = arith.constant 16 : index
      %get3A_1596 = tpu.vector_load %arg11[%get3A_1592, %get3A_1593, %get3A_1594, %get3A_1595] {strides = array<i32>} : memref<2x16x8x64xf32, #tpu.memory_space<vmem>>, vector<1x1x1x16xf32>,
      %get3A_1597 = vector.shape_cast %get3A_1596 : vector<1x1x1x16xf32> to vector<16xf32>
      %get3A_1598 = arith.constant 1 : i32
      %get3A_1599 = arith.index_cast %rem3A_1490 : i32 to index
      %get3A_1600 = arith.index_cast %get3A_1598 : i32 to index
      %get3A_1601 = arith.index_cast %squeeze3A_1575 : i32 to index
      %get3A_1602 = arith.constant 16 : index
      %get3A_1603 = tpu.vector_load %arg12[%get3A_1599, %get3A_1600, %get3A_1601, %get3A_1602] {strides = array<i32>} : memref<2x16x8x64xf32, #tpu.memory_space<vmem>>, vector<1x1x1x16xf32>,
      %get3A_1604 = vector.shape_cast %get3A_1603 : vector<1x1x1x16xf32> to vector<16xf32>
      %mul3A_1605 = arith.mulf %get3A_1597, %get3A_1604 : vector<16xf32>
      %add3A_1606 = arith.addf %mul3A_1590, %mul3A_1605 : vector<16xf32>
      %get3A_1607 = arith.constant 1 : i32
      %get3A_1608 = arith.index_cast %rem3A_1490 : i32 to index
      %get3A_1609 = arith.index_cast %get3A_1607 : i32 to index
      %get3A_1610 = arith.index_cast %squeeze3A_1573 : i32 to index
      %get3A_1611 = arith.constant 32 : index
      %get3A_1612 = tpu.vector_load %arg11[%get3A_1608, %get3A_1609, %get3A_1610, %get3A_1611] {strides = array<i32>} : memref<2x16x8x64xf32, #tpu.memory_space<vmem>>, vector<1x1x1x16xf32>,
      %get3A_1613 = vector.shape_cast %get3A_1612 : vector<1x1x1x16xf32> to vector<16xf32>
      %get3A_1614 = arith.constant 1 : i32
      %get3A_1615 = arith.index_cast %rem3A_1490 : i32 to index
      %get3A_1616 = arith.index_cast %get3A_1614 : i32 to index
      %get3A_1617 = arith.index_cast %squeeze3A_1575 : i32 to index
      %get3A_1618 = arith.constant 32 : index
      %get3A_1619 = tpu.vector_load %arg12[%get3A_1615, %get3A_1616, %get3A_1617, %get3A_1618] {strides = array<i32>} : memref<2x16x8x64xf32, #tpu.memory_space<vmem>>, vector<1x1x1x16xf32>,
      %get3A_1620 = vector.shape_cast %get3A_1619 : vector<1x1x1x16xf32> to vector<16xf32>
      %mul3A_1621 = arith.mulf %get3A_1613, %get3A_1620 : vector<16xf32>
      %add3A_1622 = arith.addf %add3A_1606, %mul3A_1621 : vector<16xf32>
      %get3A_1623 = arith.constant 1 : i32
      %get3A_1624 = arith.index_cast %rem3A_1490 : i32 to index
      %get3A_1625 = arith.index_cast %get3A_1623 : i32 to index
      %get3A_1626 = arith.index_cast %squeeze3A_1573 : i32 to index
      %get3A_1627 = arith.constant 48 : index
      %get3A_1628 = tpu.vector_load %arg11[%get3A_1624, %get3A_1625, %get3A_1626, %get3A_1627] {strides = array<i32>} : memref<2x16x8x64xf32, #tpu.memory_space<vmem>>, vector<1x1x1x16xf32>,
      %get3A_1629 = vector.shape_cast %get3A_1628 : vector<1x1x1x16xf32> to vector<16xf32>
      %get3A_1630 = arith.constant 1 : i32
      %get3A_1631 = arith.index_cast %rem3A_1490 : i32 to index
      %get3A_1632 = arith.index_cast %get3A_1630 : i32 to index
      %get3A_1633 = arith.index_cast %squeeze3A_1575 : i32 to index
      %get3A_1634 = arith.constant 48 : index
      %get3A_1635 = tpu.vector_load %arg12[%get3A_1631, %get3A_1632, %get3A_1633, %get3A_1634] {strides = array<i32>} : memref<2x16x8x64xf32, #tpu.memory_space<vmem>>, vector<1x1x1x16xf32>,
      %get3A_1636 = vector.shape_cast %get3A_1635 : vector<1x1x1x16xf32> to vector<16xf32>
      %mul3A_1637 = arith.mulf %get3A_1629, %get3A_1636 : vector<16xf32>
      %add3A_1638 = arith.addf %add3A_1622, %mul3A_1637 : vector<16xf32>
      %slice3A_1639 = vector.extract_strided_slice %and3A_1498 {offsets = [2], sizes = [1], strides = [1]} : vector<16xi32> to vector<1xi32>
      %squeeze3A_1640 = vector.extract %slice3A_1639[0] : i32 from vector<1xi32>
      %slice3A_1641 = vector.extract_strided_slice %and3A_1504 {offsets = [2], sizes = [1], strides = [1]} : vector<16xi32> to vector<1xi32>
      %squeeze3A_1642 = vector.extract %slice3A_1641[0] : i32 from vector<1xi32>
      %get3A_1643 = arith.constant 2 : i32
      %get3A_1644 = arith.index_cast %rem3A_1490 : i32 to index
      %get3A_1645 = arith.index_cast %get3A_1643 : i32 to index
      %get3A_1646 = arith.index_cast %squeeze3A_1640 : i32 to index
      %get3A_1647 = arith.constant 0 : index
      %get3A_1648 = tpu.vector_load %arg11[%get3A_1644, %get3A_1645, %get3A_1646, %get3A_1647] {strides = array<i32>} : memref<2x16x8x64xf32, #tpu.memory_space<vmem>>, vector<1x1x1x16xf32>,
      %get3A_1649 = vector.shape_cast %get3A_1648 : vector<1x1x1x16xf32> to vector<16xf32>
      %get3A_1650 = arith.constant 2 : i32
      %get3A_1651 = arith.index_cast %rem3A_1490 : i32 to index
      %get3A_1652 = arith.index_cast %get3A_1650 : i32 to index
      %get3A_1653 = arith.index_cast %squeeze3A_1642 : i32 to index
      %get3A_1654 = arith.constant 0 : index
      %get3A_1655 = tpu.vector_load %arg12[%get3A_1651, %get3A_1652, %get3A_1653, %get3A_1654] {strides = array<i32>} : memref<2x16x8x64xf32, #tpu.memory_space<vmem>>, vector<1x1x1x16xf32>,
      %get3A_1656 = vector.shape_cast %get3A_1655 : vector<1x1x1x16xf32> to vector<16xf32>
      %mul3A_1657 = arith.mulf %get3A_1649, %get3A_1656 : vector<16xf32>
      %get3A_1658 = arith.constant 2 : i32
      %get3A_1659 = arith.index_cast %rem3A_1490 : i32 to index
      %get3A_1660 = arith.index_cast %get3A_1658 : i32 to index
      %get3A_1661 = arith.index_cast %squeeze3A_1640 : i32 to index
      %get3A_1662 = arith.constant 16 : index
      %get3A_1663 = tpu.vector_load %arg11[%get3A_1659, %get3A_1660, %get3A_1661, %get3A_1662] {strides = array<i32>} : memref<2x16x8x64xf32, #tpu.memory_space<vmem>>, vector<1x1x1x16xf32>,
      %get3A_1664 = vector.shape_cast %get3A_1663 : vector<1x1x1x16xf32> to vector<16xf32>
      %get3A_1665 = arith.constant 2 : i32
      %get3A_1666 = arith.index_cast %rem3A_1490 : i32 to index
      %get3A_1667 = arith.index_cast %get3A_1665 : i32 to index
      %get3A_1668 = arith.index_cast %squeeze3A_1642 : i32 to index
      %get3A_1669 = arith.constant 16 : index
      %get3A_1670 = tpu.vector_load %arg12[%get3A_1666, %get3A_1667, %get3A_1668, %get3A_1669] {strides = array<i32>} : memref<2x16x8x64xf32, #tpu.memory_space<vmem>>, vector<1x1x1x16xf32>,
      %get3A_1671 = vector.shape_cast %get3A_1670 : vector<1x1x1x16xf32> to vector<16xf32>
      %mul3A_1672 = arith.mulf %get3A_1664, %get3A_1671 : vector<16xf32>
      %add3A_1673 = arith.addf %mul3A_1657, %mul3A_1672 : vector<16xf32>
      %get3A_1674 = arith.constant 2 : i32
      %get3A_1675 = arith.index_cast %rem3A_1490 : i32 to index
      %get3A_1676 = arith.index_cast %get3A_1674 : i32 to index
      %get3A_1677 = arith.index_cast %squeeze3A_1640 : i32 to index
      %get3A_1678 = arith.constant 32 : index
      %get3A_1679 = tpu.vector_load %arg11[%get3A_1675, %get3A_1676, %get3A_1677, %get3A_1678] {strides = array<i32>} : memref<2x16x8x64xf32, #tpu.memory_space<vmem>>, vector<1x1x1x16xf32>,
      %get3A_1680 = vector.shape_cast %get3A_1679 : vector<1x1x1x16xf32> to vector<16xf32>
      %get3A_1681 = arith.constant 2 : i32
      %get3A_1682 = arith.index_cast %rem3A_1490 : i32 to index
      %get3A_1683 = arith.index_cast %get3A_1681 : i32 to index
      %get3A_1684 = arith.index_cast %squeeze3A_1642 : i32 to index
      %get3A_1685 = arith.constant 32 : index
      %get3A_1686 = tpu.vector_load %arg12[%get3A_1682, %get3A_1683, %get3A_1684, %get3A_1685] {strides = array<i32>} : memref<2x16x8x64xf32, #tpu.memory_space<vmem>>, vector<1x1x1x16xf32>,
      %get3A_1687 = vector.shape_cast %get3A_1686 : vector<1x1x1x16xf32> to vector<16xf32>
      %mul3A_1688 = arith.mulf %get3A_1680, %get3A_1687 : vector<16xf32>
      %add3A_1689 = arith.addf %add3A_1673, %mul3A_1688 : vector<16xf32>
      %get3A_1690 = arith.constant 2 : i32
      %get3A_1691 = arith.index_cast %rem3A_1490 : i32 to index
      %get3A_1692 = arith.index_cast %get3A_1690 : i32 to index
      %get3A_1693 = arith.index_cast %squeeze3A_1640 : i32 to index
      %get3A_1694 = arith.constant 48 : index
      %get3A_1695 = tpu.vector_load %arg11[%get3A_1691, %get3A_1692, %get3A_1693, %get3A_1694] {strides = array<i32>} : memref<2x16x8x64xf32, #tpu.memory_space<vmem>>, vector<1x1x1x16xf32>,
      %get3A_1696 = vector.shape_cast %get3A_1695 : vector<1x1x1x16xf32> to vector<16xf32>
      %get3A_1697 = arith.constant 2 : i32
      %get3A_1698 = arith.index_cast %rem3A_1490 : i32 to index
      %get3A_1699 = arith.index_cast %get3A_1697 : i32 to index
      %get3A_1700 = arith.index_cast %squeeze3A_1642 : i32 to index
      %get3A_1701 = arith.constant 48 : index
      %get3A_1702 = tpu.vector_load %arg12[%get3A_1698, %get3A_1699, %get3A_1700, %get3A_1701] {strides = array<i32>} : memref<2x16x8x64xf32, #tpu.memory_space<vmem>>, vector<1x1x1x16xf32>,
      %get3A_1703 = vector.shape_cast %get3A_1702 : vector<1x1x1x16xf32> to vector<16xf32>
      %mul3A_1704 = arith.mulf %get3A_1696, %get3A_1703 : vector<16xf32>
      %add3A_1705 = arith.addf %add3A_1689, %mul3A_1704 : vector<16xf32>
      %slice3A_1706 = vector.extract_strided_slice %and3A_1498 {offsets = [3], sizes = [1], strides = [1]} : vector<16xi32> to vector<1xi32>
      %squeeze3A_1707 = vector.extract %slice3A_1706[0] : i32 from vector<1xi32>
      %slice3A_1708 = vector.extract_strided_slice %and3A_1504 {offsets = [3], sizes = [1], strides = [1]} : vector<16xi32> to vector<1xi32>
      %squeeze3A_1709 = vector.extract %slice3A_1708[0] : i32 from vector<1xi32>
      %get3A_1710 = arith.constant 3 : i32
      %get3A_1711 = arith.index_cast %rem3A_1490 : i32 to index
      %get3A_1712 = arith.index_cast %get3A_1710 : i32 to index
      %get3A_1713 = arith.index_cast %squeeze3A_1707 : i32 to index
      %get3A_1714 = arith.constant 0 : index
      %get3A_1715 = tpu.vector_load %arg11[%get3A_1711, %get3A_1712, %get3A_1713, %get3A_1714] {strides = array<i32>} : memref<2x16x8x64xf32, #tpu.memory_space<vmem>>, vector<1x1x1x16xf32>,
      %get3A_1716 = vector.shape_cast %get3A_1715 : vector<1x1x1x16xf32> to vector<16xf32>
      %get3A_1717 = arith.constant 3 : i32
      %get3A_1718 = arith.index_cast %rem3A_1490 : i32 to index
      %get3A_1719 = arith.index_cast %get3A_1717 : i32 to index
      %get3A_1720 = arith.index_cast %squeeze3A_1709 : i32 to index
      %get3A_1721 = arith.constant 0 : index
      %get3A_1722 = tpu.vector_load %arg12[%get3A_1718, %get3A_1719, %get3A_1720, %get3A_1721] {strides = array<i32>} : memref<2x16x8x64xf32, #tpu.memory_space<vmem>>, vector<1x1x1x16xf32>,
      %get3A_1723 = vector.shape_cast %get3A_1722 : vector<1x1x1x16xf32> to vector<16xf32>
      %mul3A_1724 = arith.mulf %get3A_1716, %get3A_1723 : vector<16xf32>
      %get3A_1725 = arith.constant 3 : i32
      %get3A_1726 = arith.index_cast %rem3A_1490 : i32 to index
      %get3A_1727 = arith.index_cast %get3A_1725 : i32 to index
      %get3A_1728 = arith.index_cast %squeeze3A_1707 : i32 to index
      %get3A_1729 = arith.constant 16 : index
      %get3A_1730 = tpu.vector_load %arg11[%get3A_1726, %get3A_1727, %get3A_1728, %get3A_1729] {strides = array<i32>} : memref<2x16x8x64xf32, #tpu.memory_space<vmem>>, vector<1x1x1x16xf32>,
      %get3A_1731 = vector.shape_cast %get3A_1730 : vector<1x1x1x16xf32> to vector<16xf32>
      %get3A_1732 = arith.constant 3 : i32
      %get3A_1733 = arith.index_cast %rem3A_1490 : i32 to index
      %get3A_1734 = arith.index_cast %get3A_1732 : i32 to index
      %get3A_1735 = arith.index_cast %squeeze3A_1709 : i32 to index
      %get3A_1736 = arith.constant 16 : index
      %get3A_1737 = tpu.vector_load %arg12[%get3A_1733, %get3A_1734, %get3A_1735, %get3A_1736] {strides = array<i32>} : memref<2x16x8x64xf32, #tpu.memory_space<vmem>>, vector<1x1x1x16xf32>,
      %get3A_1738 = vector.shape_cast %get3A_1737 : vector<1x1x1x16xf32> to vector<16xf32>
      %mul3A_1739 = arith.mulf %get3A_1731, %get3A_1738 : vector<16xf32>
      %add3A_1740 = arith.addf %mul3A_1724, %mul3A_1739 : vector<16xf32>
      %get3A_1741 = arith.constant 3 : i32
      %get3A_1742 = arith.index_cast %rem3A_1490 : i32 to index
      %get3A_1743 = arith.index_cast %get3A_1741 : i32 to index
      %get3A_1744 = arith.index_cast %squeeze3A_1707 : i32 to index
      %get3A_1745 = arith.constant 32 : index
      %get3A_1746 = tpu.vector_load %arg11[%get3A_1742, %get3A_1743, %get3A_1744, %get3A_1745] {strides = array<i32>} : memref<2x16x8x64xf32, #tpu.memory_space<vmem>>, vector<1x1x1x16xf32>,
      %get3A_1747 = vector.shape_cast %get3A_1746 : vector<1x1x1x16xf32> to vector<16xf32>
      %get3A_1748 = arith.constant 3 : i32
      %get3A_1749 = arith.index_cast %rem3A_1490 : i32 to index
      %get3A_1750 = arith.index_cast %get3A_1748 : i32 to index
      %get3A_1751 = arith.index_cast %squeeze3A_1709 : i32 to index
      %get3A_1752 = arith.constant 32 : index
      %get3A_1753 = tpu.vector_load %arg12[%get3A_1749, %get3A_1750, %get3A_1751, %get3A_1752] {strides = array<i32>} : memref<2x16x8x64xf32, #tpu.memory_space<vmem>>, vector<1x1x1x16xf32>,
      %get3A_1754 = vector.shape_cast %get3A_1753 : vector<1x1x1x16xf32> to vector<16xf32>
      %mul3A_1755 = arith.mulf %get3A_1747, %get3A_1754 : vector<16xf32>
      %add3A_1756 = arith.addf %add3A_1740, %mul3A_1755 : vector<16xf32>
      %get3A_1757 = arith.constant 3 : i32
      %get3A_1758 = arith.index_cast %rem3A_1490 : i32 to index
      %get3A_1759 = arith.index_cast %get3A_1757 : i32 to index
      %get3A_1760 = arith.index_cast %squeeze3A_1707 : i32 to index
      %get3A_1761 = arith.constant 48 : index
      %get3A_1762 = tpu.vector_load %arg11[%get3A_1758, %get3A_1759, %get3A_1760, %get3A_1761] {strides = array<i32>} : memref<2x16x8x64xf32, #tpu.memory_space<vmem>>, vector<1x1x1x16xf32>,
      %get3A_1763 = vector.shape_cast %get3A_1762 : vector<1x1x1x16xf32> to vector<16xf32>
      %get3A_1764 = arith.constant 3 : i32
      %get3A_1765 = arith.index_cast %rem3A_1490 : i32 to index
      %get3A_1766 = arith.index_cast %get3A_1764 : i32 to index
      %get3A_1767 = arith.index_cast %squeeze3A_1709 : i32 to index
      %get3A_1768 = arith.constant 48 : index
      %get3A_1769 = tpu.vector_load %arg12[%get3A_1765, %get3A_1766, %get3A_1767, %get3A_1768] {strides = array<i32>} : memref<2x16x8x64xf32, #tpu.memory_space<vmem>>, vector<1x1x1x16xf32>,
      %get3A_1770 = vector.shape_cast %get3A_1769 : vector<1x1x1x16xf32> to vector<16xf32>
      %mul3A_1771 = arith.mulf %get3A_1763, %get3A_1770 : vector<16xf32>
      %add3A_1772 = arith.addf %add3A_1756, %mul3A_1771 : vector<16xf32>
      %slice3A_1773 = vector.extract_strided_slice %and3A_1498 {offsets = [4], sizes = [1], strides = [1]} : vector<16xi32> to vector<1xi32>
      %squeeze3A_1774 = vector.extract %slice3A_1773[0] : i32 from vector<1xi32>
      %slice3A_1775 = vector.extract_strided_slice %and3A_1504 {offsets = [4], sizes = [1], strides = [1]} : vector<16xi32> to vector<1xi32>
      %squeeze3A_1776 = vector.extract %slice3A_1775[0] : i32 from vector<1xi32>
      %get3A_1777 = arith.constant 4 : i32
      %get3A_1778 = arith.index_cast %rem3A_1490 : i32 to index
      %get3A_1779 = arith.index_cast %get3A_1777 : i32 to index
      %get3A_1780 = arith.index_cast %squeeze3A_1774 : i32 to index
      %get3A_1781 = arith.constant 0 : index
      %get3A_1782 = tpu.vector_load %arg11[%get3A_1778, %get3A_1779, %get3A_1780, %get3A_1781] {strides = array<i32>} : memref<2x16x8x64xf32, #tpu.memory_space<vmem>>, vector<1x1x1x16xf32>,
      %get3A_1783 = vector.shape_cast %get3A_1782 : vector<1x1x1x16xf32> to vector<16xf32>
      %get3A_1784 = arith.constant 4 : i32
      %get3A_1785 = arith.index_cast %rem3A_1490 : i32 to index
      %get3A_1786 = arith.index_cast %get3A_1784 : i32 to index
      %get3A_1787 = arith.index_cast %squeeze3A_1776 : i32 to index
      %get3A_1788 = arith.constant 0 : index
      %get3A_1789 = tpu.vector_load %arg12[%get3A_1785, %get3A_1786, %get3A_1787, %get3A_1788] {strides = array<i32>} : memref<2x16x8x64xf32, #tpu.memory_space<vmem>>, vector<1x1x1x16xf32>,
      %get3A_1790 = vector.shape_cast %get3A_1789 : vector<1x1x1x16xf32> to vector<16xf32>
      %mul3A_1791 = arith.mulf %get3A_1783, %get3A_1790 : vector<16xf32>
      %get3A_1792 = arith.constant 4 : i32
      %get3A_1793 = arith.index_cast %rem3A_1490 : i32 to index
      %get3A_1794 = arith.index_cast %get3A_1792 : i32 to index
      %get3A_1795 = arith.index_cast %squeeze3A_1774 : i32 to index
      %get3A_1796 = arith.constant 16 : index
      %get3A_1797 = tpu.vector_load %arg11[%get3A_1793, %get3A_1794, %get3A_1795, %get3A_1796] {strides = array<i32>} : memref<2x16x8x64xf32, #tpu.memory_space<vmem>>, vector<1x1x1x16xf32>,
      %get3A_1798 = vector.shape_cast %get3A_1797 : vector<1x1x1x16xf32> to vector<16xf32>
      %get3A_1799 = arith.constant 4 : i32
      %get3A_1800 = arith.index_cast %rem3A_1490 : i32 to index
      %get3A_1801 = arith.index_cast %get3A_1799 : i32 to index
      %get3A_1802 = arith.index_cast %squeeze3A_1776 : i32 to index
      %get3A_1803 = arith.constant 16 : index
      %get3A_1804 = tpu.vector_load %arg12[%get3A_1800, %get3A_1801, %get3A_1802, %get3A_1803] {strides = array<i32>} : memref<2x16x8x64xf32, #tpu.memory_space<vmem>>, vector<1x1x1x16xf32>,
      %get3A_1805 = vector.shape_cast %get3A_1804 : vector<1x1x1x16xf32> to vector<16xf32>
      %mul3A_1806 = arith.mulf %get3A_1798, %get3A_1805 : vector<16xf32>
      %add3A_1807 = arith.addf %mul3A_1791, %mul3A_1806 : vector<16xf32>
      %get3A_1808 = arith.constant 4 : i32
      %get3A_1809 = arith.index_cast %rem3A_1490 : i32 to index
      %get3A_1810 = arith.index_cast %get3A_1808 : i32 to index
      %get3A_1811 = arith.index_cast %squeeze3A_1774 : i32 to index
      %get3A_1812 = arith.constant 32 : index
      %get3A_1813 = tpu.vector_load %arg11[%get3A_1809, %get3A_1810, %get3A_1811, %get3A_1812] {strides = array<i32>} : memref<2x16x8x64xf32, #tpu.memory_space<vmem>>, vector<1x1x1x16xf32>,
      %get3A_1814 = vector.shape_cast %get3A_1813 : vector<1x1x1x16xf32> to vector<16xf32>
      %get3A_1815 = arith.constant 4 : i32
      %get3A_1816 = arith.index_cast %rem3A_1490 : i32 to index
      %get3A_1817 = arith.index_cast %get3A_1815 : i32 to index
      %get3A_1818 = arith.index_cast %squeeze3A_1776 : i32 to index
      %get3A_1819 = arith.constant 32 : index
      %get3A_1820 = tpu.vector_load %arg12[%get3A_1816, %get3A_1817, %get3A_1818, %get3A_1819] {strides = array<i32>} : memref<2x16x8x64xf32, #tpu.memory_space<vmem>>, vector<1x1x1x16xf32>,
      %get3A_1821 = vector.shape_cast %get3A_1820 : vector<1x1x1x16xf32> to vector<16xf32>
      %mul3A_1822 = arith.mulf %get3A_1814, %get3A_1821 : vector<16xf32>
      %add3A_1823 = arith.addf %add3A_1807, %mul3A_1822 : vector<16xf32>
      %get3A_1824 = arith.constant 4 : i32
      %get3A_1825 = arith.index_cast %rem3A_1490 : i32 to index
      %get3A_1826 = arith.index_cast %get3A_1824 : i32 to index
      %get3A_1827 = arith.index_cast %squeeze3A_1774 : i32 to index
      %get3A_1828 = arith.constant 48 : index
      %get3A_1829 = tpu.vector_load %arg11[%get3A_1825, %get3A_1826, %get3A_1827, %get3A_1828] {strides = array<i32>} : memref<2x16x8x64xf32, #tpu.memory_space<vmem>>, vector<1x1x1x16xf32>,
      %get3A_1830 = vector.shape_cast %get3A_1829 : vector<1x1x1x16xf32> to vector<16xf32>
      %get3A_1831 = arith.constant 4 : i32
      %get3A_1832 = arith.index_cast %rem3A_1490 : i32 to index
      %get3A_1833 = arith.index_cast %get3A_1831 : i32 to index
      %get3A_1834 = arith.index_cast %squeeze3A_1776 : i32 to index
      %get3A_1835 = arith.constant 48 : index
      %get3A_1836 = tpu.vector_load %arg12[%get3A_1832, %get3A_1833, %get3A_1834, %get3A_1835] {strides = array<i32>} : memref<2x16x8x64xf32, #tpu.memory_space<vmem>>, vector<1x1x1x16xf32>,
      %get3A_1837 = vector.shape_cast %get3A_1836 : vector<1x1x1x16xf32> to vector<16xf32>
      %mul3A_1838 = arith.mulf %get3A_1830, %get3A_1837 : vector<16xf32>
      %add3A_1839 = arith.addf %add3A_1823, %mul3A_1838 : vector<16xf32>
      %slice3A_1840 = vector.extract_strided_slice %and3A_1498 {offsets = [5], sizes = [1], strides = [1]} : vector<16xi32> to vector<1xi32>
      %squeeze3A_1841 = vector.extract %slice3A_1840[0] : i32 from vector<1xi32>
      %slice3A_1842 = vector.extract_strided_slice %and3A_1504 {offsets = [5], sizes = [1], strides = [1]} : vector<16xi32> to vector<1xi32>
      %squeeze3A_1843 = vector.extract %slice3A_1842[0] : i32 from vector<1xi32>
      %get3A_1844 = arith.constant 5 : i32
      %get3A_1845 = arith.index_cast %rem3A_1490 : i32 to index
      %get3A_1846 = arith.index_cast %get3A_1844 : i32 to index
      %get3A_1847 = arith.index_cast %squeeze3A_1841 : i32 to index
      %get3A_1848 = arith.constant 0 : index
      %get3A_1849 = tpu.vector_load %arg11[%get3A_1845, %get3A_1846, %get3A_1847, %get3A_1848] {strides = array<i32>} : memref<2x16x8x64xf32, #tpu.memory_space<vmem>>, vector<1x1x1x16xf32>,
      %get3A_1850 = vector.shape_cast %get3A_1849 : vector<1x1x1x16xf32> to vector<16xf32>
      %get3A_1851 = arith.constant 5 : i32
      %get3A_1852 = arith.index_cast %rem3A_1490 : i32 to index
      %get3A_1853 = arith.index_cast %get3A_1851 : i32 to index
      %get3A_1854 = arith.index_cast %squeeze3A_1843 : i32 to index
      %get3A_1855 = arith.constant 0 : index
      %get3A_1856 = tpu.vector_load %arg12[%get3A_1852, %get3A_1853, %get3A_1854, %get3A_1855] {strides = array<i32>} : memref<2x16x8x64xf32, #tpu.memory_space<vmem>>, vector<1x1x1x16xf32>,
      %get3A_1857 = vector.shape_cast %get3A_1856 : vector<1x1x1x16xf32> to vector<16xf32>
      %mul3A_1858 = arith.mulf %get3A_1850, %get3A_1857 : vector<16xf32>
      %get3A_1859 = arith.constant 5 : i32
      %get3A_1860 = arith.index_cast %rem3A_1490 : i32 to index
      %get3A_1861 = arith.index_cast %get3A_1859 : i32 to index
      %get3A_1862 = arith.index_cast %squeeze3A_1841 : i32 to index
      %get3A_1863 = arith.constant 16 : index
      %get3A_1864 = tpu.vector_load %arg11[%get3A_1860, %get3A_1861, %get3A_1862, %get3A_1863] {strides = array<i32>} : memref<2x16x8x64xf32, #tpu.memory_space<vmem>>, vector<1x1x1x16xf32>,
      %get3A_1865 = vector.shape_cast %get3A_1864 : vector<1x1x1x16xf32> to vector<16xf32>
      %get3A_1866 = arith.constant 5 : i32
      %get3A_1867 = arith.index_cast %rem3A_1490 : i32 to index
      %get3A_1868 = arith.index_cast %get3A_1866 : i32 to index
      %get3A_1869 = arith.index_cast %squeeze3A_1843 : i32 to index
      %get3A_1870 = arith.constant 16 : index
      %get3A_1871 = tpu.vector_load %arg12[%get3A_1867, %get3A_1868, %get3A_1869, %get3A_1870] {strides = array<i32>} : memref<2x16x8x64xf32, #tpu.memory_space<vmem>>, vector<1x1x1x16xf32>,
      %get3A_1872 = vector.shape_cast %get3A_1871 : vector<1x1x1x16xf32> to vector<16xf32>
      %mul3A_1873 = arith.mulf %get3A_1865, %get3A_1872 : vector<16xf32>
      %add3A_1874 = arith.addf %mul3A_1858, %mul3A_1873 : vector<16xf32>
      %get3A_1875 = arith.constant 5 : i32
      %get3A_1876 = arith.index_cast %rem3A_1490 : i32 to index
      %get3A_1877 = arith.index_cast %get3A_1875 : i32 to index
      %get3A_1878 = arith.index_cast %squeeze3A_1841 : i32 to index
      %get3A_1879 = arith.constant 32 : index
      %get3A_1880 = tpu.vector_load %arg11[%get3A_1876, %get3A_1877, %get3A_1878, %get3A_1879] {strides = array<i32>} : memref<2x16x8x64xf32, #tpu.memory_space<vmem>>, vector<1x1x1x16xf32>,
      %get3A_1881 = vector.shape_cast %get3A_1880 : vector<1x1x1x16xf32> to vector<16xf32>
      %get3A_1882 = arith.constant 5 : i32
      %get3A_1883 = arith.index_cast %rem3A_1490 : i32 to index
      %get3A_1884 = arith.index_cast %get3A_1882 : i32 to index
      %get3A_1885 = arith.index_cast %squeeze3A_1843 : i32 to index
      %get3A_1886 = arith.constant 32 : index
      %get3A_1887 = tpu.vector_load %arg12[%get3A_1883, %get3A_1884, %get3A_1885, %get3A_1886] {strides = array<i32>} : memref<2x16x8x64xf32, #tpu.memory_space<vmem>>, vector<1x1x1x16xf32>,
      %get3A_1888 = vector.shape_cast %get3A_1887 : vector<1x1x1x16xf32> to vector<16xf32>
      %mul3A_1889 = arith.mulf %get3A_1881, %get3A_1888 : vector<16xf32>
      %add3A_1890 = arith.addf %add3A_1874, %mul3A_1889 : vector<16xf32>
      %get3A_1891 = arith.constant 5 : i32
      %get3A_1892 = arith.index_cast %rem3A_1490 : i32 to index
      %get3A_1893 = arith.index_cast %get3A_1891 : i32 to index
      %get3A_1894 = arith.index_cast %squeeze3A_1841 : i32 to index
      %get3A_1895 = arith.constant 48 : index
      %get3A_1896 = tpu.vector_load %arg11[%get3A_1892, %get3A_1893, %get3A_1894, %get3A_1895] {strides = array<i32>} : memref<2x16x8x64xf32, #tpu.memory_space<vmem>>, vector<1x1x1x16xf32>,
      %get3A_1897 = vector.shape_cast %get3A_1896 : vector<1x1x1x16xf32> to vector<16xf32>
      %get3A_1898 = arith.constant 5 : i32
      %get3A_1899 = arith.index_cast %rem3A_1490 : i32 to index
      %get3A_1900 = arith.index_cast %get3A_1898 : i32 to index
      %get3A_1901 = arith.index_cast %squeeze3A_1843 : i32 to index
      %get3A_1902 = arith.constant 48 : index
      %get3A_1903 = tpu.vector_load %arg12[%get3A_1899, %get3A_1900, %get3A_1901, %get3A_1902] {strides = array<i32>} : memref<2x16x8x64xf32, #tpu.memory_space<vmem>>, vector<1x1x1x16xf32>,
      %get3A_1904 = vector.shape_cast %get3A_1903 : vector<1x1x1x16xf32> to vector<16xf32>
      %mul3A_1905 = arith.mulf %get3A_1897, %get3A_1904 : vector<16xf32>
      %add3A_1906 = arith.addf %add3A_1890, %mul3A_1905 : vector<16xf32>
      %slice3A_1907 = vector.extract_strided_slice %and3A_1498 {offsets = [6], sizes = [1], strides = [1]} : vector<16xi32> to vector<1xi32>
      %squeeze3A_1908 = vector.extract %slice3A_1907[0] : i32 from vector<1xi32>
      %slice3A_1909 = vector.extract_strided_slice %and3A_1504 {offsets = [6], sizes = [1], strides = [1]} : vector<16xi32> to vector<1xi32>
      %squeeze3A_1910 = vector.extract %slice3A_1909[0] : i32 from vector<1xi32>
      %get3A_1911 = arith.constant 6 : i32
      %get3A_1912 = arith.index_cast %rem3A_1490 : i32 to index
      %get3A_1913 = arith.index_cast %get3A_1911 : i32 to index
      %get3A_1914 = arith.index_cast %squeeze3A_1908 : i32 to index
      %get3A_1915 = arith.constant 0 : index
      %get3A_1916 = tpu.vector_load %arg11[%get3A_1912, %get3A_1913, %get3A_1914, %get3A_1915] {strides = array<i32>} : memref<2x16x8x64xf32, #tpu.memory_space<vmem>>, vector<1x1x1x16xf32>,
      %get3A_1917 = vector.shape_cast %get3A_1916 : vector<1x1x1x16xf32> to vector<16xf32>
      %get3A_1918 = arith.constant 6 : i32
      %get3A_1919 = arith.index_cast %rem3A_1490 : i32 to index
      %get3A_1920 = arith.index_cast %get3A_1918 : i32 to index
      %get3A_1921 = arith.index_cast %squeeze3A_1910 : i32 to index
      %get3A_1922 = arith.constant 0 : index
      %get3A_1923 = tpu.vector_load %arg12[%get3A_1919, %get3A_1920, %get3A_1921, %get3A_1922] {strides = array<i32>} : memref<2x16x8x64xf32, #tpu.memory_space<vmem>>, vector<1x1x1x16xf32>,
      %get3A_1924 = vector.shape_cast %get3A_1923 : vector<1x1x1x16xf32> to vector<16xf32>
      %mul3A_1925 = arith.mulf %get3A_1917, %get3A_1924 : vector<16xf32>
      %get3A_1926 = arith.constant 6 : i32
      %get3A_1927 = arith.index_cast %rem3A_1490 : i32 to index
      %get3A_1928 = arith.index_cast %get3A_1926 : i32 to index
      %get3A_1929 = arith.index_cast %squeeze3A_1908 : i32 to index
      %get3A_1930 = arith.constant 16 : index
      %get3A_1931 = tpu.vector_load %arg11[%get3A_1927, %get3A_1928, %get3A_1929, %get3A_1930] {strides = array<i32>} : memref<2x16x8x64xf32, #tpu.memory_space<vmem>>, vector<1x1x1x16xf32>,
      %get3A_1932 = vector.shape_cast %get3A_1931 : vector<1x1x1x16xf32> to vector<16xf32>
      %get3A_1933 = arith.constant 6 : i32
      %get3A_1934 = arith.index_cast %rem3A_1490 : i32 to index
      %get3A_1935 = arith.index_cast %get3A_1933 : i32 to index
      %get3A_1936 = arith.index_cast %squeeze3A_1910 : i32 to index
      %get3A_1937 = arith.constant 16 : index
      %get3A_1938 = tpu.vector_load %arg12[%get3A_1934, %get3A_1935, %get3A_1936, %get3A_1937] {strides = array<i32>} : memref<2x16x8x64xf32, #tpu.memory_space<vmem>>, vector<1x1x1x16xf32>,
      %get3A_1939 = vector.shape_cast %get3A_1938 : vector<1x1x1x16xf32> to vector<16xf32>
      %mul3A_1940 = arith.mulf %get3A_1932, %get3A_1939 : vector<16xf32>
      %add3A_1941 = arith.addf %mul3A_1925, %mul3A_1940 : vector<16xf32>
      %get3A_1942 = arith.constant 6 : i32
      %get3A_1943 = arith.index_cast %rem3A_1490 : i32 to index
      %get3A_1944 = arith.index_cast %get3A_1942 : i32 to index
      %get3A_1945 = arith.index_cast %squeeze3A_1908 : i32 to index
      %get3A_1946 = arith.constant 32 : index
      %get3A_1947 = tpu.vector_load %arg11[%get3A_1943, %get3A_1944, %get3A_1945, %get3A_1946] {strides = array<i32>} : memref<2x16x8x64xf32, #tpu.memory_space<vmem>>, vector<1x1x1x16xf32>,
      %get3A_1948 = vector.shape_cast %get3A_1947 : vector<1x1x1x16xf32> to vector<16xf32>
      %get3A_1949 = arith.constant 6 : i32
      %get3A_1950 = arith.index_cast %rem3A_1490 : i32 to index
      %get3A_1951 = arith.index_cast %get3A_1949 : i32 to index
      %get3A_1952 = arith.index_cast %squeeze3A_1910 : i32 to index
      %get3A_1953 = arith.constant 32 : index
      %get3A_1954 = tpu.vector_load %arg12[%get3A_1950, %get3A_1951, %get3A_1952, %get3A_1953] {strides = array<i32>} : memref<2x16x8x64xf32, #tpu.memory_space<vmem>>, vector<1x1x1x16xf32>,
      %get3A_1955 = vector.shape_cast %get3A_1954 : vector<1x1x1x16xf32> to vector<16xf32>
      %mul3A_1956 = arith.mulf %get3A_1948, %get3A_1955 : vector<16xf32>
      %add3A_1957 = arith.addf %add3A_1941, %mul3A_1956 : vector<16xf32>
      %get3A_1958 = arith.constant 6 : i32
      %get3A_1959 = arith.index_cast %rem3A_1490 : i32 to index
      %get3A_1960 = arith.index_cast %get3A_1958 : i32 to index
      %get3A_1961 = arith.index_cast %squeeze3A_1908 : i32 to index
      %get3A_1962 = arith.constant 48 : index
      %get3A_1963 = tpu.vector_load %arg11[%get3A_1959, %get3A_1960, %get3A_1961, %get3A_1962] {strides = array<i32>} : memref<2x16x8x64xf32, #tpu.memory_space<vmem>>, vector<1x1x1x16xf32>,
      %get3A_1964 = vector.shape_cast %get3A_1963 : vector<1x1x1x16xf32> to vector<16xf32>
      %get3A_1965 = arith.constant 6 : i32
      %get3A_1966 = arith.index_cast %rem3A_1490 : i32 to index
      %get3A_1967 = arith.index_cast %get3A_1965 : i32 to index
      %get3A_1968 = arith.index_cast %squeeze3A_1910 : i32 to index
      %get3A_1969 = arith.constant 48 : index
      %get3A_1970 = tpu.vector_load %arg12[%get3A_1966, %get3A_1967, %get3A_1968, %get3A_1969] {strides = array<i32>} : memref<2x16x8x64xf32, #tpu.memory_space<vmem>>, vector<1x1x1x16xf32>,
      %get3A_1971 = vector.shape_cast %get3A_1970 : vector<1x1x1x16xf32> to vector<16xf32>
      %mul3A_1972 = arith.mulf %get3A_1964, %get3A_1971 : vector<16xf32>
      %add3A_1973 = arith.addf %add3A_1957, %mul3A_1972 : vector<16xf32>
      %slice3A_1974 = vector.extract_strided_slice %and3A_1498 {offsets = [7], sizes = [1], strides = [1]} : vector<16xi32> to vector<1xi32>
      %squeeze3A_1975 = vector.extract %slice3A_1974[0] : i32 from vector<1xi32>
      %slice3A_1976 = vector.extract_strided_slice %and3A_1504 {offsets = [7], sizes = [1], strides = [1]} : vector<16xi32> to vector<1xi32>
      %squeeze3A_1977 = vector.extract %slice3A_1976[0] : i32 from vector<1xi32>
      %get3A_1978 = arith.constant 7 : i32
      %get3A_1979 = arith.index_cast %rem3A_1490 : i32 to index
      %get3A_1980 = arith.index_cast %get3A_1978 : i32 to index
      %get3A_1981 = arith.index_cast %squeeze3A_1975 : i32 to index
      %get3A_1982 = arith.constant 0 : index
      %get3A_1983 = tpu.vector_load %arg11[%get3A_1979, %get3A_1980, %get3A_1981, %get3A_1982] {strides = array<i32>} : memref<2x16x8x64xf32, #tpu.memory_space<vmem>>, vector<1x1x1x16xf32>,
      %get3A_1984 = vector.shape_cast %get3A_1983 : vector<1x1x1x16xf32> to vector<16xf32>
      %get3A_1985 = arith.constant 7 : i32
      %get3A_1986 = arith.index_cast %rem3A_1490 : i32 to index
      %get3A_1987 = arith.index_cast %get3A_1985 : i32 to index
      %get3A_1988 = arith.index_cast %squeeze3A_1977 : i32 to index
      %get3A_1989 = arith.constant 0 : index
      %get3A_1990 = tpu.vector_load %arg12[%get3A_1986, %get3A_1987, %get3A_1988, %get3A_1989] {strides = array<i32>} : memref<2x16x8x64xf32, #tpu.memory_space<vmem>>, vector<1x1x1x16xf32>,
      %get3A_1991 = vector.shape_cast %get3A_1990 : vector<1x1x1x16xf32> to vector<16xf32>
      %mul3A_1992 = arith.mulf %get3A_1984, %get3A_1991 : vector<16xf32>
      %get3A_1993 = arith.constant 7 : i32
      %get3A_1994 = arith.index_cast %rem3A_1490 : i32 to index
      %get3A_1995 = arith.index_cast %get3A_1993 : i32 to index
      %get3A_1996 = arith.index_cast %squeeze3A_1975 : i32 to index
      %get3A_1997 = arith.constant 16 : index
      %get3A_1998 = tpu.vector_load %arg11[%get3A_1994, %get3A_1995, %get3A_1996, %get3A_1997] {strides = array<i32>} : memref<2x16x8x64xf32, #tpu.memory_space<vmem>>, vector<1x1x1x16xf32>,
      %get3A_1999 = vector.shape_cast %get3A_1998 : vector<1x1x1x16xf32> to vector<16xf32>
      %get3A_2000 = arith.constant 7 : i32
      %get3A_2001 = arith.index_cast %rem3A_1490 : i32 to index
      %get3A_2002 = arith.index_cast %get3A_2000 : i32 to index
      %get3A_2003 = arith.index_cast %squeeze3A_1977 : i32 to index
      %get3A_2004 = arith.constant 16 : index
      %get3A_2005 = tpu.vector_load %arg12[%get3A_2001, %get3A_2002, %get3A_2003, %get3A_2004] {strides = array<i32>} : memref<2x16x8x64xf32, #tpu.memory_space<vmem>>, vector<1x1x1x16xf32>,
      %get3A_2006 = vector.shape_cast %get3A_2005 : vector<1x1x1x16xf32> to vector<16xf32>
      %mul3A_2007 = arith.mulf %get3A_1999, %get3A_2006 : vector<16xf32>
      %add3A_2008 = arith.addf %mul3A_1992, %mul3A_2007 : vector<16xf32>
      %get3A_2009 = arith.constant 7 : i32
      %get3A_2010 = arith.index_cast %rem3A_1490 : i32 to index
      %get3A_2011 = arith.index_cast %get3A_2009 : i32 to index
      %get3A_2012 = arith.index_cast %squeeze3A_1975 : i32 to index
      %get3A_2013 = arith.constant 32 : index
      %get3A_2014 = tpu.vector_load %arg11[%get3A_2010, %get3A_2011, %get3A_2012, %get3A_2013] {strides = array<i32>} : memref<2x16x8x64xf32, #tpu.memory_space<vmem>>, vector<1x1x1x16xf32>,
      %get3A_2015 = vector.shape_cast %get3A_2014 : vector<1x1x1x16xf32> to vector<16xf32>
      %get3A_2016 = arith.constant 7 : i32
      %get3A_2017 = arith.index_cast %rem3A_1490 : i32 to index
      %get3A_2018 = arith.index_cast %get3A_2016 : i32 to index
      %get3A_2019 = arith.index_cast %squeeze3A_1977 : i32 to index
      %get3A_2020 = arith.constant 32 : index
      %get3A_2021 = tpu.vector_load %arg12[%get3A_2017, %get3A_2018, %get3A_2019, %get3A_2020] {strides = array<i32>} : memref<2x16x8x64xf32, #tpu.memory_space<vmem>>, vector<1x1x1x16xf32>,
      %get3A_2022 = vector.shape_cast %get3A_2021 : vector<1x1x1x16xf32> to vector<16xf32>
      %mul3A_2023 = arith.mulf %get3A_2015, %get3A_2022 : vector<16xf32>
      %add3A_2024 = arith.addf %add3A_2008, %mul3A_2023 : vector<16xf32>
      %get3A_2025 = arith.constant 7 : i32
      %get3A_2026 = arith.index_cast %rem3A_1490 : i32 to index
      %get3A_2027 = arith.index_cast %get3A_2025 : i32 to index
      %get3A_2028 = arith.index_cast %squeeze3A_1975 : i32 to index
      %get3A_2029 = arith.constant 48 : index
      %get3A_2030 = tpu.vector_load %arg11[%get3A_2026, %get3A_2027, %get3A_2028, %get3A_2029] {strides = array<i32>} : memref<2x16x8x64xf32, #tpu.memory_space<vmem>>, vector<1x1x1x16xf32>,
      %get3A_2031 = vector.shape_cast %get3A_2030 : vector<1x1x1x16xf32> to vector<16xf32>
      %get3A_2032 = arith.constant 7 : i32
      %get3A_2033 = arith.index_cast %rem3A_1490 : i32 to index
      %get3A_2034 = arith.index_cast %get3A_2032 : i32 to index
      %get3A_2035 = arith.index_cast %squeeze3A_1977 : i32 to index
      %get3A_2036 = arith.constant 48 : index
      %get3A_2037 = tpu.vector_load %arg12[%get3A_2033, %get3A_2034, %get3A_2035, %get3A_2036] {strides = array<i32>} : memref<2x16x8x64xf32, #tpu.memory_space<vmem>>, vector<1x1x1x16xf32>,
      %get3A_2038 = vector.shape_cast %get3A_2037 : vector<1x1x1x16xf32> to vector<16xf32>
      %mul3A_2039 = arith.mulf %get3A_2031, %get3A_2038 : vector<16xf32>
      %add3A_2040 = arith.addf %add3A_2024, %mul3A_2039 : vector<16xf32>
      %slice3A_2041 = vector.extract_strided_slice %and3A_1498 {offsets = [8], sizes = [1], strides = [1]} : vector<16xi32> to vector<1xi32>
      %squeeze3A_2042 = vector.extract %slice3A_2041[0] : i32 from vector<1xi32>
      %slice3A_2043 = vector.extract_strided_slice %and3A_1504 {offsets = [8], sizes = [1], strides = [1]} : vector<16xi32> to vector<1xi32>
      %squeeze3A_2044 = vector.extract %slice3A_2043[0] : i32 from vector<1xi32>
      %get3A_2045 = arith.constant 8 : i32
      %get3A_2046 = arith.index_cast %rem3A_1490 : i32 to index
      %get3A_2047 = arith.index_cast %get3A_2045 : i32 to index
      %get3A_2048 = arith.index_cast %squeeze3A_2042 : i32 to index
      %get3A_2049 = arith.constant 0 : index
      %get3A_2050 = tpu.vector_load %arg11[%get3A_2046, %get3A_2047, %get3A_2048, %get3A_2049] {strides = array<i32>} : memref<2x16x8x64xf32, #tpu.memory_space<vmem>>, vector<1x1x1x16xf32>,
      %get3A_2051 = vector.shape_cast %get3A_2050 : vector<1x1x1x16xf32> to vector<16xf32>
      %get3A_2052 = arith.constant 8 : i32
      %get3A_2053 = arith.index_cast %rem3A_1490 : i32 to index
      %get3A_2054 = arith.index_cast %get3A_2052 : i32 to index
      %get3A_2055 = arith.index_cast %squeeze3A_2044 : i32 to index
      %get3A_2056 = arith.constant 0 : index
      %get3A_2057 = tpu.vector_load %arg12[%get3A_2053, %get3A_2054, %get3A_2055, %get3A_2056] {strides = array<i32>} : memref<2x16x8x64xf32, #tpu.memory_space<vmem>>, vector<1x1x1x16xf32>,
      %get3A_2058 = vector.shape_cast %get3A_2057 : vector<1x1x1x16xf32> to vector<16xf32>
      %mul3A_2059 = arith.mulf %get3A_2051, %get3A_2058 : vector<16xf32>
      %get3A_2060 = arith.constant 8 : i32
      %get3A_2061 = arith.index_cast %rem3A_1490 : i32 to index
      %get3A_2062 = arith.index_cast %get3A_2060 : i32 to index
      %get3A_2063 = arith.index_cast %squeeze3A_2042 : i32 to index
      %get3A_2064 = arith.constant 16 : index
      %get3A_2065 = tpu.vector_load %arg11[%get3A_2061, %get3A_2062, %get3A_2063, %get3A_2064] {strides = array<i32>} : memref<2x16x8x64xf32, #tpu.memory_space<vmem>>, vector<1x1x1x16xf32>,
      %get3A_2066 = vector.shape_cast %get3A_2065 : vector<1x1x1x16xf32> to vector<16xf32>
      %get3A_2067 = arith.constant 8 : i32
      %get3A_2068 = arith.index_cast %rem3A_1490 : i32 to index
      %get3A_2069 = arith.index_cast %get3A_2067 : i32 to index
      %get3A_2070 = arith.index_cast %squeeze3A_2044 : i32 to index
      %get3A_2071 = arith.constant 16 : index
      %get3A_2072 = tpu.vector_load %arg12[%get3A_2068, %get3A_2069, %get3A_2070, %get3A_2071] {strides = array<i32>} : memref<2x16x8x64xf32, #tpu.memory_space<vmem>>, vector<1x1x1x16xf32>,
      %get3A_2073 = vector.shape_cast %get3A_2072 : vector<1x1x1x16xf32> to vector<16xf32>
      %mul3A_2074 = arith.mulf %get3A_2066, %get3A_2073 : vector<16xf32>
      %add3A_2075 = arith.addf %mul3A_2059, %mul3A_2074 : vector<16xf32>
      %get3A_2076 = arith.constant 8 : i32
      %get3A_2077 = arith.index_cast %rem3A_1490 : i32 to index
      %get3A_2078 = arith.index_cast %get3A_2076 : i32 to index
      %get3A_2079 = arith.index_cast %squeeze3A_2042 : i32 to index
      %get3A_2080 = arith.constant 32 : index
      %get3A_2081 = tpu.vector_load %arg11[%get3A_2077, %get3A_2078, %get3A_2079, %get3A_2080] {strides = array<i32>} : memref<2x16x8x64xf32, #tpu.memory_space<vmem>>, vector<1x1x1x16xf32>,
      %get3A_2082 = vector.shape_cast %get3A_2081 : vector<1x1x1x16xf32> to vector<16xf32>
      %get3A_2083 = arith.constant 8 : i32
      %get3A_2084 = arith.index_cast %rem3A_1490 : i32 to index
      %get3A_2085 = arith.index_cast %get3A_2083 : i32 to index
      %get3A_2086 = arith.index_cast %squeeze3A_2044 : i32 to index
      %get3A_2087 = arith.constant 32 : index
      %get3A_2088 = tpu.vector_load %arg12[%get3A_2084, %get3A_2085, %get3A_2086, %get3A_2087] {strides = array<i32>} : memref<2x16x8x64xf32, #tpu.memory_space<vmem>>, vector<1x1x1x16xf32>,
      %get3A_2089 = vector.shape_cast %get3A_2088 : vector<1x1x1x16xf32> to vector<16xf32>
      %mul3A_2090 = arith.mulf %get3A_2082, %get3A_2089 : vector<16xf32>
      %add3A_2091 = arith.addf %add3A_2075, %mul3A_2090 : vector<16xf32>
      %get3A_2092 = arith.constant 8 : i32
      %get3A_2093 = arith.index_cast %rem3A_1490 : i32 to index
      %get3A_2094 = arith.index_cast %get3A_2092 : i32 to index
      %get3A_2095 = arith.index_cast %squeeze3A_2042 : i32 to index
      %get3A_2096 = arith.constant 48 : index
      %get3A_2097 = tpu.vector_load %arg11[%get3A_2093, %get3A_2094, %get3A_2095, %get3A_2096] {strides = array<i32>} : memref<2x16x8x64xf32, #tpu.memory_space<vmem>>, vector<1x1x1x16xf32>,
      %get3A_2098 = vector.shape_cast %get3A_2097 : vector<1x1x1x16xf32> to vector<16xf32>
      %get3A_2099 = arith.constant 8 : i32
      %get3A_2100 = arith.index_cast %rem3A_1490 : i32 to index
      %get3A_2101 = arith.index_cast %get3A_2099 : i32 to index
      %get3A_2102 = arith.index_cast %squeeze3A_2044 : i32 to index
      %get3A_2103 = arith.constant 48 : index
      %get3A_2104 = tpu.vector_load %arg12[%get3A_2100, %get3A_2101, %get3A_2102, %get3A_2103] {strides = array<i32>} : memref<2x16x8x64xf32, #tpu.memory_space<vmem>>, vector<1x1x1x16xf32>,
      %get3A_2105 = vector.shape_cast %get3A_2104 : vector<1x1x1x16xf32> to vector<16xf32>
      %mul3A_2106 = arith.mulf %get3A_2098, %get3A_2105 : vector<16xf32>
      %add3A_2107 = arith.addf %add3A_2091, %mul3A_2106 : vector<16xf32>
      %slice3A_2108 = vector.extract_strided_slice %and3A_1498 {offsets = [9], sizes = [1], strides = [1]} : vector<16xi32> to vector<1xi32>
      %squeeze3A_2109 = vector.extract %slice3A_2108[0] : i32 from vector<1xi32>
      %slice3A_2110 = vector.extract_strided_slice %and3A_1504 {offsets = [9], sizes = [1], strides = [1]} : vector<16xi32> to vector<1xi32>
      %squeeze3A_2111 = vector.extract %slice3A_2110[0] : i32 from vector<1xi32>
      %get3A_2112 = arith.constant 9 : i32
      %get3A_2113 = arith.index_cast %rem3A_1490 : i32 to index
      %get3A_2114 = arith.index_cast %get3A_2112 : i32 to index
      %get3A_2115 = arith.index_cast %squeeze3A_2109 : i32 to index
      %get3A_2116 = arith.constant 0 : index
      %get3A_2117 = tpu.vector_load %arg11[%get3A_2113, %get3A_2114, %get3A_2115, %get3A_2116] {strides = array<i32>} : memref<2x16x8x64xf32, #tpu.memory_space<vmem>>, vector<1x1x1x16xf32>,
      %get3A_2118 = vector.shape_cast %get3A_2117 : vector<1x1x1x16xf32> to vector<16xf32>
      %get3A_2119 = arith.constant 9 : i32
      %get3A_2120 = arith.index_cast %rem3A_1490 : i32 to index
      %get3A_2121 = arith.index_cast %get3A_2119 : i32 to index
      %get3A_2122 = arith.index_cast %squeeze3A_2111 : i32 to index
      %get3A_2123 = arith.constant 0 : index
      %get3A_2124 = tpu.vector_load %arg12[%get3A_2120, %get3A_2121, %get3A_2122, %get3A_2123] {strides = array<i32>} : memref<2x16x8x64xf32, #tpu.memory_space<vmem>>, vector<1x1x1x16xf32>,
      %get3A_2125 = vector.shape_cast %get3A_2124 : vector<1x1x1x16xf32> to vector<16xf32>
      %mul3A_2126 = arith.mulf %get3A_2118, %get3A_2125 : vector<16xf32>
      %get3A_2127 = arith.constant 9 : i32
      %get3A_2128 = arith.index_cast %rem3A_1490 : i32 to index
      %get3A_2129 = arith.index_cast %get3A_2127 : i32 to index
      %get3A_2130 = arith.index_cast %squeeze3A_2109 : i32 to index
      %get3A_2131 = arith.constant 16 : index
      %get3A_2132 = tpu.vector_load %arg11[%get3A_2128, %get3A_2129, %get3A_2130, %get3A_2131] {strides = array<i32>} : memref<2x16x8x64xf32, #tpu.memory_space<vmem>>, vector<1x1x1x16xf32>,
      %get3A_2133 = vector.shape_cast %get3A_2132 : vector<1x1x1x16xf32> to vector<16xf32>
      %get3A_2134 = arith.constant 9 : i32
      %get3A_2135 = arith.index_cast %rem3A_1490 : i32 to index
      %get3A_2136 = arith.index_cast %get3A_2134 : i32 to index
      %get3A_2137 = arith.index_cast %squeeze3A_2111 : i32 to index
      %get3A_2138 = arith.constant 16 : index
      %get3A_2139 = tpu.vector_load %arg12[%get3A_2135, %get3A_2136, %get3A_2137, %get3A_2138] {strides = array<i32>} : memref<2x16x8x64xf32, #tpu.memory_space<vmem>>, vector<1x1x1x16xf32>,
      %get3A_2140 = vector.shape_cast %get3A_2139 : vector<1x1x1x16xf32> to vector<16xf32>
      %mul3A_2141 = arith.mulf %get3A_2133, %get3A_2140 : vector<16xf32>
      %add3A_2142 = arith.addf %mul3A_2126, %mul3A_2141 : vector<16xf32>
      %get3A_2143 = arith.constant 9 : i32
      %get3A_2144 = arith.index_cast %rem3A_1490 : i32 to index
      %get3A_2145 = arith.index_cast %get3A_2143 : i32 to index
      %get3A_2146 = arith.index_cast %squeeze3A_2109 : i32 to index
      %get3A_2147 = arith.constant 32 : index
      %get3A_2148 = tpu.vector_load %arg11[%get3A_2144, %get3A_2145, %get3A_2146, %get3A_2147] {strides = array<i32>} : memref<2x16x8x64xf32, #tpu.memory_space<vmem>>, vector<1x1x1x16xf32>,
      %get3A_2149 = vector.shape_cast %get3A_2148 : vector<1x1x1x16xf32> to vector<16xf32>
      %get3A_2150 = arith.constant 9 : i32
      %get3A_2151 = arith.index_cast %rem3A_1490 : i32 to index
      %get3A_2152 = arith.index_cast %get3A_2150 : i32 to index
      %get3A_2153 = arith.index_cast %squeeze3A_2111 : i32 to index
      %get3A_2154 = arith.constant 32 : index
      %get3A_2155 = tpu.vector_load %arg12[%get3A_2151, %get3A_2152, %get3A_2153, %get3A_2154] {strides = array<i32>} : memref<2x16x8x64xf32, #tpu.memory_space<vmem>>, vector<1x1x1x16xf32>,
      %get3A_2156 = vector.shape_cast %get3A_2155 : vector<1x1x1x16xf32> to vector<16xf32>
      %mul3A_2157 = arith.mulf %get3A_2149, %get3A_2156 : vector<16xf32>
      %add3A_2158 = arith.addf %add3A_2142, %mul3A_2157 : vector<16xf32>
      %get3A_2159 = arith.constant 9 : i32
      %get3A_2160 = arith.index_cast %rem3A_1490 : i32 to index
      %get3A_2161 = arith.index_cast %get3A_2159 : i32 to index
      %get3A_2162 = arith.index_cast %squeeze3A_2109 : i32 to index
      %get3A_2163 = arith.constant 48 : index
      %get3A_2164 = tpu.vector_load %arg11[%get3A_2160, %get3A_2161, %get3A_2162, %get3A_2163] {strides = array<i32>} : memref<2x16x8x64xf32, #tpu.memory_space<vmem>>, vector<1x1x1x16xf32>,
      %get3A_2165 = vector.shape_cast %get3A_2164 : vector<1x1x1x16xf32> to vector<16xf32>
      %get3A_2166 = arith.constant 9 : i32
      %get3A_2167 = arith.index_cast %rem3A_1490 : i32 to index
      %get3A_2168 = arith.index_cast %get3A_2166 : i32 to index
      %get3A_2169 = arith.index_cast %squeeze3A_2111 : i32 to index
      %get3A_2170 = arith.constant 48 : index
      %get3A_2171 = tpu.vector_load %arg12[%get3A_2167, %get3A_2168, %get3A_2169, %get3A_2170] {strides = array<i32>} : memref<2x16x8x64xf32, #tpu.memory_space<vmem>>, vector<1x1x1x16xf32>,
      %get3A_2172 = vector.shape_cast %get3A_2171 : vector<1x1x1x16xf32> to vector<16xf32>
      %mul3A_2173 = arith.mulf %get3A_2165, %get3A_2172 : vector<16xf32>
      %add3A_2174 = arith.addf %add3A_2158, %mul3A_2173 : vector<16xf32>
      %slice3A_2175 = vector.extract_strided_slice %and3A_1498 {offsets = [10], sizes = [1], strides = [1]} : vector<16xi32> to vector<1xi32>
      %squeeze3A_2176 = vector.extract %slice3A_2175[0] : i32 from vector<1xi32>
      %slice3A_2177 = vector.extract_strided_slice %and3A_1504 {offsets = [10], sizes = [1], strides = [1]} : vector<16xi32> to vector<1xi32>
      %squeeze3A_2178 = vector.extract %slice3A_2177[0] : i32 from vector<1xi32>
      %get3A_2179 = arith.constant 10 : i32
      %get3A_2180 = arith.index_cast %rem3A_1490 : i32 to index
      %get3A_2181 = arith.index_cast %get3A_2179 : i32 to index
      %get3A_2182 = arith.index_cast %squeeze3A_2176 : i32 to index
      %get3A_2183 = arith.constant 0 : index
      %get3A_2184 = tpu.vector_load %arg11[%get3A_2180, %get3A_2181, %get3A_2182, %get3A_2183] {strides = array<i32>} : memref<2x16x8x64xf32, #tpu.memory_space<vmem>>, vector<1x1x1x16xf32>,
      %get3A_2185 = vector.shape_cast %get3A_2184 : vector<1x1x1x16xf32> to vector<16xf32>
      %get3A_2186 = arith.constant 10 : i32
      %get3A_2187 = arith.index_cast %rem3A_1490 : i32 to index
      %get3A_2188 = arith.index_cast %get3A_2186 : i32 to index
      %get3A_2189 = arith.index_cast %squeeze3A_2178 : i32 to index
      %get3A_2190 = arith.constant 0 : index
      %get3A_2191 = tpu.vector_load %arg12[%get3A_2187, %get3A_2188, %get3A_2189, %get3A_2190] {strides = array<i32>} : memref<2x16x8x64xf32, #tpu.memory_space<vmem>>, vector<1x1x1x16xf32>,
      %get3A_2192 = vector.shape_cast %get3A_2191 : vector<1x1x1x16xf32> to vector<16xf32>
      %mul3A_2193 = arith.mulf %get3A_2185, %get3A_2192 : vector<16xf32>
      %get3A_2194 = arith.constant 10 : i32
      %get3A_2195 = arith.index_cast %rem3A_1490 : i32 to index
      %get3A_2196 = arith.index_cast %get3A_2194 : i32 to index
      %get3A_2197 = arith.index_cast %squeeze3A_2176 : i32 to index
      %get3A_2198 = arith.constant 16 : index
      %get3A_2199 = tpu.vector_load %arg11[%get3A_2195, %get3A_2196, %get3A_2197, %get3A_2198] {strides = array<i32>} : memref<2x16x8x64xf32, #tpu.memory_space<vmem>>, vector<1x1x1x16xf32>,
      %get3A_2200 = vector.shape_cast %get3A_2199 : vector<1x1x1x16xf32> to vector<16xf32>
      %get3A_2201 = arith.constant 10 : i32
      %get3A_2202 = arith.index_cast %rem3A_1490 : i32 to index
      %get3A_2203 = arith.index_cast %get3A_2201 : i32 to index
      %get3A_2204 = arith.index_cast %squeeze3A_2178 : i32 to index
      %get3A_2205 = arith.constant 16 : index
      %get3A_2206 = tpu.vector_load %arg12[%get3A_2202, %get3A_2203, %get3A_2204, %get3A_2205] {strides = array<i32>} : memref<2x16x8x64xf32, #tpu.memory_space<vmem>>, vector<1x1x1x16xf32>,
      %get3A_2207 = vector.shape_cast %get3A_2206 : vector<1x1x1x16xf32> to vector<16xf32>
      %mul3A_2208 = arith.mulf %get3A_2200, %get3A_2207 : vector<16xf32>
      %add3A_2209 = arith.addf %mul3A_2193, %mul3A_2208 : vector<16xf32>
      %get3A_2210 = arith.constant 10 : i32
      %get3A_2211 = arith.index_cast %rem3A_1490 : i32 to index
      %get3A_2212 = arith.index_cast %get3A_2210 : i32 to index
      %get3A_2213 = arith.index_cast %squeeze3A_2176 : i32 to index
      %get3A_2214 = arith.constant 32 : index
      %get3A_2215 = tpu.vector_load %arg11[%get3A_2211, %get3A_2212, %get3A_2213, %get3A_2214] {strides = array<i32>} : memref<2x16x8x64xf32, #tpu.memory_space<vmem>>, vector<1x1x1x16xf32>,
      %get3A_2216 = vector.shape_cast %get3A_2215 : vector<1x1x1x16xf32> to vector<16xf32>
      %get3A_2217 = arith.constant 10 : i32
      %get3A_2218 = arith.index_cast %rem3A_1490 : i32 to index
      %get3A_2219 = arith.index_cast %get3A_2217 : i32 to index
      %get3A_2220 = arith.index_cast %squeeze3A_2178 : i32 to index
      %get3A_2221 = arith.constant 32 : index
      %get3A_2222 = tpu.vector_load %arg12[%get3A_2218, %get3A_2219, %get3A_2220, %get3A_2221] {strides = array<i32>} : memref<2x16x8x64xf32, #tpu.memory_space<vmem>>, vector<1x1x1x16xf32>,
      %get3A_2223 = vector.shape_cast %get3A_2222 : vector<1x1x1x16xf32> to vector<16xf32>
      %mul3A_2224 = arith.mulf %get3A_2216, %get3A_2223 : vector<16xf32>
      %add3A_2225 = arith.addf %add3A_2209, %mul3A_2224 : vector<16xf32>
      %get3A_2226 = arith.constant 10 : i32
      %get3A_2227 = arith.index_cast %rem3A_1490 : i32 to index
      %get3A_2228 = arith.index_cast %get3A_2226 : i32 to index
      %get3A_2229 = arith.index_cast %squeeze3A_2176 : i32 to index
      %get3A_2230 = arith.constant 48 : index
      %get3A_2231 = tpu.vector_load %arg11[%get3A_2227, %get3A_2228, %get3A_2229, %get3A_2230] {strides = array<i32>} : memref<2x16x8x64xf32, #tpu.memory_space<vmem>>, vector<1x1x1x16xf32>,
      %get3A_2232 = vector.shape_cast %get3A_2231 : vector<1x1x1x16xf32> to vector<16xf32>
      %get3A_2233 = arith.constant 10 : i32
      %get3A_2234 = arith.index_cast %rem3A_1490 : i32 to index
      %get3A_2235 = arith.index_cast %get3A_2233 : i32 to index
      %get3A_2236 = arith.index_cast %squeeze3A_2178 : i32 to index
      %get3A_2237 = arith.constant 48 : index
      %get3A_2238 = tpu.vector_load %arg12[%get3A_2234, %get3A_2235, %get3A_2236, %get3A_2237] {strides = array<i32>} : memref<2x16x8x64xf32, #tpu.memory_space<vmem>>, vector<1x1x1x16xf32>,
      %get3A_2239 = vector.shape_cast %get3A_2238 : vector<1x1x1x16xf32> to vector<16xf32>
      %mul3A_2240 = arith.mulf %get3A_2232, %get3A_2239 : vector<16xf32>
      %add3A_2241 = arith.addf %add3A_2225, %mul3A_2240 : vector<16xf32>
      %slice3A_2242 = vector.extract_strided_slice %and3A_1498 {offsets = [11], sizes = [1], strides = [1]} : vector<16xi32> to vector<1xi32>
      %squeeze3A_2243 = vector.extract %slice3A_2242[0] : i32 from vector<1xi32>
      %slice3A_2244 = vector.extract_strided_slice %and3A_1504 {offsets = [11], sizes = [1], strides = [1]} : vector<16xi32> to vector<1xi32>
      %squeeze3A_2245 = vector.extract %slice3A_2244[0] : i32 from vector<1xi32>
      %get3A_2246 = arith.constant 11 : i32
      %get3A_2247 = arith.index_cast %rem3A_1490 : i32 to index
      %get3A_2248 = arith.index_cast %get3A_2246 : i32 to index
      %get3A_2249 = arith.index_cast %squeeze3A_2243 : i32 to index
      %get3A_2250 = arith.constant 0 : index
      %get3A_2251 = tpu.vector_load %arg11[%get3A_2247, %get3A_2248, %get3A_2249, %get3A_2250] {strides = array<i32>} : memref<2x16x8x64xf32, #tpu.memory_space<vmem>>, vector<1x1x1x16xf32>,
      %get3A_2252 = vector.shape_cast %get3A_2251 : vector<1x1x1x16xf32> to vector<16xf32>
      %get3A_2253 = arith.constant 11 : i32
      %get3A_2254 = arith.index_cast %rem3A_1490 : i32 to index
      %get3A_2255 = arith.index_cast %get3A_2253 : i32 to index
      %get3A_2256 = arith.index_cast %squeeze3A_2245 : i32 to index
      %get3A_2257 = arith.constant 0 : index
      %get3A_2258 = tpu.vector_load %arg12[%get3A_2254, %get3A_2255, %get3A_2256, %get3A_2257] {strides = array<i32>} : memref<2x16x8x64xf32, #tpu.memory_space<vmem>>, vector<1x1x1x16xf32>,
      %get3A_2259 = vector.shape_cast %get3A_2258 : vector<1x1x1x16xf32> to vector<16xf32>
      %mul3A_2260 = arith.mulf %get3A_2252, %get3A_2259 : vector<16xf32>
      %get3A_2261 = arith.constant 11 : i32
      %get3A_2262 = arith.index_cast %rem3A_1490 : i32 to index
      %get3A_2263 = arith.index_cast %get3A_2261 : i32 to index
      %get3A_2264 = arith.index_cast %squeeze3A_2243 : i32 to index
      %get3A_2265 = arith.constant 16 : index
      %get3A_2266 = tpu.vector_load %arg11[%get3A_2262, %get3A_2263, %get3A_2264, %get3A_2265] {strides = array<i32>} : memref<2x16x8x64xf32, #tpu.memory_space<vmem>>, vector<1x1x1x16xf32>,
      %get3A_2267 = vector.shape_cast %get3A_2266 : vector<1x1x1x16xf32> to vector<16xf32>
      %get3A_2268 = arith.constant 11 : i32
      %get3A_2269 = arith.index_cast %rem3A_1490 : i32 to index
      %get3A_2270 = arith.index_cast %get3A_2268 : i32 to index
      %get3A_2271 = arith.index_cast %squeeze3A_2245 : i32 to index
      %get3A_2272 = arith.constant 16 : index
      %get3A_2273 = tpu.vector_load %arg12[%get3A_2269, %get3A_2270, %get3A_2271, %get3A_2272] {strides = array<i32>} : memref<2x16x8x64xf32, #tpu.memory_space<vmem>>, vector<1x1x1x16xf32>,
      %get3A_2274 = vector.shape_cast %get3A_2273 : vector<1x1x1x16xf32> to vector<16xf32>
      %mul3A_2275 = arith.mulf %get3A_2267, %get3A_2274 : vector<16xf32>
      %add3A_2276 = arith.addf %mul3A_2260, %mul3A_2275 : vector<16xf32>
      %get3A_2277 = arith.constant 11 : i32
      %get3A_2278 = arith.index_cast %rem3A_1490 : i32 to index
      %get3A_2279 = arith.index_cast %get3A_2277 : i32 to index
      %get3A_2280 = arith.index_cast %squeeze3A_2243 : i32 to index
      %get3A_2281 = arith.constant 32 : index
      %get3A_2282 = tpu.vector_load %arg11[%get3A_2278, %get3A_2279, %get3A_2280, %get3A_2281] {strides = array<i32>} : memref<2x16x8x64xf32, #tpu.memory_space<vmem>>, vector<1x1x1x16xf32>,
      %get3A_2283 = vector.shape_cast %get3A_2282 : vector<1x1x1x16xf32> to vector<16xf32>
      %get3A_2284 = arith.constant 11 : i32
      %get3A_2285 = arith.index_cast %rem3A_1490 : i32 to index
      %get3A_2286 = arith.index_cast %get3A_2284 : i32 to index
      %get3A_2287 = arith.index_cast %squeeze3A_2245 : i32 to index
      %get3A_2288 = arith.constant 32 : index
      %get3A_2289 = tpu.vector_load %arg12[%get3A_2285, %get3A_2286, %get3A_2287, %get3A_2288] {strides = array<i32>} : memref<2x16x8x64xf32, #tpu.memory_space<vmem>>, vector<1x1x1x16xf32>,
      %get3A_2290 = vector.shape_cast %get3A_2289 : vector<1x1x1x16xf32> to vector<16xf32>
      %mul3A_2291 = arith.mulf %get3A_2283, %get3A_2290 : vector<16xf32>
      %add3A_2292 = arith.addf %add3A_2276, %mul3A_2291 : vector<16xf32>
      %get3A_2293 = arith.constant 11 : i32
      %get3A_2294 = arith.index_cast %rem3A_1490 : i32 to index
      %get3A_2295 = arith.index_cast %get3A_2293 : i32 to index
      %get3A_2296 = arith.index_cast %squeeze3A_2243 : i32 to index
      %get3A_2297 = arith.constant 48 : index
      %get3A_2298 = tpu.vector_load %arg11[%get3A_2294, %get3A_2295, %get3A_2296, %get3A_2297] {strides = array<i32>} : memref<2x16x8x64xf32, #tpu.memory_space<vmem>>, vector<1x1x1x16xf32>,
      %get3A_2299 = vector.shape_cast %get3A_2298 : vector<1x1x1x16xf32> to vector<16xf32>
      %get3A_2300 = arith.constant 11 : i32
      %get3A_2301 = arith.index_cast %rem3A_1490 : i32 to index
      %get3A_2302 = arith.index_cast %get3A_2300 : i32 to index
      %get3A_2303 = arith.index_cast %squeeze3A_2245 : i32 to index
      %get3A_2304 = arith.constant 48 : index
      %get3A_2305 = tpu.vector_load %arg12[%get3A_2301, %get3A_2302, %get3A_2303, %get3A_2304] {strides = array<i32>} : memref<2x16x8x64xf32, #tpu.memory_space<vmem>>, vector<1x1x1x16xf32>,
      %get3A_2306 = vector.shape_cast %get3A_2305 : vector<1x1x1x16xf32> to vector<16xf32>
      %mul3A_2307 = arith.mulf %get3A_2299, %get3A_2306 : vector<16xf32>
      %add3A_2308 = arith.addf %add3A_2292, %mul3A_2307 : vector<16xf32>
      %slice3A_2309 = vector.extract_strided_slice %and3A_1498 {offsets = [12], sizes = [1], strides = [1]} : vector<16xi32> to vector<1xi32>
      %squeeze3A_2310 = vector.extract %slice3A_2309[0] : i32 from vector<1xi32>
      %slice3A_2311 = vector.extract_strided_slice %and3A_1504 {offsets = [12], sizes = [1], strides = [1]} : vector<16xi32> to vector<1xi32>
      %squeeze3A_2312 = vector.extract %slice3A_2311[0] : i32 from vector<1xi32>
      %get3A_2313 = arith.constant 12 : i32
      %get3A_2314 = arith.index_cast %rem3A_1490 : i32 to index
      %get3A_2315 = arith.index_cast %get3A_2313 : i32 to index
      %get3A_2316 = arith.index_cast %squeeze3A_2310 : i32 to index
      %get3A_2317 = arith.constant 0 : index
      %get3A_2318 = tpu.vector_load %arg11[%get3A_2314, %get3A_2315, %get3A_2316, %get3A_2317] {strides = array<i32>} : memref<2x16x8x64xf32, #tpu.memory_space<vmem>>, vector<1x1x1x16xf32>,
      %get3A_2319 = vector.shape_cast %get3A_2318 : vector<1x1x1x16xf32> to vector<16xf32>
      %get3A_2320 = arith.constant 12 : i32
      %get3A_2321 = arith.index_cast %rem3A_1490 : i32 to index
      %get3A_2322 = arith.index_cast %get3A_2320 : i32 to index
      %get3A_2323 = arith.index_cast %squeeze3A_2312 : i32 to index
      %get3A_2324 = arith.constant 0 : index
      %get3A_2325 = tpu.vector_load %arg12[%get3A_2321, %get3A_2322, %get3A_2323, %get3A_2324] {strides = array<i32>} : memref<2x16x8x64xf32, #tpu.memory_space<vmem>>, vector<1x1x1x16xf32>,
      %get3A_2326 = vector.shape_cast %get3A_2325 : vector<1x1x1x16xf32> to vector<16xf32>
      %mul3A_2327 = arith.mulf %get3A_2319, %get3A_2326 : vector<16xf32>
      %get3A_2328 = arith.constant 12 : i32
      %get3A_2329 = arith.index_cast %rem3A_1490 : i32 to index
      %get3A_2330 = arith.index_cast %get3A_2328 : i32 to index
      %get3A_2331 = arith.index_cast %squeeze3A_2310 : i32 to index
      %get3A_2332 = arith.constant 16 : index
      %get3A_2333 = tpu.vector_load %arg11[%get3A_2329, %get3A_2330, %get3A_2331, %get3A_2332] {strides = array<i32>} : memref<2x16x8x64xf32, #tpu.memory_space<vmem>>, vector<1x1x1x16xf32>,
      %get3A_2334 = vector.shape_cast %get3A_2333 : vector<1x1x1x16xf32> to vector<16xf32>
      %get3A_2335 = arith.constant 12 : i32
      %get3A_2336 = arith.index_cast %rem3A_1490 : i32 to index
      %get3A_2337 = arith.index_cast %get3A_2335 : i32 to index
      %get3A_2338 = arith.index_cast %squeeze3A_2312 : i32 to index
      %get3A_2339 = arith.constant 16 : index
      %get3A_2340 = tpu.vector_load %arg12[%get3A_2336, %get3A_2337, %get3A_2338, %get3A_2339] {strides = array<i32>} : memref<2x16x8x64xf32, #tpu.memory_space<vmem>>, vector<1x1x1x16xf32>,
      %get3A_2341 = vector.shape_cast %get3A_2340 : vector<1x1x1x16xf32> to vector<16xf32>
      %mul3A_2342 = arith.mulf %get3A_2334, %get3A_2341 : vector<16xf32>
      %add3A_2343 = arith.addf %mul3A_2327, %mul3A_2342 : vector<16xf32>
      %get3A_2344 = arith.constant 12 : i32
      %get3A_2345 = arith.index_cast %rem3A_1490 : i32 to index
      %get3A_2346 = arith.index_cast %get3A_2344 : i32 to index
      %get3A_2347 = arith.index_cast %squeeze3A_2310 : i32 to index
      %get3A_2348 = arith.constant 32 : index
      %get3A_2349 = tpu.vector_load %arg11[%get3A_2345, %get3A_2346, %get3A_2347, %get3A_2348] {strides = array<i32>} : memref<2x16x8x64xf32, #tpu.memory_space<vmem>>, vector<1x1x1x16xf32>,
      %get3A_2350 = vector.shape_cast %get3A_2349 : vector<1x1x1x16xf32> to vector<16xf32>
      %get3A_2351 = arith.constant 12 : i32
      %get3A_2352 = arith.index_cast %rem3A_1490 : i32 to index
      %get3A_2353 = arith.index_cast %get3A_2351 : i32 to index
      %get3A_2354 = arith.index_cast %squeeze3A_2312 : i32 to index
      %get3A_2355 = arith.constant 32 : index
      %get3A_2356 = tpu.vector_load %arg12[%get3A_2352, %get3A_2353, %get3A_2354, %get3A_2355] {strides = array<i32>} : memref<2x16x8x64xf32, #tpu.memory_space<vmem>>, vector<1x1x1x16xf32>,
      %get3A_2357 = vector.shape_cast %get3A_2356 : vector<1x1x1x16xf32> to vector<16xf32>
      %mul3A_2358 = arith.mulf %get3A_2350, %get3A_2357 : vector<16xf32>
      %add3A_2359 = arith.addf %add3A_2343, %mul3A_2358 : vector<16xf32>
      %get3A_2360 = arith.constant 12 : i32
      %get3A_2361 = arith.index_cast %rem3A_1490 : i32 to index
      %get3A_2362 = arith.index_cast %get3A_2360 : i32 to index
      %get3A_2363 = arith.index_cast %squeeze3A_2310 : i32 to index
      %get3A_2364 = arith.constant 48 : index
      %get3A_2365 = tpu.vector_load %arg11[%get3A_2361, %get3A_2362, %get3A_2363, %get3A_2364] {strides = array<i32>} : memref<2x16x8x64xf32, #tpu.memory_space<vmem>>, vector<1x1x1x16xf32>,
      %get3A_2366 = vector.shape_cast %get3A_2365 : vector<1x1x1x16xf32> to vector<16xf32>
      %get3A_2367 = arith.constant 12 : i32
      %get3A_2368 = arith.index_cast %rem3A_1490 : i32 to index
      %get3A_2369 = arith.index_cast %get3A_2367 : i32 to index
      %get3A_2370 = arith.index_cast %squeeze3A_2312 : i32 to index
      %get3A_2371 = arith.constant 48 : index
      %get3A_2372 = tpu.vector_load %arg12[%get3A_2368, %get3A_2369, %get3A_2370, %get3A_2371] {strides = array<i32>} : memref<2x16x8x64xf32, #tpu.memory_space<vmem>>, vector<1x1x1x16xf32>,
      %get3A_2373 = vector.shape_cast %get3A_2372 : vector<1x1x1x16xf32> to vector<16xf32>
      %mul3A_2374 = arith.mulf %get3A_2366, %get3A_2373 : vector<16xf32>
      %add3A_2375 = arith.addf %add3A_2359, %mul3A_2374 : vector<16xf32>
      %slice3A_2376 = vector.extract_strided_slice %and3A_1498 {offsets = [13], sizes = [1], strides = [1]} : vector<16xi32> to vector<1xi32>
      %squeeze3A_2377 = vector.extract %slice3A_2376[0] : i32 from vector<1xi32>
      %slice3A_2378 = vector.extract_strided_slice %and3A_1504 {offsets = [13], sizes = [1], strides = [1]} : vector<16xi32> to vector<1xi32>
      %squeeze3A_2379 = vector.extract %slice3A_2378[0] : i32 from vector<1xi32>
      %get3A_2380 = arith.constant 13 : i32
      %get3A_2381 = arith.index_cast %rem3A_1490 : i32 to index
      %get3A_2382 = arith.index_cast %get3A_2380 : i32 to index
      %get3A_2383 = arith.index_cast %squeeze3A_2377 : i32 to index
      %get3A_2384 = arith.constant 0 : index
      %get3A_2385 = tpu.vector_load %arg11[%get3A_2381, %get3A_2382, %get3A_2383, %get3A_2384] {strides = array<i32>} : memref<2x16x8x64xf32, #tpu.memory_space<vmem>>, vector<1x1x1x16xf32>,
      %get3A_2386 = vector.shape_cast %get3A_2385 : vector<1x1x1x16xf32> to vector<16xf32>
      %get3A_2387 = arith.constant 13 : i32
      %get3A_2388 = arith.index_cast %rem3A_1490 : i32 to index
      %get3A_2389 = arith.index_cast %get3A_2387 : i32 to index
      %get3A_2390 = arith.index_cast %squeeze3A_2379 : i32 to index
      %get3A_2391 = arith.constant 0 : index
      %get3A_2392 = tpu.vector_load %arg12[%get3A_2388, %get3A_2389, %get3A_2390, %get3A_2391] {strides = array<i32>} : memref<2x16x8x64xf32, #tpu.memory_space<vmem>>, vector<1x1x1x16xf32>,
      %get3A_2393 = vector.shape_cast %get3A_2392 : vector<1x1x1x16xf32> to vector<16xf32>
      %mul3A_2394 = arith.mulf %get3A_2386, %get3A_2393 : vector<16xf32>
      %get3A_2395 = arith.constant 13 : i32
      %get3A_2396 = arith.index_cast %rem3A_1490 : i32 to index
      %get3A_2397 = arith.index_cast %get3A_2395 : i32 to index
      %get3A_2398 = arith.index_cast %squeeze3A_2377 : i32 to index
      %get3A_2399 = arith.constant 16 : index
      %get3A_2400 = tpu.vector_load %arg11[%get3A_2396, %get3A_2397, %get3A_2398, %get3A_2399] {strides = array<i32>} : memref<2x16x8x64xf32, #tpu.memory_space<vmem>>, vector<1x1x1x16xf32>,
      %get3A_2401 = vector.shape_cast %get3A_2400 : vector<1x1x1x16xf32> to vector<16xf32>
      %get3A_2402 = arith.constant 13 : i32
      %get3A_2403 = arith.index_cast %rem3A_1490 : i32 to index
      %get3A_2404 = arith.index_cast %get3A_2402 : i32 to index
      %get3A_2405 = arith.index_cast %squeeze3A_2379 : i32 to index
      %get3A_2406 = arith.constant 16 : index
      %get3A_2407 = tpu.vector_load %arg12[%get3A_2403, %get3A_2404, %get3A_2405, %get3A_2406] {strides = array<i32>} : memref<2x16x8x64xf32, #tpu.memory_space<vmem>>, vector<1x1x1x16xf32>,
      %get3A_2408 = vector.shape_cast %get3A_2407 : vector<1x1x1x16xf32> to vector<16xf32>
      %mul3A_2409 = arith.mulf %get3A_2401, %get3A_2408 : vector<16xf32>
      %add3A_2410 = arith.addf %mul3A_2394, %mul3A_2409 : vector<16xf32>
      %get3A_2411 = arith.constant 13 : i32
      %get3A_2412 = arith.index_cast %rem3A_1490 : i32 to index
      %get3A_2413 = arith.index_cast %get3A_2411 : i32 to index
      %get3A_2414 = arith.index_cast %squeeze3A_2377 : i32 to index
      %get3A_2415 = arith.constant 32 : index
      %get3A_2416 = tpu.vector_load %arg11[%get3A_2412, %get3A_2413, %get3A_2414, %get3A_2415] {strides = array<i32>} : memref<2x16x8x64xf32, #tpu.memory_space<vmem>>, vector<1x1x1x16xf32>,
      %get3A_2417 = vector.shape_cast %get3A_2416 : vector<1x1x1x16xf32> to vector<16xf32>
      %get3A_2418 = arith.constant 13 : i32
      %get3A_2419 = arith.index_cast %rem3A_1490 : i32 to index
      %get3A_2420 = arith.index_cast %get3A_2418 : i32 to index
      %get3A_2421 = arith.index_cast %squeeze3A_2379 : i32 to index
      %get3A_2422 = arith.constant 32 : index
      %get3A_2423 = tpu.vector_load %arg12[%get3A_2419, %get3A_2420, %get3A_2421, %get3A_2422] {strides = array<i32>} : memref<2x16x8x64xf32, #tpu.memory_space<vmem>>, vector<1x1x1x16xf32>,
      %get3A_2424 = vector.shape_cast %get3A_2423 : vector<1x1x1x16xf32> to vector<16xf32>
      %mul3A_2425 = arith.mulf %get3A_2417, %get3A_2424 : vector<16xf32>
      %add3A_2426 = arith.addf %add3A_2410, %mul3A_2425 : vector<16xf32>
      %get3A_2427 = arith.constant 13 : i32
      %get3A_2428 = arith.index_cast %rem3A_1490 : i32 to index
      %get3A_2429 = arith.index_cast %get3A_2427 : i32 to index
      %get3A_2430 = arith.index_cast %squeeze3A_2377 : i32 to index
      %get3A_2431 = arith.constant 48 : index
      %get3A_2432 = tpu.vector_load %arg11[%get3A_2428, %get3A_2429, %get3A_2430, %get3A_2431] {strides = array<i32>} : memref<2x16x8x64xf32, #tpu.memory_space<vmem>>, vector<1x1x1x16xf32>,
      %get3A_2433 = vector.shape_cast %get3A_2432 : vector<1x1x1x16xf32> to vector<16xf32>
      %get3A_2434 = arith.constant 13 : i32
      %get3A_2435 = arith.index_cast %rem3A_1490 : i32 to index
      %get3A_2436 = arith.index_cast %get3A_2434 : i32 to index
      %get3A_2437 = arith.index_cast %squeeze3A_2379 : i32 to index
      %get3A_2438 = arith.constant 48 : index
      %get3A_2439 = tpu.vector_load %arg12[%get3A_2435, %get3A_2436, %get3A_2437, %get3A_2438] {strides = array<i32>} : memref<2x16x8x64xf32, #tpu.memory_space<vmem>>, vector<1x1x1x16xf32>,
      %get3A_2440 = vector.shape_cast %get3A_2439 : vector<1x1x1x16xf32> to vector<16xf32>
      %mul3A_2441 = arith.mulf %get3A_2433, %get3A_2440 : vector<16xf32>
      %add3A_2442 = arith.addf %add3A_2426, %mul3A_2441 : vector<16xf32>
      %slice3A_2443 = vector.extract_strided_slice %and3A_1498 {offsets = [14], sizes = [1], strides = [1]} : vector<16xi32> to vector<1xi32>
      %squeeze3A_2444 = vector.extract %slice3A_2443[0] : i32 from vector<1xi32>
      %slice3A_2445 = vector.extract_strided_slice %and3A_1504 {offsets = [14], sizes = [1], strides = [1]} : vector<16xi32> to vector<1xi32>
      %squeeze3A_2446 = vector.extract %slice3A_2445[0] : i32 from vector<1xi32>
      %get3A_2447 = arith.constant 14 : i32
      %get3A_2448 = arith.index_cast %rem3A_1490 : i32 to index
      %get3A_2449 = arith.index_cast %get3A_2447 : i32 to index
      %get3A_2450 = arith.index_cast %squeeze3A_2444 : i32 to index
      %get3A_2451 = arith.constant 0 : index
      %get3A_2452 = tpu.vector_load %arg11[%get3A_2448, %get3A_2449, %get3A_2450, %get3A_2451] {strides = array<i32>} : memref<2x16x8x64xf32, #tpu.memory_space<vmem>>, vector<1x1x1x16xf32>,
      %get3A_2453 = vector.shape_cast %get3A_2452 : vector<1x1x1x16xf32> to vector<16xf32>
      %get3A_2454 = arith.constant 14 : i32
      %get3A_2455 = arith.index_cast %rem3A_1490 : i32 to index
      %get3A_2456 = arith.index_cast %get3A_2454 : i32 to index
      %get3A_2457 = arith.index_cast %squeeze3A_2446 : i32 to index
      %get3A_2458 = arith.constant 0 : index
      %get3A_2459 = tpu.vector_load %arg12[%get3A_2455, %get3A_2456, %get3A_2457, %get3A_2458] {strides = array<i32>} : memref<2x16x8x64xf32, #tpu.memory_space<vmem>>, vector<1x1x1x16xf32>,
      %get3A_2460 = vector.shape_cast %get3A_2459 : vector<1x1x1x16xf32> to vector<16xf32>
      %mul3A_2461 = arith.mulf %get3A_2453, %get3A_2460 : vector<16xf32>
      %get3A_2462 = arith.constant 14 : i32
      %get3A_2463 = arith.index_cast %rem3A_1490 : i32 to index
      %get3A_2464 = arith.index_cast %get3A_2462 : i32 to index
      %get3A_2465 = arith.index_cast %squeeze3A_2444 : i32 to index
      %get3A_2466 = arith.constant 16 : index
      %get3A_2467 = tpu.vector_load %arg11[%get3A_2463, %get3A_2464, %get3A_2465, %get3A_2466] {strides = array<i32>} : memref<2x16x8x64xf32, #tpu.memory_space<vmem>>, vector<1x1x1x16xf32>,
      %get3A_2468 = vector.shape_cast %get3A_2467 : vector<1x1x1x16xf32> to vector<16xf32>
      %get3A_2469 = arith.constant 14 : i32
      %get3A_2470 = arith.index_cast %rem3A_1490 : i32 to index
      %get3A_2471 = arith.index_cast %get3A_2469 : i32 to index
      %get3A_2472 = arith.index_cast %squeeze3A_2446 : i32 to index
      %get3A_2473 = arith.constant 16 : index
      %get3A_2474 = tpu.vector_load %arg12[%get3A_2470, %get3A_2471, %get3A_2472, %get3A_2473] {strides = array<i32>} : memref<2x16x8x64xf32, #tpu.memory_space<vmem>>, vector<1x1x1x16xf32>,
      %get3A_2475 = vector.shape_cast %get3A_2474 : vector<1x1x1x16xf32> to vector<16xf32>
      %mul3A_2476 = arith.mulf %get3A_2468, %get3A_2475 : vector<16xf32>
      %add3A_2477 = arith.addf %mul3A_2461, %mul3A_2476 : vector<16xf32>
      %get3A_2478 = arith.constant 14 : i32
      %get3A_2479 = arith.index_cast %rem3A_1490 : i32 to index
      %get3A_2480 = arith.index_cast %get3A_2478 : i32 to index
      %get3A_2481 = arith.index_cast %squeeze3A_2444 : i32 to index
      %get3A_2482 = arith.constant 32 : index
      %get3A_2483 = tpu.vector_load %arg11[%get3A_2479, %get3A_2480, %get3A_2481, %get3A_2482] {strides = array<i32>} : memref<2x16x8x64xf32, #tpu.memory_space<vmem>>, vector<1x1x1x16xf32>,
      %get3A_2484 = vector.shape_cast %get3A_2483 : vector<1x1x1x16xf32> to vector<16xf32>
      %get3A_2485 = arith.constant 14 : i32
      %get3A_2486 = arith.index_cast %rem3A_1490 : i32 to index
      %get3A_2487 = arith.index_cast %get3A_2485 : i32 to index
      %get3A_2488 = arith.index_cast %squeeze3A_2446 : i32 to index
      %get3A_2489 = arith.constant 32 : index
      %get3A_2490 = tpu.vector_load %arg12[%get3A_2486, %get3A_2487, %get3A_2488, %get3A_2489] {strides = array<i32>} : memref<2x16x8x64xf32, #tpu.memory_space<vmem>>, vector<1x1x1x16xf32>,
      %get3A_2491 = vector.shape_cast %get3A_2490 : vector<1x1x1x16xf32> to vector<16xf32>
      %mul3A_2492 = arith.mulf %get3A_2484, %get3A_2491 : vector<16xf32>
      %add3A_2493 = arith.addf %add3A_2477, %mul3A_2492 : vector<16xf32>
      %get3A_2494 = arith.constant 14 : i32
      %get3A_2495 = arith.index_cast %rem3A_1490 : i32 to index
      %get3A_2496 = arith.index_cast %get3A_2494 : i32 to index
      %get3A_2497 = arith.index_cast %squeeze3A_2444 : i32 to index
      %get3A_2498 = arith.constant 48 : index
      %get3A_2499 = tpu.vector_load %arg11[%get3A_2495, %get3A_2496, %get3A_2497, %get3A_2498] {strides = array<i32>} : memref<2x16x8x64xf32, #tpu.memory_space<vmem>>, vector<1x1x1x16xf32>,
      %get3A_2500 = vector.shape_cast %get3A_2499 : vector<1x1x1x16xf32> to vector<16xf32>
      %get3A_2501 = arith.constant 14 : i32
      %get3A_2502 = arith.index_cast %rem3A_1490 : i32 to index
      %get3A_2503 = arith.index_cast %get3A_2501 : i32 to index
      %get3A_2504 = arith.index_cast %squeeze3A_2446 : i32 to index
      %get3A_2505 = arith.constant 48 : index
      %get3A_2506 = tpu.vector_load %arg12[%get3A_2502, %get3A_2503, %get3A_2504, %get3A_2505] {strides = array<i32>} : memref<2x16x8x64xf32, #tpu.memory_space<vmem>>, vector<1x1x1x16xf32>,
      %get3A_2507 = vector.shape_cast %get3A_2506 : vector<1x1x1x16xf32> to vector<16xf32>
      %mul3A_2508 = arith.mulf %get3A_2500, %get3A_2507 : vector<16xf32>
      %add3A_2509 = arith.addf %add3A_2493, %mul3A_2508 : vector<16xf32>
      %slice3A_2510 = vector.extract_strided_slice %and3A_1498 {offsets = [15], sizes = [1], strides = [1]} : vector<16xi32> to vector<1xi32>
      %squeeze3A_2511 = vector.extract %slice3A_2510[0] : i32 from vector<1xi32>
      %slice3A_2512 = vector.extract_strided_slice %and3A_1504 {offsets = [15], sizes = [1], strides = [1]} : vector<16xi32> to vector<1xi32>
      %squeeze3A_2513 = vector.extract %slice3A_2512[0] : i32 from vector<1xi32>
      %get3A_2514 = arith.constant 15 : i32
      %get3A_2515 = arith.index_cast %rem3A_1490 : i32 to index
      %get3A_2516 = arith.index_cast %get3A_2514 : i32 to index
      %get3A_2517 = arith.index_cast %squeeze3A_2511 : i32 to index
      %get3A_2518 = arith.constant 0 : index
      %get3A_2519 = tpu.vector_load %arg11[%get3A_2515, %get3A_2516, %get3A_2517, %get3A_2518] {strides = array<i32>} : memref<2x16x8x64xf32, #tpu.memory_space<vmem>>, vector<1x1x1x16xf32>,
      %get3A_2520 = vector.shape_cast %get3A_2519 : vector<1x1x1x16xf32> to vector<16xf32>
      %get3A_2521 = arith.constant 15 : i32
      %get3A_2522 = arith.index_cast %rem3A_1490 : i32 to index
      %get3A_2523 = arith.index_cast %get3A_2521 : i32 to index
      %get3A_2524 = arith.index_cast %squeeze3A_2513 : i32 to index
      %get3A_2525 = arith.constant 0 : index
      %get3A_2526 = tpu.vector_load %arg12[%get3A_2522, %get3A_2523, %get3A_2524, %get3A_2525] {strides = array<i32>} : memref<2x16x8x64xf32, #tpu.memory_space<vmem>>, vector<1x1x1x16xf32>,
      %get3A_2527 = vector.shape_cast %get3A_2526 : vector<1x1x1x16xf32> to vector<16xf32>
      %mul3A_2528 = arith.mulf %get3A_2520, %get3A_2527 : vector<16xf32>
      %get3A_2529 = arith.constant 15 : i32
      %get3A_2530 = arith.index_cast %rem3A_1490 : i32 to index
      %get3A_2531 = arith.index_cast %get3A_2529 : i32 to index
      %get3A_2532 = arith.index_cast %squeeze3A_2511 : i32 to index
      %get3A_2533 = arith.constant 16 : index
      %get3A_2534 = tpu.vector_load %arg11[%get3A_2530, %get3A_2531, %get3A_2532, %get3A_2533] {strides = array<i32>} : memref<2x16x8x64xf32, #tpu.memory_space<vmem>>, vector<1x1x1x16xf32>,
      %get3A_2535 = vector.shape_cast %get3A_2534 : vector<1x1x1x16xf32> to vector<16xf32>
      %get3A_2536 = arith.constant 15 : i32
      %get3A_2537 = arith.index_cast %rem3A_1490 : i32 to index
      %get3A_2538 = arith.index_cast %get3A_2536 : i32 to index
      %get3A_2539 = arith.index_cast %squeeze3A_2513 : i32 to index
      %get3A_2540 = arith.constant 16 : index
      %get3A_2541 = tpu.vector_load %arg12[%get3A_2537, %get3A_2538, %get3A_2539, %get3A_2540] {strides = array<i32>} : memref<2x16x8x64xf32, #tpu.memory_space<vmem>>, vector<1x1x1x16xf32>,
      %get3A_2542 = vector.shape_cast %get3A_2541 : vector<1x1x1x16xf32> to vector<16xf32>
      %mul3A_2543 = arith.mulf %get3A_2535, %get3A_2542 : vector<16xf32>
      %add3A_2544 = arith.addf %mul3A_2528, %mul3A_2543 : vector<16xf32>
      %get3A_2545 = arith.constant 15 : i32
      %get3A_2546 = arith.index_cast %rem3A_1490 : i32 to index
      %get3A_2547 = arith.index_cast %get3A_2545 : i32 to index
      %get3A_2548 = arith.index_cast %squeeze3A_2511 : i32 to index
      %get3A_2549 = arith.constant 32 : index
      %get3A_2550 = tpu.vector_load %arg11[%get3A_2546, %get3A_2547, %get3A_2548, %get3A_2549] {strides = array<i32>} : memref<2x16x8x64xf32, #tpu.memory_space<vmem>>, vector<1x1x1x16xf32>,
      %get3A_2551 = vector.shape_cast %get3A_2550 : vector<1x1x1x16xf32> to vector<16xf32>
      %get3A_2552 = arith.constant 15 : i32
      %get3A_2553 = arith.index_cast %rem3A_1490 : i32 to index
      %get3A_2554 = arith.index_cast %get3A_2552 : i32 to index
      %get3A_2555 = arith.index_cast %squeeze3A_2513 : i32 to index
      %get3A_2556 = arith.constant 32 : index
      %get3A_2557 = tpu.vector_load %arg12[%get3A_2553, %get3A_2554, %get3A_2555, %get3A_2556] {strides = array<i32>} : memref<2x16x8x64xf32, #tpu.memory_space<vmem>>, vector<1x1x1x16xf32>,
      %get3A_2558 = vector.shape_cast %get3A_2557 : vector<1x1x1x16xf32> to vector<16xf32>
      %mul3A_2559 = arith.mulf %get3A_2551, %get3A_2558 : vector<16xf32>
      %add3A_2560 = arith.addf %add3A_2544, %mul3A_2559 : vector<16xf32>
      %get3A_2561 = arith.constant 15 : i32
      %get3A_2562 = arith.index_cast %rem3A_1490 : i32 to index
      %get3A_2563 = arith.index_cast %get3A_2561 : i32 to index
      %get3A_2564 = arith.index_cast %squeeze3A_2511 : i32 to index
      %get3A_2565 = arith.constant 48 : index
      %get3A_2566 = tpu.vector_load %arg11[%get3A_2562, %get3A_2563, %get3A_2564, %get3A_2565] {strides = array<i32>} : memref<2x16x8x64xf32, #tpu.memory_space<vmem>>, vector<1x1x1x16xf32>,
      %get3A_2567 = vector.shape_cast %get3A_2566 : vector<1x1x1x16xf32> to vector<16xf32>
      %get3A_2568 = arith.constant 15 : i32
      %get3A_2569 = arith.index_cast %rem3A_1490 : i32 to index
      %get3A_2570 = arith.index_cast %get3A_2568 : i32 to index
      %get3A_2571 = arith.index_cast %squeeze3A_2513 : i32 to index
      %get3A_2572 = arith.constant 48 : index
      %get3A_2573 = tpu.vector_load %arg12[%get3A_2569, %get3A_2570, %get3A_2571, %get3A_2572] {strides = array<i32>} : memref<2x16x8x64xf32, #tpu.memory_space<vmem>>, vector<1x1x1x16xf32>,
      %get3A_2574 = vector.shape_cast %get3A_2573 : vector<1x1x1x16xf32> to vector<16xf32>
      %mul3A_2575 = arith.mulf %get3A_2567, %get3A_2574 : vector<16xf32>
      %add3A_2576 = arith.addf %add3A_2560, %mul3A_2575 : vector<16xf32>
      %lt3A_2577 = arith.constant 0 : i32
      %lt3A_2578 = vector.broadcast %lt3A_2577 : i32 to vector<16xi32>
      %lt3A_2579 = arith.cmpi slt, %xor3A_26, %lt3A_2578 : vector<16xi32>
      %add3A_2580 = arith.constant 16 : i32
      %add3A_2581 = vector.broadcast %add3A_2580 : i32 to vector<16xi32>
      %add3A_2582 = arith.addi %xor3A_26, %add3A_2581 : vector<16xi32>
      %select_n3A = arith.select %lt3A_2579, %add3A_2582, %xor3A_26 : vector<16xi1>, vector<16xi32>
      %broadcast_in_dim3A = vector.shape_cast %select_n3A : vector<16xi32> to vector<16x1xi32>
      %gather3A = vector.shape_cast %broadcast_in_dim3A : vector<16x1xi32> to vector<16xi32>
      %gather3A_2583 = tpu.dynamic_gather %add3A_1638[%gather3A] in [0] : vector<16xf32>, vector<16xi32> -> vector<16xf32>
      %select_n3A_2584 = arith.select %eq3A_6, %add3A_1571, %gather3A_2583 : vector<16xi1>, vector<16xf32>
      %lt3A_2585 = arith.constant 0 : i32
      %lt3A_2586 = vector.broadcast %lt3A_2585 : i32 to vector<16xi32>
      %lt3A_2587 = arith.cmpi slt, %xor3A_26, %lt3A_2586 : vector<16xi32>
      %add3A_2588 = arith.constant 16 : i32
      %add3A_2589 = vector.broadcast %add3A_2588 : i32 to vector<16xi32>
      %add3A_2590 = arith.addi %xor3A_26, %add3A_2589 : vector<16xi32>
      %select_n3A_2591 = arith.select %lt3A_2587, %add3A_2590, %xor3A_26 : vector<16xi1>, vector<16xi32>
      %broadcast_in_dim3A_2592 = vector.shape_cast %select_n3A_2591 : vector<16xi32> to vector<16x1xi32>
      %gather3A_2593 = vector.shape_cast %broadcast_in_dim3A_2592 : vector<16x1xi32> to vector<16xi32>
      %gather3A_2594 = tpu.dynamic_gather %add3A_1571[%gather3A_2593] in [0] : vector<16xf32>, vector<16xi32> -> vector<16xf32>
      %select_n3A_2595 = arith.select %eq3A_6, %gather3A_2594, %add3A_1638 : vector<16xi1>, vector<16xf32>
      %add3A_2596 = arith.addf %select_n3A_2584, %select_n3A_2595 : vector<16xf32>
      %lt3A_2597 = arith.constant 0 : i32
      %lt3A_2598 = vector.broadcast %lt3A_2597 : i32 to vector<16xi32>
      %lt3A_2599 = arith.cmpi slt, %xor3A_26, %lt3A_2598 : vector<16xi32>
      %add3A_2600 = arith.constant 16 : i32
      %add3A_2601 = vector.broadcast %add3A_2600 : i32 to vector<16xi32>
      %add3A_2602 = arith.addi %xor3A_26, %add3A_2601 : vector<16xi32>
      %select_n3A_2603 = arith.select %lt3A_2599, %add3A_2602, %xor3A_26 : vector<16xi1>, vector<16xi32>
      %broadcast_in_dim3A_2604 = vector.shape_cast %select_n3A_2603 : vector<16xi32> to vector<16x1xi32>
      %gather3A_2605 = vector.shape_cast %broadcast_in_dim3A_2604 : vector<16x1xi32> to vector<16xi32>
      %gather3A_2606 = tpu.dynamic_gather %add3A_1772[%gather3A_2605] in [0] : vector<16xf32>, vector<16xi32> -> vector<16xf32>
      %select_n3A_2607 = arith.select %eq3A_6, %add3A_1705, %gather3A_2606 : vector<16xi1>, vector<16xf32>
      %lt3A_2608 = arith.constant 0 : i32
      %lt3A_2609 = vector.broadcast %lt3A_2608 : i32 to vector<16xi32>
      %lt3A_2610 = arith.cmpi slt, %xor3A_26, %lt3A_2609 : vector<16xi32>
      %add3A_2611 = arith.constant 16 : i32
      %add3A_2612 = vector.broadcast %add3A_2611 : i32 to vector<16xi32>
      %add3A_2613 = arith.addi %xor3A_26, %add3A_2612 : vector<16xi32>
      %select_n3A_2614 = arith.select %lt3A_2610, %add3A_2613, %xor3A_26 : vector<16xi1>, vector<16xi32>
      %broadcast_in_dim3A_2615 = vector.shape_cast %select_n3A_2614 : vector<16xi32> to vector<16x1xi32>
      %gather3A_2616 = vector.shape_cast %broadcast_in_dim3A_2615 : vector<16x1xi32> to vector<16xi32>
      %gather3A_2617 = tpu.dynamic_gather %add3A_1705[%gather3A_2616] in [0] : vector<16xf32>, vector<16xi32> -> vector<16xf32>
      %select_n3A_2618 = arith.select %eq3A_6, %gather3A_2617, %add3A_1772 : vector<16xi1>, vector<16xf32>
      %add3A_2619 = arith.addf %select_n3A_2607, %select_n3A_2618 : vector<16xf32>
      %lt3A_2620 = arith.constant 0 : i32
      %lt3A_2621 = vector.broadcast %lt3A_2620 : i32 to vector<16xi32>
      %lt3A_2622 = arith.cmpi slt, %xor3A_26, %lt3A_2621 : vector<16xi32>
      %add3A_2623 = arith.constant 16 : i32
      %add3A_2624 = vector.broadcast %add3A_2623 : i32 to vector<16xi32>
      %add3A_2625 = arith.addi %xor3A_26, %add3A_2624 : vector<16xi32>
      %select_n3A_2626 = arith.select %lt3A_2622, %add3A_2625, %xor3A_26 : vector<16xi1>, vector<16xi32>
      %broadcast_in_dim3A_2627 = vector.shape_cast %select_n3A_2626 : vector<16xi32> to vector<16x1xi32>
      %gather3A_2628 = vector.shape_cast %broadcast_in_dim3A_2627 : vector<16x1xi32> to vector<16xi32>
      %gather3A_2629 = tpu.dynamic_gather %add3A_1906[%gather3A_2628] in [0] : vector<16xf32>, vector<16xi32> -> vector<16xf32>
      %select_n3A_2630 = arith.select %eq3A_6, %add3A_1839, %gather3A_2629 : vector<16xi1>, vector<16xf32>
      %lt3A_2631 = arith.constant 0 : i32
      %lt3A_2632 = vector.broadcast %lt3A_2631 : i32 to vector<16xi32>
      %lt3A_2633 = arith.cmpi slt, %xor3A_26, %lt3A_2632 : vector<16xi32>
      %add3A_2634 = arith.constant 16 : i32
      %add3A_2635 = vector.broadcast %add3A_2634 : i32 to vector<16xi32>
      %add3A_2636 = arith.addi %xor3A_26, %add3A_2635 : vector<16xi32>
      %select_n3A_2637 = arith.select %lt3A_2633, %add3A_2636, %xor3A_26 : vector<16xi1>, vector<16xi32>
      %broadcast_in_dim3A_2638 = vector.shape_cast %select_n3A_2637 : vector<16xi32> to vector<16x1xi32>
      %gather3A_2639 = vector.shape_cast %broadcast_in_dim3A_2638 : vector<16x1xi32> to vector<16xi32>
      %gather3A_2640 = tpu.dynamic_gather %add3A_1839[%gather3A_2639] in [0] : vector<16xf32>, vector<16xi32> -> vector<16xf32>
      %select_n3A_2641 = arith.select %eq3A_6, %gather3A_2640, %add3A_1906 : vector<16xi1>, vector<16xf32>
      %add3A_2642 = arith.addf %select_n3A_2630, %select_n3A_2641 : vector<16xf32>
      %lt3A_2643 = arith.constant 0 : i32
      %lt3A_2644 = vector.broadcast %lt3A_2643 : i32 to vector<16xi32>
      %lt3A_2645 = arith.cmpi slt, %xor3A_26, %lt3A_2644 : vector<16xi32>
      %add3A_2646 = arith.constant 16 : i32
      %add3A_2647 = vector.broadcast %add3A_2646 : i32 to vector<16xi32>
      %add3A_2648 = arith.addi %xor3A_26, %add3A_2647 : vector<16xi32>
      %select_n3A_2649 = arith.select %lt3A_2645, %add3A_2648, %xor3A_26 : vector<16xi1>, vector<16xi32>
      %broadcast_in_dim3A_2650 = vector.shape_cast %select_n3A_2649 : vector<16xi32> to vector<16x1xi32>
      %gather3A_2651 = vector.shape_cast %broadcast_in_dim3A_2650 : vector<16x1xi32> to vector<16xi32>
      %gather3A_2652 = tpu.dynamic_gather %add3A_2040[%gather3A_2651] in [0] : vector<16xf32>, vector<16xi32> -> vector<16xf32>
      %select_n3A_2653 = arith.select %eq3A_6, %add3A_1973, %gather3A_2652 : vector<16xi1>, vector<16xf32>
      %lt3A_2654 = arith.constant 0 : i32
      %lt3A_2655 = vector.broadcast %lt3A_2654 : i32 to vector<16xi32>
      %lt3A_2656 = arith.cmpi slt, %xor3A_26, %lt3A_2655 : vector<16xi32>
      %add3A_2657 = arith.constant 16 : i32
      %add3A_2658 = vector.broadcast %add3A_2657 : i32 to vector<16xi32>
      %add3A_2659 = arith.addi %xor3A_26, %add3A_2658 : vector<16xi32>
      %select_n3A_2660 = arith.select %lt3A_2656, %add3A_2659, %xor3A_26 : vector<16xi1>, vector<16xi32>
      %broadcast_in_dim3A_2661 = vector.shape_cast %select_n3A_2660 : vector<16xi32> to vector<16x1xi32>
      %gather3A_2662 = vector.shape_cast %broadcast_in_dim3A_2661 : vector<16x1xi32> to vector<16xi32>
      %gather3A_2663 = tpu.dynamic_gather %add3A_1973[%gather3A_2662] in [0] : vector<16xf32>, vector<16xi32> -> vector<16xf32>
      %select_n3A_2664 = arith.select %eq3A_6, %gather3A_2663, %add3A_2040 : vector<16xi1>, vector<16xf32>
      %add3A_2665 = arith.addf %select_n3A_2653, %select_n3A_2664 : vector<16xf32>
      %lt3A_2666 = arith.constant 0 : i32
      %lt3A_2667 = vector.broadcast %lt3A_2666 : i32 to vector<16xi32>
      %lt3A_2668 = arith.cmpi slt, %xor3A_26, %lt3A_2667 : vector<16xi32>
      %add3A_2669 = arith.constant 16 : i32
      %add3A_2670 = vector.broadcast %add3A_2669 : i32 to vector<16xi32>
      %add3A_2671 = arith.addi %xor3A_26, %add3A_2670 : vector<16xi32>
      %select_n3A_2672 = arith.select %lt3A_2668, %add3A_2671, %xor3A_26 : vector<16xi1>, vector<16xi32>
      %broadcast_in_dim3A_2673 = vector.shape_cast %select_n3A_2672 : vector<16xi32> to vector<16x1xi32>
      %gather3A_2674 = vector.shape_cast %broadcast_in_dim3A_2673 : vector<16x1xi32> to vector<16xi32>
      %gather3A_2675 = tpu.dynamic_gather %add3A_2174[%gather3A_2674] in [0] : vector<16xf32>, vector<16xi32> -> vector<16xf32>
      %select_n3A_2676 = arith.select %eq3A_6, %add3A_2107, %gather3A_2675 : vector<16xi1>, vector<16xf32>
      %lt3A_2677 = arith.constant 0 : i32
      %lt3A_2678 = vector.broadcast %lt3A_2677 : i32 to vector<16xi32>
      %lt3A_2679 = arith.cmpi slt, %xor3A_26, %lt3A_2678 : vector<16xi32>
      %add3A_2680 = arith.constant 16 : i32
      %add3A_2681 = vector.broadcast %add3A_2680 : i32 to vector<16xi32>
      %add3A_2682 = arith.addi %xor3A_26, %add3A_2681 : vector<16xi32>
      %select_n3A_2683 = arith.select %lt3A_2679, %add3A_2682, %xor3A_26 : vector<16xi1>, vector<16xi32>
      %broadcast_in_dim3A_2684 = vector.shape_cast %select_n3A_2683 : vector<16xi32> to vector<16x1xi32>
      %gather3A_2685 = vector.shape_cast %broadcast_in_dim3A_2684 : vector<16x1xi32> to vector<16xi32>
      %gather3A_2686 = tpu.dynamic_gather %add3A_2107[%gather3A_2685] in [0] : vector<16xf32>, vector<16xi32> -> vector<16xf32>
      %select_n3A_2687 = arith.select %eq3A_6, %gather3A_2686, %add3A_2174 : vector<16xi1>, vector<16xf32>
      %add3A_2688 = arith.addf %select_n3A_2676, %select_n3A_2687 : vector<16xf32>
      %lt3A_2689 = arith.constant 0 : i32
      %lt3A_2690 = vector.broadcast %lt3A_2689 : i32 to vector<16xi32>
      %lt3A_2691 = arith.cmpi slt, %xor3A_26, %lt3A_2690 : vector<16xi32>
      %add3A_2692 = arith.constant 16 : i32
      %add3A_2693 = vector.broadcast %add3A_2692 : i32 to vector<16xi32>
      %add3A_2694 = arith.addi %xor3A_26, %add3A_2693 : vector<16xi32>
      %select_n3A_2695 = arith.select %lt3A_2691, %add3A_2694, %xor3A_26 : vector<16xi1>, vector<16xi32>
      %broadcast_in_dim3A_2696 = vector.shape_cast %select_n3A_2695 : vector<16xi32> to vector<16x1xi32>
      %gather3A_2697 = vector.shape_cast %broadcast_in_dim3A_2696 : vector<16x1xi32> to vector<16xi32>
      %gather3A_2698 = tpu.dynamic_gather %add3A_2308[%gather3A_2697] in [0] : vector<16xf32>, vector<16xi32> -> vector<16xf32>
      %select_n3A_2699 = arith.select %eq3A_6, %add3A_2241, %gather3A_2698 : vector<16xi1>, vector<16xf32>
      %lt3A_2700 = arith.constant 0 : i32
      %lt3A_2701 = vector.broadcast %lt3A_2700 : i32 to vector<16xi32>
      %lt3A_2702 = arith.cmpi slt, %xor3A_26, %lt3A_2701 : vector<16xi32>
      %add3A_2703 = arith.constant 16 : i32
      %add3A_2704 = vector.broadcast %add3A_2703 : i32 to vector<16xi32>
      %add3A_2705 = arith.addi %xor3A_26, %add3A_2704 : vector<16xi32>
      %select_n3A_2706 = arith.select %lt3A_2702, %add3A_2705, %xor3A_26 : vector<16xi1>, vector<16xi32>
      %broadcast_in_dim3A_2707 = vector.shape_cast %select_n3A_2706 : vector<16xi32> to vector<16x1xi32>
      %gather3A_2708 = vector.shape_cast %broadcast_in_dim3A_2707 : vector<16x1xi32> to vector<16xi32>
      %gather3A_2709 = tpu.dynamic_gather %add3A_2241[%gather3A_2708] in [0] : vector<16xf32>, vector<16xi32> -> vector<16xf32>
      %select_n3A_2710 = arith.select %eq3A_6, %gather3A_2709, %add3A_2308 : vector<16xi1>, vector<16xf32>
      %add3A_2711 = arith.addf %select_n3A_2699, %select_n3A_2710 : vector<16xf32>
      %lt3A_2712 = arith.constant 0 : i32
      %lt3A_2713 = vector.broadcast %lt3A_2712 : i32 to vector<16xi32>
      %lt3A_2714 = arith.cmpi slt, %xor3A_26, %lt3A_2713 : vector<16xi32>
      %add3A_2715 = arith.constant 16 : i32
      %add3A_2716 = vector.broadcast %add3A_2715 : i32 to vector<16xi32>
      %add3A_2717 = arith.addi %xor3A_26, %add3A_2716 : vector<16xi32>
      %select_n3A_2718 = arith.select %lt3A_2714, %add3A_2717, %xor3A_26 : vector<16xi1>, vector<16xi32>
      %broadcast_in_dim3A_2719 = vector.shape_cast %select_n3A_2718 : vector<16xi32> to vector<16x1xi32>
      %gather3A_2720 = vector.shape_cast %broadcast_in_dim3A_2719 : vector<16x1xi32> to vector<16xi32>
      %gather3A_2721 = tpu.dynamic_gather %add3A_2442[%gather3A_2720] in [0] : vector<16xf32>, vector<16xi32> -> vector<16xf32>
      %select_n3A_2722 = arith.select %eq3A_6, %add3A_2375, %gather3A_2721 : vector<16xi1>, vector<16xf32>
      %lt3A_2723 = arith.constant 0 : i32
      %lt3A_2724 = vector.broadcast %lt3A_2723 : i32 to vector<16xi32>
      %lt3A_2725 = arith.cmpi slt, %xor3A_26, %lt3A_2724 : vector<16xi32>
      %add3A_2726 = arith.constant 16 : i32
      %add3A_2727 = vector.broadcast %add3A_2726 : i32 to vector<16xi32>
      %add3A_2728 = arith.addi %xor3A_26, %add3A_2727 : vector<16xi32>
      %select_n3A_2729 = arith.select %lt3A_2725, %add3A_2728, %xor3A_26 : vector<16xi1>, vector<16xi32>
      %broadcast_in_dim3A_2730 = vector.shape_cast %select_n3A_2729 : vector<16xi32> to vector<16x1xi32>
      %gather3A_2731 = vector.shape_cast %broadcast_in_dim3A_2730 : vector<16x1xi32> to vector<16xi32>
      %gather3A_2732 = tpu.dynamic_gather %add3A_2375[%gather3A_2731] in [0] : vector<16xf32>, vector<16xi32> -> vector<16xf32>
      %select_n3A_2733 = arith.select %eq3A_6, %gather3A_2732, %add3A_2442 : vector<16xi1>, vector<16xf32>
      %add3A_2734 = arith.addf %select_n3A_2722, %select_n3A_2733 : vector<16xf32>
      %lt3A_2735 = arith.constant 0 : i32
      %lt3A_2736 = vector.broadcast %lt3A_2735 : i32 to vector<16xi32>
      %lt3A_2737 = arith.cmpi slt, %xor3A_26, %lt3A_2736 : vector<16xi32>
      %add3A_2738 = arith.constant 16 : i32
      %add3A_2739 = vector.broadcast %add3A_2738 : i32 to vector<16xi32>
      %add3A_2740 = arith.addi %xor3A_26, %add3A_2739 : vector<16xi32>
      %select_n3A_2741 = arith.select %lt3A_2737, %add3A_2740, %xor3A_26 : vector<16xi1>, vector<16xi32>
      %broadcast_in_dim3A_2742 = vector.shape_cast %select_n3A_2741 : vector<16xi32> to vector<16x1xi32>
      %gather3A_2743 = vector.shape_cast %broadcast_in_dim3A_2742 : vector<16x1xi32> to vector<16xi32>
      %gather3A_2744 = tpu.dynamic_gather %add3A_2576[%gather3A_2743] in [0] : vector<16xf32>, vector<16xi32> -> vector<16xf32>
      %select_n3A_2745 = arith.select %eq3A_6, %add3A_2509, %gather3A_2744 : vector<16xi1>, vector<16xf32>
      %lt3A_2746 = arith.constant 0 : i32
      %lt3A_2747 = vector.broadcast %lt3A_2746 : i32 to vector<16xi32>
      %lt3A_2748 = arith.cmpi slt, %xor3A_26, %lt3A_2747 : vector<16xi32>
      %add3A_2749 = arith.constant 16 : i32
      %add3A_2750 = vector.broadcast %add3A_2749 : i32 to vector<16xi32>
      %add3A_2751 = arith.addi %xor3A_26, %add3A_2750 : vector<16xi32>
      %select_n3A_2752 = arith.select %lt3A_2748, %add3A_2751, %xor3A_26 : vector<16xi1>, vector<16xi32>
      %broadcast_in_dim3A_2753 = vector.shape_cast %select_n3A_2752 : vector<16xi32> to vector<16x1xi32>
      %gather3A_2754 = vector.shape_cast %broadcast_in_dim3A_2753 : vector<16x1xi32> to vector<16xi32>
      %gather3A_2755 = tpu.dynamic_gather %add3A_2509[%gather3A_2754] in [0] : vector<16xf32>, vector<16xi32> -> vector<16xf32>
      %select_n3A_2756 = arith.select %eq3A_6, %gather3A_2755, %add3A_2576 : vector<16xi1>, vector<16xf32>
      %add3A_2757 = arith.addf %select_n3A_2745, %select_n3A_2756 : vector<16xf32>
      %lt3A_2758 = arith.constant 0 : i32
      %lt3A_2759 = vector.broadcast %lt3A_2758 : i32 to vector<16xi32>
      %lt3A_2760 = arith.cmpi slt, %xor3A_29, %lt3A_2759 : vector<16xi32>
      %add3A_2761 = arith.constant 16 : i32
      %add3A_2762 = vector.broadcast %add3A_2761 : i32 to vector<16xi32>
      %add3A_2763 = arith.addi %xor3A_29, %add3A_2762 : vector<16xi32>
      %select_n3A_2764 = arith.select %lt3A_2760, %add3A_2763, %xor3A_29 : vector<16xi1>, vector<16xi32>
      %broadcast_in_dim3A_2765 = vector.shape_cast %select_n3A_2764 : vector<16xi32> to vector<16x1xi32>
      %gather3A_2766 = vector.shape_cast %broadcast_in_dim3A_2765 : vector<16x1xi32> to vector<16xi32>
      %gather3A_2767 = tpu.dynamic_gather %add3A_2619[%gather3A_2766] in [0] : vector<16xf32>, vector<16xi32> -> vector<16xf32>
      %select_n3A_2768 = arith.select %eq3A_12, %add3A_2596, %gather3A_2767 : vector<16xi1>, vector<16xf32>
      %lt3A_2769 = arith.constant 0 : i32
      %lt3A_2770 = vector.broadcast %lt3A_2769 : i32 to vector<16xi32>
      %lt3A_2771 = arith.cmpi slt, %xor3A_29, %lt3A_2770 : vector<16xi32>
      %add3A_2772 = arith.constant 16 : i32
      %add3A_2773 = vector.broadcast %add3A_2772 : i32 to vector<16xi32>
      %add3A_2774 = arith.addi %xor3A_29, %add3A_2773 : vector<16xi32>
      %select_n3A_2775 = arith.select %lt3A_2771, %add3A_2774, %xor3A_29 : vector<16xi1>, vector<16xi32>
      %broadcast_in_dim3A_2776 = vector.shape_cast %select_n3A_2775 : vector<16xi32> to vector<16x1xi32>
      %gather3A_2777 = vector.shape_cast %broadcast_in_dim3A_2776 : vector<16x1xi32> to vector<16xi32>
      %gather3A_2778 = tpu.dynamic_gather %add3A_2596[%gather3A_2777] in [0] : vector<16xf32>, vector<16xi32> -> vector<16xf32>
      %select_n3A_2779 = arith.select %eq3A_12, %gather3A_2778, %add3A_2619 : vector<16xi1>, vector<16xf32>
      %add3A_2780 = arith.addf %select_n3A_2768, %select_n3A_2779 : vector<16xf32>
      %lt3A_2781 = arith.constant 0 : i32
      %lt3A_2782 = vector.broadcast %lt3A_2781 : i32 to vector<16xi32>
      %lt3A_2783 = arith.cmpi slt, %xor3A_29, %lt3A_2782 : vector<16xi32>
      %add3A_2784 = arith.constant 16 : i32
      %add3A_2785 = vector.broadcast %add3A_2784 : i32 to vector<16xi32>
      %add3A_2786 = arith.addi %xor3A_29, %add3A_2785 : vector<16xi32>
      %select_n3A_2787 = arith.select %lt3A_2783, %add3A_2786, %xor3A_29 : vector<16xi1>, vector<16xi32>
      %broadcast_in_dim3A_2788 = vector.shape_cast %select_n3A_2787 : vector<16xi32> to vector<16x1xi32>
      %gather3A_2789 = vector.shape_cast %broadcast_in_dim3A_2788 : vector<16x1xi32> to vector<16xi32>
      %gather3A_2790 = tpu.dynamic_gather %add3A_2665[%gather3A_2789] in [0] : vector<16xf32>, vector<16xi32> -> vector<16xf32>
      %select_n3A_2791 = arith.select %eq3A_12, %add3A_2642, %gather3A_2790 : vector<16xi1>, vector<16xf32>
      %lt3A_2792 = arith.constant 0 : i32
      %lt3A_2793 = vector.broadcast %lt3A_2792 : i32 to vector<16xi32>
      %lt3A_2794 = arith.cmpi slt, %xor3A_29, %lt3A_2793 : vector<16xi32>
      %add3A_2795 = arith.constant 16 : i32
      %add3A_2796 = vector.broadcast %add3A_2795 : i32 to vector<16xi32>
      %add3A_2797 = arith.addi %xor3A_29, %add3A_2796 : vector<16xi32>
      %select_n3A_2798 = arith.select %lt3A_2794, %add3A_2797, %xor3A_29 : vector<16xi1>, vector<16xi32>
      %broadcast_in_dim3A_2799 = vector.shape_cast %select_n3A_2798 : vector<16xi32> to vector<16x1xi32>
      %gather3A_2800 = vector.shape_cast %broadcast_in_dim3A_2799 : vector<16x1xi32> to vector<16xi32>
      %gather3A_2801 = tpu.dynamic_gather %add3A_2642[%gather3A_2800] in [0] : vector<16xf32>, vector<16xi32> -> vector<16xf32>
      %select_n3A_2802 = arith.select %eq3A_12, %gather3A_2801, %add3A_2665 : vector<16xi1>, vector<16xf32>
      %add3A_2803 = arith.addf %select_n3A_2791, %select_n3A_2802 : vector<16xf32>
      %lt3A_2804 = arith.constant 0 : i32
      %lt3A_2805 = vector.broadcast %lt3A_2804 : i32 to vector<16xi32>
      %lt3A_2806 = arith.cmpi slt, %xor3A_29, %lt3A_2805 : vector<16xi32>
      %add3A_2807 = arith.constant 16 : i32
      %add3A_2808 = vector.broadcast %add3A_2807 : i32 to vector<16xi32>
      %add3A_2809 = arith.addi %xor3A_29, %add3A_2808 : vector<16xi32>
      %select_n3A_2810 = arith.select %lt3A_2806, %add3A_2809, %xor3A_29 : vector<16xi1>, vector<16xi32>
      %broadcast_in_dim3A_2811 = vector.shape_cast %select_n3A_2810 : vector<16xi32> to vector<16x1xi32>
      %gather3A_2812 = vector.shape_cast %broadcast_in_dim3A_2811 : vector<16x1xi32> to vector<16xi32>
      %gather3A_2813 = tpu.dynamic_gather %add3A_2711[%gather3A_2812] in [0] : vector<16xf32>, vector<16xi32> -> vector<16xf32>
      %select_n3A_2814 = arith.select %eq3A_12, %add3A_2688, %gather3A_2813 : vector<16xi1>, vector<16xf32>
      %lt3A_2815 = arith.constant 0 : i32
      %lt3A_2816 = vector.broadcast %lt3A_2815 : i32 to vector<16xi32>
      %lt3A_2817 = arith.cmpi slt, %xor3A_29, %lt3A_2816 : vector<16xi32>
      %add3A_2818 = arith.constant 16 : i32
      %add3A_2819 = vector.broadcast %add3A_2818 : i32 to vector<16xi32>
      %add3A_2820 = arith.addi %xor3A_29, %add3A_2819 : vector<16xi32>
      %select_n3A_2821 = arith.select %lt3A_2817, %add3A_2820, %xor3A_29 : vector<16xi1>, vector<16xi32>
      %broadcast_in_dim3A_2822 = vector.shape_cast %select_n3A_2821 : vector<16xi32> to vector<16x1xi32>
      %gather3A_2823 = vector.shape_cast %broadcast_in_dim3A_2822 : vector<16x1xi32> to vector<16xi32>
      %gather3A_2824 = tpu.dynamic_gather %add3A_2688[%gather3A_2823] in [0] : vector<16xf32>, vector<16xi32> -> vector<16xf32>
      %select_n3A_2825 = arith.select %eq3A_12, %gather3A_2824, %add3A_2711 : vector<16xi1>, vector<16xf32>
      %add3A_2826 = arith.addf %select_n3A_2814, %select_n3A_2825 : vector<16xf32>
      %lt3A_2827 = arith.constant 0 : i32
      %lt3A_2828 = vector.broadcast %lt3A_2827 : i32 to vector<16xi32>
      %lt3A_2829 = arith.cmpi slt, %xor3A_29, %lt3A_2828 : vector<16xi32>
      %add3A_2830 = arith.constant 16 : i32
      %add3A_2831 = vector.broadcast %add3A_2830 : i32 to vector<16xi32>
      %add3A_2832 = arith.addi %xor3A_29, %add3A_2831 : vector<16xi32>
      %select_n3A_2833 = arith.select %lt3A_2829, %add3A_2832, %xor3A_29 : vector<16xi1>, vector<16xi32>
      %broadcast_in_dim3A_2834 = vector.shape_cast %select_n3A_2833 : vector<16xi32> to vector<16x1xi32>
      %gather3A_2835 = vector.shape_cast %broadcast_in_dim3A_2834 : vector<16x1xi32> to vector<16xi32>
      %gather3A_2836 = tpu.dynamic_gather %add3A_2757[%gather3A_2835] in [0] : vector<16xf32>, vector<16xi32> -> vector<16xf32>
      %select_n3A_2837 = arith.select %eq3A_12, %add3A_2734, %gather3A_2836 : vector<16xi1>, vector<16xf32>
      %lt3A_2838 = arith.constant 0 : i32
      %lt3A_2839 = vector.broadcast %lt3A_2838 : i32 to vector<16xi32>
      %lt3A_2840 = arith.cmpi slt, %xor3A_29, %lt3A_2839 : vector<16xi32>
      %add3A_2841 = arith.constant 16 : i32
      %add3A_2842 = vector.broadcast %add3A_2841 : i32 to vector<16xi32>
      %add3A_2843 = arith.addi %xor3A_29, %add3A_2842 : vector<16xi32>
      %select_n3A_2844 = arith.select %lt3A_2840, %add3A_2843, %xor3A_29 : vector<16xi1>, vector<16xi32>
      %broadcast_in_dim3A_2845 = vector.shape_cast %select_n3A_2844 : vector<16xi32> to vector<16x1xi32>
      %gather3A_2846 = vector.shape_cast %broadcast_in_dim3A_2845 : vector<16x1xi32> to vector<16xi32>
      %gather3A_2847 = tpu.dynamic_gather %add3A_2734[%gather3A_2846] in [0] : vector<16xf32>, vector<16xi32> -> vector<16xf32>
      %select_n3A_2848 = arith.select %eq3A_12, %gather3A_2847, %add3A_2757 : vector<16xi1>, vector<16xf32>
      %add3A_2849 = arith.addf %select_n3A_2837, %select_n3A_2848 : vector<16xf32>
      %lt3A_2850 = arith.constant 0 : i32
      %lt3A_2851 = vector.broadcast %lt3A_2850 : i32 to vector<16xi32>
      %lt3A_2852 = arith.cmpi slt, %xor3A_32, %lt3A_2851 : vector<16xi32>
      %add3A_2853 = arith.constant 16 : i32
      %add3A_2854 = vector.broadcast %add3A_2853 : i32 to vector<16xi32>
      %add3A_2855 = arith.addi %xor3A_32, %add3A_2854 : vector<16xi32>
      %select_n3A_2856 = arith.select %lt3A_2852, %add3A_2855, %xor3A_32 : vector<16xi1>, vector<16xi32>
      %broadcast_in_dim3A_2857 = vector.shape_cast %select_n3A_2856 : vector<16xi32> to vector<16x1xi32>
      %gather3A_2858 = vector.shape_cast %broadcast_in_dim3A_2857 : vector<16x1xi32> to vector<16xi32>
      %gather3A_2859 = tpu.dynamic_gather %add3A_2803[%gather3A_2858] in [0] : vector<16xf32>, vector<16xi32> -> vector<16xf32>
      %select_n3A_2860 = arith.select %eq3A_18, %add3A_2780, %gather3A_2859 : vector<16xi1>, vector<16xf32>
      %lt3A_2861 = arith.constant 0 : i32
      %lt3A_2862 = vector.broadcast %lt3A_2861 : i32 to vector<16xi32>
      %lt3A_2863 = arith.cmpi slt, %xor3A_32, %lt3A_2862 : vector<16xi32>
      %add3A_2864 = arith.constant 16 : i32
      %add3A_2865 = vector.broadcast %add3A_2864 : i32 to vector<16xi32>
      %add3A_2866 = arith.addi %xor3A_32, %add3A_2865 : vector<16xi32>
      %select_n3A_2867 = arith.select %lt3A_2863, %add3A_2866, %xor3A_32 : vector<16xi1>, vector<16xi32>
      %broadcast_in_dim3A_2868 = vector.shape_cast %select_n3A_2867 : vector<16xi32> to vector<16x1xi32>
      %gather3A_2869 = vector.shape_cast %broadcast_in_dim3A_2868 : vector<16x1xi32> to vector<16xi32>
      %gather3A_2870 = tpu.dynamic_gather %add3A_2780[%gather3A_2869] in [0] : vector<16xf32>, vector<16xi32> -> vector<16xf32>
      %select_n3A_2871 = arith.select %eq3A_18, %gather3A_2870, %add3A_2803 : vector<16xi1>, vector<16xf32>
      %add3A_2872 = arith.addf %select_n3A_2860, %select_n3A_2871 : vector<16xf32>
      %lt3A_2873 = arith.constant 0 : i32
      %lt3A_2874 = vector.broadcast %lt3A_2873 : i32 to vector<16xi32>
      %lt3A_2875 = arith.cmpi slt, %xor3A_32, %lt3A_2874 : vector<16xi32>
      %add3A_2876 = arith.constant 16 : i32
      %add3A_2877 = vector.broadcast %add3A_2876 : i32 to vector<16xi32>
      %add3A_2878 = arith.addi %xor3A_32, %add3A_2877 : vector<16xi32>
      %select_n3A_2879 = arith.select %lt3A_2875, %add3A_2878, %xor3A_32 : vector<16xi1>, vector<16xi32>
      %broadcast_in_dim3A_2880 = vector.shape_cast %select_n3A_2879 : vector<16xi32> to vector<16x1xi32>
      %gather3A_2881 = vector.shape_cast %broadcast_in_dim3A_2880 : vector<16x1xi32> to vector<16xi32>
      %gather3A_2882 = tpu.dynamic_gather %add3A_2849[%gather3A_2881] in [0] : vector<16xf32>, vector<16xi32> -> vector<16xf32>
      %select_n3A_2883 = arith.select %eq3A_18, %add3A_2826, %gather3A_2882 : vector<16xi1>, vector<16xf32>
      %lt3A_2884 = arith.constant 0 : i32
      %lt3A_2885 = vector.broadcast %lt3A_2884 : i32 to vector<16xi32>
      %lt3A_2886 = arith.cmpi slt, %xor3A_32, %lt3A_2885 : vector<16xi32>
      %add3A_2887 = arith.constant 16 : i32
      %add3A_2888 = vector.broadcast %add3A_2887 : i32 to vector<16xi32>
      %add3A_2889 = arith.addi %xor3A_32, %add3A_2888 : vector<16xi32>
      %select_n3A_2890 = arith.select %lt3A_2886, %add3A_2889, %xor3A_32 : vector<16xi1>, vector<16xi32>
      %broadcast_in_dim3A_2891 = vector.shape_cast %select_n3A_2890 : vector<16xi32> to vector<16x1xi32>
      %gather3A_2892 = vector.shape_cast %broadcast_in_dim3A_2891 : vector<16x1xi32> to vector<16xi32>
      %gather3A_2893 = tpu.dynamic_gather %add3A_2826[%gather3A_2892] in [0] : vector<16xf32>, vector<16xi32> -> vector<16xf32>
      %select_n3A_2894 = arith.select %eq3A_18, %gather3A_2893, %add3A_2849 : vector<16xi1>, vector<16xf32>
      %add3A_2895 = arith.addf %select_n3A_2883, %select_n3A_2894 : vector<16xf32>
      %lt3A_2896 = arith.constant 0 : i32
      %lt3A_2897 = vector.broadcast %lt3A_2896 : i32 to vector<16xi32>
      %lt3A_2898 = arith.cmpi slt, %xor3A_35, %lt3A_2897 : vector<16xi32>
      %add3A_2899 = arith.constant 16 : i32
      %add3A_2900 = vector.broadcast %add3A_2899 : i32 to vector<16xi32>
      %add3A_2901 = arith.addi %xor3A_35, %add3A_2900 : vector<16xi32>
      %select_n3A_2902 = arith.select %lt3A_2898, %add3A_2901, %xor3A_35 : vector<16xi1>, vector<16xi32>
      %broadcast_in_dim3A_2903 = vector.shape_cast %select_n3A_2902 : vector<16xi32> to vector<16x1xi32>
      %gather3A_2904 = vector.shape_cast %broadcast_in_dim3A_2903 : vector<16x1xi32> to vector<16xi32>
      %gather3A_2905 = tpu.dynamic_gather %add3A_2895[%gather3A_2904] in [0] : vector<16xf32>, vector<16xi32> -> vector<16xf32>
      %select_n3A_2906 = arith.select %eq3A_24, %add3A_2872, %gather3A_2905 : vector<16xi1>, vector<16xf32>
      %lt3A_2907 = arith.constant 0 : i32
      %lt3A_2908 = vector.broadcast %lt3A_2907 : i32 to vector<16xi32>
      %lt3A_2909 = arith.cmpi slt, %xor3A_35, %lt3A_2908 : vector<16xi32>
      %add3A_2910 = arith.constant 16 : i32
      %add3A_2911 = vector.broadcast %add3A_2910 : i32 to vector<16xi32>
      %add3A_2912 = arith.addi %xor3A_35, %add3A_2911 : vector<16xi32>
      %select_n3A_2913 = arith.select %lt3A_2909, %add3A_2912, %xor3A_35 : vector<16xi1>, vector<16xi32>
      %broadcast_in_dim3A_2914 = vector.shape_cast %select_n3A_2913 : vector<16xi32> to vector<16x1xi32>
      %gather3A_2915 = vector.shape_cast %broadcast_in_dim3A_2914 : vector<16x1xi32> to vector<16xi32>
      %gather3A_2916 = tpu.dynamic_gather %add3A_2872[%gather3A_2915] in [0] : vector<16xf32>, vector<16xi32> -> vector<16xf32>
      %select_n3A_2917 = arith.select %eq3A_24, %gather3A_2916, %add3A_2895 : vector<16xi1>, vector<16xf32>
      %add3A_2918 = arith.addf %select_n3A_2906, %select_n3A_2917 : vector<16xf32>
      %lt3A_2919 = arith.constant 0 : i32
      %lt3A_2920 = vector.broadcast %lt3A_2919 : i32 to vector<16xi32>
      %lt3A_2921 = arith.cmpi slt, %or3A_59, %lt3A_2920 : vector<16xi32>
      %add3A_2922 = arith.constant 16 : i32
      %add3A_2923 = vector.broadcast %add3A_2922 : i32 to vector<16xi32>
      %add3A_2924 = arith.addi %or3A_59, %add3A_2923 : vector<16xi32>
      %select_n3A_2925 = arith.select %lt3A_2921, %add3A_2924, %or3A_59 : vector<16xi1>, vector<16xi32>
      %broadcast_in_dim3A_2926 = vector.shape_cast %select_n3A_2925 : vector<16xi32> to vector<16x1xi32>
      %gather3A_2927 = vector.shape_cast %broadcast_in_dim3A_2926 : vector<16x1xi32> to vector<16xi32>
      %gather3A_2928 = tpu.dynamic_gather %add3A_2918[%gather3A_2927] in [0] : vector<16xf32>, vector<16xi32> -> vector<16xf32>
      %swap3A_2929 = arith.index_cast %mul3A_1492 : i32 to index
      %swap3A_2930 = tpu.vector_load %arg13[%swap3A_2929] {strides = array<i32>} : memref<512xf32, #tpu.memory_space<vmem>>, vector<16xf32>,
      %swap3A_2931 = vector.shape_cast %swap3A_2930 : vector<16xf32> to vector<16xf32>
      %swap3A_2932 = vector.shape_cast %gather3A_2928 : vector<16xf32> to vector<16xf32>
      tpu.vector_store %arg13[%swap3A_2929], %swap3A_2932 {strides = array<i32>} : memref<512xf32, #tpu.memory_space<vmem>>, vector<16xf32>,
    }
    %scan3A_1446 = arith.constant 32 : i32
    "tpu.region"() ({
      %run_scoped3A = tpu.sem_alloc : memref<!tpu.dma_semaphore, #tpu.memory_space<semaphore_mem>>
      %dma_start3A_1447 = tpu.memref_slice %arg6[%mul3A_2] : memref<16384xf32, #tpu.memory_space<hbm>> -> memref<512xf32, #tpu.memory_space<hbm>>
      %dma_start3A_1448 = tpu.memref_slice %arg6[%mul3A_2] : memref<16384xf32, #tpu.memory_space<hbm>> -> memref<512xf32, #tpu.memory_space<hbm>>
      tpu.enqueue_dma source(%arg13 : memref<512xf32, #tpu.memory_space<vmem>>) target(%dma_start3A_1448 : memref<512xf32, #tpu.memory_space<hbm>>) target_semaphore(%run_scoped3A : memref<!tpu.dma_semaphore, #tpu.memory_space<semaphore_mem>>)
      %dma_wait3A = tpu.memref_slice %arg6[%mul3A_2] : memref<16384xf32, #tpu.memory_space<hbm>> -> memref<512xf32, #tpu.memory_space<hbm>>
      %dma_wait3A_1449 = tpu.memref_slice %arg6[%mul3A_2] : memref<16384xf32, #tpu.memory_space<hbm>> -> memref<512xf32, #tpu.memory_space<hbm>>
      tpu.wait_dma2 semaphore(%run_scoped3A : memref<!tpu.dma_semaphore, #tpu.memory_space<semaphore_mem>>) src(%arg13 : memref<512xf32, #tpu.memory_space<vmem>>) dst(%dma_wait3A_1449 : memref<512xf32, #tpu.memory_space<hbm>>)
      tpu.yield
    }) : () -> ()
    return
  }
}

</mosaic_0001>

<sc_bundles>
// kernel: kernel.3.cloned.1.call-start
scs
__scs_entry_jumppad:
0x0: {  	(pc) =	sbr.rel $0x88, $3  }
0x1: {  	(tag) =	ssettag $0x0;
	lr =	simm.s32 $0x1  }
0x2: {  	[smem:$0x3F9D] =	sst lr;
	_ =	strace $0xD0000000  }
0x3: {  	_ = 	snop  }
0x4: {  	_ = 	snop  }
0x5: {  	_ = 	snop  }
0x6: {  	_ = 	snop  }
0x7: {  	_ = 	snop  }
__scs_overlays_trampoline_lowered:
0x8: {  	[smem:$0x3FAC] =	sst s0  }
0x9: {  	[smem:$0x3FAD] =	sst s1  }
0xa: {  	[smem:$0x3FAE] =	sst s2  }
0xb: {  	[smem:$0x3FAF] =	sst s3  }
0xc: {  	[smem:$0x3FB0] =	sst s4  }
0xd: {  	[smem:$0x3FB1] =	sst s5  }
0xe: {  	[smem:$0x3FB2] =	sst s6  }
0xf: {  	[smem:$0x3FB3] =	sst s7  }
0x10: {  	[smem:$0x3FB4] =	sst s8  }
0x11: {  	[smem:$0x3FB5] =	sst s9;
	s0 =	simm.s32 @!p0 $0x0  }
0x12: {  	s1 =	sld [smem:$0x3F9B];
	s0 =	simm.s32 @p0 $0x1  }
0x13: {  	[smem:$0x3FB6] =	sst s0;
	s0 =	simm.s32 @!p1 $0x0  }
0x14: {  	s2 =	sld [smem:$0x3F9A];
	s0 =	simm.s32 @p1 $0x1  }
0x15: {  	[smem:$0x3FB7] =	sst s0;
	s0 =	simm.s32 @!p2 $0x0  }
0x16: {  	s3 =	sld [smem:$0x3FDB];
	s0 =	simm.s32 @p2 $0x1  }
0x17: {  	s4 =	simm.s32 $0x1BF5;
	[smem:$0x3FB9] =	sst s0  }
0x18: {  	s0 =	sld [smem:$0x3F9C];
	_ =	swait.ge [sflag:s4], $0x0  }
0x19: {  	s7 =	sld [smem:$0x3F9D]  }
0x1a: {  	s8 =	sadd.s32 $0xFFFFE003, lr  }
0x1b: {  	s9 =	sadd.s32 $0xFFFFFEF7, lr;
	s5 =	simm.s32 $0xFFFFFFFF;
	p2 =	slt.u32 s8, $0xFFFFF086  }
0x1c: {  	p1 =	slt.u32 s9, $0xF7A;
	s5 =	simm.s32 @!p2 $0x0  }
0x1d: {  	s5 =	simm.s32 @p1 $0x1;
	p0 =	seq.s32 s7, s2  }
0x1e: {  	s7 =	smul.u32 @!p0 $0xF7A, s2;
	p2 =	seq.s32 @!p0 s5, $0x0  }
0x1f: {  	s9 =	smul.u32 $0xF7A, s1;
	s8 =	simm.s32 @!p0 $0x1BF5;
	p2 =	por !p2, p0  }
0x20: {  	[sflag:s8] =	ssyncset.s32 @!p0 $0xFFFFF086;
	s6 =	sadd.s32 @!p0 s3, s7;
	s7 =	simm.s32 @!p0 $0x108  }
0x21: {  	s3 =	sadd.s32 s3, s9;
	s6 =	sadd.s32 @!p0 $0x88, s6;
	s7 =	simm.s32 @p2 $0x1082  }
0x22: {  	[simem:s7], [sflag:s8] =	dma.local @!p0 [hbm:s6], $0xF7A  }
0x23: {  	s9 =	sor.u32 $0xD0000000, s2;
	s6 =	simm.s32 $0x108;
	_ =	swait.ge @!p0 [sflag:s8], $0x0  }
0x24: {  	s3 =	sadd.s32 $0x88, s3;
	s6 =	simm.s32 @!p1 $0x1082;
	[sflag:s4] =	ssyncset.s32 $0xFFFFF086  }
0x25: {  	[simem:s6], [sflag:s4] =	dma.local [hbm:s3], $0xF7A  }
0x26: {  	[smem:$0x3F9D] =	sst s1;
	(tag) =	ssettag s2;
	_ =	strace s9  }
0x27: {  	s1 =	sld [smem:$0x3FAD]  }
0x28: {  	s2 =	sld [smem:$0x3FAE]  }
0x29: {  	s4 =	sld [smem:$0x3FB0]  }
0x2a: {  	p0 =	seq.s32 s5, $0x0;
	s5 =	sld [smem:$0x3FB1]  }
0x2b: {  	s6 =	sld [smem:$0x3FB2]  }
0x2c: {  	s7 =	sld [smem:$0x3FB3]  }
0x2d: {  	s3 =	simm.s32 $0x108;
	s8 =	sld [smem:$0x3FB4]  }
0x2e: {  	s3 =	simm.s32 @!p0 $0x1082;
	s9 =	sld [smem:$0x3FB5]  }
0x2f: {  	lr =	sadd.s32 s0, s3;
	s0 =	sld [smem:$0x3FAC]  }
0x30: {  	s3 =	sld [smem:$0x3FAF]  }
0x31: {  	[smem:$0x3FB8] =	sst s10  }
0x32: {  	s10 =	sld [smem:$0x3FB6];
	_ =	sdelay $0x3  }
0x33: {  	p0 =	seq.s32 s10, $0x1;
	s10 =	sld [smem:$0x3FB8];
	_ =	sdelay $0x3  }
0x34: {  	[smem:$0x3FB8] =	sst s10  }
0x35: {  	s10 =	sld [smem:$0x3FB7];
	_ =	sdelay $0x3  }
0x36: {  	p1 =	seq.s32 s10, $0x1;
	s10 =	sld [smem:$0x3FB8];
	_ =	sdelay $0x3  }
0x37: {  	[smem:$0x3FB8] =	sst s10  }
0x38: {  	s10 =	sld [smem:$0x3FB9]  }
0x39: {  	_ = 	snop;
	(pc) =	sbr.ind lr, $3  }
0x3a: {  	_ = 	snop  }
0x3b: {  	_ = 	snop  }
0x3c: {  	p2 =	seq.s32 s10, $0x1;
	s10 =	sld [smem:$0x3FB8]  }
0x3d: {  	_ =	shalt  }
0x3e: {  	_ =	shalt  }
0x3f: {  	_ =	shalt  }
0x40: {  	_ =	shalt  }
0x41: {  	_ =	shalt  }
0x42: {  	_ =	shalt  }
0x43: {  	_ =	shalt  }
0x44: {  	_ =	shalt  }
0x45: {  	_ =	shalt  }
0x46: {  	_ =	shalt  }
0x47: {  	_ =	shalt  }
0x48: {  	_ =	shalt  }
0x49: {  	_ =	shalt  }
0x4a: {  	_ =	shalt  }
0x4b: {  	_ =	shalt  }
0x4c: {  	_ =	shalt  }
0x4d: {  	_ =	shalt  }
0x4e: {  	_ =	shalt  }
0x4f: {  	_ =	shalt  }
0x50: {  	_ =	shalt  }
0x51: {  	_ =	shalt  }
0x52: {  	_ =	shalt  }
0x53: {  	_ =	shalt  }
0x54: {  	_ =	shalt  }
0x55: {  	_ =	shalt  }
0x56: {  	_ =	shalt  }
0x57: {  	_ =	shalt  }
0x58: {  	_ =	shalt  }
0x59: {  	_ =	shalt  }
0x5a: {  	_ =	shalt  }
0x5b: {  	_ =	shalt  }
0x5c: {  	_ =	shalt  }
0x5d: {  	_ =	shalt  }
0x5e: {  	_ =	shalt  }
0x5f: {  	_ =	shalt  }
0x60: {  	_ =	shalt  }
0x61: {  	_ =	shalt  }
0x62: {  	_ =	shalt  }
0x63: {  	_ =	shalt  }
0x64: {  	_ =	shalt  }
0x65: {  	_ =	shalt  }
0x66: {  	_ =	shalt  }
0x67: {  	_ =	shalt  }
0x68: {  	_ =	shalt  }
0x69: {  	_ =	shalt  }
0x6a: {  	_ =	shalt  }
0x6b: {  	_ =	shalt  }
0x6c: {  	_ =	shalt  }
0x6d: {  	_ =	shalt  }
0x6e: {  	_ =	shalt  }
0x6f: {  	_ =	shalt  }
0x70: {  	_ =	shalt  }
0x71: {  	_ =	shalt  }
0x72: {  	_ =	shalt  }
0x73: {  	_ =	shalt  }
0x74: {  	_ =	shalt  }
0x75: {  	_ =	shalt  }
0x76: {  	_ =	shalt  }
0x77: {  	_ =	shalt  }
0x78: {  	_ =	shalt  }
0x79: {  	_ =	shalt  }
0x7a: {  	_ =	shalt  }
0x7b: {  	_ =	shalt  }
0x7c: {  	_ =	shalt  }
0x7d: {  	_ =	shalt  }
0x7e: {  	_ =	shalt  }
0x7f: {  	_ =	shalt  }
0x80: {  	_ =	shalt  }
0x81: {  	_ =	shalt  }
0x82: {  	_ =	shalt  }
0x83: {  	_ =	shalt  }
0x84: {  	_ =	shalt  }
0x85: {  	_ =	shalt  }
0x86: {  	_ =	shalt  }
0x87: {  	_ =	shalt  }
.Lfunc_end0:
.L_simem_size_0:
called_computation_lowered:
.L_overlay_start_0:
0x88: {  	s2 =	sld [smem:$0x3FD9]  }
0x89: {  	s3 =	sld [smem:$0x3FFE];
	_ =	sdelay $0x1  }
0x8a: {  	s1 =	srdreg.scid  }
0x8b: {  	s0 =	sand.u32 $0x1, s1  }
0x8c: {  	s17 =	sshll.u32 s0, $0xA;
	s2 =	sadd.s32 s3, s2  }
0x8d: {  	s2 =	sadd.s32 s2, s17  }
0x8e: {  	[smem:$0x3FC4] =	sst s2  }
0x8f: {  	_ = 	snop  }
0x90: {  	s2 =	sld [smem:$0x3FC9]  }
0x91: {  	s18 =	sld [smem:$0x3FC8]  }
0x92: {  	s4 =	sld [smem:$0x3FD0];
	(tm) =	ssettm $0x1  }
0x93: {  	s5 =	sld [smem:$0x3FFB];
	_ =	sdelay $0x3  }
0x94: {  	_ =	strace s5  }
0x95: {  	s5 =	sld [smem:$0x3FFC];
	_ =	sdelay $0x3  }
0x96: {  	_ =	strace s5  }
0x97: {  	s5 =	sld [smem:$0x3FFD];
	_ =	sdelay $0x3  }
0x98: {  	_ =	strace s5  }
0x99: {  	_ =	strace $0x8FFFFFFF  }
0x9a: {  	s19 =	sld [smem:$0x3FDB];
	_ =	sdelay $0x1  }
0x9b: {  	s6 =	simm.s32 $_scs_section_size  }
0x9c: {  	s7 =	simm.s32 $_size__tile_overlayer_lowered;
	s8 =	simm.s32 $_tile_overlayer_lowered  }
0x9d: {  	s22 =	simm.s32 $0x1BFF;
	s21 =	sshll.u32 s8, $0x1;
	s5 =	sadd.s32 s6, s19  }
0x9e: {  	s9 =	simm.s32 $0x0;
	s20 =	sshll.u32 s7, $0x1;
	s7 =	sadd.s32 s21, s5  }
0x9f: {  	[timem:s9], [sflag:s22] =	dma.local [hbm:s7], s20  }
0xa0: {  	_ =	swait.ge [sflag:s22], s20  }
0xa1: {  	s6 =	ssub.s32 $0x0, s20;
	[sflag:s22] =	ssyncset.done $0x0  }
0xa2: {  	[sflag:s22] =	ssyncadd.s32 s6;
	_ =	sdelay $0x1  }
0xa3: {  	s23 =	simm.s32 $0x1B8B  }
0xa4: {  	_ =	swait.ge [sflag:s23], $0x1  }
0xa5: {  	[sflag:s23] =	ssyncset.done $0x0  }
0xa6: {  	s25 =	simm.s32 $0x1B8E;
	s24 =	sld [smem:$0x3FFE];
	[sflag:s23] =	ssyncadd.s32 $0xFFFFFFFF  }
0xa7: {  	s26 =	simm.s32 $execute0_lowered;
	[smem:$0x3FD2] =	sst s25  }
0xa8: {  	s7 =	sshll.u32 s26, $0x1;
	_ =	strace $0x80000046;
	[dreg:$0x1] =	wrdreg $0xFFFFFFFF  }
0xa9: {  	s28 =	simm.s32 $_size_execute0_lowered;
	s5 =	sadd.s32 s5, s7;
	[dreg:$0x0] =	wrdreg $0x0  }
0xaa: {  	s7 =	sshll.u32 s28, $0x1;
	[dreg:$0x2] =	wrdreg s5  }
0xab: {  	[dreg:$0x3] =	wrdreg s7  }
0xac: {  	[dreg:$0x4] =	wrdreg $0xC0  }
0xad: {  	_ =	task [dreg:s9], $0x5FFFF  }
0xae: {  	[dreg:$0x1] =	wrdreg $0xFFFFFFFF  }
0xaf: {  	[dreg:$0x0] =	wrdreg $0x60  }
0xb0: {  	[dreg:$0x2] =	wrdreg s2  }
0xb1: {  	[dreg:$0x3] =	wrdreg s18  }
0xb2: {  	[dreg:$0x4] =	wrdreg s24  }
0xb3: {  	[dreg:$0x5] =	wrdreg s4  }
0xb4: {  	[dreg:$0x6] =	wrdreg $0x9  }
0xb5: {  	_ =	task.clear_ibuf [dreg:s9], $0x7FFFF;
	_ =	strace $0x90000046  }
0xb6: {  	s29 =	simm.s32 $0x9;
	_ =	strace $0x80000048  }
0xb7: {  	_ =	swait.ge [sflag:s29], $0x1  }
0xb8: {  	[sflag:s29] =	ssyncadd.s32 $0xFFFFFFFF  }
0xb9: {  	_ =	strace $0x90000048  }
0xba: {  	_ =	sfence  }
0xbb: {  	s30 =	sld [smem:$0x0];
	_ =	sdelay $0x2  }
0xbc: {  	s31 =	sshll.u32 s1, $0xD;
	s1 =	sshrl.u32 s1, $0x2  }
0xbd: {  	s3 =	sand.u32 $0x4000, s31;
	s1 =	sadd.s32 s1, s30  }
0xbe: {  	s0 =	sor.u32 s3, s0;
	s1 =	sshll.u32 s1, $0x11  }
0xbf: {  	s0 =	sor.u32 s1, s0  }
0xc0: {  	s0 =	sadd.s32 $0x8F2B, s0  }
0xc1: {  	[sflag:s0] =	ssyncadd.remote.s32 $0x1  }
0xc2: {  	_ =	sfence.sel $0xFFFF  }
0xc3: {  	[dreg:$0x0] =	wrdreg $0xFFFFFFFF;
	(pc) =	sbr.abs _section_cstart, $3  }
0xc4: {  	[dreg:$0x1] =	wrdreg $0xFFFFFFFF  }
0xc5: {  	_ =	task.clear_ibuf [dreg:s9], $0x2FFFF;
	_ =	strace $0x9FFFFFFF  }
0xc6: {  	(tm) =	ssettm $0x7FFFFFFF  }
0xc7: {  	_ =	shalt  }
tec
execute0_lowered:
.L_overlay_start_1:
0x0: {  	(tag) =	ssettag $0x1  }
0x1: {  	v0 =	vimm.s32 $0xFEDCBA98;
	v1 =	vimm.s32 $0x76543210;
	v2 =	vimm.s32 $0xBA98FEDC  }
0x2: {  	v3 =	vimm.s32 $0x32107654;
	v52 =	vimm.s32 $0xDCFE98BA;
	v4 =	vimm.s32 $0x54761032  }
0x3: {  	vm0 =	vcmask $0x2F20;
	vm1 =	vcmask $0xF00;
	vm2 =	vcmask $0x700  }
0x4: {  	v54 =	vimm.s32 $0xEFCDAB89;
	vm3 =	vcmask $0xB08;
	vm4 =	vcmask $0x300  }
0x5: {  	v57 =	vimm.s32 $0x67452301;
	v5 =	vimm.s32 $0xF7B3D591;
	v6 =	vimm.s32 $0xE6A2C480  }
0x6: {  	v0 =	vunpack.c.l.s4.s8 v0;
	v1 =	vunpack.c.l.s4.s8 v1;
	v2 =	vunpack.c.l.s4.s8 v2  }
0x7: {  	v3 =	vunpack.c.l.s4.s8 v3;
	v4 =	vunpack.c.l.s4.s8 v4;
	vm0 =	vmor vm1, vm0  }
0x8: {  	vm1 =	vcmask $0x1710;
	v55 =	vunpack.c.l.s4.s8 v54;
	vm3 =	vmor vm4, vm3  }
0x9: {  	s0 =	rddreg [dreg:$0x0];
	vm4 =	vcmask $0x1310;
	v5 =	vunpack.c.l.s4.s8 v5;
	v6 =	vunpack.c.l.s4.s8 v6  }
0xa: {  	s2 =	rddreg [dreg:$0x1];
	vm1 =	vmor vm2, vm1;
	vm2 =	vcmask $0x2720;
	vm3 =	vmor vm3, vm4  }
0xb: {  	s4 =	rddreg [dreg:$0x2];
	vm4 =	vcmask $0x1B18;
	v0 =	vunpack.c.0.s8.s32 v0;
	v1 =	vunpack.c.0.s8.s32 v1  }
0xc: {  	s7 =	rddreg [dreg:$0x3];
	s1 =	simm.s32 $0x0;
	v51 =	vunpack.c.0.s8.s32 v2;
	v3 =	vunpack.c.0.s8.s32 v3;
	v2 =	vunpack.c.l.s4.s8 v52  }
0xd: {  	s3 =	srdreg.scid;
	s6 =	stileid.u32;
	s18 =	simm.s32 $0x2;
	v53 =	vunpack.c.0.s8.s32 v4;
	vm1 =	vmor vm1, vm2;
	vm2 =	vcmask $0x3730  }
0xe: {  	s10 =	simm.s32 $0x5400;
	s11 =	simm.s32 $0xD400;
	s12 =	simm.s32 $0x5800;
	v4 =	vunpack.c.l.s4.s8 v57;
	v58 =	vunpack.c.0.s8.s32 v5;
	v59 =	vunpack.c.0.s8.s32 v6  }
0xf: {  	s13 =	simm.s32 $0xD800;
	s14 =	simm.s32 $0x5C00;
	s15 =	simm.s32 $0xDC00;
	vm3 =	vmor vm3, vm4;
	vm4 =	vcmask $0x2320;
	v0 =	vand.u32 $0xF, v0  }
0x10: {  	s16 =	simm.s32 $0x6000;
	s17 =	simm.s32 $0xE000;
	s19 =	simm.s32 $0x1;
	v2 =	vunpack.c.0.s8.s32 v2;
	v4 =	vunpack.c.0.s8.s32 v4;
	v63 =	vcombine.low v59, v58  }
0x11: {  	s20 =	simm.s32 $0x12400;
	s21 =	simm.s32 $0x0;
	[smem:$0x7FF] =	sst s1;
	v56 =	vcombine.low v0, v1;
	v1 =	vcombine.low v3, v51;
	v3 =	vunpack.c.0.s8.s32 v55  }
.Ltmp0:
0x12: {  	s3 =	sand.u32 $0x1, s3;
	s6 =	sshll.u32 s6, $0x7;
	vm3 =	vmor vm3, vm4;
	vm4 =	vcmask $0x2B28;
	v2 =	vcombine.low v53, v2;
	(pc) =	sbr.rel .LBB2_1-.Ltmp0, $4  }
0x13: {  	_ =	strace $0x80000047;
	s5 =	ssub.s32 $0x2, s3;
	s8 =	sshll.u32 s3, $0x6;
	vm1 =	vmor vm1, vm2;
	[tilespmem:$0x1FFF0] =	vst v63;
	v3 =	vcombine.low v4, v3;
	v60 =	vand.u32 $0xF, v1  }
0x14: {  	s3 =	sadd.s32 $0x400, s4;
	s9 =	sshrl.u32 s5, $0x1;
	s8 =	sor.u32 s8, s6;
	vm3 =	vmor vm3, vm4;
	vm4 =	vcmask $0x3330;
	[tilespmem:$0x1FFC0] =	vst v60;
	v61 =	vand.u32 $0xF, v2  }
0x15: {  	s4 =	sadd.s32 $0xF42800, s4;
	s9 =	ssub.s32 s5, s9;
	s5 =	sadd.s32 s0, s8;
	vm2 =	vmor vm3, vm4;
	vm3 =	vcmask $0x3B38;
	[tilespmem:$0x1FFD0] =	vst v61;
	v62 =	vand.u32 $0xF, v3  }
0x16: {  	s6 =	sadd.s32 s2, s8;
	s7 =	sadd.s32 s7, s8;
	s8 =	smax.u32 s9, $0x1;
	vm2 =	vmor vm2, vm3;
	vm3 =	vmmov $0xff;
	[tilespmem:$0x1FFE0] =	vst v62  }
.LBB2_5:
0x17: {  	s21 =	sadd.s32 $0x1, s21  }
0x18: {  	p0 =	sne.s32 s21, s8  }
.Ltmp1:
0x19: {  	_ = 	snop;
	(pc) =	sbr.rel @!p0 .LBB2_6-.Ltmp1, $4  }
0x1a: {  	[hbm4b:s7+s1] =	stream.linear.scatter [tilespmem:s20], [sflag:$0x2], $0x200, $0x38;
	[tilespmem:$0x12600] =	vst v63  }
0x1b: {  	_ =	swait.ge [sflag:s18], $0x200  }
0x1c: {  	[sflag:s18] =	ssyncset.done $0x0  }
0x1d: {  	[sflag:s18] =	ssyncadd.s32 $0xFFFFFE00  }
.LBB2_1:
0x1e: {  	[tilespmem:s1], [sflag:$0x2] =	stream.linear.gather [hbm4b:s5+s1], $0x200, $0x38;
	[tilespmem:$0x12600] =	vst v63  }
0x1f: {  	_ =	swait.ge [sflag:s18], $0x200  }
0x20: {  	[sflag:s18] =	ssyncset.done $0x0  }
0x21: {  	s0 =	simm.s32 $0x200;
	[sflag:s18] =	ssyncadd.s32 $0xFFFFFE00  }
0x22: {  	[tilespmem:s0], [sflag:$0x2] =	stream.linear.gather [hbm4b:s6+s1], $0x200, $0x38;
	[tilespmem:$0x12600] =	vst v63  }
0x23: {  	_ =	swait.ge [sflag:s18], $0x200  }
0x24: {  	[sflag:s18] =	ssyncset.done $0x0  }
0x25: {  	[sflag:s18] =	ssyncadd.s32 $0xFFFFFE00  }
0x26: {  	v1 =	vld [tilespmem:$0x0]  }
0x27: {  	v2 =	vld [tilespmem:$0x200]  }
0x28: {  	v3 =	vld [tilespmem:$0x10]  }
0x29: {  	v4 =	vld [tilespmem:$0x210]  }
0x2a: {  	v5 =	vld [tilespmem:$0x20]  }
0x2b: {  	v6 =	vld [tilespmem:$0x220]  }
0x2c: {  	v7 =	vld [tilespmem:$0x30]  }
0x2d: {  	v8 =	vld [tilespmem:$0x230];
	v1 =	vshrl.u32 v1, $0x3  }
0x2e: {  	v46 =	vld [tilespmem:$0x40];
	v45 =	vshrl.u32 v2, $0x3;
	[tilespmem:$0x400] =	vst v1  }
0x2f: {  	v48 =	vld [tilespmem:$0x240];
	v47 =	vshrl.u32 v3, $0x3;
	[tilespmem:$0x1400] =	vst v45  }
0x30: {  	v50 =	vld [tilespmem:$0x50];
	v49 =	vshrl.u32 v4, $0x3;
	[tilespmem:$0x480] =	vst v47  }
0x31: {  	v52 =	vld [tilespmem:$0x250];
	v51 =	vshrl.u32 v5, $0x3;
	[tilespmem:$0x1480] =	vst v49  }
0x32: {  	v54 =	vld [tilespmem:$0x60];
	v53 =	vshrl.u32 v6, $0x3;
	[tilespmem:$0x500] =	vst v51  }
0x33: {  	v57 =	vld [tilespmem:$0x260];
	v55 =	vshrl.u32 v7, $0x3;
	[tilespmem:$0x1500] =	vst v53  }
0x34: {  	v59 =	vld [tilespmem:$0x70];
	v58 =	vshrl.u32 v8, $0x3;
	[tilespmem:$0x580] =	vst v55  }
0x35: {  	v61 =	vld [tilespmem:$0x270];
	v60 =	vshrl.u32 v46, $0x3;
	[tilespmem:$0x1580] =	vst v58  }
0x36: {  	v63 =	vld [tilespmem:$0x80];
	v62 =	vshrl.u32 v48, $0x3;
	[tilespmem:$0x600] =	vst v60  }
0x37: {  	v12 =	vld [tilespmem:$0x280];
	v11 =	vshrl.u32 v50, $0x3;
	[tilespmem:$0x1600] =	vst v62  }
0x38: {  	v14 =	vld [tilespmem:$0x90];
	v13 =	vshrl.u32 v52, $0x3;
	[tilespmem:$0x680] =	vst v11  }
0x39: {  	v16 =	vld [tilespmem:$0x290];
	v15 =	vshrl.u32 v54, $0x3;
	[tilespmem:$0x1680] =	vst v13  }
0x3a: {  	v18 =	vld [tilespmem:$0xA0];
	v17 =	vshrl.u32 v57, $0x3;
	[tilespmem:$0x700] =	vst v15  }
0x3b: {  	v20 =	vld [tilespmem:$0x2A0];
	v19 =	vshrl.u32 v59, $0x3;
	[tilespmem:$0x1700] =	vst v17  }
0x3c: {  	v22 =	vld [tilespmem:$0xB0];
	v21 =	vshrl.u32 v61, $0x3;
	[tilespmem:$0x780] =	vst v19  }
0x3d: {  	v24 =	vld [tilespmem:$0x2B0];
	v23 =	vshrl.u32 v63, $0x3;
	[tilespmem:$0x1780] =	vst v21  }
0x3e: {  	v26 =	vld [tilespmem:$0xC0];
	v25 =	vshrl.u32 v12, $0x3;
	[tilespmem:$0x800] =	vst v23  }
0x3f: {  	v28 =	vld [tilespmem:$0x2C0];
	v27 =	vshrl.u32 v14, $0x3;
	[tilespmem:$0x1800] =	vst v25  }
0x40: {  	v30 =	vld [tilespmem:$0xD0];
	v29 =	vshrl.u32 v16, $0x3;
	[tilespmem:$0x880] =	vst v27  }
0x41: {  	v32 =	vld [tilespmem:$0x2D0];
	v31 =	vshrl.u32 v18, $0x3;
	[tilespmem:$0x1880] =	vst v29  }
0x42: {  	v34 =	vld [tilespmem:$0xE0];
	v33 =	vshrl.u32 v20, $0x3;
	[tilespmem:$0x900] =	vst v31  }
0x43: {  	v36 =	vld [tilespmem:$0x2E0];
	v35 =	vshrl.u32 v22, $0x3;
	[tilespmem:$0x1900] =	vst v33  }
0x44: {  	v38 =	vld [tilespmem:$0xF0];
	v37 =	vshrl.u32 v24, $0x3;
	[tilespmem:$0x980] =	vst v35  }
0x45: {  	v39 =	vshrl.u32 v26, $0x3;
	[tilespmem:$0x1980] =	vst v37;
	v22 =	vld [tilespmem:$0x400]  }
0x46: {  	v41 =	vshrl.u32 v28, $0x3;
	v43 =	vshrl.u32 v30, $0x3;
	[tilespmem:$0xA00] =	vst v39;
	v30 =	vld [tilespmem:$0x1400]  }
0x47: {  	v40 =	vld [tilespmem:$0x2F0];
	[tilespmem:$0x1A00] =	vst v41  }
0x48: {  	v42 =	vld [tilespmem:$0x100];
	[tilespmem:$0xA80] =	vst v43;
	v45 =	vshrl.u32 v32, $0x3  }
0x49: {  	v44 =	vld [tilespmem:$0x300];
	v47 =	vshrl.u32 v34, $0x3;
	[tilespmem:$0x1A80] =	vst v45  }
0x4a: {  	v9 =	vld [tilespmem:$0x390];
	v49 =	vshrl.u32 v36, $0x3;
	[tilespmem:$0xB00] =	vst v47;
	v32 =	vshll.u32 v22, $0x7  }
0x4b: {  	v46 =	vld [tilespmem:$0x110];
	v51 =	vshrl.u32 v38, $0x3;
	[tilespmem:$0x1B00] =	vst v49;
	v41 =	vshll.u32 v30, $0x7;
	(v2sf) =	vpush v32, $0x0  }
0x4c: {  	v48 =	vld [tilespmem:$0x310];
	v53 =	vshrl.u32 v40, $0x3;
	[tilespmem:$0xB80] =	vst v51;
	(v2sf) =	vpush v41, $0x0  }
0x4d: {  	v50 =	vld [tilespmem:$0x120];
	v55 =	vshrl.u32 v42, $0x3;
	[tilespmem:$0x1B80] =	vst v53  }
0x4e: {  	v52 =	vld [tilespmem:$0x320];
	v58 =	vshrl.u32 v44, $0x3;
	[tilespmem:$0xC00] =	vst v55  }
0x4f: {  	v54 =	vld [tilespmem:$0x130];
	v42 =	vshrl.u32 v9, $0x3;
	[tilespmem:$0x1C00] =	vst v58  }
0x50: {  	v57 =	vld [tilespmem:$0x330];
	[tilespmem:$0x2080] =	vst v42;
	v60 =	vshrl.u32 v46, $0x3  }
0x51: {  	v59 =	vld [tilespmem:$0x140];
	v62 =	vshrl.u32 v48, $0x3;
	[tilespmem:$0xC80] =	vst v60  }
0x52: {  	v61 =	vld [tilespmem:$0x340];
	v11 =	vshrl.u32 v50, $0x3;
	[tilespmem:$0x1C80] =	vst v62  }
0x53: {  	v63 =	vld [tilespmem:$0x150];
	v13 =	vshrl.u32 v52, $0x3;
	[tilespmem:$0xD00] =	vst v11;
	(v2sf) =	vpush v32, $0x1  }
0x54: {  	v12 =	vld [tilespmem:$0x350];
	v15 =	vshrl.u32 v54, $0x3;
	[tilespmem:$0x1D00] =	vst v13;
	(v2sf) =	vpush v41, $0x1  }
0x55: {  	v14 =	vld [tilespmem:$0x160];
	v17 =	vshrl.u32 v57, $0x3;
	[tilespmem:$0xD80] =	vst v15  }
0x56: {  	v16 =	vld [tilespmem:$0x360];
	v19 =	vshrl.u32 v59, $0x3;
	[tilespmem:$0x1D80] =	vst v17  }
0x57: {  	v18 =	vld [tilespmem:$0x170];
	v21 =	vshrl.u32 v61, $0x3;
	[tilespmem:$0xE00] =	vst v19  }
0x58: {  	v20 =	vld [tilespmem:$0x370];
	v23 =	vshrl.u32 v63, $0x3;
	[tilespmem:$0x1E00] =	vst v21  }
0x59: {  	v24 =	vld [tilespmem:$0x180];
	v25 =	vshrl.u32 v12, $0x3;
	[tilespmem:$0xE80] =	vst v23  }
0x5a: {  	v26 =	vld [tilespmem:$0x380];
	v27 =	vshrl.u32 v14, $0x3;
	[tilespmem:$0x1E80] =	vst v25;
	s22 =	spop (v2sf);
	(v2sf) =	vpush v32, $0x2  }
0x5b: {  	v28 =	vld [tilespmem:$0x190];
	v29 =	vshrl.u32 v16, $0x3;
	[tilespmem:$0xF00] =	vst v27;
	s25 =	spop (v2sf);
	(v2sf) =	vpush v41, $0x2  }
0x5c: {  	v34 =	vld [tilespmem:$0x1A0];
	v31 =	vshrl.u32 v18, $0x3;
	[tilespmem:$0x1F00] =	vst v29  }
0x5d: {  	v36 =	vld [tilespmem:$0x3A0];
	v33 =	vshrl.u32 v20, $0x3;
	[tilespmem:$0xF80] =	vst v31  }
0x5e: {  	v38 =	vld [tilespmem:$0x1B0];
	v35 =	vshrl.u32 v24, $0x3;
	[tilespmem:$0x1F80] =	vst v33  }
0x5f: {  	v40 =	vld [tilespmem:$0x3B0];
	v37 =	vshrl.u32 v26, $0x3;
	[tilespmem:$0x1000] =	vst v35  }
0x60: {  	v43 =	vld [tilespmem:$0x1C0];
	v39 =	vshrl.u32 v28, $0x3;
	[tilespmem:$0x2000] =	vst v37  }
0x61: {  	v45 =	vld [tilespmem:$0x3C0];
	[tilespmem:$0x1080] =	vst v39;
	v44 =	vshrl.u32 v34, $0x3;
	(v2sf) =	vpush v32, $0x3  }
0x62: {  	v47 =	vld [tilespmem:$0x1D0];
	v46 =	vshrl.u32 v36, $0x3;
	[tilespmem:$0x1100] =	vst v44;
	s28 =	spop (v2sf)  }
0x63: {  	v49 =	vld [tilespmem:$0x3D0];
	v48 =	vshrl.u32 v38, $0x3;
	[tilespmem:$0x2100] =	vst v46;
	s30 =	spop (v2sf);
	(v2sf) =	vpush v41, $0x3  }
0x64: {  	v51 =	vld [tilespmem:$0x1E0];
	v50 =	vshrl.u32 v40, $0x3;
	[tilespmem:$0x1180] =	vst v48  }
0x65: {  	v53 =	vld [tilespmem:$0x3E0];
	v52 =	vshrl.u32 v43, $0x3;
	[tilespmem:$0x2180] =	vst v50  }
0x66: {  	v55 =	vld [tilespmem:$0x1F0];
	[tilespmem:$0x1200] =	vst v52;
	v54 =	vshrl.u32 v45, $0x3  }
0x67: {  	v58 =	vld [tilespmem:$0x3F0];
	v57 =	vshrl.u32 v47, $0x3;
	[tilespmem:$0x2200] =	vst v54  }
0x68: {  	v59 =	vshrl.u32 v49, $0x3;
	[tilespmem:$0x1280] =	vst v57  }
0x69: {  	v60 =	vshrl.u32 v51, $0x3;
	[tilespmem:$0x2280] =	vst v59;
	s2 =	spop (v2sf);
	(v2sf) =	vpush v32, $0x4  }
0x6a: {  	v61 =	vshrl.u32 v53, $0x3;
	[tilespmem:$0x1300] =	vst v60;
	s23 =	spop (v2sf);
	(v2sf) =	vpush v41, $0x4  }
0x6b: {  	v62 =	vshrl.u32 v55, $0x3;
	[tilespmem:$0x2300] =	vst v61  }
0x6c: {  	v63 =	vshrl.u32 v58, $0x3;
	[tilespmem:$0x1380] =	vst v62;
	s22 =	sand.u32 $0x1FFFFF80, s22  }
0x6d: {  	s24 =	simm.s32 $0x2400;
	[tilespmem:$0x2380] =	vst v63;
	s22 =	sadd.s32 s3, s22  }
0x6e: {  	[tilespmem:s24], [sflag:$0x1] =	stream.linear.gather [hbm4b:s22+s1], $0x400, $0x38;
	[tilespmem:$0x12600] =	vst v63  }
0x6f: {  	s22 =	sand.u32 $0x1FFFFF80, s25  }
0x70: {  	s26 =	simm.s32 $0xA400;
	s22 =	sadd.s32 s4, s22;
	s25 =	spop (v2sf);
	(v2sf) =	vpush v32, $0x5  }
0x71: {  	[tilespmem:s26], [sflag:$0x1] =	stream.linear.gather [hbm4b:s22+s1], $0x400, $0x38;
	[tilespmem:$0x12600] =	vst v63  }
0x72: {  	s22 =	sand.u32 $0x1FFFFF80, s28;
	s28 =	spop (v2sf);
	(v2sf) =	vpush v41, $0x5  }
0x73: {  	s29 =	simm.s32 $0x2800;
	s22 =	sadd.s32 s3, s22  }
0x74: {  	[tilespmem:s29], [sflag:$0x1] =	stream.linear.gather [hbm4b:s22+s1], $0x400, $0x38;
	[tilespmem:$0x12600] =	vst v63  }
0x75: {  	s22 =	sand.u32 $0x1FFFFF80, s30  }
0x76: {  	s31 =	simm.s32 $0xA800;
	s22 =	sadd.s32 s4, s22  }
0x77: {  	[tilespmem:s31], [sflag:$0x1] =	stream.linear.gather [hbm4b:s22+s1], $0x400, $0x38;
	[tilespmem:$0x12600] =	vst v63  }
0x78: {  	s22 =	sand.u32 $0x1FFFFF80, s2;
	s30 =	spop (v2sf);
	(v2sf) =	vpush v32, $0x6  }
0x79: {  	s9 =	simm.s32 $0x2C00;
	s22 =	sadd.s32 s3, s22;
	s0 =	spop (v2sf);
	(v2sf) =	vpush v41, $0x6  }
0x7a: {  	[tilespmem:s9], [sflag:$0x1] =	stream.linear.gather [hbm4b:s22+s1], $0x400, $0x38;
	[tilespmem:$0x12600] =	vst v63  }
0x7b: {  	s22 =	sand.u32 $0x1FFFFF80, s23  }
0x7c: {  	s24 =	simm.s32 $0xAC00;
	s22 =	sadd.s32 s4, s22  }
0x7d: {  	[tilespmem:s24], [sflag:$0x1] =	stream.linear.gather [hbm4b:s22+s1], $0x400, $0x38;
	[tilespmem:$0x12600] =	vst v63  }
0x7e: {  	s22 =	sand.u32 $0x1FFFFF80, s25  }
0x7f: {  	s26 =	simm.s32 $0x3000;
	s22 =	sadd.s32 s3, s22;
	s9 =	spop (v2sf);
	(v2sf) =	vpush v32, $0x7  }
0x80: {  	[tilespmem:s26], [sflag:$0x1] =	stream.linear.gather [hbm4b:s22+s1], $0x400, $0x38;
	[tilespmem:$0x12600] =	vst v63  }
0x81: {  	s22 =	sand.u32 $0x1FFFFF80, s28;
	s24 =	spop (v2sf);
	(v2sf) =	vpush v41, $0x7  }
0x82: {  	s29 =	simm.s32 $0xB000;
	s22 =	sadd.s32 s4, s22  }
0x83: {  	[tilespmem:s29], [sflag:$0x1] =	stream.linear.gather [hbm4b:s22+s1], $0x400, $0x38;
	[tilespmem:$0x12600] =	vst v63  }
0x84: {  	s22 =	sand.u32 $0x1FFFFF80, s30  }
0x85: {  	s31 =	simm.s32 $0x3400;
	s22 =	sadd.s32 s3, s22  }
0x86: {  	[tilespmem:s31], [sflag:$0x1] =	stream.linear.gather [hbm4b:s22+s1], $0x400, $0x38;
	[tilespmem:$0x12600] =	vst v63  }
0x87: {  	s22 =	sand.u32 $0x1FFFFF80, s0;
	s26 =	spop (v2sf);
	(v2sf) =	vpush v32, $0x8  }
0x88: {  	s2 =	simm.s32 $0xB400;
	s22 =	sadd.s32 s4, s22;
	s29 =	spop (v2sf);
	(v2sf) =	vpush v41, $0x8  }
0x89: {  	[tilespmem:s2], [sflag:$0x1] =	stream.linear.gather [hbm4b:s22+s1], $0x400, $0x38;
	[tilespmem:$0x12600] =	vst v63  }
0x8a: {  	s22 =	sand.u32 $0x1FFFFF80, s9  }
0x8b: {  	s23 =	simm.s32 $0x3800;
	s22 =	sadd.s32 s3, s22  }
0x8c: {  	[tilespmem:s23], [sflag:$0x1] =	stream.linear.gather [hbm4b:s22+s1], $0x400, $0x38;
	[tilespmem:$0x12600] =	vst v63  }
0x8d: {  	s22 =	sand.u32 $0x1FFFFF80, s24  }
0x8e: {  	s25 =	simm.s32 $0xB800;
	s22 =	sadd.s32 s4, s22;
	s31 =	spop (v2sf);
	(v2sf) =	vpush v32, $0x9  }
0x8f: {  	[tilespmem:s25], [sflag:$0x1] =	stream.linear.gather [hbm4b:s22+s1], $0x400, $0x38;
	[tilespmem:$0x12600] =	vst v63  }
0x90: {  	s22 =	sand.u32 $0x1FFFFF80, s26;
	s0 =	spop (v2sf);
	(v2sf) =	vpush v41, $0x9  }
0x91: {  	s28 =	simm.s32 $0x3C00;
	s22 =	sadd.s32 s3, s22  }
0x92: {  	[tilespmem:s28], [sflag:$0x1] =	stream.linear.gather [hbm4b:s22+s1], $0x400, $0x38;
	[tilespmem:$0x12600] =	vst v63  }
0x93: {  	s22 =	sand.u32 $0x1FFFFF80, s29  }
0x94: {  	s30 =	simm.s32 $0xBC00;
	s22 =	sadd.s32 s4, s22  }
0x95: {  	[tilespmem:s30], [sflag:$0x1] =	stream.linear.gather [hbm4b:s22+s1], $0x400, $0x38;
	[tilespmem:$0x12600] =	vst v63  }
0x96: {  	s22 =	sand.u32 $0x1FFFFF80, s31;
	s9 =	spop (v2sf);
	(v2sf) =	vpush v32, $0xA  }
0x97: {  	s23 =	sadd.s32 s3, s22;
	s22 =	simm.s32 $0x4000;
	s25 =	spop (v2sf);
	(v2sf) =	vpush v41, $0xA  }
0x98: {  	[tilespmem:s22], [sflag:$0x1] =	stream.linear.gather [hbm4b:s23+s1], $0x400, $0x38;
	[tilespmem:$0x12600] =	vst v63  }
0x99: {  	s23 =	sand.u32 $0x1FFFFF80, s0  }
0x9a: {  	s2 =	simm.s32 $0xC000;
	s23 =	sadd.s32 s4, s23  }
0x9b: {  	[tilespmem:s2], [sflag:$0x1] =	stream.linear.gather [hbm4b:s23+s1], $0x400, $0x38;
	[tilespmem:$0x12600] =	vst v63  }
0x9c: {  	s23 =	sand.u32 $0x1FFFFF80, s9  }
0x9d: {  	s24 =	simm.s32 $0x4400;
	s23 =	sadd.s32 s3, s23;
	s28 =	spop (v2sf);
	(v2sf) =	vpush v32, $0xB  }
0x9e: {  	[tilespmem:s24], [sflag:$0x1] =	stream.linear.gather [hbm4b:s23+s1], $0x400, $0x38;
	[tilespmem:$0x12600] =	vst v63  }
0x9f: {  	s23 =	sand.u32 $0x1FFFFF80, s25;
	s30 =	spop (v2sf);
	(v2sf) =	vpush v41, $0xB  }
0xa0: {  	s26 =	simm.s32 $0xC400;
	s23 =	sadd.s32 s4, s23  }
0xa1: {  	[tilespmem:s26], [sflag:$0x1] =	stream.linear.gather [hbm4b:s23+s1], $0x400, $0x38;
	[tilespmem:$0x12600] =	vst v63  }
0xa2: {  	s23 =	sand.u32 $0x1FFFFF80, s28  }
0xa3: {  	s29 =	simm.s32 $0x4800;
	s23 =	sadd.s32 s3, s23  }
0xa4: {  	[tilespmem:s29], [sflag:$0x1] =	stream.linear.gather [hbm4b:s23+s1], $0x400, $0x38;
	[tilespmem:$0x12600] =	vst v63  }
0xa5: {  	s23 =	sand.u32 $0x1FFFFF80, s30;
	s0 =	spop (v2sf);
	(v2sf) =	vpush v32, $0xC  }
0xa6: {  	s31 =	simm.s32 $0xC800;
	s23 =	sadd.s32 s4, s23;
	s9 =	spop (v2sf);
	(v2sf) =	vpush v41, $0xC  }
0xa7: {  	[tilespmem:s31], [sflag:$0x1] =	stream.linear.gather [hbm4b:s23+s1], $0x400, $0x38;
	[tilespmem:$0x12600] =	vst v63  }
0xa8: {  	s23 =	sand.u32 $0x1FFFFF80, s0  }
0xa9: {  	s2 =	simm.s32 $0x4C00;
	s23 =	sadd.s32 s3, s23  }
0xaa: {  	[tilespmem:s2], [sflag:$0x1] =	stream.linear.gather [hbm4b:s23+s1], $0x400, $0x38;
	[tilespmem:$0x12600] =	vst v63  }
0xab: {  	(v2sf) =	vpush v32, $0xD;
	s23 =	sand.u32 $0x1FFFFF80, s9  }
0xac: {  	s24 =	simm.s32 $0xCC00;
	s25 =	spop (v2sf);
	s23 =	sadd.s32 s4, s23  }
0xad: {  	(v2sf) =	vpush v41, $0xD;
	[tilespmem:s24], [sflag:$0x1] =	stream.linear.gather [hbm4b:s23+s1], $0x400, $0x38;
	[tilespmem:$0x12600] =	vst v63  }
0xae: {  	s28 =	spop (v2sf);
	(v2sf) =	vpush v32, $0xE;
	s23 =	sand.u32 $0x1FFFFF80, s25  }
0xaf: {  	s26 =	simm.s32 $0x5000;
	s23 =	sadd.s32 s3, s23  }
0xb0: {  	[tilespmem:s26], [sflag:$0x1] =	stream.linear.gather [hbm4b:s23+s1], $0x400, $0x38;
	[tilespmem:$0x12600] =	vst v63  }
0xb1: {  	s23 =	sand.u32 $0x1FFFFF80, s28  }
0xb2: {  	s29 =	simm.s32 $0xD000;
	s23 =	sadd.s32 s4, s23  }
0xb3: {  	[tilespmem:s29], [sflag:$0x1] =	stream.linear.gather [hbm4b:s23+s1], $0x400, $0x38;
	[tilespmem:$0x12600] =	vst v63  }
0xb4: {  	s30 =	spop (v2sf);
	(v2sf) =	vpush v41, $0xE  }
0xb5: {  	s31 =	spop (v2sf);
	(v2sf) =	vpush v32, $0xF  }
0xb6: {  	s23 =	sand.u32 $0x1FFFFF80, s30  }
0xb7: {  	s23 =	sadd.s32 s3, s23  }
0xb8: {  	[tilespmem:s10], [sflag:$0x1] =	stream.linear.gather [hbm4b:s23+s1], $0x400, $0x38;
	[tilespmem:$0x12600] =	vst v63  }
0xb9: {  	s23 =	sand.u32 $0x1FFFFF80, s31  }
0xba: {  	s0 =	spop (v2sf);
	(v2sf) =	vpush v41, $0xF;
	s23 =	sadd.s32 s4, s23  }
0xbb: {  	[tilespmem:s11], [sflag:$0x1] =	stream.linear.gather [hbm4b:s23+s1], $0x400, $0x38;
	[tilespmem:$0x12600] =	vst v63  }
0xbc: {  	s24 =	spop (v2sf);
	s23 =	sand.u32 $0x1FFFFF80, s0  }
0xbd: {  	s2 =	sand.u32 $0x1FFFFF80, s24;
	s9 =	spop (v2sf);
	s23 =	sadd.s32 s3, s23  }
0xbe: {  	[tilespmem:s12], [sflag:$0x1] =	stream.linear.gather [hbm4b:s23+s1], $0x400, $0x38;
	[tilespmem:$0x12600] =	vst v63  }
0xbf: {  	s25 =	sand.u32 $0x1FFFFF80, s9;
	s23 =	sadd.s32 s4, s2  }
0xc0: {  	[tilespmem:s13], [sflag:$0x1] =	stream.linear.gather [hbm4b:s23+s1], $0x400, $0x38;
	[tilespmem:$0x12600] =	vst v63  }
0xc1: {  	s23 =	sadd.s32 s3, s25  }
0xc2: {  	[tilespmem:s14], [sflag:$0x1] =	stream.linear.gather [hbm4b:s23+s1], $0x400, $0x38;
	[tilespmem:$0x12600] =	vst v63  }
0xc3: {  	s26 =	spop (v2sf)  }
0xc4: {  	s28 =	sand.u32 $0x1FFFFF80, s26;
	s29 =	spop (v2sf)  }
0xc5: {  	s23 =	sadd.s32 s4, s28;
	s30 =	sand.u32 $0x1FFFFF80, s29  }
0xc6: {  	[tilespmem:s15], [sflag:$0x1] =	stream.linear.gather [hbm4b:s23+s1], $0x400, $0x38;
	[tilespmem:$0x12600] =	vst v63  }
0xc7: {  	s23 =	sadd.s32 s3, s30  }
0xc8: {  	[tilespmem:s16], [sflag:$0x1] =	stream.linear.gather [hbm4b:s23+s1], $0x400, $0x38;
	[tilespmem:$0x12600] =	vst v63  }
.Ltmp2:
0xc9: {  	s31 =	spop (v2sf);
	(pc) =	sbr.rel .LBB2_2-.Ltmp2, $4  }
0xca: {  	s23 =	sand.u32 $0x1FFFFF80, s31  }
0xcb: {  	s23 =	sadd.s32 s4, s23  }
0xcc: {  	[tilespmem:s17], [sflag:$0x1] =	stream.linear.gather [hbm4b:s23+s1], $0x400, $0x38;
	[tilespmem:$0x12600] =	vst v63  }
0xcd: {  	s24 =	simm.s32 $0x1480;
	s25 =	simm.s32 $0x0;
	s23 =	simm.s32 $0x480  }
.LBB2_4:
0xce: {  	_ =	swait.ge [sflag:s19], $0x4000  }
0xcf: {  	[sflag:s19] =	ssyncset.done $0x0  }
0xd0: {  	[sflag:s19] =	ssyncadd.s32 $0xFFFFC000  }
0xd1: {  	_ =	swait.ge [sflag:s19], $0x4000  }
0xd2: {  	[sflag:s19] =	ssyncset.done $0x0  }
0xd3: {  	s26 =	sshra.s32 s25, $0x2;
	[sflag:s19] =	ssyncadd.s32 $0xFFFFC000  }
0xd4: {  	v1 =	vld [tilespmem:s26+$0x0];
	_ =	sdelay $0x4  }
0xd5: {  	v1 =	vand.u32 $0x7, v1  }
0xd6: {  	v6 =	vshll.u32 v1, $0x7  }
0xd7: {  	(v2sf) =	vpush v6, $0x1  }
0xd8: {  	v2 =	vld [tilespmem:s26+$0x200];
	(v2sf) =	vpush v6, $0x0;
	_ =	sdelay $0x4  }
0xd9: {  	v59 =	vand.u32 $0x7, v2  }
0xda: {  	v5 =	vshll.u32 v59, $0x7  }
0xdb: {  	(v2sf) =	vpush v5, $0x0;
	_ =	sdelay $0x4  }
0xdc: {  	(v2sf) =	vpush v5, $0x1;
	_ =	sdelay $0x1  }
0xdd: {  	s30 =	spop (v2sf);
	(v2sf) =	vpush v6, $0x2  }
0xde: {  	s31 =	spop (v2sf);
	(v2sf) =	vpush v6, $0x3  }
0xdf: {  	s28 =	sadd.s32 $0xFFFFC000, s22  }
0xe0: {  	s28 =	sand.u32 $0x4000, s28  }
0xe1: {  	s29 =	sor.u32 $0x2400, s28  }
0xe2: {  	s31 =	sor.u32 s31, s29  }
0xe3: {  	v0 =	vld [tilespmem:s31+$0x0]  }
0xe4: {  	v17 =	vld [tilespmem:s31+$0x10]  }
0xe5: {  	s0 =	spop (v2sf);
	v1 =	vld [tilespmem:s31+$0x20]  }
0xe6: {  	(v2sf) =	vpush v5, $0x2;
	s0 =	sor.u32 s0, s28;
	v45 =	vld [tilespmem:s31+$0x30]  }
0xe7: {  	v14 =	vld [tilespmem:s0+$0xA400]  }
0xe8: {  	v42 =	vld [tilespmem:s0+$0xA410]  }
0xe9: {  	s9 =	sor.u32 $0x400, s28;
	v10 =	vld [tilespmem:s0+$0xA420]  }
0xea: {  	s2 =	spop (v2sf);
	v47 =	vld [tilespmem:s0+$0xA430];
	s0 =	sor.u32 s30, s9  }
0xeb: {  	(v2sf) =	vpush v5, $0x3;
	s2 =	sor.u32 s2, s9;
	v43 =	vld [tilespmem:s0+$0x2400]  }
0xec: {  	v50 =	vld [tilespmem:s2+$0xA400];
	s9 =	spop (v2sf);
	(v2sf) =	vpush v6, $0x4  }
0xed: {  	v53 =	vld [tilespmem:s0+$0x2410];
	s31 =	spop (v2sf);
	(v2sf) =	vpush v6, $0x5  }
0xee: {  	v60 =	vld [tilespmem:s2+$0xA410]  }
0xef: {  	v48 =	vld [tilespmem:s0+$0x2420]  }
0xf0: {  	v49 =	vld [tilespmem:s2+$0xA420]  }
0xf1: {  	v51 =	vld [tilespmem:s0+$0x2430];
	s0 =	sor.u32 $0x800, s28  }
0xf2: {  	v52 =	vld [tilespmem:s2+$0xA430];
	s2 =	sor.u32 s9, s0  }
0xf3: {  	v61 =	vld [tilespmem:s2+$0x2400]  }
0xf4: {  	v63 =	vld [tilespmem:s2+$0x2410]  }
0xf5: {  	s9 =	spop (v2sf);
	v4 =	vld [tilespmem:s2+$0x2420]  }
0xf6: {  	(v2sf) =	vpush v5, $0x4;
	v8 =	vld [tilespmem:s2+$0x2430];
	s0 =	sor.u32 s9, s0  }
0xf7: {  	s2 =	sor.u32 $0xC00, s28;
	v62 =	vld [tilespmem:s0+$0xA400]  }
0xf8: {  	s31 =	sor.u32 s31, s2;
	v12 =	vld [tilespmem:s0+$0xA410]  }
0xf9: {  	v11 =	vld [tilespmem:s31+$0x2400]  }
0xfa: {  	s9 =	spop (v2sf);
	(v2sf) =	vpush v5, $0x5;
	v15 =	vld [tilespmem:s31+$0x2410]  }
0xfb: {  	s2 =	sor.u32 s9, s2;
	v55 =	vld [tilespmem:s31+$0x2420];
	s9 =	spop (v2sf);
	(v2sf) =	vpush v6, $0x6  }
0xfc: {  	v54 =	vld [tilespmem:s31+$0x2430];
	s31 =	spop (v2sf);
	(v2sf) =	vpush v6, $0x7  }
0xfd: {  	v7 =	vld [tilespmem:s0+$0xA420]  }
0xfe: {  	v9 =	vld [tilespmem:s0+$0xA430]  }
0xff: {  	v13 =	vld [tilespmem:s2+$0xA400]  }
0x100: {  	v16 =	vld [tilespmem:s2+$0xA410]  }
0x101: {  	s0 =	sor.u32 $0x1000, s28;
	v18 =	vld [tilespmem:s2+$0xA420]  }
0x102: {  	v19 =	vld [tilespmem:s2+$0xA430];
	s2 =	sor.u32 s9, s0  }
0x103: {  	v20 =	vld [tilespmem:s2+$0x2400]  }
0x104: {  	v59 =	vld [tilespmem:s2+$0x2410]  }
0x105: {  	s9 =	spop (v2sf);
	(v2sf) =	vpush v5, $0x6;
	v21 =	vld [tilespmem:s2+$0x2420]  }
0x106: {  	v23 =	vld [tilespmem:s2+$0x2430];
	s2 =	sor.u32 $0x1400, s28;
	s0 =	sor.u32 s9, s0  }
0x107: {  	s31 =	sor.u32 s31, s2;
	v58 =	vld [tilespmem:s0+$0xA400]  }
0x108: {  	v25 =	vld [tilespmem:s31+$0x2400]  }
0x109: {  	s9 =	spop (v2sf);
	(v2sf) =	vpush v5, $0x7;
	v27 =	vld [tilespmem:s31+$0x2410]  }
0x10a: {  	s2 =	sor.u32 s9, s2;
	v28 =	vld [tilespmem:s31+$0x2420];
	s9 =	spop (v2sf);
	(v2sf) =	vpush v6, $0x8  }
0x10b: {  	v30 =	vld [tilespmem:s31+$0x2430];
	s31 =	spop (v2sf);
	(v2sf) =	vpush v6, $0x9  }
0x10c: {  	[tilespmem:$0x1FDE0] =	vst v62;
	v62 =	vld [tilespmem:s0+$0xA410]  }
0x10d: {  	v22 =	vld [tilespmem:s0+$0xA420]  }
0x10e: {  	v24 =	vld [tilespmem:s0+$0xA430]  }
0x10f: {  	v26 =	vld [tilespmem:s2+$0xA400]  }
0x110: {  	v57 =	vld [tilespmem:s2+$0xA410]  }
0x111: {  	s0 =	sor.u32 $0x1800, s28;
	v29 =	vld [tilespmem:s2+$0xA420]  }
0x112: {  	v31 =	vld [tilespmem:s2+$0xA430];
	s2 =	sor.u32 s9, s0  }
0x113: {  	[tilespmem:$0x1FDC0] =	vst v60;
	v60 =	vld [tilespmem:s2+$0x2400]  }
0x114: {  	s9 =	spop (v2sf);
	(v2sf) =	vpush v5, $0x8;
	v40 =	vld [tilespmem:s2+$0x2410]  }
0x115: {  	v32 =	vld [tilespmem:s2+$0x2420]  }
0x116: {  	v34 =	vld [tilespmem:s2+$0x2430];
	s0 =	sor.u32 s9, s0  }
0x117: {  	v41 =	vld [tilespmem:s0+$0xA400]  }
0x118: {  	s9 =	spop (v2sf);
	(v2sf) =	vpush v5, $0x9;
	v39 =	vld [tilespmem:s0+$0xA410]  }
0x119: {  	s2 =	sor.u32 $0x1C00, s28;
	v33 =	vld [tilespmem:s0+$0xA420];
	s30 =	spop (v2sf);
	(v2sf) =	vpush v6, $0xA  }
0x11a: {  	v35 =	vld [tilespmem:s0+$0xA430];
	s0 =	sor.u32 s31, s2;
	s2 =	sor.u32 s9, s2;
	s9 =	spop (v2sf);
	(v2sf) =	vpush v6, $0xB  }
0x11b: {  	_ = 	snop  }
0x11c: {  	[tilespmem:$0x1FF20] =	vst v28;
	v28 =	vld [tilespmem:s2+$0xA400]  }
0x11d: {  	[tilespmem:$0x1FF30] =	vst v29;
	v29 =	vld [tilespmem:s0+$0x2410]  }
0x11e: {  	[tilespmem:$0x1FEA0] =	vst v19;
	v19 =	vld [tilespmem:s2+$0xA410]  }
0x11f: {  	[tilespmem:$0x1FDF0] =	vst v63;
	v63 =	vld [tilespmem:s0+$0x2420]  }
0x120: {  	s31 =	sor.u32 $0x2000, s28;
	v36 =	vld [tilespmem:s0+$0x2430]  }
0x121: {  	[tilespmem:$0x1FF80] =	vst v34;
	v34 =	vld [tilespmem:s0+$0x2400];
	s0 =	sor.u32 s30, s31  }
0x122: {  	[tilespmem:$0x1FF40] =	vst v30;
	v30 =	vld [tilespmem:s0+$0x2400]  }
0x123: {  	[tilespmem:$0x1FED0] =	vst v25;
	s30 =	spop (v2sf);
	(v2sf) =	vpush v5, $0xA;
	v25 =	vld [tilespmem:s0+$0x2410]  }
0x124: {  	v38 =	vld [tilespmem:s0+$0x2420];
	s31 =	sor.u32 s30, s31  }
0x125: {  	[tilespmem:$0x1FF10] =	vst v24;
	v24 =	vld [tilespmem:s31+$0xA400]  }
0x126: {  	[tilespmem:$0x1FE80] =	vst v20;
	v20 =	vld [tilespmem:s31+$0xA410]  }
0x127: {  	[tilespmem:$0x1FFA0] =	vst v36;
	s30 =	spop (v2sf);
	(v2sf) =	vpush v5, $0xB;
	v36 =	vld [tilespmem:s31+$0xA420]  }
0x128: {  	[tilespmem:$0x1FDD0] =	vst v61;
	v61 =	vld [tilespmem:s31+$0xA430];
	s31 =	spop (v2sf);
	(v2sf) =	vpush v6, $0xC  }
0x129: {  	v37 =	vld [tilespmem:s0+$0x2430];
	s0 =	sor.u32 s30, s29;
	s30 =	spop (v2sf);
	(v2sf) =	vpush v6, $0xD  }
0x12a: {  	v46 =	vld [tilespmem:s2+$0xA420]  }
0x12b: {  	v44 =	vld [tilespmem:s2+$0xA430];
	s9 =	sor.u32 s9, s29  }
0x12c: {  	[tilespmem:$0x1FF50] =	vst v31;
	v31 =	vld [tilespmem:s9+$0x2400]  }
0x12d: {  	[tilespmem:$0x1FEF0] =	vst v27;
	v27 =	vld [tilespmem:s9+$0x2410]  }
0x12e: {  	[tilespmem:$0x1FF70] =	vst v33;
	v33 =	vld [tilespmem:s9+$0x2430]  }
0x12f: {  	[tilespmem:$0x1FEE0] =	vst v26;
	v26 =	vld [tilespmem:s0+$0xA400]  }
0x130: {  	[tilespmem:$0x1FEB0] =	vst v21;
	v21 =	vld [tilespmem:s0+$0xA410]  }
0x131: {  	[tilespmem:$0x1FF90] =	vst v35;
	s29 =	sor.u32 $0x2800, s28;
	v35 =	vld [tilespmem:s0+$0xA420]  }
0x132: {  	[tilespmem:$0x1FEC0] =	vst v22;
	v22 =	vld [tilespmem:s0+$0xA430];
	s2 =	sor.u32 s31, s29;
	s31 =	spop (v2sf)  }
0x133: {  	[tilespmem:$0x1FFB0] =	vst v37;
	v37 =	vld [tilespmem:s9+$0x2420];
	s0 =	sor.u32 s31, s29  }
0x134: {  	v3 =	vld [tilespmem:s0+$0xA400]  }
0x135: {  	(v2sf) =	vpush v5, $0xC;
	v2 =	vld [tilespmem:s0+$0xA410]  }
0x136: {  	[tilespmem:$0x1FE60] =	vst v15;
	s9 =	sor.u32 $0x2C00, s28;
	s31 =	spop (v2sf);
	(v2sf) =	vpush v5, $0xD;
	v15 =	vld [tilespmem:s0+$0xA420]  }
0x137: {  	[tilespmem:$0x1FF00] =	vst v23;
	v23 =	vld [tilespmem:s0+$0xA430];
	s0 =	sor.u32 s31, s9;
	s31 =	spop (v2sf);
	(v2sf) =	vpush v6, $0xE  }
0x138: {  	s29 =	sor.u32 s30, s9;
	s30 =	spop (v2sf);
	(v2sf) =	vpush v6, $0xF;
	v6 =	vmul.f32 v50, v43;
	v43 =	vld [tilespmem:$0x1FDC0];
	_ =	sdelay $0x4  }
0x139: {  	v50 =	vmul.f32 v43, v53  }
0x13a: {  	v53 =	vld [tilespmem:$0x1FDE0]  }
0x13b: {  	v43 =	vadd.f32 v50, v6;
	v6 =	vld [tilespmem:$0x1FDD0]  }
0x13c: {  	v0 =	vmul.f32 v14, v0;
	v42 =	vmul.f32 v42, v17;
	v50 =	vld [tilespmem:$0x1FDF0];
	_ =	sdelay $0x1  }
0x13d: {  	v0 =	vadd.f32 v42, v0;
	v42 =	vmul.f32 v10, v1  }
0x13e: {  	[tilespmem:$0x1FE00] =	vst v4;
	v41 =	vmul.f32 v41, v60;
	v60 =	vld [tilespmem:$0x1FF50]  }
0x13f: {  	v45 =	vmul.f32 v47, v45;
	v47 =	vmul.f32 v49, v48;
	v0 =	vadd.f32 v42, v0;
	[tilespmem:$0x1FE20] =	vst v8;
	v8 =	vld [tilespmem:s2+$0x2400]  }
0x140: {  	[tilespmem:$0x1FE10] =	vst v7;
	v49 =	vmul.f32 v53, v6;
	v12 =	vmul.f32 v12, v50;
	v53 =	vld [tilespmem:$0x1FE00]  }
0x141: {  	[tilespmem:$0x1FE30] =	vst v9;
	v6 =	vadd.f32 v45, v0;
	v0 =	vadd.f32 v47, v43;
	v43 =	vmul.f32 v52, v51;
	v52 =	vld [tilespmem:$0x1FE10]  }
0x142: {  	v51 =	vld [tilespmem:$0x1FE30]  }
0x143: {  	v47 =	vadd.f32 v12, v49;
	v12 =	vld [tilespmem:$0x1FE20]  }
0x144: {  	[tilespmem:$0x1FE50] =	vst v13;
	v4 =	vld [tilespmem:s2+$0x2410]  }
0x145: {  	[tilespmem:$0x1FE70] =	vst v16;
	v16 =	vld [tilespmem:s2+$0x2420]  }
0x146: {  	[tilespmem:$0x1FF60] =	vst v32;
	v32 =	vld [tilespmem:s2+$0x2430]  }
0x147: {  	[tilespmem:$0x1FE40] =	vst v11;
	v49 =	vmul.f32 v52, v53;
	v53 =	vld [tilespmem:$0x1FE50]  }
0x148: {  	v51 =	vmul.f32 v51, v12;
	v12 =	vadd.f32 v43, v0;
	v0 =	vld [tilespmem:$0x1FE40]  }
0x149: {  	v13 =	vld [tilespmem:s29+$0x2400]  }
0x14a: {  	v47 =	vadd.f32 v49, v47;
	v49 =	vld [tilespmem:$0x1FE80]  }
0x14b: {  	v11 =	vld [tilespmem:s29+$0x2410]  }
0x14c: {  	v43 =	vld [tilespmem:$0x1FE60]  }
0x14d: {  	v0 =	vmul.f32 v53, v0;
	v53 =	vld [tilespmem:$0x1FE70]  }
0x14e: {  	[tilespmem:$0x1FE90] =	vst v18;
	v18 =	vld [tilespmem:s29+$0x2420]  }
0x14f: {  	v49 =	vmul.f32 v58, v49;
	v58 =	vmul.f32 v62, v59;
	v62 =	vld [tilespmem:$0x1FE90]  }
0x150: {  	v17 =	vld [tilespmem:s29+$0x2430]  }
0x151: {  	v9 =	vld [tilespmem:s0+$0xA400]  }
0x152: {  	v7 =	vld [tilespmem:s0+$0xA410];
	v43 =	vmul.f32 v53, v43  }
0x153: {  	v14 =	vld [tilespmem:s0+$0xA420]  }
0x154: {  	v10 =	vld [tilespmem:s0+$0xA430];
	v0 =	vadd.f32 v43, v0;
	v43 =	vmul.f32 v62, v55  }
0x155: {  	s9 =	sor.u32 $0x3000, s28;
	v55 =	vld [tilespmem:$0x1FEE0]  }
0x156: {  	s2 =	sor.u32 s31, s9;
	v0 =	vadd.f32 v43, v0;
	v43 =	vld [tilespmem:$0x1FED0]  }
0x157: {  	s31 =	spop (v2sf);
	v1 =	vld [tilespmem:s2+$0x2400]  }
0x158: {  	v48 =	vld [tilespmem:s2+$0x2410];
	s0 =	sor.u32 s31, s9  }
0x159: {  	v42 =	vld [tilespmem:s0+$0xA400]  }
0x15a: {  	s9 =	sor.u32 $0x3400, s28;
	v62 =	vld [tilespmem:$0x1FEA0]  }
0x15b: {  	s31 =	sor.u32 s30, s9;
	v43 =	vmul.f32 v55, v43;
	v55 =	vld [tilespmem:$0x1FEF0]  }
0x15c: {  	v19 =	vmul.f32 v19, v29;
	v29 =	vld [tilespmem:s31+$0x2430]  }
0x15d: {  	v50 =	vld [tilespmem:s0+$0xA410]  }
0x15e: {  	v45 =	vld [tilespmem:s2+$0x2420]  }
0x15f: {  	v52 =	vld [tilespmem:s0+$0xA420];
	v62 =	vmul.f32 v62, v54  }
0x160: {  	v47 =	vadd.f32 v51, v47;
	v51 =	vld [tilespmem:$0x1FF00];
	v57 =	vmul.f32 v57, v55  }
0x161: {  	(v2sf) =	vpush v5, $0xE;
	v0 =	vadd.f32 v62, v0;
	v62 =	vld [tilespmem:$0x1FF30]  }
0x162: {  	v43 =	vadd.f32 v57, v43;
	v57 =	vld [tilespmem:$0x1FF20]  }
0x163: {  	v59 =	vld [tilespmem:s0+$0xA430]  }
0x164: {  	v49 =	vadd.f32 v58, v49;
	v58 =	vld [tilespmem:$0x1FEC0]  }
0x165: {  	v53 =	vld [tilespmem:s2+$0x2430]  }
0x166: {  	s2 =	spop (v2sf);
	(v2sf) =	vpush v5, $0xF;
	v5 =	vld [tilespmem:s31+$0x2400]  }
0x167: {  	s0 =	sor.u32 s2, s9;
	v54 =	vld [tilespmem:$0x1FEB0];
	v57 =	vmul.f32 v62, v57  }
0x168: {  	v39 =	vmul.f32 v39, v40;
	s30 =	sor.u32 $0x3800, s28;
	s2 =	spop (v2sf);
	v40 =	vld [tilespmem:s0+$0xA420]  }
0x169: {  	s2 =	sor.u32 s2, s30;
	v43 =	vadd.f32 v57, v43;
	v57 =	vld [tilespmem:$0x1FF40]  }
0x16a: {  	v63 =	vmul.f32 v46, v63;
	v46 =	vld [tilespmem:s2+$0x2400]  }
0x16b: {  	v21 =	vmul.f32 v21, v27;
	v27 =	vld [tilespmem:s2+$0x2420]  }
0x16c: {  	v58 =	vmul.f32 v58, v54;
	v54 =	vld [tilespmem:s0+$0xA400]  }
0x16d: {  	v55 =	vld [tilespmem:s31+$0x2410]  }
0x16e: {  	v28 =	vmul.f32 v28, v34;
	v34 =	vmul.f32 v60, v57;
	v57 =	vld [tilespmem:$0x1FF60]  }
0x16f: {  	s9 =	spop (v2sf);
	v60 =	vld [tilespmem:$0x1FF70]  }
0x170: {  	v62 =	vld [tilespmem:s31+$0x2420];
	s31 =	spop (v2sf)  }
0x171: {  	v39 =	vadd.f32 v39, v41;
	v24 =	vmul.f32 v24, v30;
	v49 =	vadd.f32 v58, v49;
	v58 =	vld [tilespmem:$0x1FF10];
	s31 =	sor.u32 s31, s30  }
0x172: {  	v19 =	vadd.f32 v19, v28;
	v20 =	vmul.f32 v20, v25;
	v2 =	vmul.f32 v2, v4;
	v4 =	vld [tilespmem:s31+$0xA420]  }
0x173: {  	v26 =	vmul.f32 v26, v31;
	v22 =	vmul.f32 v22, v33;
	v30 =	vadd.f32 v34, v43;
	v43 =	vld [tilespmem:$0x1FFA0]  }
0x174: {  	v19 =	vadd.f32 v63, v19;
	v3 =	vmul.f32 v3, v8;
	v41 =	vmul.f32 v60, v57;
	v57 =	vld [tilespmem:$0x1FF80]  }
0x175: {  	v20 =	vadd.f32 v20, v24;
	v63 =	vmul.f32 v15, v16;
	v9 =	vmul.f32 v9, v13;
	v60 =	vld [tilespmem:$0x1FF90]  }
0x176: {  	v21 =	vadd.f32 v21, v26;
	v7 =	vmul.f32 v7, v11;
	v26 =	vld [tilespmem:s2+$0x2430];
	v51 =	vmul.f32 v58, v51  }
0x177: {  	v2 =	vadd.f32 v2, v3;
	v1 =	vmul.f32 v42, v1;
	v24 =	vperm.xlane v6, v56;
	v58 =	vld [tilespmem:s0+$0xA410]  }
0x178: {  	v53 =	vmul.f32 v59, v53;
	v5 =	vmul.f32 v54, v5;
	v49 =	vadd.f32 v51, v49;
	v51 =	vld [tilespmem:s0+$0xA430]  }
0x179: {  	v7 =	vadd.f32 v7, v9;
	v25 =	vld [tilespmem:s31+$0xA400];
	v4 =	vmul.f32 v4, v27;
	v27 =	vperm.xlane v47, v56  }
0x17a: {  	s29 =	sor.u32 $0x3C00, s28;
	s30 =	spop (v2sf);
	v39 =	vadd.f32 v41, v39;
	v28 =	vmul.f32 v44, v43;
	v57 =	vmul.f32 v60, v57;
	v60 =	vld [tilespmem:$0x1FFB0]  }
0x17b: {  	v2 =	vadd.f32 v63, v2;
	v34 =	vld [tilespmem:s2+$0x2410];
	s2 =	sor.u32 s30, s29;
	v43 =	vmul.f32 v50, v48;
	v48 =	vmul.f32 v10, v17  }
0x17c: {  	v54 =	vld [tilespmem:s2+$0xA420];
	v50 =	vmul.f32 v52, v45;
	v39 =	vadd.f32 v57, v39;
	v57 =	vmul.f32 v36, v38  }
0x17d: {  	v44 =	vld [tilespmem:s2+$0xA410];
	v19 =	vadd.f32 v28, v19;
	v1 =	vadd.f32 v43, v1;
	v38 =	vmul.f32 v14, v18  }
0x17e: {  	v28 =	vld [tilespmem:s31+$0xA430];
	v20 =	vadd.f32 v57, v20;
	v57 =	vmul.f32 v58, v55;
	v58 =	vmul.f32 v40, v62  }
0x17f: {  	v1 =	vadd.f32 v50, v1;
	v36 =	vld [tilespmem:s31+$0xA410];
	s31 =	sor.u32 s9, s29;
	v8 =	vmul.f32 v61, v60;
	v61 =	vmul.f32 v35, v37  }
0x180: {  	v33 =	vld [tilespmem:s31+$0x2400];
	v7 =	vadd.f32 v38, v7;
	v35 =	vmul.f32 v23, v32;
	v60 =	vmul.f32 v25, v46  }
0x181: {  	v41 =	vld [tilespmem:s31+$0x2410];
	v1 =	vadd.f32 v53, v1;
	v23 =	vperm.xlane v12, v56;
	v25 =	vperm.xlane v0, v56  }
0x182: {  	v52 =	vld [tilespmem:s31+$0x2420];
	v0 =	vsel vm3, v27, v0;
	v32 =	vperm.xlane v49, v56;
	v7 =	vadd.f32 v48, v7  }
0x183: {  	v59 =	vld [tilespmem:s31+$0x2430];
	v42 =	vperm.xlane v1, v56;
	v5 =	vadd.f32 v57, v5;
	v31 =	vadd.f32 v61, v21  }
0x184: {  	v62 =	vld [tilespmem:s2+$0xA430];
	v8 =	vadd.f32 v8, v20;
	v2 =	vadd.f32 v35, v2;
	v61 =	vmul.f32 v36, v34  }
0x185: {  	v37 =	vld [tilespmem:s2+$0xA400];
	v20 =	vmul.f32 v51, v29;
	v21 =	vmul.f32 v28, v26;
	v6 =	vsel vm3, v6, v23  }
0x186: {  	v28 =	vsel vm3, v24, v12;
	v29 =	vsel vm3, v47, v25;
	v34 =	vsel vm3, v32, v30  }
0x187: {  	v45 =	vld [tilespmem:$0x1FFC0];
	v35 =	vperm.xlane v39, v56;
	v13 =	vmul.f32 v44, v41;
	v5 =	vadd.f32 v58, v5  }
0x188: {  	v18 =	vmul.f32 v54, v52;
	v6 =	vadd.f32 v28, v6;
	v0 =	vadd.f32 v0, v29  }
0x189: {  	v38 =	vperm.xlane v7, v56;
	v16 =	vadd.f32 v22, v31;
	v22 =	vmul.f32 v62, v59  }
0x18a: {  	v14 =	vadd.f32 v61, v60;
	v31 =	vperm.xlane v30, v56;
	v63 =	vmul.f32 v37, v33  }
0x18b: {  	v12 =	vsel vm3, v35, v19;
	v33 =	vperm.xlane v19, v56;
	v37 =	vperm.xlane v8, v56  }
0x18c: {  	v5 =	vadd.f32 v20, v5;
	v46 =	vperm.xlane v0, v45;
	v47 =	vperm.xlane v6, v45  }
0x18d: {  	v3 =	vadd.f32 v4, v14;
	v36 =	vperm.xlane v16, v56;
	v9 =	vadd.f32 v13, v63  }
0x18e: {  	v10 =	vsel vm3, v39, v33;
	v39 =	vperm.xlane v2, v56;
	v40 =	vsel vm3, v37, v16  }
0x18f: {  	v2 =	vsel vm3, v2, v38;
	v41 =	vperm.xlane v5, v56;
	v9 =	vadd.f32 v18, v9  }
0x190: {  	v5 =	vsel vm3, v42, v5;
	v0 =	vsel vm0, v47, v0;
	v3 =	vadd.f32 v21, v3  }
0x191: {  	v10 =	vadd.f32 v12, v10;
	v8 =	vsel vm3, v8, v36;
	v26 =	vadd.f32 v22, v9  }
0x192: {  	v7 =	vsel vm3, v39, v7;
	v8 =	vadd.f32 v40, v8;
	v1 =	vsel vm3, v1, v41  }
0x193: {  	v2 =	vadd.f32 v7, v2;
	v44 =	vperm.xlane v3, v56;
	v43 =	vperm.xlane v26, v56  }
0x194: {  	v1 =	vadd.f32 v5, v1;
	v48 =	vperm.xlane v10, v45;
	v9 =	vsel vm3, v49, v31  }
0x195: {  	v52 =	vperm.xlane v8, v45;
	v4 =	vsel vm3, v44, v26;
	v3 =	vsel vm3, v3, v43  }
0x196: {  	v9 =	vadd.f32 v34, v9;
	v51 =	vperm.xlane v2, v45;
	v3 =	vadd.f32 v4, v3  }
0x197: {  	v57 =	vld [tilespmem:$0x1FFD0];
	v49 =	vsel vm0, v6, v46;
	v54 =	vperm.xlane v1, v45;
	v2 =	vsel vm0, v52, v2  }
0x198: {  	v50 =	vperm.xlane v9, v45;
	v55 =	vsel vm0, v8, v51;
	v53 =	vperm.xlane v3, v45  }
0x199: {  	v0 =	vadd.f32 v0, v49;
	v2 =	vadd.f32 v2, v55;
	v4 =	vsel vm0, v9, v48  }
0x19a: {  	v6 =	vsel vm0, v50, v10;
	v3 =	vsel vm0, v54, v3;
	v1 =	vsel vm0, v1, v53  }
0x19b: {  	v4 =	vadd.f32 v6, v4;
	v1 =	vadd.f32 v3, v1  }
0x19c: {  	v59 =	vperm.xlane v0, v57;
	v7 =	vperm.xlane v2, v57  }
0x19d: {  	v62 =	vld [tilespmem:$0x1FFE0];
	v58 =	vperm.xlane v4, v57;
	v60 =	vperm.xlane v1, v57  }
0x19e: {  	v61 =	vsel vm1, v59, v4  }
0x19f: {  	v0 =	vsel vm1, v0, v58;
	v1 =	vsel vm1, v7, v1;
	v2 =	vsel vm1, v2, v60  }
0x1a0: {  	v0 =	vadd.f32 v61, v0;
	v1 =	vadd.f32 v1, v2;
	_ =	sdelay $0x1  }
0x1a1: {  	v63 =	vld [tilespmem:$0x1FFF0];
	v3 =	vperm.xlane v0, v62;
	v2 =	vperm.xlane v1, v62  }
0x1a2: {  	s25 =	sadd.s32 $0x40, s25  }
0x1a3: {  	p0 =	sne.s32 s25, $0x800;
	v1 =	vsel vm2, v3, v1;
	v0 =	vsel vm2, v0, v2  }
.Ltmp3:
0x1a4: {  	v0 =	vadd.f32 v1, v0;
	(pc) =	sbr.rel @!p0 .LBB2_5-.Ltmp3, $3  }
0x1a5: {  	_ = 	snop  }
0x1a6: {  	v0 =	vperm.xlane v0, v63;
	_ =	sdelay $0x1  }
0x1a7: {  	s22 =	sadd.s32 $0x4000, s22;
	s23 =	sadd.s32 $0x80, s23;
	s24 =	sadd.s32 $0x80, s24;
	[tilespmem:s26+$0x12400] =	vst v0  }
.LBB2_2:
0x1a8: {  	p0 =	seq.s32 s25, $0x7C0  }
.Ltmp4:
0x1a9: {  	_ = 	snop;
	(pc) =	sbr.rel @p0 .LBB2_4-.Ltmp4, $1  }
0x1aa: {  	_ =	sdelay $0x3  }
0x1ab: {  	v1 =	vld [tilespmem:s23+$0x0];
	_ =	sdelay $0x1  }
0x1ac: {  	v2 =	vld [tilespmem:s24+$0x0];
	_ =	sdelay $0x2  }
0x1ad: {  	v6 =	vshll.u32 v1, $0x7  }
0x1ae: {  	(v2sf) =	vpush v6, $0x0  }
0x1af: {  	v5 =	vshll.u32 v2, $0x7  }
0x1b0: {  	(v2sf) =	vpush v5, $0x0;
	_ =	sdelay $0x1  }
0x1b1: {  	(v2sf) =	vpush v6, $0x1;
	_ =	sdelay $0x2  }
0x1b2: {  	(v2sf) =	vpush v5, $0x1;
	_ =	sdelay $0x7  }
0x1b3: {  	s28 =	spop (v2sf);
	(v2sf) =	vpush v6, $0x2;
	_ =	sdelay $0x1  }
0x1b4: {  	s31 =	spop (v2sf);
	(v2sf) =	vpush v5, $0x2;
	_ =	sdelay $0x1  }
0x1b5: {  	s26 =	sand.u32 $0x4000, s22;
	s28 =	sand.u32 $0x1FFFFF80, s28;
	s2 =	spop (v2sf);
	(v2sf) =	vpush v6, $0x3  }
0x1b6: {  	s29 =	sor.u32 $0x2400, s26;
	s28 =	sadd.s32 s3, s28  }
0x1b7: {  	[tilespmem:s29], [sflag:$0x1] =	stream.linear.gather [hbm4b:s28+s1], $0x400, $0x38;
	[tilespmem:$0x12600] =	vst v63  }
0x1b8: {  	s29 =	spop (v2sf);
	(v2sf) =	vpush v5, $0x3;
	_ =	sdelay $0x4  }
0x1b9: {  	s28 =	sand.u32 $0x1FFFFF80, s31  }
0x1ba: {  	s0 =	sor.u32 $0xA400, s26;
	s28 =	sadd.s32 s4, s28  }
0x1bb: {  	[tilespmem:s0], [sflag:$0x1] =	stream.linear.gather [hbm4b:s28+s1], $0x400, $0x38;
	[tilespmem:$0x12600] =	vst v63  }
0x1bc: {  	s31 =	spop (v2sf);
	(v2sf) =	vpush v6, $0x4  }
0x1bd: {  	s28 =	sand.u32 $0x1FFFFF80, s2  }
0x1be: {  	s9 =	sor.u32 $0x2800, s26;
	s28 =	sadd.s32 s3, s28;
	s2 =	spop (v2sf);
	(v2sf) =	vpush v5, $0x4  }
0x1bf: {  	[tilespmem:s9], [sflag:$0x1] =	stream.linear.gather [hbm4b:s28+s1], $0x400, $0x38;
	[tilespmem:$0x12600] =	vst v63  }
0x1c0: {  	s28 =	sand.u32 $0x1FFFFF80, s29;
	s29 =	spop (v2sf);
	(v2sf) =	vpush v6, $0x5  }
0x1c1: {  	s30 =	sor.u32 $0xA800, s26;
	s28 =	sadd.s32 s4, s28  }
0x1c2: {  	[tilespmem:s30], [sflag:$0x1] =	stream.linear.gather [hbm4b:s28+s1], $0x400, $0x38;
	[tilespmem:$0x12600] =	vst v63  }
0x1c3: {  	s28 =	sand.u32 $0x1FFFFF80, s31;
	s31 =	spop (v2sf);
	(v2sf) =	vpush v5, $0x5;
	_ =	sdelay $0x2  }
0x1c4: {  	s0 =	sor.u32 $0x2C00, s26;
	s28 =	sadd.s32 s3, s28  }
0x1c5: {  	[tilespmem:s0], [sflag:$0x1] =	stream.linear.gather [hbm4b:s28+s1], $0x400, $0x38;
	[tilespmem:$0x12600] =	vst v63  }
0x1c6: {  	s28 =	sand.u32 $0x1FFFFF80, s2  }
0x1c7: {  	s9 =	sor.u32 $0xAC00, s26;
	s28 =	sadd.s32 s4, s28  }
0x1c8: {  	[tilespmem:s9], [sflag:$0x1] =	stream.linear.gather [hbm4b:s28+s1], $0x400, $0x38;
	[tilespmem:$0x12600] =	vst v63  }
0x1c9: {  	s2 =	spop (v2sf);
	(v2sf) =	vpush v6, $0x6  }
0x1ca: {  	s28 =	sand.u32 $0x1FFFFF80, s29  }
0x1cb: {  	s30 =	sor.u32 $0x3000, s26;
	s28 =	sadd.s32 s3, s28;
	s29 =	spop (v2sf);
	(v2sf) =	vpush v5, $0x6  }
0x1cc: {  	[tilespmem:s30], [sflag:$0x1] =	stream.linear.gather [hbm4b:s28+s1], $0x400, $0x38;
	[tilespmem:$0x12600] =	vst v63  }
0x1cd: {  	s28 =	sand.u32 $0x1FFFFF80, s31;
	s31 =	spop (v2sf);
	(v2sf) =	vpush v6, $0x7  }
0x1ce: {  	s0 =	sor.u32 $0xB000, s26;
	s28 =	sadd.s32 s4, s28  }
0x1cf: {  	[tilespmem:s0], [sflag:$0x1] =	stream.linear.gather [hbm4b:s28+s1], $0x400, $0x38;
	[tilespmem:$0x12600] =	vst v63  }
0x1d0: {  	s28 =	sand.u32 $0x1FFFFF80, s2;
	s2 =	spop (v2sf);
	(v2sf) =	vpush v5, $0x7;
	_ =	sdelay $0x2  }
0x1d1: {  	s9 =	sor.u32 $0x3400, s26;
	s28 =	sadd.s32 s3, s28  }
0x1d2: {  	[tilespmem:s9], [sflag:$0x1] =	stream.linear.gather [hbm4b:s28+s1], $0x400, $0x38;
	[tilespmem:$0x12600] =	vst v63  }
0x1d3: {  	s28 =	sand.u32 $0x1FFFFF80, s29  }
0x1d4: {  	s30 =	sor.u32 $0xB400, s26;
	s28 =	sadd.s32 s4, s28  }
0x1d5: {  	[tilespmem:s30], [sflag:$0x1] =	stream.linear.gather [hbm4b:s28+s1], $0x400, $0x38;
	[tilespmem:$0x12600] =	vst v63  }
0x1d6: {  	s29 =	spop (v2sf);
	(v2sf) =	vpush v6, $0x8  }
0x1d7: {  	s28 =	sand.u32 $0x1FFFFF80, s31  }
0x1d8: {  	s0 =	sor.u32 $0x3800, s26;
	s28 =	sadd.s32 s3, s28;
	s31 =	spop (v2sf);
	(v2sf) =	vpush v5, $0x8  }
0x1d9: {  	[tilespmem:s0], [sflag:$0x1] =	stream.linear.gather [hbm4b:s28+s1], $0x400, $0x38;
	[tilespmem:$0x12600] =	vst v63  }
0x1da: {  	s28 =	sand.u32 $0x1FFFFF80, s2;
	s2 =	spop (v2sf);
	(v2sf) =	vpush v6, $0x9  }
0x1db: {  	s9 =	sor.u32 $0xB800, s26;
	s28 =	sadd.s32 s4, s28  }
0x1dc: {  	[tilespmem:s9], [sflag:$0x1] =	stream.linear.gather [hbm4b:s28+s1], $0x400, $0x38;
	[tilespmem:$0x12600] =	vst v63  }
0x1dd: {  	s28 =	sand.u32 $0x1FFFFF80, s29;
	s29 =	spop (v2sf);
	(v2sf) =	vpush v5, $0x9;
	_ =	sdelay $0x1  }
0x1de: {  	s30 =	sor.u32 $0x3C00, s26;
	s28 =	sadd.s32 s3, s28  }
0x1df: {  	[tilespmem:s30], [sflag:$0x1] =	stream.linear.gather [hbm4b:s28+s1], $0x400, $0x38;
	[tilespmem:$0x12600] =	vst v63  }
0x1e0: {  	s28 =	sand.u32 $0x1FFFFF80, s31  }
0x1e1: {  	s0 =	sor.u32 $0xBC00, s26;
	s28 =	sadd.s32 s4, s28  }
0x1e2: {  	[tilespmem:s0], [sflag:$0x1] =	stream.linear.gather [hbm4b:s28+s1], $0x400, $0x38;
	[tilespmem:$0x12600] =	vst v63  }
0x1e3: {  	s28 =	sand.u32 $0x1FFFFF80, s2  }
0x1e4: {  	s9 =	sadd.s32 $0x4000, s26;
	s28 =	sadd.s32 s3, s28;
	s31 =	spop (v2sf);
	(v2sf) =	vpush v6, $0xA  }
0x1e5: {  	[tilespmem:s9], [sflag:$0x1] =	stream.linear.gather [hbm4b:s28+s1], $0x400, $0x38;
	[tilespmem:$0x12600] =	vst v63  }
0x1e6: {  	s2 =	spop (v2sf);
	(v2sf) =	vpush v5, $0xA  }
0x1e7: {  	s28 =	sand.u32 $0x1FFFFF80, s29  }
0x1e8: {  	s30 =	sadd.s32 $0xC000, s26;
	s28 =	sadd.s32 s4, s28;
	s29 =	spop (v2sf);
	(v2sf) =	vpush v6, $0xB  }
0x1e9: {  	[tilespmem:s30], [sflag:$0x1] =	stream.linear.gather [hbm4b:s28+s1], $0x400, $0x38;
	[tilespmem:$0x12600] =	vst v63  }
0x1ea: {  	s28 =	sand.u32 $0x1FFFFF80, s31  }
0x1eb: {  	s0 =	sadd.s32 $0x4400, s26;
	s28 =	sadd.s32 s3, s28;
	s31 =	spop (v2sf);
	(v2sf) =	vpush v5, $0xB  }
0x1ec: {  	[tilespmem:s0], [sflag:$0x1] =	stream.linear.gather [hbm4b:s28+s1], $0x400, $0x38;
	[tilespmem:$0x12600] =	vst v63  }
0x1ed: {  	s28 =	sand.u32 $0x1FFFFF80, s2  }
0x1ee: {  	s9 =	sadd.s32 $0xC400, s26;
	s28 =	sadd.s32 s4, s28  }
0x1ef: {  	[tilespmem:s9], [sflag:$0x1] =	stream.linear.gather [hbm4b:s28+s1], $0x400, $0x38;
	[tilespmem:$0x12600] =	vst v63  }
0x1f0: {  	s28 =	sand.u32 $0x1FFFFF80, s29  }
0x1f1: {  	s30 =	sadd.s32 $0x4800, s26;
	s28 =	sadd.s32 s3, s28  }
0x1f2: {  	[tilespmem:s30], [sflag:$0x1] =	stream.linear.gather [hbm4b:s28+s1], $0x400, $0x38;
	[tilespmem:$0x12600] =	vst v63  }
0x1f3: {  	s2 =	spop (v2sf);
	(v2sf) =	vpush v6, $0xC  }
0x1f4: {  	s28 =	sand.u32 $0x1FFFFF80, s31  }
0x1f5: {  	s0 =	sadd.s32 $0xC800, s26;
	s28 =	sadd.s32 s4, s28;
	s29 =	spop (v2sf);
	(v2sf) =	vpush v5, $0xC  }
0x1f6: {  	[tilespmem:s0], [sflag:$0x1] =	stream.linear.gather [hbm4b:s28+s1], $0x400, $0x38;
	[tilespmem:$0x12600] =	vst v63  }
0x1f7: {  	s28 =	sand.u32 $0x1FFFFF80, s2;
	s31 =	spop (v2sf);
	(v2sf) =	vpush v6, $0xD  }
0x1f8: {  	s9 =	sadd.s32 $0x4C00, s26;
	s28 =	sadd.s32 s3, s28  }
0x1f9: {  	[tilespmem:s9], [sflag:$0x1] =	stream.linear.gather [hbm4b:s28+s1], $0x400, $0x38;
	[tilespmem:$0x12600] =	vst v63  }
0x1fa: {  	s2 =	spop (v2sf);
	(v2sf) =	vpush v5, $0xD  }
0x1fb: {  	s28 =	sand.u32 $0x1FFFFF80, s29  }
0x1fc: {  	s30 =	sadd.s32 $0xCC00, s26;
	s28 =	sadd.s32 s4, s28  }
0x1fd: {  	[tilespmem:s30], [sflag:$0x1] =	stream.linear.gather [hbm4b:s28+s1], $0x400, $0x38;
	[tilespmem:$0x12600] =	vst v63  }
0x1fe: {  	s28 =	sand.u32 $0x1FFFFF80, s31  }
0x1ff: {  	s0 =	sadd.s32 $0x5000, s26;
	s28 =	sadd.s32 s3, s28  }
0x200: {  	[tilespmem:s0], [sflag:$0x1] =	stream.linear.gather [hbm4b:s28+s1], $0x400, $0x38;
	[tilespmem:$0x12600] =	vst v63  }
0x201: {  	s28 =	sand.u32 $0x1FFFFF80, s2  }
0x202: {  	s9 =	sadd.s32 $0xD000, s26;
	s28 =	sadd.s32 s4, s28;
	s29 =	spop (v2sf);
	(v2sf) =	vpush v6, $0xE  }
0x203: {  	[tilespmem:s9], [sflag:$0x1] =	stream.linear.gather [hbm4b:s28+s1], $0x400, $0x38;
	[tilespmem:$0x12600] =	vst v63  }
0x204: {  	s31 =	spop (v2sf);
	(v2sf) =	vpush v5, $0xE  }
0x205: {  	s28 =	sand.u32 $0x1FFFFF80, s29  }
0x206: {  	s30 =	sadd.s32 $0x5400, s26;
	s28 =	sadd.s32 s3, s28;
	s2 =	spop (v2sf)  }
0x207: {  	(v2sf) =	vpush v6, $0xF;
	[tilespmem:s30], [sflag:$0x1] =	stream.linear.gather [hbm4b:s28+s1], $0x400, $0x38;
	[tilespmem:$0x12600] =	vst v63  }
0x208: {  	s28 =	sand.u32 $0x1FFFFF80, s31  }
0x209: {  	s0 =	sadd.s32 $0xD400, s26;
	s29 =	spop (v2sf);
	s28 =	sadd.s32 s4, s28  }
0x20a: {  	(v2sf) =	vpush v5, $0xF;
	[tilespmem:s0], [sflag:$0x1] =	stream.linear.gather [hbm4b:s28+s1], $0x400, $0x38;
	[tilespmem:$0x12600] =	vst v63  }
0x20b: {  	s28 =	sand.u32 $0x1FFFFF80, s2  }
0x20c: {  	s9 =	sadd.s32 $0x5800, s26;
	s28 =	sadd.s32 s3, s28  }
0x20d: {  	[tilespmem:s9], [sflag:$0x1] =	stream.linear.gather [hbm4b:s28+s1], $0x400, $0x38;
	[tilespmem:$0x12600] =	vst v63  }
0x20e: {  	s28 =	sand.u32 $0x1FFFFF80, s29  }
0x20f: {  	s30 =	sadd.s32 $0xD800, s26;
	s28 =	sadd.s32 s4, s28  }
0x210: {  	[tilespmem:s30], [sflag:$0x1] =	stream.linear.gather [hbm4b:s28+s1], $0x400, $0x38;
	[tilespmem:$0x12600] =	vst v63  }
0x211: {  	s31 =	spop (v2sf)  }
0x212: {  	s28 =	sand.u32 $0x1FFFFF80, s31  }
0x213: {  	s0 =	sadd.s32 $0x5C00, s26;
	s2 =	spop (v2sf);
	s28 =	sadd.s32 s3, s28  }
0x214: {  	[tilespmem:s0], [sflag:$0x1] =	stream.linear.gather [hbm4b:s28+s1], $0x400, $0x38;
	[tilespmem:$0x12600] =	vst v63  }
0x215: {  	s28 =	sand.u32 $0x1FFFFF80, s2  }
0x216: {  	s9 =	sadd.s32 $0xDC00, s26;
	s29 =	spop (v2sf);
	s28 =	sadd.s32 s4, s28  }
0x217: {  	[tilespmem:s9], [sflag:$0x1] =	stream.linear.gather [hbm4b:s28+s1], $0x400, $0x38;
	[tilespmem:$0x12600] =	vst v63  }
0x218: {  	s30 =	sadd.s32 $0x6000, s26;
	s28 =	sand.u32 $0x1FFFFF80, s29  }
.Ltmp5:
0x219: {  	s31 =	spop (v2sf);
	s28 =	sadd.s32 s3, s28;
	(pc) =	sbr.rel .LBB2_4-.Ltmp5, $4  }
0x21a: {  	[tilespmem:s30], [sflag:$0x1] =	stream.linear.gather [hbm4b:s28+s1], $0x400, $0x38;
	[tilespmem:$0x12600] =	vst v63  }
0x21b: {  	s28 =	sand.u32 $0x1FFFFF80, s31  }
0x21c: {  	s26 =	sadd.s32 $0xE000, s26;
	s28 =	sadd.s32 s4, s28  }
0x21d: {  	[tilespmem:s26], [sflag:$0x1] =	stream.linear.gather [hbm4b:s28+s1], $0x400, $0x38;
	[tilespmem:$0x12600] =	vst v63  }
.LBB2_6:
0x21e: {  	_ =	sfence.sel $0x180000  }
0x21f: {  	[bflag:$0x0] =	sbarrier.arrive $0xFFFF  }
0x220: {  	_ =	strace $0x90000047  }
0x221: {  	s0 =	stileid.u32;
	[bflag:$0x2] =	sbarrier.arrive $0xFFFF  }
0x222: {  	p0 =	sne.s32 s0, $0x0;
	s0 =	rddreg [dreg:$0x4]  }
0x223: {  	s0 =	sadd.s32 @!p0 $0x100000, s0  }
0x224: {  	[sflag:s0] =	ssyncadd.tile.s32 @!p0 $0x1;
	_ =	shalt  }
.Lfunc_end2:
_tile_overlayer_lowered:
.L_overlay_start_2:
0x225: {  	(tag) =	ssettag $0x2  }
0x226: {  	s0 =	rddreg [dreg:$0x0];
	s2 =	stileid.u32  }
0x227: {  	s1 =	rddreg [dreg:$0x1];
	p0 =	sne.s32 s2, $0x0  }
0x228: {  	s3 =	rddreg [dreg:$0x2];
	[bflag:$0x3] =	sbarrier.arrive $0xFFFF;
	s2 =	simm.s32 @!p0 $0x1C02  }
0x229: {  	[timem:s3], [sflag:s2] =	dma.local @!p0 [hbm:s0], s1  }
0x22a: {  	s0 =	simm.s32 @!p0 $0x2  }
0x22b: {  	_ =	swait.ge @!p0 [sflag:s0], s1  }
0x22c: {  	s1 =	ssub.s32 @!p0 $0x0, s1;
	[sflag:s0] =	ssyncset.done @!p0 $0x0  }
0x22d: {  	[sflag:s0] =	ssyncadd.s32 @!p0 s1  }
0x22e: {  	[bflag:$0x3] =	sbarrier.arrive $0xFFFF  }
0x22f: {  	_ =	shalt  }

</sc_bundles>
